<compile_context>
chip_gen: v7x
topology: tpu7x:2x2x1
jax: 0.10.2.dev20260603
libtpu: 0.0.44.dev20260713+nightly
codegen_flags: <defaults>
</compile_context>

<pallas_src>
import functools

import jax
import jax.numpy as jnp
from jax import lax
from jax.experimental import pallas as pl
from jax.experimental.pallas import tpu as pltpu
from jax.experimental.pallas import tpu_sc as plsc

N, C, H, W = 8, 96, 224, 224
ROW = H * W
ROWS = N * C
K = int(max(1, 0.1 * ROW))
LANES = 16
VPR = ROW // LANES
NBINS = 512
NCHUNK = NBINS // LANES
NWORKERS = 32
ROWS_PER = ROWS // NWORKERS
PAIRS = ROWS_PER // 2


def _tec_body(x_hbm, o_hbm, buf0, buf1, hist, si0, si1, so0, so1):
    wid = lax.axis_index("s") * 2 + lax.axis_index("c")
    base = wid * ROWS_PER
    lane = lax.iota(jnp.int32, LANES)
    ones = jnp.ones((LANES,), jnp.int32)
    zeros16 = jnp.zeros((LANES,), jnp.int32)

    def in_copy(buf, sem, r):
        return pltpu.make_async_copy(x_hbm.at[pl.ds(r * ROW, ROW)], buf, sem)

    def out_copy(buf, sem, r):
        return pltpu.make_async_copy(buf, o_hbm.at[pl.ds(r * ROW, ROW)], sem)

    def zero_hist():
        @plsc.parallel_loop(0, NBINS, step=LANES, unroll=2)
        def _(b):
            for j in range(LANES):
                hist[b + j, :] = zeros16

    def abs_bits(buf, i):
        v = buf[pl.ds(i * LANES, LANES)]
        return v, plsc.bitcast(v, jnp.int32) & jnp.int32(0x7FFFFFFF)

    def l1_pass(buf):
        @plsc.parallel_loop(0, VPR, unroll=16)
        def _(i):
            _, a = abs_bits(buf, i)
            plsc.addupdate_scatter(hist, [a >> 22, lane], ones)

    def l23_pass(buf, prefix, shift):
        @plsc.parallel_loop(0, VPR, unroll=16)
        def _(i):
            _, a = abs_bits(buf, i)
            m = (a >> (shift + 9)) == prefix
            plsc.addupdate_scatter(hist, [(a >> shift) & (NBINS - 1), lane],
                                   ones, mask=m)

    def search(kk):
        def cbody(cc, st):
            cnt, c_star, found = st
            c = (NCHUNK - 1) - cc
            b = c * LANES
            acc = hist[b, :]
            for j in range(1, LANES):
                acc = acc + hist[b + j, :]
            tot = jnp.sum(acc)
            hit = jnp.logical_and(jnp.logical_not(found), cnt + tot >= kk)
            c_star = jnp.where(hit, c, c_star)
            cnt = jnp.where(jnp.logical_or(found, hit), cnt, cnt + tot)
            return cnt, c_star, jnp.logical_or(found, hit)
        cnt, c_star, _ = lax.fori_loop(
            0, NCHUNK, cbody, (jnp.int32(0), jnp.int32(0), False))

        def bbody(bb, st):
            cnt, b_star, found = st
            b = (LANES - 1) - bb
            tot = jnp.sum(hist[c_star * LANES + b, :])
            hit = jnp.logical_and(jnp.logical_not(found), cnt + tot >= kk)
            b_star = jnp.where(hit, b, b_star)
            cnt = jnp.where(jnp.logical_or(found, hit), cnt, cnt + tot)
            return cnt, b_star, jnp.logical_or(found, hit)
        cnt2, b_star, _ = lax.fori_loop(
            0, LANES, bbody, (cnt, jnp.int32(0), False))
        return c_star * LANES + b_star, cnt2

    def find_threshold(buf):
        b1, above1 = search(K)
        zero_hist()
        l23_pass(buf, b1, 13)
        b2, above2 = search(K - above1)
        zero_hist()
        p2 = b1 * NBINS + b2
        l23_pass(buf, p2, 4)
        b3, _ = search(K - above1 - above2)
        zero_hist()
        return (p2 * NBINS + b3) * 16

    def mask_pass(buf, t):
        @plsc.parallel_loop(0, VPR, unroll=16)
        def _(i):
            v, a = abs_bits(buf, i)
            buf[pl.ds(i * LANES, LANES)] = jnp.where(a >= t, v, 0.0)

    zero_hist()
    in_copy(buf0, si0, base).start()
    out_copy(buf1, so1, base + 1).start()

    def pair(j, _):
        r0 = base + 2 * j
        r1 = r0 + 1
        in_copy(buf0, si0, r0).wait()
        l1_pass(buf0)
        out_copy(buf1, so1, r1).wait()
        in_copy(buf1, si1, r1).start()
        t0 = find_threshold(buf0)
        mask_pass(buf0, t0)
        out_copy(buf0, so0, r0).start()
        in_copy(buf1, si1, r1).wait()
        l1_pass(buf1)
        out_copy(buf0, so0, r0).wait()
        rn = jnp.where(j < PAIRS - 1, r0 + 2, base)
        in_copy(buf0, si0, rn).start()
        t1 = find_threshold(buf1)
        mask_pass(buf1, t1)
        out_copy(buf1, so1, r1).start()
        return 0

    lax.fori_loop(0, PAIRS, pair, 0)
    in_copy(buf0, si0, base).wait()
    out_copy(buf1, so1, base + ROWS_PER - 1).wait()


@jax.jit
def kernel(x):
    xf = x.reshape(-1)
    run = pl.kernel(
        _tec_body,
        out_type=jax.ShapeDtypeStruct((ROWS * ROW,), jnp.float32),
        mesh=plsc.VectorSubcoreMesh(core_axis_name="c", subcore_axis_name="s"),
        scratch_types=[
            pltpu.VMEM((ROW,), jnp.float32),
            pltpu.VMEM((ROW,), jnp.float32),
            pltpu.VMEM((NBINS, LANES), jnp.int32),
            pltpu.SemaphoreType.DMA,
            pltpu.SemaphoreType.DMA,
            pltpu.SemaphoreType.DMA,
            pltpu.SemaphoreType.DMA,
        ],
        compiler_params=pltpu.CompilerParams(
            needs_layout_passes=False, use_tc_tiling_on_sc=False),
    )
    return run(xf).reshape(x.shape)

# --- scband reference (transcript-rebuilt; emitter-appended) ---
"""Pipeline reference for scband-top-klayer-16698832847319 (READ-ONLY COPY).

The authoritative reference and input builder live on the scoring server;
editing this copy changes nothing except your own understanding.
"""

import jax, jax.numpy as jnp
import numpy as np

TOPK = 0.1
REVERT = False

def setup_inputs(seed: int = 0) -> dict:
    key = jax.random.key(seed)
    x = jax.random.normal(key, (8, 96, 224, 224), dtype=jnp.float32)
    return {"x": x}

def reference(x):
    n, c, h, w = x.shape
    if TOPK == 1:
        return x
    xr = x.reshape(n, c, h * w)
    topk_keep_num = int(max(1, TOPK * h * w))
    _, index = jax.lax.top_k(jnp.abs(xr), topk_keep_num)
    ii = jnp.arange(n)[:, None, None]
    jj = jnp.arange(c)[None, :, None]
    scattered = jnp.zeros_like(xr).at[ii, jj, index].set(1.0)
    if REVERT:
        mask = jnp.ones_like(xr) - scattered
    else:
        mask = scattered
    sparse_x = mask * xr
    return sparse_x.reshape(n, c, h, w)

if __name__ == "__main__":
    import jax
    _d = setup_inputs()
    print(jax.jit(kernel)(*tuple(_d.values())))

</pallas_src>

<mosaic_0001>
#map = affine_map<(d0, d1) -> (0)>
module attributes {stable_mosaic.version = 14 : i64} {
  func.func @_tec_body(%arg0: i32, %arg1: i32, %arg2: memref<38535168xf32, #tpu.memory_space<hbm>>, %arg3: memref<38535168xf32, #tpu.memory_space<hbm>>, %arg4: memref<50176xf32, #tpu.memory_space<vmem>>, %arg5: memref<50176xf32, #tpu.memory_space<vmem>>, %arg6: memref<512x16xi32, #tpu.memory_space<vmem>>, %arg7: memref<!tpu.dma_semaphore, #tpu.memory_space<semaphore_mem>>, %arg8: memref<!tpu.dma_semaphore, #tpu.memory_space<semaphore_mem>>, %arg9: memref<!tpu.dma_semaphore, #tpu.memory_space<semaphore_mem>>, %arg10: memref<!tpu.dma_semaphore, #tpu.memory_space<semaphore_mem>>) attributes {dimension_semantics = [#tpu.dimension_semantics<core_parallel>, #tpu.dimension_semantics<subcore_parallel>], iteration_bounds = array<i64: 2, 16>, scalar_prefetch = 0 : i64, scratch_operands = 7 : i64, tpu.core_type = #tpu.core_type<sc_vector_subcore>, window_params = [{transform_indices = #map}, {transform_indices = #map}]} {
    %mul3A = arith.constant 2 : i32
    %mul3A_0 = arith.muli %arg1, %mul3A : i32
    %add3A = arith.addi %mul3A_0, %arg0 : i32
    %mul3A_1 = arith.constant 24 : i32
    %mul3A_2 = arith.muli %add3A, %mul3A_1 : i32
    %iota3A = tpu.iota {dimensions = array<i32: 0>} : vector<16xi32>
    %broadcast_in_dim3A = arith.constant 1 : i32
    %broadcast_in_dim3A_3 = vector.broadcast %broadcast_in_dim3A : i32 to vector<16xi32>
    %broadcast_in_dim3A_4 = arith.constant 0 : i32
    %broadcast_in_dim3A_5 = vector.broadcast %broadcast_in_dim3A_4 : i32 to vector<16xi32>
    %parallel_loop3A = arith.constant 0 : i32
    %parallel_loop3A_6 = arith.constant 512 : i32
    %parallel_loop3A_7 = arith.constant 16 : i32
    scf.for %parallel_loop3A_33 = %parallel_loop3A to %parallel_loop3A_6 step %parallel_loop3A_7  : i32 {
      %parallel_loop3A_34 = arith.constant 0 : i32
      %parallel_loop3A_35 = arith.addi %parallel_loop3A_33, %parallel_loop3A_34 : i32
      %parallel_loop3A_36 = arith.index_cast %parallel_loop3A_35 : i32 to index
      %parallel_loop3A_37 = arith.constant 0 : index
      %parallel_loop3A_38 = tpu.vector_load %arg6[%parallel_loop3A_36, %parallel_loop3A_37] {strides = array<i32>} : memref<512x16xi32, #tpu.memory_space<vmem>>, vector<16xi32>,
      tpu.vector_store %arg6[%parallel_loop3A_36, %parallel_loop3A_37], %broadcast_in_dim3A_5 {strides = array<i32>} : memref<512x16xi32, #tpu.memory_space<vmem>>, vector<16xi32>,
      %parallel_loop3A_39 = arith.constant 1 : i32
      %parallel_loop3A_40 = arith.addi %parallel_loop3A_33, %parallel_loop3A_39 : i32
      %parallel_loop3A_41 = arith.index_cast %parallel_loop3A_40 : i32 to index
      %parallel_loop3A_42 = arith.constant 0 : index
      %parallel_loop3A_43 = tpu.vector_load %arg6[%parallel_loop3A_41, %parallel_loop3A_42] {strides = array<i32>} : memref<512x16xi32, #tpu.memory_space<vmem>>, vector<16xi32>,
      tpu.vector_store %arg6[%parallel_loop3A_41, %parallel_loop3A_42], %broadcast_in_dim3A_5 {strides = array<i32>} : memref<512x16xi32, #tpu.memory_space<vmem>>, vector<16xi32>,
      %parallel_loop3A_44 = arith.constant 2 : i32
      %parallel_loop3A_45 = arith.addi %parallel_loop3A_33, %parallel_loop3A_44 : i32
      %parallel_loop3A_46 = arith.index_cast %parallel_loop3A_45 : i32 to index
      %parallel_loop3A_47 = arith.constant 0 : index
      %parallel_loop3A_48 = tpu.vector_load %arg6[%parallel_loop3A_46, %parallel_loop3A_47] {strides = array<i32>} : memref<512x16xi32, #tpu.memory_space<vmem>>, vector<16xi32>,
      tpu.vector_store %arg6[%parallel_loop3A_46, %parallel_loop3A_47], %broadcast_in_dim3A_5 {strides = array<i32>} : memref<512x16xi32, #tpu.memory_space<vmem>>, vector<16xi32>,
      %parallel_loop3A_49 = arith.constant 3 : i32
      %parallel_loop3A_50 = arith.addi %parallel_loop3A_33, %parallel_loop3A_49 : i32
      %parallel_loop3A_51 = arith.index_cast %parallel_loop3A_50 : i32 to index
      %parallel_loop3A_52 = arith.constant 0 : index
      %parallel_loop3A_53 = tpu.vector_load %arg6[%parallel_loop3A_51, %parallel_loop3A_52] {strides = array<i32>} : memref<512x16xi32, #tpu.memory_space<vmem>>, vector<16xi32>,
      tpu.vector_store %arg6[%parallel_loop3A_51, %parallel_loop3A_52], %broadcast_in_dim3A_5 {strides = array<i32>} : memref<512x16xi32, #tpu.memory_space<vmem>>, vector<16xi32>,
      %parallel_loop3A_54 = arith.constant 4 : i32
      %parallel_loop3A_55 = arith.addi %parallel_loop3A_33, %parallel_loop3A_54 : i32
      %parallel_loop3A_56 = arith.index_cast %parallel_loop3A_55 : i32 to index
      %parallel_loop3A_57 = arith.constant 0 : index
      %parallel_loop3A_58 = tpu.vector_load %arg6[%parallel_loop3A_56, %parallel_loop3A_57] {strides = array<i32>} : memref<512x16xi32, #tpu.memory_space<vmem>>, vector<16xi32>,
      tpu.vector_store %arg6[%parallel_loop3A_56, %parallel_loop3A_57], %broadcast_in_dim3A_5 {strides = array<i32>} : memref<512x16xi32, #tpu.memory_space<vmem>>, vector<16xi32>,
      %parallel_loop3A_59 = arith.constant 5 : i32
      %parallel_loop3A_60 = arith.addi %parallel_loop3A_33, %parallel_loop3A_59 : i32
      %parallel_loop3A_61 = arith.index_cast %parallel_loop3A_60 : i32 to index
      %parallel_loop3A_62 = arith.constant 0 : index
      %parallel_loop3A_63 = tpu.vector_load %arg6[%parallel_loop3A_61, %parallel_loop3A_62] {strides = array<i32>} : memref<512x16xi32, #tpu.memory_space<vmem>>, vector<16xi32>,
      tpu.vector_store %arg6[%parallel_loop3A_61, %parallel_loop3A_62], %broadcast_in_dim3A_5 {strides = array<i32>} : memref<512x16xi32, #tpu.memory_space<vmem>>, vector<16xi32>,
      %parallel_loop3A_64 = arith.constant 6 : i32
      %parallel_loop3A_65 = arith.addi %parallel_loop3A_33, %parallel_loop3A_64 : i32
      %parallel_loop3A_66 = arith.index_cast %parallel_loop3A_65 : i32 to index
      %parallel_loop3A_67 = arith.constant 0 : index
      %parallel_loop3A_68 = tpu.vector_load %arg6[%parallel_loop3A_66, %parallel_loop3A_67] {strides = array<i32>} : memref<512x16xi32, #tpu.memory_space<vmem>>, vector<16xi32>,
      tpu.vector_store %arg6[%parallel_loop3A_66, %parallel_loop3A_67], %broadcast_in_dim3A_5 {strides = array<i32>} : memref<512x16xi32, #tpu.memory_space<vmem>>, vector<16xi32>,
      %parallel_loop3A_69 = arith.constant 7 : i32
      %parallel_loop3A_70 = arith.addi %parallel_loop3A_33, %parallel_loop3A_69 : i32
      %parallel_loop3A_71 = arith.index_cast %parallel_loop3A_70 : i32 to index
      %parallel_loop3A_72 = arith.constant 0 : index
      %parallel_loop3A_73 = tpu.vector_load %arg6[%parallel_loop3A_71, %parallel_loop3A_72] {strides = array<i32>} : memref<512x16xi32, #tpu.memory_space<vmem>>, vector<16xi32>,
      tpu.vector_store %arg6[%parallel_loop3A_71, %parallel_loop3A_72], %broadcast_in_dim3A_5 {strides = array<i32>} : memref<512x16xi32, #tpu.memory_space<vmem>>, vector<16xi32>,
      %parallel_loop3A_74 = arith.constant 8 : i32
      %parallel_loop3A_75 = arith.addi %parallel_loop3A_33, %parallel_loop3A_74 : i32
      %parallel_loop3A_76 = arith.index_cast %parallel_loop3A_75 : i32 to index
      %parallel_loop3A_77 = arith.constant 0 : index
      %parallel_loop3A_78 = tpu.vector_load %arg6[%parallel_loop3A_76, %parallel_loop3A_77] {strides = array<i32>} : memref<512x16xi32, #tpu.memory_space<vmem>>, vector<16xi32>,
      tpu.vector_store %arg6[%parallel_loop3A_76, %parallel_loop3A_77], %broadcast_in_dim3A_5 {strides = array<i32>} : memref<512x16xi32, #tpu.memory_space<vmem>>, vector<16xi32>,
      %parallel_loop3A_79 = arith.constant 9 : i32
      %parallel_loop3A_80 = arith.addi %parallel_loop3A_33, %parallel_loop3A_79 : i32
      %parallel_loop3A_81 = arith.index_cast %parallel_loop3A_80 : i32 to index
      %parallel_loop3A_82 = arith.constant 0 : index
      %parallel_loop3A_83 = tpu.vector_load %arg6[%parallel_loop3A_81, %parallel_loop3A_82] {strides = array<i32>} : memref<512x16xi32, #tpu.memory_space<vmem>>, vector<16xi32>,
      tpu.vector_store %arg6[%parallel_loop3A_81, %parallel_loop3A_82], %broadcast_in_dim3A_5 {strides = array<i32>} : memref<512x16xi32, #tpu.memory_space<vmem>>, vector<16xi32>,
      %parallel_loop3A_84 = arith.constant 10 : i32
      %parallel_loop3A_85 = arith.addi %parallel_loop3A_33, %parallel_loop3A_84 : i32
      %parallel_loop3A_86 = arith.index_cast %parallel_loop3A_85 : i32 to index
      %parallel_loop3A_87 = arith.constant 0 : index
      %parallel_loop3A_88 = tpu.vector_load %arg6[%parallel_loop3A_86, %parallel_loop3A_87] {strides = array<i32>} : memref<512x16xi32, #tpu.memory_space<vmem>>, vector<16xi32>,
      tpu.vector_store %arg6[%parallel_loop3A_86, %parallel_loop3A_87], %broadcast_in_dim3A_5 {strides = array<i32>} : memref<512x16xi32, #tpu.memory_space<vmem>>, vector<16xi32>,
      %parallel_loop3A_89 = arith.constant 11 : i32
      %parallel_loop3A_90 = arith.addi %parallel_loop3A_33, %parallel_loop3A_89 : i32
      %parallel_loop3A_91 = arith.index_cast %parallel_loop3A_90 : i32 to index
      %parallel_loop3A_92 = arith.constant 0 : index
      %parallel_loop3A_93 = tpu.vector_load %arg6[%parallel_loop3A_91, %parallel_loop3A_92] {strides = array<i32>} : memref<512x16xi32, #tpu.memory_space<vmem>>, vector<16xi32>,
      tpu.vector_store %arg6[%parallel_loop3A_91, %parallel_loop3A_92], %broadcast_in_dim3A_5 {strides = array<i32>} : memref<512x16xi32, #tpu.memory_space<vmem>>, vector<16xi32>,
      %parallel_loop3A_94 = arith.constant 12 : i32
      %parallel_loop3A_95 = arith.addi %parallel_loop3A_33, %parallel_loop3A_94 : i32
      %parallel_loop3A_96 = arith.index_cast %parallel_loop3A_95 : i32 to index
      %parallel_loop3A_97 = arith.constant 0 : index
      %parallel_loop3A_98 = tpu.vector_load %arg6[%parallel_loop3A_96, %parallel_loop3A_97] {strides = array<i32>} : memref<512x16xi32, #tpu.memory_space<vmem>>, vector<16xi32>,
      tpu.vector_store %arg6[%parallel_loop3A_96, %parallel_loop3A_97], %broadcast_in_dim3A_5 {strides = array<i32>} : memref<512x16xi32, #tpu.memory_space<vmem>>, vector<16xi32>,
      %parallel_loop3A_99 = arith.constant 13 : i32
      %parallel_loop3A_100 = arith.addi %parallel_loop3A_33, %parallel_loop3A_99 : i32
      %parallel_loop3A_101 = arith.index_cast %parallel_loop3A_100 : i32 to index
      %parallel_loop3A_102 = arith.constant 0 : index
      %parallel_loop3A_103 = tpu.vector_load %arg6[%parallel_loop3A_101, %parallel_loop3A_102] {strides = array<i32>} : memref<512x16xi32, #tpu.memory_space<vmem>>, vector<16xi32>,
      tpu.vector_store %arg6[%parallel_loop3A_101, %parallel_loop3A_102], %broadcast_in_dim3A_5 {strides = array<i32>} : memref<512x16xi32, #tpu.memory_space<vmem>>, vector<16xi32>,
      %parallel_loop3A_104 = arith.constant 14 : i32
      %parallel_loop3A_105 = arith.addi %parallel_loop3A_33, %parallel_loop3A_104 : i32
      %parallel_loop3A_106 = arith.index_cast %parallel_loop3A_105 : i32 to index
      %parallel_loop3A_107 = arith.constant 0 : index
      %parallel_loop3A_108 = tpu.vector_load %arg6[%parallel_loop3A_106, %parallel_loop3A_107] {strides = array<i32>} : memref<512x16xi32, #tpu.memory_space<vmem>>, vector<16xi32>,
      tpu.vector_store %arg6[%parallel_loop3A_106, %parallel_loop3A_107], %broadcast_in_dim3A_5 {strides = array<i32>} : memref<512x16xi32, #tpu.memory_space<vmem>>, vector<16xi32>,
      %parallel_loop3A_109 = arith.constant 15 : i32
      %parallel_loop3A_110 = arith.addi %parallel_loop3A_33, %parallel_loop3A_109 : i32
      %parallel_loop3A_111 = arith.index_cast %parallel_loop3A_110 : i32 to index
      %parallel_loop3A_112 = arith.constant 0 : index
      %parallel_loop3A_113 = tpu.vector_load %arg6[%parallel_loop3A_111, %parallel_loop3A_112] {strides = array<i32>} : memref<512x16xi32, #tpu.memory_space<vmem>>, vector<16xi32>,
      tpu.vector_store %arg6[%parallel_loop3A_111, %parallel_loop3A_112], %broadcast_in_dim3A_5 {strides = array<i32>} : memref<512x16xi32, #tpu.memory_space<vmem>>, vector<16xi32>,
    } {sc.loop_unroll_factor = 2 : i64, sc.parallel_access}
    %mul3A_8 = arith.constant 50176 : i32
    %mul3A_9 = arith.muli %mul3A_2, %mul3A_8 : i32
    %dma_start3A = tpu.memref_slice %arg2[%mul3A_9] : memref<38535168xf32, #tpu.memory_space<hbm>> -> memref<50176xf32, #tpu.memory_space<hbm>>
    %dma_start3A_10 = tpu.memref_slice %arg2[%mul3A_9] : memref<38535168xf32, #tpu.memory_space<hbm>> -> memref<50176xf32, #tpu.memory_space<hbm>>
    tpu.enqueue_dma source(%dma_start3A_10 : memref<50176xf32, #tpu.memory_space<hbm>>) target(%arg4 : memref<50176xf32, #tpu.memory_space<vmem>>) target_semaphore(%arg7 : memref<!tpu.dma_semaphore, #tpu.memory_space<semaphore_mem>>)
    %add3A_11 = arith.constant 1 : i32
    %add3A_12 = arith.addi %mul3A_2, %add3A_11 : i32
    %mul3A_13 = arith.constant 50176 : i32
    %mul3A_14 = arith.muli %add3A_12, %mul3A_13 : i32
    %dma_start3A_15 = tpu.memref_slice %arg3[%mul3A_14] : memref<38535168xf32, #tpu.memory_space<hbm>> -> memref<50176xf32, #tpu.memory_space<hbm>>
    %dma_start3A_16 = tpu.memref_slice %arg3[%mul3A_14] : memref<38535168xf32, #tpu.memory_space<hbm>> -> memref<50176xf32, #tpu.memory_space<hbm>>
    tpu.enqueue_dma source(%arg5 : memref<50176xf32, #tpu.memory_space<vmem>>) target(%dma_start3A_16 : memref<50176xf32, #tpu.memory_space<hbm>>) target_semaphore(%arg10 : memref<!tpu.dma_semaphore, #tpu.memory_space<semaphore_mem>>)
    %scan3A = arith.constant 0 : i32
    %scan3A_17 = arith.constant 0 : i32
    %scan3A_18 = arith.constant 12 : i32
    %scan3A_19 = arith.addi %scan3A_17, %scan3A_18 : i32
    %scan3A_20 = arith.constant 1 : i32
    %scan3A_21 = scf.for %scan3A_33 = %scan3A_17 to %scan3A_19 step %scan3A_20 iter_args(%scan3A_34 = %scan3A) -> (i32)  : i32 {
      %mul3A_35 = arith.constant 2 : i32
      %mul3A_36 = arith.muli %mul3A_35, %scan3A_33 : i32
      %add3A_37 = arith.addi %mul3A_2, %mul3A_36 : i32
      %add3A_38 = arith.constant 1 : i32
      %add3A_39 = arith.addi %add3A_37, %add3A_38 : i32
      %mul3A_40 = arith.constant 50176 : i32
      %mul3A_41 = arith.muli %add3A_37, %mul3A_40 : i32
      %dma_wait3A_42 = tpu.memref_slice %arg2[%mul3A_41] : memref<38535168xf32, #tpu.memory_space<hbm>> -> memref<50176xf32, #tpu.memory_space<hbm>>
      %dma_wait3A_43 = tpu.memref_slice %arg2[%mul3A_41] : memref<38535168xf32, #tpu.memory_space<hbm>> -> memref<50176xf32, #tpu.memory_space<hbm>>
      tpu.wait_dma2 semaphore(%arg7 : memref<!tpu.dma_semaphore, #tpu.memory_space<semaphore_mem>>) src(%dma_wait3A_43 : memref<50176xf32, #tpu.memory_space<hbm>>) dst(%arg4 : memref<50176xf32, #tpu.memory_space<vmem>>)
      %parallel_loop3A_44 = arith.constant 0 : i32
      %parallel_loop3A_45 = arith.constant 3136 : i32
      %parallel_loop3A_46 = arith.constant 1 : i32
      scf.for %parallel_loop3A_264 = %parallel_loop3A_44 to %parallel_loop3A_45 step %parallel_loop3A_46  : i32 {
        %parallel_loop3A_265 = arith.constant 16 : i32
        %parallel_loop3A_266 = arith.muli %parallel_loop3A_264, %parallel_loop3A_265 : i32
        %parallel_loop3A_267 = arith.index_cast %parallel_loop3A_266 : i32 to index
        %parallel_loop3A_268 = tpu.vector_load %arg4[%parallel_loop3A_267] {strides = array<i32>} : memref<50176xf32, #tpu.memory_space<vmem>>, vector<16xf32>,
        %parallel_loop3A_269 = vector.bitcast %parallel_loop3A_268 : vector<16xf32> to vector<16xi32>
        %parallel_loop3A_270 = arith.constant 2147483647 : i32
        %parallel_loop3A_271 = vector.broadcast %parallel_loop3A_270 : i32 to vector<16xi32>
        %parallel_loop3A_272 = arith.andi %parallel_loop3A_269, %parallel_loop3A_271 : vector<16xi32>
        %parallel_loop3A_273 = arith.constant 22 : i32
        %parallel_loop3A_274 = vector.broadcast %parallel_loop3A_273 : i32 to vector<16xi32>
        %parallel_loop3A_275 = arith.shrsi %parallel_loop3A_272, %parallel_loop3A_274 : vector<16xi32>
        tpu.vector_store_idx %arg6[%parallel_loop3A_275, %iota3A], %broadcast_in_dim3A_3 {add = true} : memref<512x16xi32, #tpu.memory_space<vmem>>[vector<16xi32>, vector<16xi32>], vector<16xi32>,
      } {sc.loop_unroll_factor = 16 : i64, sc.parallel_access}
      %mul3A_47 = arith.constant 50176 : i32
      %mul3A_48 = arith.muli %add3A_39, %mul3A_47 : i32
      %dma_wait3A_49 = tpu.memref_slice %arg3[%mul3A_48] : memref<38535168xf32, #tpu.memory_space<hbm>> -> memref<50176xf32, #tpu.memory_space<hbm>>
      %dma_wait3A_50 = tpu.memref_slice %arg3[%mul3A_48] : memref<38535168xf32, #tpu.memory_space<hbm>> -> memref<50176xf32, #tpu.memory_space<hbm>>
      tpu.wait_dma2 semaphore(%arg10 : memref<!tpu.dma_semaphore, #tpu.memory_space<semaphore_mem>>) src(%arg5 : memref<50176xf32, #tpu.memory_space<vmem>>) dst(%dma_wait3A_50 : memref<50176xf32, #tpu.memory_space<hbm>>)
      %mul3A_51 = arith.constant 50176 : i32
      %mul3A_52 = arith.muli %add3A_39, %mul3A_51 : i32
      %dma_start3A_53 = tpu.memref_slice %arg2[%mul3A_52] : memref<38535168xf32, #tpu.memory_space<hbm>> -> memref<50176xf32, #tpu.memory_space<hbm>>
      %dma_start3A_54 = tpu.memref_slice %arg2[%mul3A_52] : memref<38535168xf32, #tpu.memory_space<hbm>> -> memref<50176xf32, #tpu.memory_space<hbm>>
      tpu.enqueue_dma source(%dma_start3A_54 : memref<50176xf32, #tpu.memory_space<hbm>>) target(%arg5 : memref<50176xf32, #tpu.memory_space<vmem>>) target_semaphore(%arg8 : memref<!tpu.dma_semaphore, #tpu.memory_space<semaphore_mem>>)
      %scan3A_55 = arith.constant 0 : i32
      %scan3A_56 = arith.constant 0 : i32
      %scan3A_57 = arith.constant false
      %scan3A_58 = arith.constant 0 : i32
      %scan3A_59 = arith.constant 32 : i32
      %scan3A_60 = arith.addi %scan3A_58, %scan3A_59 : i32
      %scan3A_61 = arith.constant 1 : i32
      %scan3A_62:3 = scf.for %scan3A_264 = %scan3A_58 to %scan3A_60 step %scan3A_61 iter_args(%scan3A_265 = %scan3A_55, %scan3A_266 = %scan3A_56, %scan3A_267 = %scan3A_57) -> (i32, i32, i1)  : i32 {
        %sub3A_268 = arith.constant 31 : i32
        %sub3A_269 = arith.subi %sub3A_268, %scan3A_264 : i32
        %mul3A_270 = arith.constant 16 : i32
        %mul3A_271 = arith.muli %sub3A_269, %mul3A_270 : i32
        %get3A = arith.index_cast %mul3A_271 : i32 to index
        %get3A_272 = arith.constant 0 : index
        %get3A_273 = tpu.vector_load %arg6[%get3A, %get3A_272] {strides = array<i32>} : memref<512x16xi32, #tpu.memory_space<vmem>>, vector<16xi32>,
        %add3A_274 = arith.constant 1 : i32
        %add3A_275 = arith.addi %mul3A_271, %add3A_274 : i32
        %get3A_276 = arith.index_cast %add3A_275 : i32 to index
        %get3A_277 = arith.constant 0 : index
        %get3A_278 = tpu.vector_load %arg6[%get3A_276, %get3A_277] {strides = array<i32>} : memref<512x16xi32, #tpu.memory_space<vmem>>, vector<16xi32>,
        %add3A_279 = arith.addi %get3A_273, %get3A_278 : vector<16xi32>
        %add3A_280 = arith.constant 2 : i32
        %add3A_281 = arith.addi %mul3A_271, %add3A_280 : i32
        %get3A_282 = arith.index_cast %add3A_281 : i32 to index
        %get3A_283 = arith.constant 0 : index
        %get3A_284 = tpu.vector_load %arg6[%get3A_282, %get3A_283] {strides = array<i32>} : memref<512x16xi32, #tpu.memory_space<vmem>>, vector<16xi32>,
        %add3A_285 = arith.addi %add3A_279, %get3A_284 : vector<16xi32>
        %add3A_286 = arith.constant 3 : i32
        %add3A_287 = arith.addi %mul3A_271, %add3A_286 : i32
        %get3A_288 = arith.index_cast %add3A_287 : i32 to index
        %get3A_289 = arith.constant 0 : index
        %get3A_290 = tpu.vector_load %arg6[%get3A_288, %get3A_289] {strides = array<i32>} : memref<512x16xi32, #tpu.memory_space<vmem>>, vector<16xi32>,
        %add3A_291 = arith.addi %add3A_285, %get3A_290 : vector<16xi32>
        %add3A_292 = arith.constant 4 : i32
        %add3A_293 = arith.addi %mul3A_271, %add3A_292 : i32
        %get3A_294 = arith.index_cast %add3A_293 : i32 to index
        %get3A_295 = arith.constant 0 : index
        %get3A_296 = tpu.vector_load %arg6[%get3A_294, %get3A_295] {strides = array<i32>} : memref<512x16xi32, #tpu.memory_space<vmem>>, vector<16xi32>,
        %add3A_297 = arith.addi %add3A_291, %get3A_296 : vector<16xi32>
        %add3A_298 = arith.constant 5 : i32
        %add3A_299 = arith.addi %mul3A_271, %add3A_298 : i32
        %get3A_300 = arith.index_cast %add3A_299 : i32 to index
        %get3A_301 = arith.constant 0 : index
        %get3A_302 = tpu.vector_load %arg6[%get3A_300, %get3A_301] {strides = array<i32>} : memref<512x16xi32, #tpu.memory_space<vmem>>, vector<16xi32>,
        %add3A_303 = arith.addi %add3A_297, %get3A_302 : vector<16xi32>
        %add3A_304 = arith.constant 6 : i32
        %add3A_305 = arith.addi %mul3A_271, %add3A_304 : i32
        %get3A_306 = arith.index_cast %add3A_305 : i32 to index
        %get3A_307 = arith.constant 0 : index
        %get3A_308 = tpu.vector_load %arg6[%get3A_306, %get3A_307] {strides = array<i32>} : memref<512x16xi32, #tpu.memory_space<vmem>>, vector<16xi32>,
        %add3A_309 = arith.addi %add3A_303, %get3A_308 : vector<16xi32>
        %add3A_310 = arith.constant 7 : i32
        %add3A_311 = arith.addi %mul3A_271, %add3A_310 : i32
        %get3A_312 = arith.index_cast %add3A_311 : i32 to index
        %get3A_313 = arith.constant 0 : index
        %get3A_314 = tpu.vector_load %arg6[%get3A_312, %get3A_313] {strides = array<i32>} : memref<512x16xi32, #tpu.memory_space<vmem>>, vector<16xi32>,
        %add3A_315 = arith.addi %add3A_309, %get3A_314 : vector<16xi32>
        %add3A_316 = arith.constant 8 : i32
        %add3A_317 = arith.addi %mul3A_271, %add3A_316 : i32
        %get3A_318 = arith.index_cast %add3A_317 : i32 to index
        %get3A_319 = arith.constant 0 : index
        %get3A_320 = tpu.vector_load %arg6[%get3A_318, %get3A_319] {strides = array<i32>} : memref<512x16xi32, #tpu.memory_space<vmem>>, vector<16xi32>,
        %add3A_321 = arith.addi %add3A_315, %get3A_320 : vector<16xi32>
        %add3A_322 = arith.constant 9 : i32
        %add3A_323 = arith.addi %mul3A_271, %add3A_322 : i32
        %get3A_324 = arith.index_cast %add3A_323 : i32 to index
        %get3A_325 = arith.constant 0 : index
        %get3A_326 = tpu.vector_load %arg6[%get3A_324, %get3A_325] {strides = array<i32>} : memref<512x16xi32, #tpu.memory_space<vmem>>, vector<16xi32>,
        %add3A_327 = arith.addi %add3A_321, %get3A_326 : vector<16xi32>
        %add3A_328 = arith.constant 10 : i32
        %add3A_329 = arith.addi %mul3A_271, %add3A_328 : i32
        %get3A_330 = arith.index_cast %add3A_329 : i32 to index
        %get3A_331 = arith.constant 0 : index
        %get3A_332 = tpu.vector_load %arg6[%get3A_330, %get3A_331] {strides = array<i32>} : memref<512x16xi32, #tpu.memory_space<vmem>>, vector<16xi32>,
        %add3A_333 = arith.addi %add3A_327, %get3A_332 : vector<16xi32>
        %add3A_334 = arith.constant 11 : i32
        %add3A_335 = arith.addi %mul3A_271, %add3A_334 : i32
        %get3A_336 = arith.index_cast %add3A_335 : i32 to index
        %get3A_337 = arith.constant 0 : index
        %get3A_338 = tpu.vector_load %arg6[%get3A_336, %get3A_337] {strides = array<i32>} : memref<512x16xi32, #tpu.memory_space<vmem>>, vector<16xi32>,
        %add3A_339 = arith.addi %add3A_333, %get3A_338 : vector<16xi32>
        %add3A_340 = arith.constant 12 : i32
        %add3A_341 = arith.addi %mul3A_271, %add3A_340 : i32
        %get3A_342 = arith.index_cast %add3A_341 : i32 to index
        %get3A_343 = arith.constant 0 : index
        %get3A_344 = tpu.vector_load %arg6[%get3A_342, %get3A_343] {strides = array<i32>} : memref<512x16xi32, #tpu.memory_space<vmem>>, vector<16xi32>,
        %add3A_345 = arith.addi %add3A_339, %get3A_344 : vector<16xi32>
        %add3A_346 = arith.constant 13 : i32
        %add3A_347 = arith.addi %mul3A_271, %add3A_346 : i32
        %get3A_348 = arith.index_cast %add3A_347 : i32 to index
        %get3A_349 = arith.constant 0 : index
        %get3A_350 = tpu.vector_load %arg6[%get3A_348, %get3A_349] {strides = array<i32>} : memref<512x16xi32, #tpu.memory_space<vmem>>, vector<16xi32>,
        %add3A_351 = arith.addi %add3A_345, %get3A_350 : vector<16xi32>
        %add3A_352 = arith.constant 14 : i32
        %add3A_353 = arith.addi %mul3A_271, %add3A_352 : i32
        %get3A_354 = arith.index_cast %add3A_353 : i32 to index
        %get3A_355 = arith.constant 0 : index
        %get3A_356 = tpu.vector_load %arg6[%get3A_354, %get3A_355] {strides = array<i32>} : memref<512x16xi32, #tpu.memory_space<vmem>>, vector<16xi32>,
        %add3A_357 = arith.addi %add3A_351, %get3A_356 : vector<16xi32>
        %add3A_358 = arith.constant 15 : i32
        %add3A_359 = arith.addi %mul3A_271, %add3A_358 : i32
        %get3A_360 = arith.index_cast %add3A_359 : i32 to index
        %get3A_361 = arith.constant 0 : index
        %get3A_362 = tpu.vector_load %arg6[%get3A_360, %get3A_361] {strides = array<i32>} : memref<512x16xi32, #tpu.memory_space<vmem>>, vector<16xi32>,
        %add3A_363 = arith.addi %add3A_357, %get3A_362 : vector<16xi32>
        %reduce_sum3A = arith.constant true
        %reduce_sum3A_364 = vector.broadcast %reduce_sum3A : i1 to vector<16xi1>
        %reduce_sum3A_365 = tpu.scan <sum>, %add3A_363 masked %reduce_sum3A_364 : vector<16xi32>, vector<16xi1> -> vector<16xi32>
        %reduce_sum3A_366 = vector.extract %reduce_sum3A_365[15] : i32 from vector<16xi32>
        %not3A = arith.constant true
        %not3A_367 = arith.xori %scan3A_267, %not3A : i1
        %add3A_368 = arith.addi %scan3A_265, %reduce_sum3A_366 : i32
        %ge3A = arith.constant 5017 : i32
        %ge3A_369 = arith.cmpi sge, %add3A_368, %ge3A : i32
        %and3A = arith.andi %not3A_367, %ge3A_369 : i1
        %select_n3A_370 = arith.select %and3A, %sub3A_269, %scan3A_266 : i32
        %or3A = arith.ori %scan3A_267, %and3A : i1
        %add3A_371 = arith.addi %scan3A_265, %reduce_sum3A_366 : i32
        %select_n3A_372 = arith.select %or3A, %scan3A_265, %add3A_371 : i32
        %or3A_373 = arith.ori %scan3A_267, %and3A : i1
        scf.yield %select_n3A_372, %select_n3A_370, %or3A_373 : i32, i32, i1
      }
      %scan3A_63 = arith.constant 32 : i32
      %scan3A_64 = arith.constant 0 : i32
      %scan3A_65 = arith.constant false
      %scan3A_66 = arith.constant 0 : i32
      %scan3A_67 = arith.constant 16 : i32
      %scan3A_68 = arith.addi %scan3A_66, %scan3A_67 : i32
      %scan3A_69 = arith.constant 1 : i32
      %scan3A_70:3 = scf.for %scan3A_264 = %scan3A_66 to %scan3A_68 step %scan3A_69 iter_args(%scan3A_265 = %scan3A_62#0, %scan3A_266 = %scan3A_64, %scan3A_267 = %scan3A_65) -> (i32, i32, i1)  : i32 {
        %sub3A_268 = arith.constant 15 : i32
        %sub3A_269 = arith.subi %sub3A_268, %scan3A_264 : i32
        %mul3A_270 = arith.constant 16 : i32
        %mul3A_271 = arith.muli %scan3A_62#1, %mul3A_270 : i32
        %add3A_272 = arith.addi %mul3A_271, %sub3A_269 : i32
        %get3A = arith.index_cast %add3A_272 : i32 to index
        %get3A_273 = arith.constant 0 : index
        %get3A_274 = tpu.vector_load %arg6[%get3A, %get3A_273] {strides = array<i32>} : memref<512x16xi32, #tpu.memory_space<vmem>>, vector<16xi32>,
        %reduce_sum3A = arith.constant true
        %reduce_sum3A_275 = vector.broadcast %reduce_sum3A : i1 to vector<16xi1>
        %reduce_sum3A_276 = tpu.scan <sum>, %get3A_274 masked %reduce_sum3A_275 : vector<16xi32>, vector<16xi1> -> vector<16xi32>
        %reduce_sum3A_277 = vector.extract %reduce_sum3A_276[15] : i32 from vector<16xi32>
        %not3A = arith.constant true
        %not3A_278 = arith.xori %scan3A_267, %not3A : i1
        %add3A_279 = arith.addi %scan3A_265, %reduce_sum3A_277 : i32
        %ge3A = arith.constant 5017 : i32
        %ge3A_280 = arith.cmpi sge, %add3A_279, %ge3A : i32
        %and3A = arith.andi %not3A_278, %ge3A_280 : i1
        %select_n3A_281 = arith.select %and3A, %sub3A_269, %scan3A_266 : i32
        %or3A = arith.ori %scan3A_267, %and3A : i1
        %add3A_282 = arith.addi %scan3A_265, %reduce_sum3A_277 : i32
        %select_n3A_283 = arith.select %or3A, %scan3A_265, %add3A_282 : i32
        %or3A_284 = arith.ori %scan3A_267, %and3A : i1
        scf.yield %select_n3A_283, %select_n3A_281, %or3A_284 : i32, i32, i1
      }
      %scan3A_71 = arith.constant 16 : i32
      %mul3A_72 = arith.constant 16 : i32
      %mul3A_73 = arith.muli %scan3A_62#1, %mul3A_72 : i32
      %add3A_74 = arith.addi %mul3A_73, %scan3A_70#1 : i32
      %parallel_loop3A_75 = arith.constant 0 : i32
      %parallel_loop3A_76 = arith.constant 512 : i32
      %parallel_loop3A_77 = arith.constant 16 : i32
      scf.for %parallel_loop3A_264 = %parallel_loop3A_75 to %parallel_loop3A_76 step %parallel_loop3A_77  : i32 {
        %parallel_loop3A_265 = arith.constant 0 : i32
        %parallel_loop3A_266 = arith.addi %parallel_loop3A_264, %parallel_loop3A_265 : i32
        %parallel_loop3A_267 = arith.index_cast %parallel_loop3A_266 : i32 to index
        %parallel_loop3A_268 = arith.constant 0 : index
        %parallel_loop3A_269 = tpu.vector_load %arg6[%parallel_loop3A_267, %parallel_loop3A_268] {strides = array<i32>} : memref<512x16xi32, #tpu.memory_space<vmem>>, vector<16xi32>,
        tpu.vector_store %arg6[%parallel_loop3A_267, %parallel_loop3A_268], %broadcast_in_dim3A_5 {strides = array<i32>} : memref<512x16xi32, #tpu.memory_space<vmem>>, vector<16xi32>,
        %parallel_loop3A_270 = arith.constant 1 : i32
        %parallel_loop3A_271 = arith.addi %parallel_loop3A_264, %parallel_loop3A_270 : i32
        %parallel_loop3A_272 = arith.index_cast %parallel_loop3A_271 : i32 to index
        %parallel_loop3A_273 = arith.constant 0 : index
        %parallel_loop3A_274 = tpu.vector_load %arg6[%parallel_loop3A_272, %parallel_loop3A_273] {strides = array<i32>} : memref<512x16xi32, #tpu.memory_space<vmem>>, vector<16xi32>,
        tpu.vector_store %arg6[%parallel_loop3A_272, %parallel_loop3A_273], %broadcast_in_dim3A_5 {strides = array<i32>} : memref<512x16xi32, #tpu.memory_space<vmem>>, vector<16xi32>,
        %parallel_loop3A_275 = arith.constant 2 : i32
        %parallel_loop3A_276 = arith.addi %parallel_loop3A_264, %parallel_loop3A_275 : i32
        %parallel_loop3A_277 = arith.index_cast %parallel_loop3A_276 : i32 to index
        %parallel_loop3A_278 = arith.constant 0 : index
        %parallel_loop3A_279 = tpu.vector_load %arg6[%parallel_loop3A_277, %parallel_loop3A_278] {strides = array<i32>} : memref<512x16xi32, #tpu.memory_space<vmem>>, vector<16xi32>,
        tpu.vector_store %arg6[%parallel_loop3A_277, %parallel_loop3A_278], %broadcast_in_dim3A_5 {strides = array<i32>} : memref<512x16xi32, #tpu.memory_space<vmem>>, vector<16xi32>,
        %parallel_loop3A_280 = arith.constant 3 : i32
        %parallel_loop3A_281 = arith.addi %parallel_loop3A_264, %parallel_loop3A_280 : i32
        %parallel_loop3A_282 = arith.index_cast %parallel_loop3A_281 : i32 to index
        %parallel_loop3A_283 = arith.constant 0 : index
        %parallel_loop3A_284 = tpu.vector_load %arg6[%parallel_loop3A_282, %parallel_loop3A_283] {strides = array<i32>} : memref<512x16xi32, #tpu.memory_space<vmem>>, vector<16xi32>,
        tpu.vector_store %arg6[%parallel_loop3A_282, %parallel_loop3A_283], %broadcast_in_dim3A_5 {strides = array<i32>} : memref<512x16xi32, #tpu.memory_space<vmem>>, vector<16xi32>,
        %parallel_loop3A_285 = arith.constant 4 : i32
        %parallel_loop3A_286 = arith.addi %parallel_loop3A_264, %parallel_loop3A_285 : i32
        %parallel_loop3A_287 = arith.index_cast %parallel_loop3A_286 : i32 to index
        %parallel_loop3A_288 = arith.constant 0 : index
        %parallel_loop3A_289 = tpu.vector_load %arg6[%parallel_loop3A_287, %parallel_loop3A_288] {strides = array<i32>} : memref<512x16xi32, #tpu.memory_space<vmem>>, vector<16xi32>,
        tpu.vector_store %arg6[%parallel_loop3A_287, %parallel_loop3A_288], %broadcast_in_dim3A_5 {strides = array<i32>} : memref<512x16xi32, #tpu.memory_space<vmem>>, vector<16xi32>,
        %parallel_loop3A_290 = arith.constant 5 : i32
        %parallel_loop3A_291 = arith.addi %parallel_loop3A_264, %parallel_loop3A_290 : i32
        %parallel_loop3A_292 = arith.index_cast %parallel_loop3A_291 : i32 to index
        %parallel_loop3A_293 = arith.constant 0 : index
        %parallel_loop3A_294 = tpu.vector_load %arg6[%parallel_loop3A_292, %parallel_loop3A_293] {strides = array<i32>} : memref<512x16xi32, #tpu.memory_space<vmem>>, vector<16xi32>,
        tpu.vector_store %arg6[%parallel_loop3A_292, %parallel_loop3A_293], %broadcast_in_dim3A_5 {strides = array<i32>} : memref<512x16xi32, #tpu.memory_space<vmem>>, vector<16xi32>,
        %parallel_loop3A_295 = arith.constant 6 : i32
        %parallel_loop3A_296 = arith.addi %parallel_loop3A_264, %parallel_loop3A_295 : i32
        %parallel_loop3A_297 = arith.index_cast %parallel_loop3A_296 : i32 to index
        %parallel_loop3A_298 = arith.constant 0 : index
        %parallel_loop3A_299 = tpu.vector_load %arg6[%parallel_loop3A_297, %parallel_loop3A_298] {strides = array<i32>} : memref<512x16xi32, #tpu.memory_space<vmem>>, vector<16xi32>,
        tpu.vector_store %arg6[%parallel_loop3A_297, %parallel_loop3A_298], %broadcast_in_dim3A_5 {strides = array<i32>} : memref<512x16xi32, #tpu.memory_space<vmem>>, vector<16xi32>,
        %parallel_loop3A_300 = arith.constant 7 : i32
        %parallel_loop3A_301 = arith.addi %parallel_loop3A_264, %parallel_loop3A_300 : i32
        %parallel_loop3A_302 = arith.index_cast %parallel_loop3A_301 : i32 to index
        %parallel_loop3A_303 = arith.constant 0 : index
        %parallel_loop3A_304 = tpu.vector_load %arg6[%parallel_loop3A_302, %parallel_loop3A_303] {strides = array<i32>} : memref<512x16xi32, #tpu.memory_space<vmem>>, vector<16xi32>,
        tpu.vector_store %arg6[%parallel_loop3A_302, %parallel_loop3A_303], %broadcast_in_dim3A_5 {strides = array<i32>} : memref<512x16xi32, #tpu.memory_space<vmem>>, vector<16xi32>,
        %parallel_loop3A_305 = arith.constant 8 : i32
        %parallel_loop3A_306 = arith.addi %parallel_loop3A_264, %parallel_loop3A_305 : i32
        %parallel_loop3A_307 = arith.index_cast %parallel_loop3A_306 : i32 to index
        %parallel_loop3A_308 = arith.constant 0 : index
        %parallel_loop3A_309 = tpu.vector_load %arg6[%parallel_loop3A_307, %parallel_loop3A_308] {strides = array<i32>} : memref<512x16xi32, #tpu.memory_space<vmem>>, vector<16xi32>,
        tpu.vector_store %arg6[%parallel_loop3A_307, %parallel_loop3A_308], %broadcast_in_dim3A_5 {strides = array<i32>} : memref<512x16xi32, #tpu.memory_space<vmem>>, vector<16xi32>,
        %parallel_loop3A_310 = arith.constant 9 : i32
        %parallel_loop3A_311 = arith.addi %parallel_loop3A_264, %parallel_loop3A_310 : i32
        %parallel_loop3A_312 = arith.index_cast %parallel_loop3A_311 : i32 to index
        %parallel_loop3A_313 = arith.constant 0 : index
        %parallel_loop3A_314 = tpu.vector_load %arg6[%parallel_loop3A_312, %parallel_loop3A_313] {strides = array<i32>} : memref<512x16xi32, #tpu.memory_space<vmem>>, vector<16xi32>,
        tpu.vector_store %arg6[%parallel_loop3A_312, %parallel_loop3A_313], %broadcast_in_dim3A_5 {strides = array<i32>} : memref<512x16xi32, #tpu.memory_space<vmem>>, vector<16xi32>,
        %parallel_loop3A_315 = arith.constant 10 : i32
        %parallel_loop3A_316 = arith.addi %parallel_loop3A_264, %parallel_loop3A_315 : i32
        %parallel_loop3A_317 = arith.index_cast %parallel_loop3A_316 : i32 to index
        %parallel_loop3A_318 = arith.constant 0 : index
        %parallel_loop3A_319 = tpu.vector_load %arg6[%parallel_loop3A_317, %parallel_loop3A_318] {strides = array<i32>} : memref<512x16xi32, #tpu.memory_space<vmem>>, vector<16xi32>,
        tpu.vector_store %arg6[%parallel_loop3A_317, %parallel_loop3A_318], %broadcast_in_dim3A_5 {strides = array<i32>} : memref<512x16xi32, #tpu.memory_space<vmem>>, vector<16xi32>,
        %parallel_loop3A_320 = arith.constant 11 : i32
        %parallel_loop3A_321 = arith.addi %parallel_loop3A_264, %parallel_loop3A_320 : i32
        %parallel_loop3A_322 = arith.index_cast %parallel_loop3A_321 : i32 to index
        %parallel_loop3A_323 = arith.constant 0 : index
        %parallel_loop3A_324 = tpu.vector_load %arg6[%parallel_loop3A_322, %parallel_loop3A_323] {strides = array<i32>} : memref<512x16xi32, #tpu.memory_space<vmem>>, vector<16xi32>,
        tpu.vector_store %arg6[%parallel_loop3A_322, %parallel_loop3A_323], %broadcast_in_dim3A_5 {strides = array<i32>} : memref<512x16xi32, #tpu.memory_space<vmem>>, vector<16xi32>,
        %parallel_loop3A_325 = arith.constant 12 : i32
        %parallel_loop3A_326 = arith.addi %parallel_loop3A_264, %parallel_loop3A_325 : i32
        %parallel_loop3A_327 = arith.index_cast %parallel_loop3A_326 : i32 to index
        %parallel_loop3A_328 = arith.constant 0 : index
        %parallel_loop3A_329 = tpu.vector_load %arg6[%parallel_loop3A_327, %parallel_loop3A_328] {strides = array<i32>} : memref<512x16xi32, #tpu.memory_space<vmem>>, vector<16xi32>,
        tpu.vector_store %arg6[%parallel_loop3A_327, %parallel_loop3A_328], %broadcast_in_dim3A_5 {strides = array<i32>} : memref<512x16xi32, #tpu.memory_space<vmem>>, vector<16xi32>,
        %parallel_loop3A_330 = arith.constant 13 : i32
        %parallel_loop3A_331 = arith.addi %parallel_loop3A_264, %parallel_loop3A_330 : i32
        %parallel_loop3A_332 = arith.index_cast %parallel_loop3A_331 : i32 to index
        %parallel_loop3A_333 = arith.constant 0 : index
        %parallel_loop3A_334 = tpu.vector_load %arg6[%parallel_loop3A_332, %parallel_loop3A_333] {strides = array<i32>} : memref<512x16xi32, #tpu.memory_space<vmem>>, vector<16xi32>,
        tpu.vector_store %arg6[%parallel_loop3A_332, %parallel_loop3A_333], %broadcast_in_dim3A_5 {strides = array<i32>} : memref<512x16xi32, #tpu.memory_space<vmem>>, vector<16xi32>,
        %parallel_loop3A_335 = arith.constant 14 : i32
        %parallel_loop3A_336 = arith.addi %parallel_loop3A_264, %parallel_loop3A_335 : i32
        %parallel_loop3A_337 = arith.index_cast %parallel_loop3A_336 : i32 to index
        %parallel_loop3A_338 = arith.constant 0 : index
        %parallel_loop3A_339 = tpu.vector_load %arg6[%parallel_loop3A_337, %parallel_loop3A_338] {strides = array<i32>} : memref<512x16xi32, #tpu.memory_space<vmem>>, vector<16xi32>,
        tpu.vector_store %arg6[%parallel_loop3A_337, %parallel_loop3A_338], %broadcast_in_dim3A_5 {strides = array<i32>} : memref<512x16xi32, #tpu.memory_space<vmem>>, vector<16xi32>,
        %parallel_loop3A_340 = arith.constant 15 : i32
        %parallel_loop3A_341 = arith.addi %parallel_loop3A_264, %parallel_loop3A_340 : i32
        %parallel_loop3A_342 = arith.index_cast %parallel_loop3A_341 : i32 to index
        %parallel_loop3A_343 = arith.constant 0 : index
        %parallel_loop3A_344 = tpu.vector_load %arg6[%parallel_loop3A_342, %parallel_loop3A_343] {strides = array<i32>} : memref<512x16xi32, #tpu.memory_space<vmem>>, vector<16xi32>,
        tpu.vector_store %arg6[%parallel_loop3A_342, %parallel_loop3A_343], %broadcast_in_dim3A_5 {strides = array<i32>} : memref<512x16xi32, #tpu.memory_space<vmem>>, vector<16xi32>,
      } {sc.loop_unroll_factor = 2 : i64, sc.parallel_access}
      %parallel_loop3A_78 = arith.constant 0 : i32
      %parallel_loop3A_79 = arith.constant 3136 : i32
      %parallel_loop3A_80 = arith.constant 1 : i32
      scf.for %parallel_loop3A_264 = %parallel_loop3A_78 to %parallel_loop3A_79 step %parallel_loop3A_80  : i32 {
        %parallel_loop3A_265 = arith.constant 16 : i32
        %parallel_loop3A_266 = arith.muli %parallel_loop3A_264, %parallel_loop3A_265 : i32
        %parallel_loop3A_267 = arith.index_cast %parallel_loop3A_266 : i32 to index
        %parallel_loop3A_268 = tpu.vector_load %arg4[%parallel_loop3A_267] {strides = array<i32>} : memref<50176xf32, #tpu.memory_space<vmem>>, vector<16xf32>,
        %parallel_loop3A_269 = vector.bitcast %parallel_loop3A_268 : vector<16xf32> to vector<16xi32>
        %parallel_loop3A_270 = arith.constant 2147483647 : i32
        %parallel_loop3A_271 = vector.broadcast %parallel_loop3A_270 : i32 to vector<16xi32>
        %parallel_loop3A_272 = arith.andi %parallel_loop3A_269, %parallel_loop3A_271 : vector<16xi32>
        %parallel_loop3A_273 = arith.constant 22 : i32
        %parallel_loop3A_274 = vector.broadcast %parallel_loop3A_273 : i32 to vector<16xi32>
        %parallel_loop3A_275 = arith.shrsi %parallel_loop3A_272, %parallel_loop3A_274 : vector<16xi32>
        %parallel_loop3A_276 = vector.broadcast %add3A_74 : i32 to vector<16xi32>
        %parallel_loop3A_277 = arith.cmpi eq, %parallel_loop3A_275, %parallel_loop3A_276 : vector<16xi32>
        %parallel_loop3A_278 = arith.constant 13 : i32
        %parallel_loop3A_279 = vector.broadcast %parallel_loop3A_278 : i32 to vector<16xi32>
        %parallel_loop3A_280 = arith.shrsi %parallel_loop3A_272, %parallel_loop3A_279 : vector<16xi32>
        %parallel_loop3A_281 = arith.constant 511 : i32
        %parallel_loop3A_282 = vector.broadcast %parallel_loop3A_281 : i32 to vector<16xi32>
        %parallel_loop3A_283 = arith.andi %parallel_loop3A_280, %parallel_loop3A_282 : vector<16xi32>
        tpu.vector_store_idx %arg6[%parallel_loop3A_283, %iota3A], %broadcast_in_dim3A_3 masked %parallel_loop3A_277 {add = true} : memref<512x16xi32, #tpu.memory_space<vmem>>[vector<16xi32>, vector<16xi32>], vector<16xi32>, vector<16xi1>
      } {sc.loop_unroll_factor = 16 : i64, sc.parallel_access}
      %sub3A_81 = arith.constant 5017 : i32
      %sub3A_82 = arith.subi %sub3A_81, %scan3A_70#0 : i32
      %scan3A_83 = arith.constant 0 : i32
      %scan3A_84 = arith.constant 0 : i32
      %scan3A_85 = arith.constant false
      %scan3A_86 = arith.constant 0 : i32
      %scan3A_87 = arith.constant 32 : i32
      %scan3A_88 = arith.addi %scan3A_86, %scan3A_87 : i32
      %scan3A_89 = arith.constant 1 : i32
      %scan3A_90:3 = scf.for %scan3A_264 = %scan3A_86 to %scan3A_88 step %scan3A_89 iter_args(%scan3A_265 = %scan3A_83, %scan3A_266 = %scan3A_84, %scan3A_267 = %scan3A_85) -> (i32, i32, i1)  : i32 {
        %sub3A_268 = arith.constant 31 : i32
        %sub3A_269 = arith.subi %sub3A_268, %scan3A_264 : i32
        %mul3A_270 = arith.constant 16 : i32
        %mul3A_271 = arith.muli %sub3A_269, %mul3A_270 : i32
        %get3A = arith.index_cast %mul3A_271 : i32 to index
        %get3A_272 = arith.constant 0 : index
        %get3A_273 = tpu.vector_load %arg6[%get3A, %get3A_272] {strides = array<i32>} : memref<512x16xi32, #tpu.memory_space<vmem>>, vector<16xi32>,
        %add3A_274 = arith.constant 1 : i32
        %add3A_275 = arith.addi %mul3A_271, %add3A_274 : i32
        %get3A_276 = arith.index_cast %add3A_275 : i32 to index
        %get3A_277 = arith.constant 0 : index
        %get3A_278 = tpu.vector_load %arg6[%get3A_276, %get3A_277] {strides = array<i32>} : memref<512x16xi32, #tpu.memory_space<vmem>>, vector<16xi32>,
        %add3A_279 = arith.addi %get3A_273, %get3A_278 : vector<16xi32>
        %add3A_280 = arith.constant 2 : i32
        %add3A_281 = arith.addi %mul3A_271, %add3A_280 : i32
        %get3A_282 = arith.index_cast %add3A_281 : i32 to index
        %get3A_283 = arith.constant 0 : index
        %get3A_284 = tpu.vector_load %arg6[%get3A_282, %get3A_283] {strides = array<i32>} : memref<512x16xi32, #tpu.memory_space<vmem>>, vector<16xi32>,
        %add3A_285 = arith.addi %add3A_279, %get3A_284 : vector<16xi32>
        %add3A_286 = arith.constant 3 : i32
        %add3A_287 = arith.addi %mul3A_271, %add3A_286 : i32
        %get3A_288 = arith.index_cast %add3A_287 : i32 to index
        %get3A_289 = arith.constant 0 : index
        %get3A_290 = tpu.vector_load %arg6[%get3A_288, %get3A_289] {strides = array<i32>} : memref<512x16xi32, #tpu.memory_space<vmem>>, vector<16xi32>,
        %add3A_291 = arith.addi %add3A_285, %get3A_290 : vector<16xi32>
        %add3A_292 = arith.constant 4 : i32
        %add3A_293 = arith.addi %mul3A_271, %add3A_292 : i32
        %get3A_294 = arith.index_cast %add3A_293 : i32 to index
        %get3A_295 = arith.constant 0 : index
        %get3A_296 = tpu.vector_load %arg6[%get3A_294, %get3A_295] {strides = array<i32>} : memref<512x16xi32, #tpu.memory_space<vmem>>, vector<16xi32>,
        %add3A_297 = arith.addi %add3A_291, %get3A_296 : vector<16xi32>
        %add3A_298 = arith.constant 5 : i32
        %add3A_299 = arith.addi %mul3A_271, %add3A_298 : i32
        %get3A_300 = arith.index_cast %add3A_299 : i32 to index
        %get3A_301 = arith.constant 0 : index
        %get3A_302 = tpu.vector_load %arg6[%get3A_300, %get3A_301] {strides = array<i32>} : memref<512x16xi32, #tpu.memory_space<vmem>>, vector<16xi32>,
        %add3A_303 = arith.addi %add3A_297, %get3A_302 : vector<16xi32>
        %add3A_304 = arith.constant 6 : i32
        %add3A_305 = arith.addi %mul3A_271, %add3A_304 : i32
        %get3A_306 = arith.index_cast %add3A_305 : i32 to index
        %get3A_307 = arith.constant 0 : index
        %get3A_308 = tpu.vector_load %arg6[%get3A_306, %get3A_307] {strides = array<i32>} : memref<512x16xi32, #tpu.memory_space<vmem>>, vector<16xi32>,
        %add3A_309 = arith.addi %add3A_303, %get3A_308 : vector<16xi32>
        %add3A_310 = arith.constant 7 : i32
        %add3A_311 = arith.addi %mul3A_271, %add3A_310 : i32
        %get3A_312 = arith.index_cast %add3A_311 : i32 to index
        %get3A_313 = arith.constant 0 : index
        %get3A_314 = tpu.vector_load %arg6[%get3A_312, %get3A_313] {strides = array<i32>} : memref<512x16xi32, #tpu.memory_space<vmem>>, vector<16xi32>,
        %add3A_315 = arith.addi %add3A_309, %get3A_314 : vector<16xi32>
        %add3A_316 = arith.constant 8 : i32
        %add3A_317 = arith.addi %mul3A_271, %add3A_316 : i32
        %get3A_318 = arith.index_cast %add3A_317 : i32 to index
        %get3A_319 = arith.constant 0 : index
        %get3A_320 = tpu.vector_load %arg6[%get3A_318, %get3A_319] {strides = array<i32>} : memref<512x16xi32, #tpu.memory_space<vmem>>, vector<16xi32>,
        %add3A_321 = arith.addi %add3A_315, %get3A_320 : vector<16xi32>
        %add3A_322 = arith.constant 9 : i32
        %add3A_323 = arith.addi %mul3A_271, %add3A_322 : i32
        %get3A_324 = arith.index_cast %add3A_323 : i32 to index
        %get3A_325 = arith.constant 0 : index
        %get3A_326 = tpu.vector_load %arg6[%get3A_324, %get3A_325] {strides = array<i32>} : memref<512x16xi32, #tpu.memory_space<vmem>>, vector<16xi32>,
        %add3A_327 = arith.addi %add3A_321, %get3A_326 : vector<16xi32>
        %add3A_328 = arith.constant 10 : i32
        %add3A_329 = arith.addi %mul3A_271, %add3A_328 : i32
        %get3A_330 = arith.index_cast %add3A_329 : i32 to index
        %get3A_331 = arith.constant 0 : index
        %get3A_332 = tpu.vector_load %arg6[%get3A_330, %get3A_331] {strides = array<i32>} : memref<512x16xi32, #tpu.memory_space<vmem>>, vector<16xi32>,
        %add3A_333 = arith.addi %add3A_327, %get3A_332 : vector<16xi32>
        %add3A_334 = arith.constant 11 : i32
        %add3A_335 = arith.addi %mul3A_271, %add3A_334 : i32
        %get3A_336 = arith.index_cast %add3A_335 : i32 to index
        %get3A_337 = arith.constant 0 : index
        %get3A_338 = tpu.vector_load %arg6[%get3A_336, %get3A_337] {strides = array<i32>} : memref<512x16xi32, #tpu.memory_space<vmem>>, vector<16xi32>,
        %add3A_339 = arith.addi %add3A_333, %get3A_338 : vector<16xi32>
        %add3A_340 = arith.constant 12 : i32
        %add3A_341 = arith.addi %mul3A_271, %add3A_340 : i32
        %get3A_342 = arith.index_cast %add3A_341 : i32 to index
        %get3A_343 = arith.constant 0 : index
        %get3A_344 = tpu.vector_load %arg6[%get3A_342, %get3A_343] {strides = array<i32>} : memref<512x16xi32, #tpu.memory_space<vmem>>, vector<16xi32>,
        %add3A_345 = arith.addi %add3A_339, %get3A_344 : vector<16xi32>
        %add3A_346 = arith.constant 13 : i32
        %add3A_347 = arith.addi %mul3A_271, %add3A_346 : i32
        %get3A_348 = arith.index_cast %add3A_347 : i32 to index
        %get3A_349 = arith.constant 0 : index
        %get3A_350 = tpu.vector_load %arg6[%get3A_348, %get3A_349] {strides = array<i32>} : memref<512x16xi32, #tpu.memory_space<vmem>>, vector<16xi32>,
        %add3A_351 = arith.addi %add3A_345, %get3A_350 : vector<16xi32>
        %add3A_352 = arith.constant 14 : i32
        %add3A_353 = arith.addi %mul3A_271, %add3A_352 : i32
        %get3A_354 = arith.index_cast %add3A_353 : i32 to index
        %get3A_355 = arith.constant 0 : index
        %get3A_356 = tpu.vector_load %arg6[%get3A_354, %get3A_355] {strides = array<i32>} : memref<512x16xi32, #tpu.memory_space<vmem>>, vector<16xi32>,
        %add3A_357 = arith.addi %add3A_351, %get3A_356 : vector<16xi32>
        %add3A_358 = arith.constant 15 : i32
        %add3A_359 = arith.addi %mul3A_271, %add3A_358 : i32
        %get3A_360 = arith.index_cast %add3A_359 : i32 to index
        %get3A_361 = arith.constant 0 : index
        %get3A_362 = tpu.vector_load %arg6[%get3A_360, %get3A_361] {strides = array<i32>} : memref<512x16xi32, #tpu.memory_space<vmem>>, vector<16xi32>,
        %add3A_363 = arith.addi %add3A_357, %get3A_362 : vector<16xi32>
        %reduce_sum3A = arith.constant true
        %reduce_sum3A_364 = vector.broadcast %reduce_sum3A : i1 to vector<16xi1>
        %reduce_sum3A_365 = tpu.scan <sum>, %add3A_363 masked %reduce_sum3A_364 : vector<16xi32>, vector<16xi1> -> vector<16xi32>
        %reduce_sum3A_366 = vector.extract %reduce_sum3A_365[15] : i32 from vector<16xi32>
        %not3A = arith.constant true
        %not3A_367 = arith.xori %scan3A_267, %not3A : i1
        %add3A_368 = arith.addi %scan3A_265, %reduce_sum3A_366 : i32
        %ge3A = arith.cmpi sge, %add3A_368, %sub3A_82 : i32
        %and3A = arith.andi %not3A_367, %ge3A : i1
        %select_n3A_369 = arith.select %and3A, %sub3A_269, %scan3A_266 : i32
        %or3A = arith.ori %scan3A_267, %and3A : i1
        %add3A_370 = arith.addi %scan3A_265, %reduce_sum3A_366 : i32
        %select_n3A_371 = arith.select %or3A, %scan3A_265, %add3A_370 : i32
        %or3A_372 = arith.ori %scan3A_267, %and3A : i1
        scf.yield %select_n3A_371, %select_n3A_369, %or3A_372 : i32, i32, i1
      }
      %scan3A_91 = arith.constant 32 : i32
      %scan3A_92 = arith.constant 0 : i32
      %scan3A_93 = arith.constant false
      %scan3A_94 = arith.constant 0 : i32
      %scan3A_95 = arith.constant 16 : i32
      %scan3A_96 = arith.addi %scan3A_94, %scan3A_95 : i32
      %scan3A_97 = arith.constant 1 : i32
      %scan3A_98:3 = scf.for %scan3A_264 = %scan3A_94 to %scan3A_96 step %scan3A_97 iter_args(%scan3A_265 = %scan3A_90#0, %scan3A_266 = %scan3A_92, %scan3A_267 = %scan3A_93) -> (i32, i32, i1)  : i32 {
        %sub3A_268 = arith.constant 15 : i32
        %sub3A_269 = arith.subi %sub3A_268, %scan3A_264 : i32
        %mul3A_270 = arith.constant 16 : i32
        %mul3A_271 = arith.muli %scan3A_90#1, %mul3A_270 : i32
        %add3A_272 = arith.addi %mul3A_271, %sub3A_269 : i32
        %get3A = arith.index_cast %add3A_272 : i32 to index
        %get3A_273 = arith.constant 0 : index
        %get3A_274 = tpu.vector_load %arg6[%get3A, %get3A_273] {strides = array<i32>} : memref<512x16xi32, #tpu.memory_space<vmem>>, vector<16xi32>,
        %reduce_sum3A = arith.constant true
        %reduce_sum3A_275 = vector.broadcast %reduce_sum3A : i1 to vector<16xi1>
        %reduce_sum3A_276 = tpu.scan <sum>, %get3A_274 masked %reduce_sum3A_275 : vector<16xi32>, vector<16xi1> -> vector<16xi32>
        %reduce_sum3A_277 = vector.extract %reduce_sum3A_276[15] : i32 from vector<16xi32>
        %not3A = arith.constant true
        %not3A_278 = arith.xori %scan3A_267, %not3A : i1
        %add3A_279 = arith.addi %scan3A_265, %reduce_sum3A_277 : i32
        %ge3A = arith.cmpi sge, %add3A_279, %sub3A_82 : i32
        %and3A = arith.andi %not3A_278, %ge3A : i1
        %select_n3A_280 = arith.select %and3A, %sub3A_269, %scan3A_266 : i32
        %or3A = arith.ori %scan3A_267, %and3A : i1
        %add3A_281 = arith.addi %scan3A_265, %reduce_sum3A_277 : i32
        %select_n3A_282 = arith.select %or3A, %scan3A_265, %add3A_281 : i32
        %or3A_283 = arith.ori %scan3A_267, %and3A : i1
        scf.yield %select_n3A_282, %select_n3A_280, %or3A_283 : i32, i32, i1
      }
      %scan3A_99 = arith.constant 16 : i32
      %mul3A_100 = arith.constant 16 : i32
      %mul3A_101 = arith.muli %scan3A_90#1, %mul3A_100 : i32
      %add3A_102 = arith.addi %mul3A_101, %scan3A_98#1 : i32
      %parallel_loop3A_103 = arith.constant 0 : i32
      %parallel_loop3A_104 = arith.constant 512 : i32
      %parallel_loop3A_105 = arith.constant 16 : i32
      scf.for %parallel_loop3A_264 = %parallel_loop3A_103 to %parallel_loop3A_104 step %parallel_loop3A_105  : i32 {
        %parallel_loop3A_265 = arith.constant 0 : i32
        %parallel_loop3A_266 = arith.addi %parallel_loop3A_264, %parallel_loop3A_265 : i32
        %parallel_loop3A_267 = arith.index_cast %parallel_loop3A_266 : i32 to index
        %parallel_loop3A_268 = arith.constant 0 : index
        %parallel_loop3A_269 = tpu.vector_load %arg6[%parallel_loop3A_267, %parallel_loop3A_268] {strides = array<i32>} : memref<512x16xi32, #tpu.memory_space<vmem>>, vector<16xi32>,
        tpu.vector_store %arg6[%parallel_loop3A_267, %parallel_loop3A_268], %broadcast_in_dim3A_5 {strides = array<i32>} : memref<512x16xi32, #tpu.memory_space<vmem>>, vector<16xi32>,
        %parallel_loop3A_270 = arith.constant 1 : i32
        %parallel_loop3A_271 = arith.addi %parallel_loop3A_264, %parallel_loop3A_270 : i32
        %parallel_loop3A_272 = arith.index_cast %parallel_loop3A_271 : i32 to index
        %parallel_loop3A_273 = arith.constant 0 : index
        %parallel_loop3A_274 = tpu.vector_load %arg6[%parallel_loop3A_272, %parallel_loop3A_273] {strides = array<i32>} : memref<512x16xi32, #tpu.memory_space<vmem>>, vector<16xi32>,
        tpu.vector_store %arg6[%parallel_loop3A_272, %parallel_loop3A_273], %broadcast_in_dim3A_5 {strides = array<i32>} : memref<512x16xi32, #tpu.memory_space<vmem>>, vector<16xi32>,
        %parallel_loop3A_275 = arith.constant 2 : i32
        %parallel_loop3A_276 = arith.addi %parallel_loop3A_264, %parallel_loop3A_275 : i32
        %parallel_loop3A_277 = arith.index_cast %parallel_loop3A_276 : i32 to index
        %parallel_loop3A_278 = arith.constant 0 : index
        %parallel_loop3A_279 = tpu.vector_load %arg6[%parallel_loop3A_277, %parallel_loop3A_278] {strides = array<i32>} : memref<512x16xi32, #tpu.memory_space<vmem>>, vector<16xi32>,
        tpu.vector_store %arg6[%parallel_loop3A_277, %parallel_loop3A_278], %broadcast_in_dim3A_5 {strides = array<i32>} : memref<512x16xi32, #tpu.memory_space<vmem>>, vector<16xi32>,
        %parallel_loop3A_280 = arith.constant 3 : i32
        %parallel_loop3A_281 = arith.addi %parallel_loop3A_264, %parallel_loop3A_280 : i32
        %parallel_loop3A_282 = arith.index_cast %parallel_loop3A_281 : i32 to index
        %parallel_loop3A_283 = arith.constant 0 : index
        %parallel_loop3A_284 = tpu.vector_load %arg6[%parallel_loop3A_282, %parallel_loop3A_283] {strides = array<i32>} : memref<512x16xi32, #tpu.memory_space<vmem>>, vector<16xi32>,
        tpu.vector_store %arg6[%parallel_loop3A_282, %parallel_loop3A_283], %broadcast_in_dim3A_5 {strides = array<i32>} : memref<512x16xi32, #tpu.memory_space<vmem>>, vector<16xi32>,
        %parallel_loop3A_285 = arith.constant 4 : i32
        %parallel_loop3A_286 = arith.addi %parallel_loop3A_264, %parallel_loop3A_285 : i32
        %parallel_loop3A_287 = arith.index_cast %parallel_loop3A_286 : i32 to index
        %parallel_loop3A_288 = arith.constant 0 : index
        %parallel_loop3A_289 = tpu.vector_load %arg6[%parallel_loop3A_287, %parallel_loop3A_288] {strides = array<i32>} : memref<512x16xi32, #tpu.memory_space<vmem>>, vector<16xi32>,
        tpu.vector_store %arg6[%parallel_loop3A_287, %parallel_loop3A_288], %broadcast_in_dim3A_5 {strides = array<i32>} : memref<512x16xi32, #tpu.memory_space<vmem>>, vector<16xi32>,
        %parallel_loop3A_290 = arith.constant 5 : i32
        %parallel_loop3A_291 = arith.addi %parallel_loop3A_264, %parallel_loop3A_290 : i32
        %parallel_loop3A_292 = arith.index_cast %parallel_loop3A_291 : i32 to index
        %parallel_loop3A_293 = arith.constant 0 : index
        %parallel_loop3A_294 = tpu.vector_load %arg6[%parallel_loop3A_292, %parallel_loop3A_293] {strides = array<i32>} : memref<512x16xi32, #tpu.memory_space<vmem>>, vector<16xi32>,
        tpu.vector_store %arg6[%parallel_loop3A_292, %parallel_loop3A_293], %broadcast_in_dim3A_5 {strides = array<i32>} : memref<512x16xi32, #tpu.memory_space<vmem>>, vector<16xi32>,
        %parallel_loop3A_295 = arith.constant 6 : i32
        %parallel_loop3A_296 = arith.addi %parallel_loop3A_264, %parallel_loop3A_295 : i32
        %parallel_loop3A_297 = arith.index_cast %parallel_loop3A_296 : i32 to index
        %parallel_loop3A_298 = arith.constant 0 : index
        %parallel_loop3A_299 = tpu.vector_load %arg6[%parallel_loop3A_297, %parallel_loop3A_298] {strides = array<i32>} : memref<512x16xi32, #tpu.memory_space<vmem>>, vector<16xi32>,
        tpu.vector_store %arg6[%parallel_loop3A_297, %parallel_loop3A_298], %broadcast_in_dim3A_5 {strides = array<i32>} : memref<512x16xi32, #tpu.memory_space<vmem>>, vector<16xi32>,
        %parallel_loop3A_300 = arith.constant 7 : i32
        %parallel_loop3A_301 = arith.addi %parallel_loop3A_264, %parallel_loop3A_300 : i32
        %parallel_loop3A_302 = arith.index_cast %parallel_loop3A_301 : i32 to index
        %parallel_loop3A_303 = arith.constant 0 : index
        %parallel_loop3A_304 = tpu.vector_load %arg6[%parallel_loop3A_302, %parallel_loop3A_303] {strides = array<i32>} : memref<512x16xi32, #tpu.memory_space<vmem>>, vector<16xi32>,
        tpu.vector_store %arg6[%parallel_loop3A_302, %parallel_loop3A_303], %broadcast_in_dim3A_5 {strides = array<i32>} : memref<512x16xi32, #tpu.memory_space<vmem>>, vector<16xi32>,
        %parallel_loop3A_305 = arith.constant 8 : i32
        %parallel_loop3A_306 = arith.addi %parallel_loop3A_264, %parallel_loop3A_305 : i32
        %parallel_loop3A_307 = arith.index_cast %parallel_loop3A_306 : i32 to index
        %parallel_loop3A_308 = arith.constant 0 : index
        %parallel_loop3A_309 = tpu.vector_load %arg6[%parallel_loop3A_307, %parallel_loop3A_308] {strides = array<i32>} : memref<512x16xi32, #tpu.memory_space<vmem>>, vector<16xi32>,
        tpu.vector_store %arg6[%parallel_loop3A_307, %parallel_loop3A_308], %broadcast_in_dim3A_5 {strides = array<i32>} : memref<512x16xi32, #tpu.memory_space<vmem>>, vector<16xi32>,
        %parallel_loop3A_310 = arith.constant 9 : i32
        %parallel_loop3A_311 = arith.addi %parallel_loop3A_264, %parallel_loop3A_310 : i32
        %parallel_loop3A_312 = arith.index_cast %parallel_loop3A_311 : i32 to index
        %parallel_loop3A_313 = arith.constant 0 : index
        %parallel_loop3A_314 = tpu.vector_load %arg6[%parallel_loop3A_312, %parallel_loop3A_313] {strides = array<i32>} : memref<512x16xi32, #tpu.memory_space<vmem>>, vector<16xi32>,
        tpu.vector_store %arg6[%parallel_loop3A_312, %parallel_loop3A_313], %broadcast_in_dim3A_5 {strides = array<i32>} : memref<512x16xi32, #tpu.memory_space<vmem>>, vector<16xi32>,
        %parallel_loop3A_315 = arith.constant 10 : i32
        %parallel_loop3A_316 = arith.addi %parallel_loop3A_264, %parallel_loop3A_315 : i32
        %parallel_loop3A_317 = arith.index_cast %parallel_loop3A_316 : i32 to index
        %parallel_loop3A_318 = arith.constant 0 : index
        %parallel_loop3A_319 = tpu.vector_load %arg6[%parallel_loop3A_317, %parallel_loop3A_318] {strides = array<i32>} : memref<512x16xi32, #tpu.memory_space<vmem>>, vector<16xi32>,
        tpu.vector_store %arg6[%parallel_loop3A_317, %parallel_loop3A_318], %broadcast_in_dim3A_5 {strides = array<i32>} : memref<512x16xi32, #tpu.memory_space<vmem>>, vector<16xi32>,
        %parallel_loop3A_320 = arith.constant 11 : i32
        %parallel_loop3A_321 = arith.addi %parallel_loop3A_264, %parallel_loop3A_320 : i32
        %parallel_loop3A_322 = arith.index_cast %parallel_loop3A_321 : i32 to index
        %parallel_loop3A_323 = arith.constant 0 : index
        %parallel_loop3A_324 = tpu.vector_load %arg6[%parallel_loop3A_322, %parallel_loop3A_323] {strides = array<i32>} : memref<512x16xi32, #tpu.memory_space<vmem>>, vector<16xi32>,
        tpu.vector_store %arg6[%parallel_loop3A_322, %parallel_loop3A_323], %broadcast_in_dim3A_5 {strides = array<i32>} : memref<512x16xi32, #tpu.memory_space<vmem>>, vector<16xi32>,
        %parallel_loop3A_325 = arith.constant 12 : i32
        %parallel_loop3A_326 = arith.addi %parallel_loop3A_264, %parallel_loop3A_325 : i32
        %parallel_loop3A_327 = arith.index_cast %parallel_loop3A_326 : i32 to index
        %parallel_loop3A_328 = arith.constant 0 : index
        %parallel_loop3A_329 = tpu.vector_load %arg6[%parallel_loop3A_327, %parallel_loop3A_328] {strides = array<i32>} : memref<512x16xi32, #tpu.memory_space<vmem>>, vector<16xi32>,
        tpu.vector_store %arg6[%parallel_loop3A_327, %parallel_loop3A_328], %broadcast_in_dim3A_5 {strides = array<i32>} : memref<512x16xi32, #tpu.memory_space<vmem>>, vector<16xi32>,
        %parallel_loop3A_330 = arith.constant 13 : i32
        %parallel_loop3A_331 = arith.addi %parallel_loop3A_264, %parallel_loop3A_330 : i32
        %parallel_loop3A_332 = arith.index_cast %parallel_loop3A_331 : i32 to index
        %parallel_loop3A_333 = arith.constant 0 : index
        %parallel_loop3A_334 = tpu.vector_load %arg6[%parallel_loop3A_332, %parallel_loop3A_333] {strides = array<i32>} : memref<512x16xi32, #tpu.memory_space<vmem>>, vector<16xi32>,
        tpu.vector_store %arg6[%parallel_loop3A_332, %parallel_loop3A_333], %broadcast_in_dim3A_5 {strides = array<i32>} : memref<512x16xi32, #tpu.memory_space<vmem>>, vector<16xi32>,
        %parallel_loop3A_335 = arith.constant 14 : i32
        %parallel_loop3A_336 = arith.addi %parallel_loop3A_264, %parallel_loop3A_335 : i32
        %parallel_loop3A_337 = arith.index_cast %parallel_loop3A_336 : i32 to index
        %parallel_loop3A_338 = arith.constant 0 : index
        %parallel_loop3A_339 = tpu.vector_load %arg6[%parallel_loop3A_337, %parallel_loop3A_338] {strides = array<i32>} : memref<512x16xi32, #tpu.memory_space<vmem>>, vector<16xi32>,
        tpu.vector_store %arg6[%parallel_loop3A_337, %parallel_loop3A_338], %broadcast_in_dim3A_5 {strides = array<i32>} : memref<512x16xi32, #tpu.memory_space<vmem>>, vector<16xi32>,
        %parallel_loop3A_340 = arith.constant 15 : i32
        %parallel_loop3A_341 = arith.addi %parallel_loop3A_264, %parallel_loop3A_340 : i32
        %parallel_loop3A_342 = arith.index_cast %parallel_loop3A_341 : i32 to index
        %parallel_loop3A_343 = arith.constant 0 : index
        %parallel_loop3A_344 = tpu.vector_load %arg6[%parallel_loop3A_342, %parallel_loop3A_343] {strides = array<i32>} : memref<512x16xi32, #tpu.memory_space<vmem>>, vector<16xi32>,
        tpu.vector_store %arg6[%parallel_loop3A_342, %parallel_loop3A_343], %broadcast_in_dim3A_5 {strides = array<i32>} : memref<512x16xi32, #tpu.memory_space<vmem>>, vector<16xi32>,
      } {sc.loop_unroll_factor = 2 : i64, sc.parallel_access}
      %mul3A_106 = arith.constant 512 : i32
      %mul3A_107 = arith.muli %add3A_74, %mul3A_106 : i32
      %add3A_108 = arith.addi %mul3A_107, %add3A_102 : i32
      %parallel_loop3A_109 = arith.constant 0 : i32
      %parallel_loop3A_110 = arith.constant 3136 : i32
      %parallel_loop3A_111 = arith.constant 1 : i32
      scf.for %parallel_loop3A_264 = %parallel_loop3A_109 to %parallel_loop3A_110 step %parallel_loop3A_111  : i32 {
        %parallel_loop3A_265 = arith.constant 16 : i32
        %parallel_loop3A_266 = arith.muli %parallel_loop3A_264, %parallel_loop3A_265 : i32
        %parallel_loop3A_267 = arith.index_cast %parallel_loop3A_266 : i32 to index
        %parallel_loop3A_268 = tpu.vector_load %arg4[%parallel_loop3A_267] {strides = array<i32>} : memref<50176xf32, #tpu.memory_space<vmem>>, vector<16xf32>,
        %parallel_loop3A_269 = vector.bitcast %parallel_loop3A_268 : vector<16xf32> to vector<16xi32>
        %parallel_loop3A_270 = arith.constant 2147483647 : i32
        %parallel_loop3A_271 = vector.broadcast %parallel_loop3A_270 : i32 to vector<16xi32>
        %parallel_loop3A_272 = arith.andi %parallel_loop3A_269, %parallel_loop3A_271 : vector<16xi32>
        %parallel_loop3A_273 = arith.constant 13 : i32
        %parallel_loop3A_274 = vector.broadcast %parallel_loop3A_273 : i32 to vector<16xi32>
        %parallel_loop3A_275 = arith.shrsi %parallel_loop3A_272, %parallel_loop3A_274 : vector<16xi32>
        %parallel_loop3A_276 = vector.broadcast %add3A_108 : i32 to vector<16xi32>
        %parallel_loop3A_277 = arith.cmpi eq, %parallel_loop3A_275, %parallel_loop3A_276 : vector<16xi32>
        %parallel_loop3A_278 = arith.constant 4 : i32
        %parallel_loop3A_279 = vector.broadcast %parallel_loop3A_278 : i32 to vector<16xi32>
        %parallel_loop3A_280 = arith.shrsi %parallel_loop3A_272, %parallel_loop3A_279 : vector<16xi32>
        %parallel_loop3A_281 = arith.constant 511 : i32
        %parallel_loop3A_282 = vector.broadcast %parallel_loop3A_281 : i32 to vector<16xi32>
        %parallel_loop3A_283 = arith.andi %parallel_loop3A_280, %parallel_loop3A_282 : vector<16xi32>
        tpu.vector_store_idx %arg6[%parallel_loop3A_283, %iota3A], %broadcast_in_dim3A_3 masked %parallel_loop3A_277 {add = true} : memref<512x16xi32, #tpu.memory_space<vmem>>[vector<16xi32>, vector<16xi32>], vector<16xi32>, vector<16xi1>
      } {sc.loop_unroll_factor = 16 : i64, sc.parallel_access}
      %sub3A_112 = arith.constant 5017 : i32
      %sub3A_113 = arith.subi %sub3A_112, %scan3A_70#0 : i32
      %sub3A_114 = arith.subi %sub3A_113, %scan3A_98#0 : i32
      %scan3A_115 = arith.constant 0 : i32
      %scan3A_116 = arith.constant 0 : i32
      %scan3A_117 = arith.constant false
      %scan3A_118 = arith.constant 0 : i32
      %scan3A_119 = arith.constant 32 : i32
      %scan3A_120 = arith.addi %scan3A_118, %scan3A_119 : i32
      %scan3A_121 = arith.constant 1 : i32
      %scan3A_122:3 = scf.for %scan3A_264 = %scan3A_118 to %scan3A_120 step %scan3A_121 iter_args(%scan3A_265 = %scan3A_115, %scan3A_266 = %scan3A_116, %scan3A_267 = %scan3A_117) -> (i32, i32, i1)  : i32 {
        %sub3A_268 = arith.constant 31 : i32
        %sub3A_269 = arith.subi %sub3A_268, %scan3A_264 : i32
        %mul3A_270 = arith.constant 16 : i32
        %mul3A_271 = arith.muli %sub3A_269, %mul3A_270 : i32
        %get3A = arith.index_cast %mul3A_271 : i32 to index
        %get3A_272 = arith.constant 0 : index
        %get3A_273 = tpu.vector_load %arg6[%get3A, %get3A_272] {strides = array<i32>} : memref<512x16xi32, #tpu.memory_space<vmem>>, vector<16xi32>,
        %add3A_274 = arith.constant 1 : i32
        %add3A_275 = arith.addi %mul3A_271, %add3A_274 : i32
        %get3A_276 = arith.index_cast %add3A_275 : i32 to index
        %get3A_277 = arith.constant 0 : index
        %get3A_278 = tpu.vector_load %arg6[%get3A_276, %get3A_277] {strides = array<i32>} : memref<512x16xi32, #tpu.memory_space<vmem>>, vector<16xi32>,
        %add3A_279 = arith.addi %get3A_273, %get3A_278 : vector<16xi32>
        %add3A_280 = arith.constant 2 : i32
        %add3A_281 = arith.addi %mul3A_271, %add3A_280 : i32
        %get3A_282 = arith.index_cast %add3A_281 : i32 to index
        %get3A_283 = arith.constant 0 : index
        %get3A_284 = tpu.vector_load %arg6[%get3A_282, %get3A_283] {strides = array<i32>} : memref<512x16xi32, #tpu.memory_space<vmem>>, vector<16xi32>,
        %add3A_285 = arith.addi %add3A_279, %get3A_284 : vector<16xi32>
        %add3A_286 = arith.constant 3 : i32
        %add3A_287 = arith.addi %mul3A_271, %add3A_286 : i32
        %get3A_288 = arith.index_cast %add3A_287 : i32 to index
        %get3A_289 = arith.constant 0 : index
        %get3A_290 = tpu.vector_load %arg6[%get3A_288, %get3A_289] {strides = array<i32>} : memref<512x16xi32, #tpu.memory_space<vmem>>, vector<16xi32>,
        %add3A_291 = arith.addi %add3A_285, %get3A_290 : vector<16xi32>
        %add3A_292 = arith.constant 4 : i32
        %add3A_293 = arith.addi %mul3A_271, %add3A_292 : i32
        %get3A_294 = arith.index_cast %add3A_293 : i32 to index
        %get3A_295 = arith.constant 0 : index
        %get3A_296 = tpu.vector_load %arg6[%get3A_294, %get3A_295] {strides = array<i32>} : memref<512x16xi32, #tpu.memory_space<vmem>>, vector<16xi32>,
        %add3A_297 = arith.addi %add3A_291, %get3A_296 : vector<16xi32>
        %add3A_298 = arith.constant 5 : i32
        %add3A_299 = arith.addi %mul3A_271, %add3A_298 : i32
        %get3A_300 = arith.index_cast %add3A_299 : i32 to index
        %get3A_301 = arith.constant 0 : index
        %get3A_302 = tpu.vector_load %arg6[%get3A_300, %get3A_301] {strides = array<i32>} : memref<512x16xi32, #tpu.memory_space<vmem>>, vector<16xi32>,
        %add3A_303 = arith.addi %add3A_297, %get3A_302 : vector<16xi32>
        %add3A_304 = arith.constant 6 : i32
        %add3A_305 = arith.addi %mul3A_271, %add3A_304 : i32
        %get3A_306 = arith.index_cast %add3A_305 : i32 to index
        %get3A_307 = arith.constant 0 : index
        %get3A_308 = tpu.vector_load %arg6[%get3A_306, %get3A_307] {strides = array<i32>} : memref<512x16xi32, #tpu.memory_space<vmem>>, vector<16xi32>,
        %add3A_309 = arith.addi %add3A_303, %get3A_308 : vector<16xi32>
        %add3A_310 = arith.constant 7 : i32
        %add3A_311 = arith.addi %mul3A_271, %add3A_310 : i32
        %get3A_312 = arith.index_cast %add3A_311 : i32 to index
        %get3A_313 = arith.constant 0 : index
        %get3A_314 = tpu.vector_load %arg6[%get3A_312, %get3A_313] {strides = array<i32>} : memref<512x16xi32, #tpu.memory_space<vmem>>, vector<16xi32>,
        %add3A_315 = arith.addi %add3A_309, %get3A_314 : vector<16xi32>
        %add3A_316 = arith.constant 8 : i32
        %add3A_317 = arith.addi %mul3A_271, %add3A_316 : i32
        %get3A_318 = arith.index_cast %add3A_317 : i32 to index
        %get3A_319 = arith.constant 0 : index
        %get3A_320 = tpu.vector_load %arg6[%get3A_318, %get3A_319] {strides = array<i32>} : memref<512x16xi32, #tpu.memory_space<vmem>>, vector<16xi32>,
        %add3A_321 = arith.addi %add3A_315, %get3A_320 : vector<16xi32>
        %add3A_322 = arith.constant 9 : i32
        %add3A_323 = arith.addi %mul3A_271, %add3A_322 : i32
        %get3A_324 = arith.index_cast %add3A_323 : i32 to index
        %get3A_325 = arith.constant 0 : index
        %get3A_326 = tpu.vector_load %arg6[%get3A_324, %get3A_325] {strides = array<i32>} : memref<512x16xi32, #tpu.memory_space<vmem>>, vector<16xi32>,
        %add3A_327 = arith.addi %add3A_321, %get3A_326 : vector<16xi32>
        %add3A_328 = arith.constant 10 : i32
        %add3A_329 = arith.addi %mul3A_271, %add3A_328 : i32
        %get3A_330 = arith.index_cast %add3A_329 : i32 to index
        %get3A_331 = arith.constant 0 : index
        %get3A_332 = tpu.vector_load %arg6[%get3A_330, %get3A_331] {strides = array<i32>} : memref<512x16xi32, #tpu.memory_space<vmem>>, vector<16xi32>,
        %add3A_333 = arith.addi %add3A_327, %get3A_332 : vector<16xi32>
        %add3A_334 = arith.constant 11 : i32
        %add3A_335 = arith.addi %mul3A_271, %add3A_334 : i32
        %get3A_336 = arith.index_cast %add3A_335 : i32 to index
        %get3A_337 = arith.constant 0 : index
        %get3A_338 = tpu.vector_load %arg6[%get3A_336, %get3A_337] {strides = array<i32>} : memref<512x16xi32, #tpu.memory_space<vmem>>, vector<16xi32>,
        %add3A_339 = arith.addi %add3A_333, %get3A_338 : vector<16xi32>
        %add3A_340 = arith.constant 12 : i32
        %add3A_341 = arith.addi %mul3A_271, %add3A_340 : i32
        %get3A_342 = arith.index_cast %add3A_341 : i32 to index
        %get3A_343 = arith.constant 0 : index
        %get3A_344 = tpu.vector_load %arg6[%get3A_342, %get3A_343] {strides = array<i32>} : memref<512x16xi32, #tpu.memory_space<vmem>>, vector<16xi32>,
        %add3A_345 = arith.addi %add3A_339, %get3A_344 : vector<16xi32>
        %add3A_346 = arith.constant 13 : i32
        %add3A_347 = arith.addi %mul3A_271, %add3A_346 : i32
        %get3A_348 = arith.index_cast %add3A_347 : i32 to index
        %get3A_349 = arith.constant 0 : index
        %get3A_350 = tpu.vector_load %arg6[%get3A_348, %get3A_349] {strides = array<i32>} : memref<512x16xi32, #tpu.memory_space<vmem>>, vector<16xi32>,
        %add3A_351 = arith.addi %add3A_345, %get3A_350 : vector<16xi32>
        %add3A_352 = arith.constant 14 : i32
        %add3A_353 = arith.addi %mul3A_271, %add3A_352 : i32
        %get3A_354 = arith.index_cast %add3A_353 : i32 to index
        %get3A_355 = arith.constant 0 : index
        %get3A_356 = tpu.vector_load %arg6[%get3A_354, %get3A_355] {strides = array<i32>} : memref<512x16xi32, #tpu.memory_space<vmem>>, vector<16xi32>,
        %add3A_357 = arith.addi %add3A_351, %get3A_356 : vector<16xi32>
        %add3A_358 = arith.constant 15 : i32
        %add3A_359 = arith.addi %mul3A_271, %add3A_358 : i32
        %get3A_360 = arith.index_cast %add3A_359 : i32 to index
        %get3A_361 = arith.constant 0 : index
        %get3A_362 = tpu.vector_load %arg6[%get3A_360, %get3A_361] {strides = array<i32>} : memref<512x16xi32, #tpu.memory_space<vmem>>, vector<16xi32>,
        %add3A_363 = arith.addi %add3A_357, %get3A_362 : vector<16xi32>
        %reduce_sum3A = arith.constant true
        %reduce_sum3A_364 = vector.broadcast %reduce_sum3A : i1 to vector<16xi1>
        %reduce_sum3A_365 = tpu.scan <sum>, %add3A_363 masked %reduce_sum3A_364 : vector<16xi32>, vector<16xi1> -> vector<16xi32>
        %reduce_sum3A_366 = vector.extract %reduce_sum3A_365[15] : i32 from vector<16xi32>
        %not3A = arith.constant true
        %not3A_367 = arith.xori %scan3A_267, %not3A : i1
        %add3A_368 = arith.addi %scan3A_265, %reduce_sum3A_366 : i32
        %ge3A = arith.cmpi sge, %add3A_368, %sub3A_114 : i32
        %and3A = arith.andi %not3A_367, %ge3A : i1
        %select_n3A_369 = arith.select %and3A, %sub3A_269, %scan3A_266 : i32
        %or3A = arith.ori %scan3A_267, %and3A : i1
        %add3A_370 = arith.addi %scan3A_265, %reduce_sum3A_366 : i32
        %select_n3A_371 = arith.select %or3A, %scan3A_265, %add3A_370 : i32
        %or3A_372 = arith.ori %scan3A_267, %and3A : i1
        scf.yield %select_n3A_371, %select_n3A_369, %or3A_372 : i32, i32, i1
      }
      %scan3A_123 = arith.constant 32 : i32
      %scan3A_124 = arith.constant 0 : i32
      %scan3A_125 = arith.constant false
      %scan3A_126 = arith.constant 0 : i32
      %scan3A_127 = arith.constant 16 : i32
      %scan3A_128 = arith.addi %scan3A_126, %scan3A_127 : i32
      %scan3A_129 = arith.constant 1 : i32
      %scan3A_130:3 = scf.for %scan3A_264 = %scan3A_126 to %scan3A_128 step %scan3A_129 iter_args(%scan3A_265 = %scan3A_122#0, %scan3A_266 = %scan3A_124, %scan3A_267 = %scan3A_125) -> (i32, i32, i1)  : i32 {
        %sub3A_268 = arith.constant 15 : i32
        %sub3A_269 = arith.subi %sub3A_268, %scan3A_264 : i32
        %mul3A_270 = arith.constant 16 : i32
        %mul3A_271 = arith.muli %scan3A_122#1, %mul3A_270 : i32
        %add3A_272 = arith.addi %mul3A_271, %sub3A_269 : i32
        %get3A = arith.index_cast %add3A_272 : i32 to index
        %get3A_273 = arith.constant 0 : index
        %get3A_274 = tpu.vector_load %arg6[%get3A, %get3A_273] {strides = array<i32>} : memref<512x16xi32, #tpu.memory_space<vmem>>, vector<16xi32>,
        %reduce_sum3A = arith.constant true
        %reduce_sum3A_275 = vector.broadcast %reduce_sum3A : i1 to vector<16xi1>
        %reduce_sum3A_276 = tpu.scan <sum>, %get3A_274 masked %reduce_sum3A_275 : vector<16xi32>, vector<16xi1> -> vector<16xi32>
        %reduce_sum3A_277 = vector.extract %reduce_sum3A_276[15] : i32 from vector<16xi32>
        %not3A = arith.constant true
        %not3A_278 = arith.xori %scan3A_267, %not3A : i1
        %add3A_279 = arith.addi %scan3A_265, %reduce_sum3A_277 : i32
        %ge3A = arith.cmpi sge, %add3A_279, %sub3A_114 : i32
        %and3A = arith.andi %not3A_278, %ge3A : i1
        %select_n3A_280 = arith.select %and3A, %sub3A_269, %scan3A_266 : i32
        %or3A = arith.ori %scan3A_267, %and3A : i1
        %add3A_281 = arith.addi %scan3A_265, %reduce_sum3A_277 : i32
        %select_n3A_282 = arith.select %or3A, %scan3A_265, %add3A_281 : i32
        %or3A_283 = arith.ori %scan3A_267, %and3A : i1
        scf.yield %select_n3A_282, %select_n3A_280, %or3A_283 : i32, i32, i1
      }
      %scan3A_131 = arith.constant 16 : i32
      %mul3A_132 = arith.constant 16 : i32
      %mul3A_133 = arith.muli %scan3A_122#1, %mul3A_132 : i32
      %add3A_134 = arith.addi %mul3A_133, %scan3A_130#1 : i32
      %parallel_loop3A_135 = arith.constant 0 : i32
      %parallel_loop3A_136 = arith.constant 512 : i32
      %parallel_loop3A_137 = arith.constant 16 : i32
      scf.for %parallel_loop3A_264 = %parallel_loop3A_135 to %parallel_loop3A_136 step %parallel_loop3A_137  : i32 {
        %parallel_loop3A_265 = arith.constant 0 : i32
        %parallel_loop3A_266 = arith.addi %parallel_loop3A_264, %parallel_loop3A_265 : i32
        %parallel_loop3A_267 = arith.index_cast %parallel_loop3A_266 : i32 to index
        %parallel_loop3A_268 = arith.constant 0 : index
        %parallel_loop3A_269 = tpu.vector_load %arg6[%parallel_loop3A_267, %parallel_loop3A_268] {strides = array<i32>} : memref<512x16xi32, #tpu.memory_space<vmem>>, vector<16xi32>,
        tpu.vector_store %arg6[%parallel_loop3A_267, %parallel_loop3A_268], %broadcast_in_dim3A_5 {strides = array<i32>} : memref<512x16xi32, #tpu.memory_space<vmem>>, vector<16xi32>,
        %parallel_loop3A_270 = arith.constant 1 : i32
        %parallel_loop3A_271 = arith.addi %parallel_loop3A_264, %parallel_loop3A_270 : i32
        %parallel_loop3A_272 = arith.index_cast %parallel_loop3A_271 : i32 to index
        %parallel_loop3A_273 = arith.constant 0 : index
        %parallel_loop3A_274 = tpu.vector_load %arg6[%parallel_loop3A_272, %parallel_loop3A_273] {strides = array<i32>} : memref<512x16xi32, #tpu.memory_space<vmem>>, vector<16xi32>,
        tpu.vector_store %arg6[%parallel_loop3A_272, %parallel_loop3A_273], %broadcast_in_dim3A_5 {strides = array<i32>} : memref<512x16xi32, #tpu.memory_space<vmem>>, vector<16xi32>,
        %parallel_loop3A_275 = arith.constant 2 : i32
        %parallel_loop3A_276 = arith.addi %parallel_loop3A_264, %parallel_loop3A_275 : i32
        %parallel_loop3A_277 = arith.index_cast %parallel_loop3A_276 : i32 to index
        %parallel_loop3A_278 = arith.constant 0 : index
        %parallel_loop3A_279 = tpu.vector_load %arg6[%parallel_loop3A_277, %parallel_loop3A_278] {strides = array<i32>} : memref<512x16xi32, #tpu.memory_space<vmem>>, vector<16xi32>,
        tpu.vector_store %arg6[%parallel_loop3A_277, %parallel_loop3A_278], %broadcast_in_dim3A_5 {strides = array<i32>} : memref<512x16xi32, #tpu.memory_space<vmem>>, vector<16xi32>,
        %parallel_loop3A_280 = arith.constant 3 : i32
        %parallel_loop3A_281 = arith.addi %parallel_loop3A_264, %parallel_loop3A_280 : i32
        %parallel_loop3A_282 = arith.index_cast %parallel_loop3A_281 : i32 to index
        %parallel_loop3A_283 = arith.constant 0 : index
        %parallel_loop3A_284 = tpu.vector_load %arg6[%parallel_loop3A_282, %parallel_loop3A_283] {strides = array<i32>} : memref<512x16xi32, #tpu.memory_space<vmem>>, vector<16xi32>,
        tpu.vector_store %arg6[%parallel_loop3A_282, %parallel_loop3A_283], %broadcast_in_dim3A_5 {strides = array<i32>} : memref<512x16xi32, #tpu.memory_space<vmem>>, vector<16xi32>,
        %parallel_loop3A_285 = arith.constant 4 : i32
        %parallel_loop3A_286 = arith.addi %parallel_loop3A_264, %parallel_loop3A_285 : i32
        %parallel_loop3A_287 = arith.index_cast %parallel_loop3A_286 : i32 to index
        %parallel_loop3A_288 = arith.constant 0 : index
        %parallel_loop3A_289 = tpu.vector_load %arg6[%parallel_loop3A_287, %parallel_loop3A_288] {strides = array<i32>} : memref<512x16xi32, #tpu.memory_space<vmem>>, vector<16xi32>,
        tpu.vector_store %arg6[%parallel_loop3A_287, %parallel_loop3A_288], %broadcast_in_dim3A_5 {strides = array<i32>} : memref<512x16xi32, #tpu.memory_space<vmem>>, vector<16xi32>,
        %parallel_loop3A_290 = arith.constant 5 : i32
        %parallel_loop3A_291 = arith.addi %parallel_loop3A_264, %parallel_loop3A_290 : i32
        %parallel_loop3A_292 = arith.index_cast %parallel_loop3A_291 : i32 to index
        %parallel_loop3A_293 = arith.constant 0 : index
        %parallel_loop3A_294 = tpu.vector_load %arg6[%parallel_loop3A_292, %parallel_loop3A_293] {strides = array<i32>} : memref<512x16xi32, #tpu.memory_space<vmem>>, vector<16xi32>,
        tpu.vector_store %arg6[%parallel_loop3A_292, %parallel_loop3A_293], %broadcast_in_dim3A_5 {strides = array<i32>} : memref<512x16xi32, #tpu.memory_space<vmem>>, vector<16xi32>,
        %parallel_loop3A_295 = arith.constant 6 : i32
        %parallel_loop3A_296 = arith.addi %parallel_loop3A_264, %parallel_loop3A_295 : i32
        %parallel_loop3A_297 = arith.index_cast %parallel_loop3A_296 : i32 to index
        %parallel_loop3A_298 = arith.constant 0 : index
        %parallel_loop3A_299 = tpu.vector_load %arg6[%parallel_loop3A_297, %parallel_loop3A_298] {strides = array<i32>} : memref<512x16xi32, #tpu.memory_space<vmem>>, vector<16xi32>,
        tpu.vector_store %arg6[%parallel_loop3A_297, %parallel_loop3A_298], %broadcast_in_dim3A_5 {strides = array<i32>} : memref<512x16xi32, #tpu.memory_space<vmem>>, vector<16xi32>,
        %parallel_loop3A_300 = arith.constant 7 : i32
        %parallel_loop3A_301 = arith.addi %parallel_loop3A_264, %parallel_loop3A_300 : i32
        %parallel_loop3A_302 = arith.index_cast %parallel_loop3A_301 : i32 to index
        %parallel_loop3A_303 = arith.constant 0 : index
        %parallel_loop3A_304 = tpu.vector_load %arg6[%parallel_loop3A_302, %parallel_loop3A_303] {strides = array<i32>} : memref<512x16xi32, #tpu.memory_space<vmem>>, vector<16xi32>,
        tpu.vector_store %arg6[%parallel_loop3A_302, %parallel_loop3A_303], %broadcast_in_dim3A_5 {strides = array<i32>} : memref<512x16xi32, #tpu.memory_space<vmem>>, vector<16xi32>,
        %parallel_loop3A_305 = arith.constant 8 : i32
        %parallel_loop3A_306 = arith.addi %parallel_loop3A_264, %parallel_loop3A_305 : i32
        %parallel_loop3A_307 = arith.index_cast %parallel_loop3A_306 : i32 to index
        %parallel_loop3A_308 = arith.constant 0 : index
        %parallel_loop3A_309 = tpu.vector_load %arg6[%parallel_loop3A_307, %parallel_loop3A_308] {strides = array<i32>} : memref<512x16xi32, #tpu.memory_space<vmem>>, vector<16xi32>,
        tpu.vector_store %arg6[%parallel_loop3A_307, %parallel_loop3A_308], %broadcast_in_dim3A_5 {strides = array<i32>} : memref<512x16xi32, #tpu.memory_space<vmem>>, vector<16xi32>,
        %parallel_loop3A_310 = arith.constant 9 : i32
        %parallel_loop3A_311 = arith.addi %parallel_loop3A_264, %parallel_loop3A_310 : i32
        %parallel_loop3A_312 = arith.index_cast %parallel_loop3A_311 : i32 to index
        %parallel_loop3A_313 = arith.constant 0 : index
        %parallel_loop3A_314 = tpu.vector_load %arg6[%parallel_loop3A_312, %parallel_loop3A_313] {strides = array<i32>} : memref<512x16xi32, #tpu.memory_space<vmem>>, vector<16xi32>,
        tpu.vector_store %arg6[%parallel_loop3A_312, %parallel_loop3A_313], %broadcast_in_dim3A_5 {strides = array<i32>} : memref<512x16xi32, #tpu.memory_space<vmem>>, vector<16xi32>,
        %parallel_loop3A_315 = arith.constant 10 : i32
        %parallel_loop3A_316 = arith.addi %parallel_loop3A_264, %parallel_loop3A_315 : i32
        %parallel_loop3A_317 = arith.index_cast %parallel_loop3A_316 : i32 to index
        %parallel_loop3A_318 = arith.constant 0 : index
        %parallel_loop3A_319 = tpu.vector_load %arg6[%parallel_loop3A_317, %parallel_loop3A_318] {strides = array<i32>} : memref<512x16xi32, #tpu.memory_space<vmem>>, vector<16xi32>,
        tpu.vector_store %arg6[%parallel_loop3A_317, %parallel_loop3A_318], %broadcast_in_dim3A_5 {strides = array<i32>} : memref<512x16xi32, #tpu.memory_space<vmem>>, vector<16xi32>,
        %parallel_loop3A_320 = arith.constant 11 : i32
        %parallel_loop3A_321 = arith.addi %parallel_loop3A_264, %parallel_loop3A_320 : i32
        %parallel_loop3A_322 = arith.index_cast %parallel_loop3A_321 : i32 to index
        %parallel_loop3A_323 = arith.constant 0 : index
        %parallel_loop3A_324 = tpu.vector_load %arg6[%parallel_loop3A_322, %parallel_loop3A_323] {strides = array<i32>} : memref<512x16xi32, #tpu.memory_space<vmem>>, vector<16xi32>,
        tpu.vector_store %arg6[%parallel_loop3A_322, %parallel_loop3A_323], %broadcast_in_dim3A_5 {strides = array<i32>} : memref<512x16xi32, #tpu.memory_space<vmem>>, vector<16xi32>,
        %parallel_loop3A_325 = arith.constant 12 : i32
        %parallel_loop3A_326 = arith.addi %parallel_loop3A_264, %parallel_loop3A_325 : i32
        %parallel_loop3A_327 = arith.index_cast %parallel_loop3A_326 : i32 to index
        %parallel_loop3A_328 = arith.constant 0 : index
        %parallel_loop3A_329 = tpu.vector_load %arg6[%parallel_loop3A_327, %parallel_loop3A_328] {strides = array<i32>} : memref<512x16xi32, #tpu.memory_space<vmem>>, vector<16xi32>,
        tpu.vector_store %arg6[%parallel_loop3A_327, %parallel_loop3A_328], %broadcast_in_dim3A_5 {strides = array<i32>} : memref<512x16xi32, #tpu.memory_space<vmem>>, vector<16xi32>,
        %parallel_loop3A_330 = arith.constant 13 : i32
        %parallel_loop3A_331 = arith.addi %parallel_loop3A_264, %parallel_loop3A_330 : i32
        %parallel_loop3A_332 = arith.index_cast %parallel_loop3A_331 : i32 to index
        %parallel_loop3A_333 = arith.constant 0 : index
        %parallel_loop3A_334 = tpu.vector_load %arg6[%parallel_loop3A_332, %parallel_loop3A_333] {strides = array<i32>} : memref<512x16xi32, #tpu.memory_space<vmem>>, vector<16xi32>,
        tpu.vector_store %arg6[%parallel_loop3A_332, %parallel_loop3A_333], %broadcast_in_dim3A_5 {strides = array<i32>} : memref<512x16xi32, #tpu.memory_space<vmem>>, vector<16xi32>,
        %parallel_loop3A_335 = arith.constant 14 : i32
        %parallel_loop3A_336 = arith.addi %parallel_loop3A_264, %parallel_loop3A_335 : i32
        %parallel_loop3A_337 = arith.index_cast %parallel_loop3A_336 : i32 to index
        %parallel_loop3A_338 = arith.constant 0 : index
        %parallel_loop3A_339 = tpu.vector_load %arg6[%parallel_loop3A_337, %parallel_loop3A_338] {strides = array<i32>} : memref<512x16xi32, #tpu.memory_space<vmem>>, vector<16xi32>,
        tpu.vector_store %arg6[%parallel_loop3A_337, %parallel_loop3A_338], %broadcast_in_dim3A_5 {strides = array<i32>} : memref<512x16xi32, #tpu.memory_space<vmem>>, vector<16xi32>,
        %parallel_loop3A_340 = arith.constant 15 : i32
        %parallel_loop3A_341 = arith.addi %parallel_loop3A_264, %parallel_loop3A_340 : i32
        %parallel_loop3A_342 = arith.index_cast %parallel_loop3A_341 : i32 to index
        %parallel_loop3A_343 = arith.constant 0 : index
        %parallel_loop3A_344 = tpu.vector_load %arg6[%parallel_loop3A_342, %parallel_loop3A_343] {strides = array<i32>} : memref<512x16xi32, #tpu.memory_space<vmem>>, vector<16xi32>,
        tpu.vector_store %arg6[%parallel_loop3A_342, %parallel_loop3A_343], %broadcast_in_dim3A_5 {strides = array<i32>} : memref<512x16xi32, #tpu.memory_space<vmem>>, vector<16xi32>,
      } {sc.loop_unroll_factor = 2 : i64, sc.parallel_access}
      %mul3A_138 = arith.constant 512 : i32
      %mul3A_139 = arith.muli %add3A_108, %mul3A_138 : i32
      %add3A_140 = arith.addi %mul3A_139, %add3A_134 : i32
      %mul3A_141 = arith.constant 16 : i32
      %mul3A_142 = arith.muli %add3A_140, %mul3A_141 : i32
      %parallel_loop3A_143 = arith.constant 0 : i32
      %parallel_loop3A_144 = arith.constant 3136 : i32
      %parallel_loop3A_145 = arith.constant 1 : i32
      scf.for %parallel_loop3A_264 = %parallel_loop3A_143 to %parallel_loop3A_144 step %parallel_loop3A_145  : i32 {
        %parallel_loop3A_265 = arith.constant 16 : i32
        %parallel_loop3A_266 = arith.muli %parallel_loop3A_264, %parallel_loop3A_265 : i32
        %parallel_loop3A_267 = arith.index_cast %parallel_loop3A_266 : i32 to index
        %parallel_loop3A_268 = tpu.vector_load %arg4[%parallel_loop3A_267] {strides = array<i32>} : memref<50176xf32, #tpu.memory_space<vmem>>, vector<16xf32>,
        %parallel_loop3A_269 = vector.bitcast %parallel_loop3A_268 : vector<16xf32> to vector<16xi32>
        %parallel_loop3A_270 = arith.constant 2147483647 : i32
        %parallel_loop3A_271 = vector.broadcast %parallel_loop3A_270 : i32 to vector<16xi32>
        %parallel_loop3A_272 = arith.andi %parallel_loop3A_269, %parallel_loop3A_271 : vector<16xi32>
        %parallel_loop3A_273 = vector.broadcast %mul3A_142 : i32 to vector<16xi32>
        %parallel_loop3A_274 = arith.cmpi sge, %parallel_loop3A_272, %parallel_loop3A_273 : vector<16xi32>
        %parallel_loop3A_275 = arith.constant 0.000000e+00 : f32
        %parallel_loop3A_276 = vector.broadcast %parallel_loop3A_275 : f32 to vector<16xf32>
        %parallel_loop3A_277 = arith.select %parallel_loop3A_274, %parallel_loop3A_268, %parallel_loop3A_276 : vector<16xi1>, vector<16xf32>
        %parallel_loop3A_278 = arith.constant 16 : i32
        %parallel_loop3A_279 = arith.muli %parallel_loop3A_264, %parallel_loop3A_278 : i32
        %parallel_loop3A_280 = arith.index_cast %parallel_loop3A_279 : i32 to index
        %parallel_loop3A_281 = tpu.vector_load %arg4[%parallel_loop3A_280] {strides = array<i32>} : memref<50176xf32, #tpu.memory_space<vmem>>, vector<16xf32>,
        tpu.vector_store %arg4[%parallel_loop3A_280], %parallel_loop3A_277 {strides = array<i32>} : memref<50176xf32, #tpu.memory_space<vmem>>, vector<16xf32>,
      } {sc.loop_unroll_factor = 16 : i64, sc.parallel_access}
      %mul3A_146 = arith.constant 50176 : i32
      %mul3A_147 = arith.muli %add3A_37, %mul3A_146 : i32
      %dma_start3A_148 = tpu.memref_slice %arg3[%mul3A_147] : memref<38535168xf32, #tpu.memory_space<hbm>> -> memref<50176xf32, #tpu.memory_space<hbm>>
      %dma_start3A_149 = tpu.memref_slice %arg3[%mul3A_147] : memref<38535168xf32, #tpu.memory_space<hbm>> -> memref<50176xf32, #tpu.memory_space<hbm>>
      tpu.enqueue_dma source(%arg4 : memref<50176xf32, #tpu.memory_space<vmem>>) target(%dma_start3A_149 : memref<50176xf32, #tpu.memory_space<hbm>>) target_semaphore(%arg9 : memref<!tpu.dma_semaphore, #tpu.memory_space<semaphore_mem>>)
      %mul3A_150 = arith.constant 50176 : i32
      %mul3A_151 = arith.muli %add3A_39, %mul3A_150 : i32
      %dma_wait3A_152 = tpu.memref_slice %arg2[%mul3A_151] : memref<38535168xf32, #tpu.memory_space<hbm>> -> memref<50176xf32, #tpu.memory_space<hbm>>
      %dma_wait3A_153 = tpu.memref_slice %arg2[%mul3A_151] : memref<38535168xf32, #tpu.memory_space<hbm>> -> memref<50176xf32, #tpu.memory_space<hbm>>
      tpu.wait_dma2 semaphore(%arg8 : memref<!tpu.dma_semaphore, #tpu.memory_space<semaphore_mem>>) src(%dma_wait3A_153 : memref<50176xf32, #tpu.memory_space<hbm>>) dst(%arg5 : memref<50176xf32, #tpu.memory_space<vmem>>)
      %parallel_loop3A_154 = arith.constant 0 : i32
      %parallel_loop3A_155 = arith.constant 3136 : i32
      %parallel_loop3A_156 = arith.constant 1 : i32
      scf.for %parallel_loop3A_264 = %parallel_loop3A_154 to %parallel_loop3A_155 step %parallel_loop3A_156  : i32 {
        %parallel_loop3A_265 = arith.constant 16 : i32
        %parallel_loop3A_266 = arith.muli %parallel_loop3A_264, %parallel_loop3A_265 : i32
        %parallel_loop3A_267 = arith.index_cast %parallel_loop3A_266 : i32 to index
        %parallel_loop3A_268 = tpu.vector_load %arg5[%parallel_loop3A_267] {strides = array<i32>} : memref<50176xf32, #tpu.memory_space<vmem>>, vector<16xf32>,
        %parallel_loop3A_269 = vector.bitcast %parallel_loop3A_268 : vector<16xf32> to vector<16xi32>
        %parallel_loop3A_270 = arith.constant 2147483647 : i32
        %parallel_loop3A_271 = vector.broadcast %parallel_loop3A_270 : i32 to vector<16xi32>
        %parallel_loop3A_272 = arith.andi %parallel_loop3A_269, %parallel_loop3A_271 : vector<16xi32>
        %parallel_loop3A_273 = arith.constant 22 : i32
        %parallel_loop3A_274 = vector.broadcast %parallel_loop3A_273 : i32 to vector<16xi32>
        %parallel_loop3A_275 = arith.shrsi %parallel_loop3A_272, %parallel_loop3A_274 : vector<16xi32>
        tpu.vector_store_idx %arg6[%parallel_loop3A_275, %iota3A], %broadcast_in_dim3A_3 {add = true} : memref<512x16xi32, #tpu.memory_space<vmem>>[vector<16xi32>, vector<16xi32>], vector<16xi32>,
      } {sc.loop_unroll_factor = 16 : i64, sc.parallel_access}
      %mul3A_157 = arith.constant 50176 : i32
      %mul3A_158 = arith.muli %add3A_37, %mul3A_157 : i32
      %dma_wait3A_159 = tpu.memref_slice %arg3[%mul3A_158] : memref<38535168xf32, #tpu.memory_space<hbm>> -> memref<50176xf32, #tpu.memory_space<hbm>>
      %dma_wait3A_160 = tpu.memref_slice %arg3[%mul3A_158] : memref<38535168xf32, #tpu.memory_space<hbm>> -> memref<50176xf32, #tpu.memory_space<hbm>>
      tpu.wait_dma2 semaphore(%arg9 : memref<!tpu.dma_semaphore, #tpu.memory_space<semaphore_mem>>) src(%arg4 : memref<50176xf32, #tpu.memory_space<vmem>>) dst(%dma_wait3A_160 : memref<50176xf32, #tpu.memory_space<hbm>>)
      %lt3A = arith.constant 11 : i32
      %lt3A_161 = arith.cmpi slt, %scan3A_33, %lt3A : i32
      %add3A_162 = arith.constant 2 : i32
      %add3A_163 = arith.addi %add3A_37, %add3A_162 : i32
      %select_n3A = arith.select %lt3A_161, %add3A_163, %mul3A_2 : i32
      %mul3A_164 = arith.constant 50176 : i32
      %mul3A_165 = arith.muli %select_n3A, %mul3A_164 : i32
      %dma_start3A_166 = tpu.memref_slice %arg2[%mul3A_165] : memref<38535168xf32, #tpu.memory_space<hbm>> -> memref<50176xf32, #tpu.memory_space<hbm>>
      %dma_start3A_167 = tpu.memref_slice %arg2[%mul3A_165] : memref<38535168xf32, #tpu.memory_space<hbm>> -> memref<50176xf32, #tpu.memory_space<hbm>>
      tpu.enqueue_dma source(%dma_start3A_167 : memref<50176xf32, #tpu.memory_space<hbm>>) target(%arg4 : memref<50176xf32, #tpu.memory_space<vmem>>) target_semaphore(%arg7 : memref<!tpu.dma_semaphore, #tpu.memory_space<semaphore_mem>>)
      %scan3A_168 = arith.constant 0 : i32
      %scan3A_169 = arith.constant 0 : i32
      %scan3A_170 = arith.constant false
      %scan3A_171 = arith.constant 0 : i32
      %scan3A_172 = arith.constant 32 : i32
      %scan3A_173 = arith.addi %scan3A_171, %scan3A_172 : i32
      %scan3A_174 = arith.constant 1 : i32
      %scan3A_175:3 = scf.for %scan3A_264 = %scan3A_171 to %scan3A_173 step %scan3A_174 iter_args(%scan3A_265 = %scan3A_168, %scan3A_266 = %scan3A_169, %scan3A_267 = %scan3A_170) -> (i32, i32, i1)  : i32 {
        %sub3A_268 = arith.constant 31 : i32
        %sub3A_269 = arith.subi %sub3A_268, %scan3A_264 : i32
        %mul3A_270 = arith.constant 16 : i32
        %mul3A_271 = arith.muli %sub3A_269, %mul3A_270 : i32
        %get3A = arith.index_cast %mul3A_271 : i32 to index
        %get3A_272 = arith.constant 0 : index
        %get3A_273 = tpu.vector_load %arg6[%get3A, %get3A_272] {strides = array<i32>} : memref<512x16xi32, #tpu.memory_space<vmem>>, vector<16xi32>,
        %add3A_274 = arith.constant 1 : i32
        %add3A_275 = arith.addi %mul3A_271, %add3A_274 : i32
        %get3A_276 = arith.index_cast %add3A_275 : i32 to index
        %get3A_277 = arith.constant 0 : index
        %get3A_278 = tpu.vector_load %arg6[%get3A_276, %get3A_277] {strides = array<i32>} : memref<512x16xi32, #tpu.memory_space<vmem>>, vector<16xi32>,
        %add3A_279 = arith.addi %get3A_273, %get3A_278 : vector<16xi32>
        %add3A_280 = arith.constant 2 : i32
        %add3A_281 = arith.addi %mul3A_271, %add3A_280 : i32
        %get3A_282 = arith.index_cast %add3A_281 : i32 to index
        %get3A_283 = arith.constant 0 : index
        %get3A_284 = tpu.vector_load %arg6[%get3A_282, %get3A_283] {strides = array<i32>} : memref<512x16xi32, #tpu.memory_space<vmem>>, vector<16xi32>,
        %add3A_285 = arith.addi %add3A_279, %get3A_284 : vector<16xi32>
        %add3A_286 = arith.constant 3 : i32
        %add3A_287 = arith.addi %mul3A_271, %add3A_286 : i32
        %get3A_288 = arith.index_cast %add3A_287 : i32 to index
        %get3A_289 = arith.constant 0 : index
        %get3A_290 = tpu.vector_load %arg6[%get3A_288, %get3A_289] {strides = array<i32>} : memref<512x16xi32, #tpu.memory_space<vmem>>, vector<16xi32>,
        %add3A_291 = arith.addi %add3A_285, %get3A_290 : vector<16xi32>
        %add3A_292 = arith.constant 4 : i32
        %add3A_293 = arith.addi %mul3A_271, %add3A_292 : i32
        %get3A_294 = arith.index_cast %add3A_293 : i32 to index
        %get3A_295 = arith.constant 0 : index
        %get3A_296 = tpu.vector_load %arg6[%get3A_294, %get3A_295] {strides = array<i32>} : memref<512x16xi32, #tpu.memory_space<vmem>>, vector<16xi32>,
        %add3A_297 = arith.addi %add3A_291, %get3A_296 : vector<16xi32>
        %add3A_298 = arith.constant 5 : i32
        %add3A_299 = arith.addi %mul3A_271, %add3A_298 : i32
        %get3A_300 = arith.index_cast %add3A_299 : i32 to index
        %get3A_301 = arith.constant 0 : index
        %get3A_302 = tpu.vector_load %arg6[%get3A_300, %get3A_301] {strides = array<i32>} : memref<512x16xi32, #tpu.memory_space<vmem>>, vector<16xi32>,
        %add3A_303 = arith.addi %add3A_297, %get3A_302 : vector<16xi32>
        %add3A_304 = arith.constant 6 : i32
        %add3A_305 = arith.addi %mul3A_271, %add3A_304 : i32
        %get3A_306 = arith.index_cast %add3A_305 : i32 to index
        %get3A_307 = arith.constant 0 : index
        %get3A_308 = tpu.vector_load %arg6[%get3A_306, %get3A_307] {strides = array<i32>} : memref<512x16xi32, #tpu.memory_space<vmem>>, vector<16xi32>,
        %add3A_309 = arith.addi %add3A_303, %get3A_308 : vector<16xi32>
        %add3A_310 = arith.constant 7 : i32
        %add3A_311 = arith.addi %mul3A_271, %add3A_310 : i32
        %get3A_312 = arith.index_cast %add3A_311 : i32 to index
        %get3A_313 = arith.constant 0 : index
        %get3A_314 = tpu.vector_load %arg6[%get3A_312, %get3A_313] {strides = array<i32>} : memref<512x16xi32, #tpu.memory_space<vmem>>, vector<16xi32>,
        %add3A_315 = arith.addi %add3A_309, %get3A_314 : vector<16xi32>
        %add3A_316 = arith.constant 8 : i32
        %add3A_317 = arith.addi %mul3A_271, %add3A_316 : i32
        %get3A_318 = arith.index_cast %add3A_317 : i32 to index
        %get3A_319 = arith.constant 0 : index
        %get3A_320 = tpu.vector_load %arg6[%get3A_318, %get3A_319] {strides = array<i32>} : memref<512x16xi32, #tpu.memory_space<vmem>>, vector<16xi32>,
        %add3A_321 = arith.addi %add3A_315, %get3A_320 : vector<16xi32>
        %add3A_322 = arith.constant 9 : i32
        %add3A_323 = arith.addi %mul3A_271, %add3A_322 : i32
        %get3A_324 = arith.index_cast %add3A_323 : i32 to index
        %get3A_325 = arith.constant 0 : index
        %get3A_326 = tpu.vector_load %arg6[%get3A_324, %get3A_325] {strides = array<i32>} : memref<512x16xi32, #tpu.memory_space<vmem>>, vector<16xi32>,
        %add3A_327 = arith.addi %add3A_321, %get3A_326 : vector<16xi32>
        %add3A_328 = arith.constant 10 : i32
        %add3A_329 = arith.addi %mul3A_271, %add3A_328 : i32
        %get3A_330 = arith.index_cast %add3A_329 : i32 to index
        %get3A_331 = arith.constant 0 : index
        %get3A_332 = tpu.vector_load %arg6[%get3A_330, %get3A_331] {strides = array<i32>} : memref<512x16xi32, #tpu.memory_space<vmem>>, vector<16xi32>,
        %add3A_333 = arith.addi %add3A_327, %get3A_332 : vector<16xi32>
        %add3A_334 = arith.constant 11 : i32
        %add3A_335 = arith.addi %mul3A_271, %add3A_334 : i32
        %get3A_336 = arith.index_cast %add3A_335 : i32 to index
        %get3A_337 = arith.constant 0 : index
        %get3A_338 = tpu.vector_load %arg6[%get3A_336, %get3A_337] {strides = array<i32>} : memref<512x16xi32, #tpu.memory_space<vmem>>, vector<16xi32>,
        %add3A_339 = arith.addi %add3A_333, %get3A_338 : vector<16xi32>
        %add3A_340 = arith.constant 12 : i32
        %add3A_341 = arith.addi %mul3A_271, %add3A_340 : i32
        %get3A_342 = arith.index_cast %add3A_341 : i32 to index
        %get3A_343 = arith.constant 0 : index
        %get3A_344 = tpu.vector_load %arg6[%get3A_342, %get3A_343] {strides = array<i32>} : memref<512x16xi32, #tpu.memory_space<vmem>>, vector<16xi32>,
        %add3A_345 = arith.addi %add3A_339, %get3A_344 : vector<16xi32>
        %add3A_346 = arith.constant 13 : i32
        %add3A_347 = arith.addi %mul3A_271, %add3A_346 : i32
        %get3A_348 = arith.index_cast %add3A_347 : i32 to index
        %get3A_349 = arith.constant 0 : index
        %get3A_350 = tpu.vector_load %arg6[%get3A_348, %get3A_349] {strides = array<i32>} : memref<512x16xi32, #tpu.memory_space<vmem>>, vector<16xi32>,
        %add3A_351 = arith.addi %add3A_345, %get3A_350 : vector<16xi32>
        %add3A_352 = arith.constant 14 : i32
        %add3A_353 = arith.addi %mul3A_271, %add3A_352 : i32
        %get3A_354 = arith.index_cast %add3A_353 : i32 to index
        %get3A_355 = arith.constant 0 : index
        %get3A_356 = tpu.vector_load %arg6[%get3A_354, %get3A_355] {strides = array<i32>} : memref<512x16xi32, #tpu.memory_space<vmem>>, vector<16xi32>,
        %add3A_357 = arith.addi %add3A_351, %get3A_356 : vector<16xi32>
        %add3A_358 = arith.constant 15 : i32
        %add3A_359 = arith.addi %mul3A_271, %add3A_358 : i32
        %get3A_360 = arith.index_cast %add3A_359 : i32 to index
        %get3A_361 = arith.constant 0 : index
        %get3A_362 = tpu.vector_load %arg6[%get3A_360, %get3A_361] {strides = array<i32>} : memref<512x16xi32, #tpu.memory_space<vmem>>, vector<16xi32>,
        %add3A_363 = arith.addi %add3A_357, %get3A_362 : vector<16xi32>
        %reduce_sum3A = arith.constant true
        %reduce_sum3A_364 = vector.broadcast %reduce_sum3A : i1 to vector<16xi1>
        %reduce_sum3A_365 = tpu.scan <sum>, %add3A_363 masked %reduce_sum3A_364 : vector<16xi32>, vector<16xi1> -> vector<16xi32>
        %reduce_sum3A_366 = vector.extract %reduce_sum3A_365[15] : i32 from vector<16xi32>
        %not3A = arith.constant true
        %not3A_367 = arith.xori %scan3A_267, %not3A : i1
        %add3A_368 = arith.addi %scan3A_265, %reduce_sum3A_366 : i32
        %ge3A = arith.constant 5017 : i32
        %ge3A_369 = arith.cmpi sge, %add3A_368, %ge3A : i32
        %and3A = arith.andi %not3A_367, %ge3A_369 : i1
        %select_n3A_370 = arith.select %and3A, %sub3A_269, %scan3A_266 : i32
        %or3A = arith.ori %scan3A_267, %and3A : i1
        %add3A_371 = arith.addi %scan3A_265, %reduce_sum3A_366 : i32
        %select_n3A_372 = arith.select %or3A, %scan3A_265, %add3A_371 : i32
        %or3A_373 = arith.ori %scan3A_267, %and3A : i1
        scf.yield %select_n3A_372, %select_n3A_370, %or3A_373 : i32, i32, i1
      }
      %scan3A_176 = arith.constant 32 : i32
      %scan3A_177 = arith.constant 0 : i32
      %scan3A_178 = arith.constant false
      %scan3A_179 = arith.constant 0 : i32
      %scan3A_180 = arith.constant 16 : i32
      %scan3A_181 = arith.addi %scan3A_179, %scan3A_180 : i32
      %scan3A_182 = arith.constant 1 : i32
      %scan3A_183:3 = scf.for %scan3A_264 = %scan3A_179 to %scan3A_181 step %scan3A_182 iter_args(%scan3A_265 = %scan3A_175#0, %scan3A_266 = %scan3A_177, %scan3A_267 = %scan3A_178) -> (i32, i32, i1)  : i32 {
        %sub3A_268 = arith.constant 15 : i32
        %sub3A_269 = arith.subi %sub3A_268, %scan3A_264 : i32
        %mul3A_270 = arith.constant 16 : i32
        %mul3A_271 = arith.muli %scan3A_175#1, %mul3A_270 : i32
        %add3A_272 = arith.addi %mul3A_271, %sub3A_269 : i32
        %get3A = arith.index_cast %add3A_272 : i32 to index
        %get3A_273 = arith.constant 0 : index
        %get3A_274 = tpu.vector_load %arg6[%get3A, %get3A_273] {strides = array<i32>} : memref<512x16xi32, #tpu.memory_space<vmem>>, vector<16xi32>,
        %reduce_sum3A = arith.constant true
        %reduce_sum3A_275 = vector.broadcast %reduce_sum3A : i1 to vector<16xi1>
        %reduce_sum3A_276 = tpu.scan <sum>, %get3A_274 masked %reduce_sum3A_275 : vector<16xi32>, vector<16xi1> -> vector<16xi32>
        %reduce_sum3A_277 = vector.extract %reduce_sum3A_276[15] : i32 from vector<16xi32>
        %not3A = arith.constant true
        %not3A_278 = arith.xori %scan3A_267, %not3A : i1
        %add3A_279 = arith.addi %scan3A_265, %reduce_sum3A_277 : i32
        %ge3A = arith.constant 5017 : i32
        %ge3A_280 = arith.cmpi sge, %add3A_279, %ge3A : i32
        %and3A = arith.andi %not3A_278, %ge3A_280 : i1
        %select_n3A_281 = arith.select %and3A, %sub3A_269, %scan3A_266 : i32
        %or3A = arith.ori %scan3A_267, %and3A : i1
        %add3A_282 = arith.addi %scan3A_265, %reduce_sum3A_277 : i32
        %select_n3A_283 = arith.select %or3A, %scan3A_265, %add3A_282 : i32
        %or3A_284 = arith.ori %scan3A_267, %and3A : i1
        scf.yield %select_n3A_283, %select_n3A_281, %or3A_284 : i32, i32, i1
      }
      %scan3A_184 = arith.constant 16 : i32
      %mul3A_185 = arith.constant 16 : i32
      %mul3A_186 = arith.muli %scan3A_175#1, %mul3A_185 : i32
      %add3A_187 = arith.addi %mul3A_186, %scan3A_183#1 : i32
      %parallel_loop3A_188 = arith.constant 0 : i32
      %parallel_loop3A_189 = arith.constant 512 : i32
      %parallel_loop3A_190 = arith.constant 16 : i32
      scf.for %parallel_loop3A_264 = %parallel_loop3A_188 to %parallel_loop3A_189 step %parallel_loop3A_190  : i32 {
        %parallel_loop3A_265 = arith.constant 0 : i32
        %parallel_loop3A_266 = arith.addi %parallel_loop3A_264, %parallel_loop3A_265 : i32
        %parallel_loop3A_267 = arith.index_cast %parallel_loop3A_266 : i32 to index
        %parallel_loop3A_268 = arith.constant 0 : index
        %parallel_loop3A_269 = tpu.vector_load %arg6[%parallel_loop3A_267, %parallel_loop3A_268] {strides = array<i32>} : memref<512x16xi32, #tpu.memory_space<vmem>>, vector<16xi32>,
        tpu.vector_store %arg6[%parallel_loop3A_267, %parallel_loop3A_268], %broadcast_in_dim3A_5 {strides = array<i32>} : memref<512x16xi32, #tpu.memory_space<vmem>>, vector<16xi32>,
        %parallel_loop3A_270 = arith.constant 1 : i32
        %parallel_loop3A_271 = arith.addi %parallel_loop3A_264, %parallel_loop3A_270 : i32
        %parallel_loop3A_272 = arith.index_cast %parallel_loop3A_271 : i32 to index
        %parallel_loop3A_273 = arith.constant 0 : index
        %parallel_loop3A_274 = tpu.vector_load %arg6[%parallel_loop3A_272, %parallel_loop3A_273] {strides = array<i32>} : memref<512x16xi32, #tpu.memory_space<vmem>>, vector<16xi32>,
        tpu.vector_store %arg6[%parallel_loop3A_272, %parallel_loop3A_273], %broadcast_in_dim3A_5 {strides = array<i32>} : memref<512x16xi32, #tpu.memory_space<vmem>>, vector<16xi32>,
        %parallel_loop3A_275 = arith.constant 2 : i32
        %parallel_loop3A_276 = arith.addi %parallel_loop3A_264, %parallel_loop3A_275 : i32
        %parallel_loop3A_277 = arith.index_cast %parallel_loop3A_276 : i32 to index
        %parallel_loop3A_278 = arith.constant 0 : index
        %parallel_loop3A_279 = tpu.vector_load %arg6[%parallel_loop3A_277, %parallel_loop3A_278] {strides = array<i32>} : memref<512x16xi32, #tpu.memory_space<vmem>>, vector<16xi32>,
        tpu.vector_store %arg6[%parallel_loop3A_277, %parallel_loop3A_278], %broadcast_in_dim3A_5 {strides = array<i32>} : memref<512x16xi32, #tpu.memory_space<vmem>>, vector<16xi32>,
        %parallel_loop3A_280 = arith.constant 3 : i32
        %parallel_loop3A_281 = arith.addi %parallel_loop3A_264, %parallel_loop3A_280 : i32
        %parallel_loop3A_282 = arith.index_cast %parallel_loop3A_281 : i32 to index
        %parallel_loop3A_283 = arith.constant 0 : index
        %parallel_loop3A_284 = tpu.vector_load %arg6[%parallel_loop3A_282, %parallel_loop3A_283] {strides = array<i32>} : memref<512x16xi32, #tpu.memory_space<vmem>>, vector<16xi32>,
        tpu.vector_store %arg6[%parallel_loop3A_282, %parallel_loop3A_283], %broadcast_in_dim3A_5 {strides = array<i32>} : memref<512x16xi32, #tpu.memory_space<vmem>>, vector<16xi32>,
        %parallel_loop3A_285 = arith.constant 4 : i32
        %parallel_loop3A_286 = arith.addi %parallel_loop3A_264, %parallel_loop3A_285 : i32
        %parallel_loop3A_287 = arith.index_cast %parallel_loop3A_286 : i32 to index
        %parallel_loop3A_288 = arith.constant 0 : index
        %parallel_loop3A_289 = tpu.vector_load %arg6[%parallel_loop3A_287, %parallel_loop3A_288] {strides = array<i32>} : memref<512x16xi32, #tpu.memory_space<vmem>>, vector<16xi32>,
        tpu.vector_store %arg6[%parallel_loop3A_287, %parallel_loop3A_288], %broadcast_in_dim3A_5 {strides = array<i32>} : memref<512x16xi32, #tpu.memory_space<vmem>>, vector<16xi32>,
        %parallel_loop3A_290 = arith.constant 5 : i32
        %parallel_loop3A_291 = arith.addi %parallel_loop3A_264, %parallel_loop3A_290 : i32
        %parallel_loop3A_292 = arith.index_cast %parallel_loop3A_291 : i32 to index
        %parallel_loop3A_293 = arith.constant 0 : index
        %parallel_loop3A_294 = tpu.vector_load %arg6[%parallel_loop3A_292, %parallel_loop3A_293] {strides = array<i32>} : memref<512x16xi32, #tpu.memory_space<vmem>>, vector<16xi32>,
        tpu.vector_store %arg6[%parallel_loop3A_292, %parallel_loop3A_293], %broadcast_in_dim3A_5 {strides = array<i32>} : memref<512x16xi32, #tpu.memory_space<vmem>>, vector<16xi32>,
        %parallel_loop3A_295 = arith.constant 6 : i32
        %parallel_loop3A_296 = arith.addi %parallel_loop3A_264, %parallel_loop3A_295 : i32
        %parallel_loop3A_297 = arith.index_cast %parallel_loop3A_296 : i32 to index
        %parallel_loop3A_298 = arith.constant 0 : index
        %parallel_loop3A_299 = tpu.vector_load %arg6[%parallel_loop3A_297, %parallel_loop3A_298] {strides = array<i32>} : memref<512x16xi32, #tpu.memory_space<vmem>>, vector<16xi32>,
        tpu.vector_store %arg6[%parallel_loop3A_297, %parallel_loop3A_298], %broadcast_in_dim3A_5 {strides = array<i32>} : memref<512x16xi32, #tpu.memory_space<vmem>>, vector<16xi32>,
        %parallel_loop3A_300 = arith.constant 7 : i32
        %parallel_loop3A_301 = arith.addi %parallel_loop3A_264, %parallel_loop3A_300 : i32
        %parallel_loop3A_302 = arith.index_cast %parallel_loop3A_301 : i32 to index
        %parallel_loop3A_303 = arith.constant 0 : index
        %parallel_loop3A_304 = tpu.vector_load %arg6[%parallel_loop3A_302, %parallel_loop3A_303] {strides = array<i32>} : memref<512x16xi32, #tpu.memory_space<vmem>>, vector<16xi32>,
        tpu.vector_store %arg6[%parallel_loop3A_302, %parallel_loop3A_303], %broadcast_in_dim3A_5 {strides = array<i32>} : memref<512x16xi32, #tpu.memory_space<vmem>>, vector<16xi32>,
        %parallel_loop3A_305 = arith.constant 8 : i32
        %parallel_loop3A_306 = arith.addi %parallel_loop3A_264, %parallel_loop3A_305 : i32
        %parallel_loop3A_307 = arith.index_cast %parallel_loop3A_306 : i32 to index
        %parallel_loop3A_308 = arith.constant 0 : index
        %parallel_loop3A_309 = tpu.vector_load %arg6[%parallel_loop3A_307, %parallel_loop3A_308] {strides = array<i32>} : memref<512x16xi32, #tpu.memory_space<vmem>>, vector<16xi32>,
        tpu.vector_store %arg6[%parallel_loop3A_307, %parallel_loop3A_308], %broadcast_in_dim3A_5 {strides = array<i32>} : memref<512x16xi32, #tpu.memory_space<vmem>>, vector<16xi32>,
        %parallel_loop3A_310 = arith.constant 9 : i32
        %parallel_loop3A_311 = arith.addi %parallel_loop3A_264, %parallel_loop3A_310 : i32
        %parallel_loop3A_312 = arith.index_cast %parallel_loop3A_311 : i32 to index
        %parallel_loop3A_313 = arith.constant 0 : index
        %parallel_loop3A_314 = tpu.vector_load %arg6[%parallel_loop3A_312, %parallel_loop3A_313] {strides = array<i32>} : memref<512x16xi32, #tpu.memory_space<vmem>>, vector<16xi32>,
        tpu.vector_store %arg6[%parallel_loop3A_312, %parallel_loop3A_313], %broadcast_in_dim3A_5 {strides = array<i32>} : memref<512x16xi32, #tpu.memory_space<vmem>>, vector<16xi32>,
        %parallel_loop3A_315 = arith.constant 10 : i32
        %parallel_loop3A_316 = arith.addi %parallel_loop3A_264, %parallel_loop3A_315 : i32
        %parallel_loop3A_317 = arith.index_cast %parallel_loop3A_316 : i32 to index
        %parallel_loop3A_318 = arith.constant 0 : index
        %parallel_loop3A_319 = tpu.vector_load %arg6[%parallel_loop3A_317, %parallel_loop3A_318] {strides = array<i32>} : memref<512x16xi32, #tpu.memory_space<vmem>>, vector<16xi32>,
        tpu.vector_store %arg6[%parallel_loop3A_317, %parallel_loop3A_318], %broadcast_in_dim3A_5 {strides = array<i32>} : memref<512x16xi32, #tpu.memory_space<vmem>>, vector<16xi32>,
        %parallel_loop3A_320 = arith.constant 11 : i32
        %parallel_loop3A_321 = arith.addi %parallel_loop3A_264, %parallel_loop3A_320 : i32
        %parallel_loop3A_322 = arith.index_cast %parallel_loop3A_321 : i32 to index
        %parallel_loop3A_323 = arith.constant 0 : index
        %parallel_loop3A_324 = tpu.vector_load %arg6[%parallel_loop3A_322, %parallel_loop3A_323] {strides = array<i32>} : memref<512x16xi32, #tpu.memory_space<vmem>>, vector<16xi32>,
        tpu.vector_store %arg6[%parallel_loop3A_322, %parallel_loop3A_323], %broadcast_in_dim3A_5 {strides = array<i32>} : memref<512x16xi32, #tpu.memory_space<vmem>>, vector<16xi32>,
        %parallel_loop3A_325 = arith.constant 12 : i32
        %parallel_loop3A_326 = arith.addi %parallel_loop3A_264, %parallel_loop3A_325 : i32
        %parallel_loop3A_327 = arith.index_cast %parallel_loop3A_326 : i32 to index
        %parallel_loop3A_328 = arith.constant 0 : index
        %parallel_loop3A_329 = tpu.vector_load %arg6[%parallel_loop3A_327, %parallel_loop3A_328] {strides = array<i32>} : memref<512x16xi32, #tpu.memory_space<vmem>>, vector<16xi32>,
        tpu.vector_store %arg6[%parallel_loop3A_327, %parallel_loop3A_328], %broadcast_in_dim3A_5 {strides = array<i32>} : memref<512x16xi32, #tpu.memory_space<vmem>>, vector<16xi32>,
        %parallel_loop3A_330 = arith.constant 13 : i32
        %parallel_loop3A_331 = arith.addi %parallel_loop3A_264, %parallel_loop3A_330 : i32
        %parallel_loop3A_332 = arith.index_cast %parallel_loop3A_331 : i32 to index
        %parallel_loop3A_333 = arith.constant 0 : index
        %parallel_loop3A_334 = tpu.vector_load %arg6[%parallel_loop3A_332, %parallel_loop3A_333] {strides = array<i32>} : memref<512x16xi32, #tpu.memory_space<vmem>>, vector<16xi32>,
        tpu.vector_store %arg6[%parallel_loop3A_332, %parallel_loop3A_333], %broadcast_in_dim3A_5 {strides = array<i32>} : memref<512x16xi32, #tpu.memory_space<vmem>>, vector<16xi32>,
        %parallel_loop3A_335 = arith.constant 14 : i32
        %parallel_loop3A_336 = arith.addi %parallel_loop3A_264, %parallel_loop3A_335 : i32
        %parallel_loop3A_337 = arith.index_cast %parallel_loop3A_336 : i32 to index
        %parallel_loop3A_338 = arith.constant 0 : index
        %parallel_loop3A_339 = tpu.vector_load %arg6[%parallel_loop3A_337, %parallel_loop3A_338] {strides = array<i32>} : memref<512x16xi32, #tpu.memory_space<vmem>>, vector<16xi32>,
        tpu.vector_store %arg6[%parallel_loop3A_337, %parallel_loop3A_338], %broadcast_in_dim3A_5 {strides = array<i32>} : memref<512x16xi32, #tpu.memory_space<vmem>>, vector<16xi32>,
        %parallel_loop3A_340 = arith.constant 15 : i32
        %parallel_loop3A_341 = arith.addi %parallel_loop3A_264, %parallel_loop3A_340 : i32
        %parallel_loop3A_342 = arith.index_cast %parallel_loop3A_341 : i32 to index
        %parallel_loop3A_343 = arith.constant 0 : index
        %parallel_loop3A_344 = tpu.vector_load %arg6[%parallel_loop3A_342, %parallel_loop3A_343] {strides = array<i32>} : memref<512x16xi32, #tpu.memory_space<vmem>>, vector<16xi32>,
        tpu.vector_store %arg6[%parallel_loop3A_342, %parallel_loop3A_343], %broadcast_in_dim3A_5 {strides = array<i32>} : memref<512x16xi32, #tpu.memory_space<vmem>>, vector<16xi32>,
      } {sc.loop_unroll_factor = 2 : i64, sc.parallel_access}
      %parallel_loop3A_191 = arith.constant 0 : i32
      %parallel_loop3A_192 = arith.constant 3136 : i32
      %parallel_loop3A_193 = arith.constant 1 : i32
      scf.for %parallel_loop3A_264 = %parallel_loop3A_191 to %parallel_loop3A_192 step %parallel_loop3A_193  : i32 {
        %parallel_loop3A_265 = arith.constant 16 : i32
        %parallel_loop3A_266 = arith.muli %parallel_loop3A_264, %parallel_loop3A_265 : i32
        %parallel_loop3A_267 = arith.index_cast %parallel_loop3A_266 : i32 to index
        %parallel_loop3A_268 = tpu.vector_load %arg5[%parallel_loop3A_267] {strides = array<i32>} : memref<50176xf32, #tpu.memory_space<vmem>>, vector<16xf32>,
        %parallel_loop3A_269 = vector.bitcast %parallel_loop3A_268 : vector<16xf32> to vector<16xi32>
        %parallel_loop3A_270 = arith.constant 2147483647 : i32
        %parallel_loop3A_271 = vector.broadcast %parallel_loop3A_270 : i32 to vector<16xi32>
        %parallel_loop3A_272 = arith.andi %parallel_loop3A_269, %parallel_loop3A_271 : vector<16xi32>
        %parallel_loop3A_273 = arith.constant 22 : i32
        %parallel_loop3A_274 = vector.broadcast %parallel_loop3A_273 : i32 to vector<16xi32>
        %parallel_loop3A_275 = arith.shrsi %parallel_loop3A_272, %parallel_loop3A_274 : vector<16xi32>
        %parallel_loop3A_276 = vector.broadcast %add3A_187 : i32 to vector<16xi32>
        %parallel_loop3A_277 = arith.cmpi eq, %parallel_loop3A_275, %parallel_loop3A_276 : vector<16xi32>
        %parallel_loop3A_278 = arith.constant 13 : i32
        %parallel_loop3A_279 = vector.broadcast %parallel_loop3A_278 : i32 to vector<16xi32>
        %parallel_loop3A_280 = arith.shrsi %parallel_loop3A_272, %parallel_loop3A_279 : vector<16xi32>
        %parallel_loop3A_281 = arith.constant 511 : i32
        %parallel_loop3A_282 = vector.broadcast %parallel_loop3A_281 : i32 to vector<16xi32>
        %parallel_loop3A_283 = arith.andi %parallel_loop3A_280, %parallel_loop3A_282 : vector<16xi32>
        tpu.vector_store_idx %arg6[%parallel_loop3A_283, %iota3A], %broadcast_in_dim3A_3 masked %parallel_loop3A_277 {add = true} : memref<512x16xi32, #tpu.memory_space<vmem>>[vector<16xi32>, vector<16xi32>], vector<16xi32>, vector<16xi1>
      } {sc.loop_unroll_factor = 16 : i64, sc.parallel_access}
      %sub3A_194 = arith.constant 5017 : i32
      %sub3A_195 = arith.subi %sub3A_194, %scan3A_183#0 : i32
      %scan3A_196 = arith.constant 0 : i32
      %scan3A_197 = arith.constant 0 : i32
      %scan3A_198 = arith.constant false
      %scan3A_199 = arith.constant 0 : i32
      %scan3A_200 = arith.constant 32 : i32
      %scan3A_201 = arith.addi %scan3A_199, %scan3A_200 : i32
      %scan3A_202 = arith.constant 1 : i32
      %scan3A_203:3 = scf.for %scan3A_264 = %scan3A_199 to %scan3A_201 step %scan3A_202 iter_args(%scan3A_265 = %scan3A_196, %scan3A_266 = %scan3A_197, %scan3A_267 = %scan3A_198) -> (i32, i32, i1)  : i32 {
        %sub3A_268 = arith.constant 31 : i32
        %sub3A_269 = arith.subi %sub3A_268, %scan3A_264 : i32
        %mul3A_270 = arith.constant 16 : i32
        %mul3A_271 = arith.muli %sub3A_269, %mul3A_270 : i32
        %get3A = arith.index_cast %mul3A_271 : i32 to index
        %get3A_272 = arith.constant 0 : index
        %get3A_273 = tpu.vector_load %arg6[%get3A, %get3A_272] {strides = array<i32>} : memref<512x16xi32, #tpu.memory_space<vmem>>, vector<16xi32>,
        %add3A_274 = arith.constant 1 : i32
        %add3A_275 = arith.addi %mul3A_271, %add3A_274 : i32
        %get3A_276 = arith.index_cast %add3A_275 : i32 to index
        %get3A_277 = arith.constant 0 : index
        %get3A_278 = tpu.vector_load %arg6[%get3A_276, %get3A_277] {strides = array<i32>} : memref<512x16xi32, #tpu.memory_space<vmem>>, vector<16xi32>,
        %add3A_279 = arith.addi %get3A_273, %get3A_278 : vector<16xi32>
        %add3A_280 = arith.constant 2 : i32
        %add3A_281 = arith.addi %mul3A_271, %add3A_280 : i32
        %get3A_282 = arith.index_cast %add3A_281 : i32 to index
        %get3A_283 = arith.constant 0 : index
        %get3A_284 = tpu.vector_load %arg6[%get3A_282, %get3A_283] {strides = array<i32>} : memref<512x16xi32, #tpu.memory_space<vmem>>, vector<16xi32>,
        %add3A_285 = arith.addi %add3A_279, %get3A_284 : vector<16xi32>
        %add3A_286 = arith.constant 3 : i32
        %add3A_287 = arith.addi %mul3A_271, %add3A_286 : i32
        %get3A_288 = arith.index_cast %add3A_287 : i32 to index
        %get3A_289 = arith.constant 0 : index
        %get3A_290 = tpu.vector_load %arg6[%get3A_288, %get3A_289] {strides = array<i32>} : memref<512x16xi32, #tpu.memory_space<vmem>>, vector<16xi32>,
        %add3A_291 = arith.addi %add3A_285, %get3A_290 : vector<16xi32>
        %add3A_292 = arith.constant 4 : i32
        %add3A_293 = arith.addi %mul3A_271, %add3A_292 : i32
        %get3A_294 = arith.index_cast %add3A_293 : i32 to index
        %get3A_295 = arith.constant 0 : index
        %get3A_296 = tpu.vector_load %arg6[%get3A_294, %get3A_295] {strides = array<i32>} : memref<512x16xi32, #tpu.memory_space<vmem>>, vector<16xi32>,
        %add3A_297 = arith.addi %add3A_291, %get3A_296 : vector<16xi32>
        %add3A_298 = arith.constant 5 : i32
        %add3A_299 = arith.addi %mul3A_271, %add3A_298 : i32
        %get3A_300 = arith.index_cast %add3A_299 : i32 to index
        %get3A_301 = arith.constant 0 : index
        %get3A_302 = tpu.vector_load %arg6[%get3A_300, %get3A_301] {strides = array<i32>} : memref<512x16xi32, #tpu.memory_space<vmem>>, vector<16xi32>,
        %add3A_303 = arith.addi %add3A_297, %get3A_302 : vector<16xi32>
        %add3A_304 = arith.constant 6 : i32
        %add3A_305 = arith.addi %mul3A_271, %add3A_304 : i32
        %get3A_306 = arith.index_cast %add3A_305 : i32 to index
        %get3A_307 = arith.constant 0 : index
        %get3A_308 = tpu.vector_load %arg6[%get3A_306, %get3A_307] {strides = array<i32>} : memref<512x16xi32, #tpu.memory_space<vmem>>, vector<16xi32>,
        %add3A_309 = arith.addi %add3A_303, %get3A_308 : vector<16xi32>
        %add3A_310 = arith.constant 7 : i32
        %add3A_311 = arith.addi %mul3A_271, %add3A_310 : i32
        %get3A_312 = arith.index_cast %add3A_311 : i32 to index
        %get3A_313 = arith.constant 0 : index
        %get3A_314 = tpu.vector_load %arg6[%get3A_312, %get3A_313] {strides = array<i32>} : memref<512x16xi32, #tpu.memory_space<vmem>>, vector<16xi32>,
        %add3A_315 = arith.addi %add3A_309, %get3A_314 : vector<16xi32>
        %add3A_316 = arith.constant 8 : i32
        %add3A_317 = arith.addi %mul3A_271, %add3A_316 : i32
        %get3A_318 = arith.index_cast %add3A_317 : i32 to index
        %get3A_319 = arith.constant 0 : index
        %get3A_320 = tpu.vector_load %arg6[%get3A_318, %get3A_319] {strides = array<i32>} : memref<512x16xi32, #tpu.memory_space<vmem>>, vector<16xi32>,
        %add3A_321 = arith.addi %add3A_315, %get3A_320 : vector<16xi32>
        %add3A_322 = arith.constant 9 : i32
        %add3A_323 = arith.addi %mul3A_271, %add3A_322 : i32
        %get3A_324 = arith.index_cast %add3A_323 : i32 to index
        %get3A_325 = arith.constant 0 : index
        %get3A_326 = tpu.vector_load %arg6[%get3A_324, %get3A_325] {strides = array<i32>} : memref<512x16xi32, #tpu.memory_space<vmem>>, vector<16xi32>,
        %add3A_327 = arith.addi %add3A_321, %get3A_326 : vector<16xi32>
        %add3A_328 = arith.constant 10 : i32
        %add3A_329 = arith.addi %mul3A_271, %add3A_328 : i32
        %get3A_330 = arith.index_cast %add3A_329 : i32 to index
        %get3A_331 = arith.constant 0 : index
        %get3A_332 = tpu.vector_load %arg6[%get3A_330, %get3A_331] {strides = array<i32>} : memref<512x16xi32, #tpu.memory_space<vmem>>, vector<16xi32>,
        %add3A_333 = arith.addi %add3A_327, %get3A_332 : vector<16xi32>
        %add3A_334 = arith.constant 11 : i32
        %add3A_335 = arith.addi %mul3A_271, %add3A_334 : i32
        %get3A_336 = arith.index_cast %add3A_335 : i32 to index
        %get3A_337 = arith.constant 0 : index
        %get3A_338 = tpu.vector_load %arg6[%get3A_336, %get3A_337] {strides = array<i32>} : memref<512x16xi32, #tpu.memory_space<vmem>>, vector<16xi32>,
        %add3A_339 = arith.addi %add3A_333, %get3A_338 : vector<16xi32>
        %add3A_340 = arith.constant 12 : i32
        %add3A_341 = arith.addi %mul3A_271, %add3A_340 : i32
        %get3A_342 = arith.index_cast %add3A_341 : i32 to index
        %get3A_343 = arith.constant 0 : index
        %get3A_344 = tpu.vector_load %arg6[%get3A_342, %get3A_343] {strides = array<i32>} : memref<512x16xi32, #tpu.memory_space<vmem>>, vector<16xi32>,
        %add3A_345 = arith.addi %add3A_339, %get3A_344 : vector<16xi32>
        %add3A_346 = arith.constant 13 : i32
        %add3A_347 = arith.addi %mul3A_271, %add3A_346 : i32
        %get3A_348 = arith.index_cast %add3A_347 : i32 to index
        %get3A_349 = arith.constant 0 : index
        %get3A_350 = tpu.vector_load %arg6[%get3A_348, %get3A_349] {strides = array<i32>} : memref<512x16xi32, #tpu.memory_space<vmem>>, vector<16xi32>,
        %add3A_351 = arith.addi %add3A_345, %get3A_350 : vector<16xi32>
        %add3A_352 = arith.constant 14 : i32
        %add3A_353 = arith.addi %mul3A_271, %add3A_352 : i32
        %get3A_354 = arith.index_cast %add3A_353 : i32 to index
        %get3A_355 = arith.constant 0 : index
        %get3A_356 = tpu.vector_load %arg6[%get3A_354, %get3A_355] {strides = array<i32>} : memref<512x16xi32, #tpu.memory_space<vmem>>, vector<16xi32>,
        %add3A_357 = arith.addi %add3A_351, %get3A_356 : vector<16xi32>
        %add3A_358 = arith.constant 15 : i32
        %add3A_359 = arith.addi %mul3A_271, %add3A_358 : i32
        %get3A_360 = arith.index_cast %add3A_359 : i32 to index
        %get3A_361 = arith.constant 0 : index
        %get3A_362 = tpu.vector_load %arg6[%get3A_360, %get3A_361] {strides = array<i32>} : memref<512x16xi32, #tpu.memory_space<vmem>>, vector<16xi32>,
        %add3A_363 = arith.addi %add3A_357, %get3A_362 : vector<16xi32>
        %reduce_sum3A = arith.constant true
        %reduce_sum3A_364 = vector.broadcast %reduce_sum3A : i1 to vector<16xi1>
        %reduce_sum3A_365 = tpu.scan <sum>, %add3A_363 masked %reduce_sum3A_364 : vector<16xi32>, vector<16xi1> -> vector<16xi32>
        %reduce_sum3A_366 = vector.extract %reduce_sum3A_365[15] : i32 from vector<16xi32>
        %not3A = arith.constant true
        %not3A_367 = arith.xori %scan3A_267, %not3A : i1
        %add3A_368 = arith.addi %scan3A_265, %reduce_sum3A_366 : i32
        %ge3A = arith.cmpi sge, %add3A_368, %sub3A_195 : i32
        %and3A = arith.andi %not3A_367, %ge3A : i1
        %select_n3A_369 = arith.select %and3A, %sub3A_269, %scan3A_266 : i32
        %or3A = arith.ori %scan3A_267, %and3A : i1
        %add3A_370 = arith.addi %scan3A_265, %reduce_sum3A_366 : i32
        %select_n3A_371 = arith.select %or3A, %scan3A_265, %add3A_370 : i32
        %or3A_372 = arith.ori %scan3A_267, %and3A : i1
        scf.yield %select_n3A_371, %select_n3A_369, %or3A_372 : i32, i32, i1
      }
      %scan3A_204 = arith.constant 32 : i32
      %scan3A_205 = arith.constant 0 : i32
      %scan3A_206 = arith.constant false
      %scan3A_207 = arith.constant 0 : i32
      %scan3A_208 = arith.constant 16 : i32
      %scan3A_209 = arith.addi %scan3A_207, %scan3A_208 : i32
      %scan3A_210 = arith.constant 1 : i32
      %scan3A_211:3 = scf.for %scan3A_264 = %scan3A_207 to %scan3A_209 step %scan3A_210 iter_args(%scan3A_265 = %scan3A_203#0, %scan3A_266 = %scan3A_205, %scan3A_267 = %scan3A_206) -> (i32, i32, i1)  : i32 {
        %sub3A_268 = arith.constant 15 : i32
        %sub3A_269 = arith.subi %sub3A_268, %scan3A_264 : i32
        %mul3A_270 = arith.constant 16 : i32
        %mul3A_271 = arith.muli %scan3A_203#1, %mul3A_270 : i32
        %add3A_272 = arith.addi %mul3A_271, %sub3A_269 : i32
        %get3A = arith.index_cast %add3A_272 : i32 to index
        %get3A_273 = arith.constant 0 : index
        %get3A_274 = tpu.vector_load %arg6[%get3A, %get3A_273] {strides = array<i32>} : memref<512x16xi32, #tpu.memory_space<vmem>>, vector<16xi32>,
        %reduce_sum3A = arith.constant true
        %reduce_sum3A_275 = vector.broadcast %reduce_sum3A : i1 to vector<16xi1>
        %reduce_sum3A_276 = tpu.scan <sum>, %get3A_274 masked %reduce_sum3A_275 : vector<16xi32>, vector<16xi1> -> vector<16xi32>
        %reduce_sum3A_277 = vector.extract %reduce_sum3A_276[15] : i32 from vector<16xi32>
        %not3A = arith.constant true
        %not3A_278 = arith.xori %scan3A_267, %not3A : i1
        %add3A_279 = arith.addi %scan3A_265, %reduce_sum3A_277 : i32
        %ge3A = arith.cmpi sge, %add3A_279, %sub3A_195 : i32
        %and3A = arith.andi %not3A_278, %ge3A : i1
        %select_n3A_280 = arith.select %and3A, %sub3A_269, %scan3A_266 : i32
        %or3A = arith.ori %scan3A_267, %and3A : i1
        %add3A_281 = arith.addi %scan3A_265, %reduce_sum3A_277 : i32
        %select_n3A_282 = arith.select %or3A, %scan3A_265, %add3A_281 : i32
        %or3A_283 = arith.ori %scan3A_267, %and3A : i1
        scf.yield %select_n3A_282, %select_n3A_280, %or3A_283 : i32, i32, i1
      }
      %scan3A_212 = arith.constant 16 : i32
      %mul3A_213 = arith.constant 16 : i32
      %mul3A_214 = arith.muli %scan3A_203#1, %mul3A_213 : i32
      %add3A_215 = arith.addi %mul3A_214, %scan3A_211#1 : i32
      %parallel_loop3A_216 = arith.constant 0 : i32
      %parallel_loop3A_217 = arith.constant 512 : i32
      %parallel_loop3A_218 = arith.constant 16 : i32
      scf.for %parallel_loop3A_264 = %parallel_loop3A_216 to %parallel_loop3A_217 step %parallel_loop3A_218  : i32 {
        %parallel_loop3A_265 = arith.constant 0 : i32
        %parallel_loop3A_266 = arith.addi %parallel_loop3A_264, %parallel_loop3A_265 : i32
        %parallel_loop3A_267 = arith.index_cast %parallel_loop3A_266 : i32 to index
        %parallel_loop3A_268 = arith.constant 0 : index
        %parallel_loop3A_269 = tpu.vector_load %arg6[%parallel_loop3A_267, %parallel_loop3A_268] {strides = array<i32>} : memref<512x16xi32, #tpu.memory_space<vmem>>, vector<16xi32>,
        tpu.vector_store %arg6[%parallel_loop3A_267, %parallel_loop3A_268], %broadcast_in_dim3A_5 {strides = array<i32>} : memref<512x16xi32, #tpu.memory_space<vmem>>, vector<16xi32>,
        %parallel_loop3A_270 = arith.constant 1 : i32
        %parallel_loop3A_271 = arith.addi %parallel_loop3A_264, %parallel_loop3A_270 : i32
        %parallel_loop3A_272 = arith.index_cast %parallel_loop3A_271 : i32 to index
        %parallel_loop3A_273 = arith.constant 0 : index
        %parallel_loop3A_274 = tpu.vector_load %arg6[%parallel_loop3A_272, %parallel_loop3A_273] {strides = array<i32>} : memref<512x16xi32, #tpu.memory_space<vmem>>, vector<16xi32>,
        tpu.vector_store %arg6[%parallel_loop3A_272, %parallel_loop3A_273], %broadcast_in_dim3A_5 {strides = array<i32>} : memref<512x16xi32, #tpu.memory_space<vmem>>, vector<16xi32>,
        %parallel_loop3A_275 = arith.constant 2 : i32
        %parallel_loop3A_276 = arith.addi %parallel_loop3A_264, %parallel_loop3A_275 : i32
        %parallel_loop3A_277 = arith.index_cast %parallel_loop3A_276 : i32 to index
        %parallel_loop3A_278 = arith.constant 0 : index
        %parallel_loop3A_279 = tpu.vector_load %arg6[%parallel_loop3A_277, %parallel_loop3A_278] {strides = array<i32>} : memref<512x16xi32, #tpu.memory_space<vmem>>, vector<16xi32>,
        tpu.vector_store %arg6[%parallel_loop3A_277, %parallel_loop3A_278], %broadcast_in_dim3A_5 {strides = array<i32>} : memref<512x16xi32, #tpu.memory_space<vmem>>, vector<16xi32>,
        %parallel_loop3A_280 = arith.constant 3 : i32
        %parallel_loop3A_281 = arith.addi %parallel_loop3A_264, %parallel_loop3A_280 : i32
        %parallel_loop3A_282 = arith.index_cast %parallel_loop3A_281 : i32 to index
        %parallel_loop3A_283 = arith.constant 0 : index
        %parallel_loop3A_284 = tpu.vector_load %arg6[%parallel_loop3A_282, %parallel_loop3A_283] {strides = array<i32>} : memref<512x16xi32, #tpu.memory_space<vmem>>, vector<16xi32>,
        tpu.vector_store %arg6[%parallel_loop3A_282, %parallel_loop3A_283], %broadcast_in_dim3A_5 {strides = array<i32>} : memref<512x16xi32, #tpu.memory_space<vmem>>, vector<16xi32>,
        %parallel_loop3A_285 = arith.constant 4 : i32
        %parallel_loop3A_286 = arith.addi %parallel_loop3A_264, %parallel_loop3A_285 : i32
        %parallel_loop3A_287 = arith.index_cast %parallel_loop3A_286 : i32 to index
        %parallel_loop3A_288 = arith.constant 0 : index
        %parallel_loop3A_289 = tpu.vector_load %arg6[%parallel_loop3A_287, %parallel_loop3A_288] {strides = array<i32>} : memref<512x16xi32, #tpu.memory_space<vmem>>, vector<16xi32>,
        tpu.vector_store %arg6[%parallel_loop3A_287, %parallel_loop3A_288], %broadcast_in_dim3A_5 {strides = array<i32>} : memref<512x16xi32, #tpu.memory_space<vmem>>, vector<16xi32>,
        %parallel_loop3A_290 = arith.constant 5 : i32
        %parallel_loop3A_291 = arith.addi %parallel_loop3A_264, %parallel_loop3A_290 : i32
        %parallel_loop3A_292 = arith.index_cast %parallel_loop3A_291 : i32 to index
        %parallel_loop3A_293 = arith.constant 0 : index
        %parallel_loop3A_294 = tpu.vector_load %arg6[%parallel_loop3A_292, %parallel_loop3A_293] {strides = array<i32>} : memref<512x16xi32, #tpu.memory_space<vmem>>, vector<16xi32>,
        tpu.vector_store %arg6[%parallel_loop3A_292, %parallel_loop3A_293], %broadcast_in_dim3A_5 {strides = array<i32>} : memref<512x16xi32, #tpu.memory_space<vmem>>, vector<16xi32>,
        %parallel_loop3A_295 = arith.constant 6 : i32
        %parallel_loop3A_296 = arith.addi %parallel_loop3A_264, %parallel_loop3A_295 : i32
        %parallel_loop3A_297 = arith.index_cast %parallel_loop3A_296 : i32 to index
        %parallel_loop3A_298 = arith.constant 0 : index
        %parallel_loop3A_299 = tpu.vector_load %arg6[%parallel_loop3A_297, %parallel_loop3A_298] {strides = array<i32>} : memref<512x16xi32, #tpu.memory_space<vmem>>, vector<16xi32>,
        tpu.vector_store %arg6[%parallel_loop3A_297, %parallel_loop3A_298], %broadcast_in_dim3A_5 {strides = array<i32>} : memref<512x16xi32, #tpu.memory_space<vmem>>, vector<16xi32>,
        %parallel_loop3A_300 = arith.constant 7 : i32
        %parallel_loop3A_301 = arith.addi %parallel_loop3A_264, %parallel_loop3A_300 : i32
        %parallel_loop3A_302 = arith.index_cast %parallel_loop3A_301 : i32 to index
        %parallel_loop3A_303 = arith.constant 0 : index
        %parallel_loop3A_304 = tpu.vector_load %arg6[%parallel_loop3A_302, %parallel_loop3A_303] {strides = array<i32>} : memref<512x16xi32, #tpu.memory_space<vmem>>, vector<16xi32>,
        tpu.vector_store %arg6[%parallel_loop3A_302, %parallel_loop3A_303], %broadcast_in_dim3A_5 {strides = array<i32>} : memref<512x16xi32, #tpu.memory_space<vmem>>, vector<16xi32>,
        %parallel_loop3A_305 = arith.constant 8 : i32
        %parallel_loop3A_306 = arith.addi %parallel_loop3A_264, %parallel_loop3A_305 : i32
        %parallel_loop3A_307 = arith.index_cast %parallel_loop3A_306 : i32 to index
        %parallel_loop3A_308 = arith.constant 0 : index
        %parallel_loop3A_309 = tpu.vector_load %arg6[%parallel_loop3A_307, %parallel_loop3A_308] {strides = array<i32>} : memref<512x16xi32, #tpu.memory_space<vmem>>, vector<16xi32>,
        tpu.vector_store %arg6[%parallel_loop3A_307, %parallel_loop3A_308], %broadcast_in_dim3A_5 {strides = array<i32>} : memref<512x16xi32, #tpu.memory_space<vmem>>, vector<16xi32>,
        %parallel_loop3A_310 = arith.constant 9 : i32
        %parallel_loop3A_311 = arith.addi %parallel_loop3A_264, %parallel_loop3A_310 : i32
        %parallel_loop3A_312 = arith.index_cast %parallel_loop3A_311 : i32 to index
        %parallel_loop3A_313 = arith.constant 0 : index
        %parallel_loop3A_314 = tpu.vector_load %arg6[%parallel_loop3A_312, %parallel_loop3A_313] {strides = array<i32>} : memref<512x16xi32, #tpu.memory_space<vmem>>, vector<16xi32>,
        tpu.vector_store %arg6[%parallel_loop3A_312, %parallel_loop3A_313], %broadcast_in_dim3A_5 {strides = array<i32>} : memref<512x16xi32, #tpu.memory_space<vmem>>, vector<16xi32>,
        %parallel_loop3A_315 = arith.constant 10 : i32
        %parallel_loop3A_316 = arith.addi %parallel_loop3A_264, %parallel_loop3A_315 : i32
        %parallel_loop3A_317 = arith.index_cast %parallel_loop3A_316 : i32 to index
        %parallel_loop3A_318 = arith.constant 0 : index
        %parallel_loop3A_319 = tpu.vector_load %arg6[%parallel_loop3A_317, %parallel_loop3A_318] {strides = array<i32>} : memref<512x16xi32, #tpu.memory_space<vmem>>, vector<16xi32>,
        tpu.vector_store %arg6[%parallel_loop3A_317, %parallel_loop3A_318], %broadcast_in_dim3A_5 {strides = array<i32>} : memref<512x16xi32, #tpu.memory_space<vmem>>, vector<16xi32>,
        %parallel_loop3A_320 = arith.constant 11 : i32
        %parallel_loop3A_321 = arith.addi %parallel_loop3A_264, %parallel_loop3A_320 : i32
        %parallel_loop3A_322 = arith.index_cast %parallel_loop3A_321 : i32 to index
        %parallel_loop3A_323 = arith.constant 0 : index
        %parallel_loop3A_324 = tpu.vector_load %arg6[%parallel_loop3A_322, %parallel_loop3A_323] {strides = array<i32>} : memref<512x16xi32, #tpu.memory_space<vmem>>, vector<16xi32>,
        tpu.vector_store %arg6[%parallel_loop3A_322, %parallel_loop3A_323], %broadcast_in_dim3A_5 {strides = array<i32>} : memref<512x16xi32, #tpu.memory_space<vmem>>, vector<16xi32>,
        %parallel_loop3A_325 = arith.constant 12 : i32
        %parallel_loop3A_326 = arith.addi %parallel_loop3A_264, %parallel_loop3A_325 : i32
        %parallel_loop3A_327 = arith.index_cast %parallel_loop3A_326 : i32 to index
        %parallel_loop3A_328 = arith.constant 0 : index
        %parallel_loop3A_329 = tpu.vector_load %arg6[%parallel_loop3A_327, %parallel_loop3A_328] {strides = array<i32>} : memref<512x16xi32, #tpu.memory_space<vmem>>, vector<16xi32>,
        tpu.vector_store %arg6[%parallel_loop3A_327, %parallel_loop3A_328], %broadcast_in_dim3A_5 {strides = array<i32>} : memref<512x16xi32, #tpu.memory_space<vmem>>, vector<16xi32>,
        %parallel_loop3A_330 = arith.constant 13 : i32
        %parallel_loop3A_331 = arith.addi %parallel_loop3A_264, %parallel_loop3A_330 : i32
        %parallel_loop3A_332 = arith.index_cast %parallel_loop3A_331 : i32 to index
        %parallel_loop3A_333 = arith.constant 0 : index
        %parallel_loop3A_334 = tpu.vector_load %arg6[%parallel_loop3A_332, %parallel_loop3A_333] {strides = array<i32>} : memref<512x16xi32, #tpu.memory_space<vmem>>, vector<16xi32>,
        tpu.vector_store %arg6[%parallel_loop3A_332, %parallel_loop3A_333], %broadcast_in_dim3A_5 {strides = array<i32>} : memref<512x16xi32, #tpu.memory_space<vmem>>, vector<16xi32>,
        %parallel_loop3A_335 = arith.constant 14 : i32
        %parallel_loop3A_336 = arith.addi %parallel_loop3A_264, %parallel_loop3A_335 : i32
        %parallel_loop3A_337 = arith.index_cast %parallel_loop3A_336 : i32 to index
        %parallel_loop3A_338 = arith.constant 0 : index
        %parallel_loop3A_339 = tpu.vector_load %arg6[%parallel_loop3A_337, %parallel_loop3A_338] {strides = array<i32>} : memref<512x16xi32, #tpu.memory_space<vmem>>, vector<16xi32>,
        tpu.vector_store %arg6[%parallel_loop3A_337, %parallel_loop3A_338], %broadcast_in_dim3A_5 {strides = array<i32>} : memref<512x16xi32, #tpu.memory_space<vmem>>, vector<16xi32>,
        %parallel_loop3A_340 = arith.constant 15 : i32
        %parallel_loop3A_341 = arith.addi %parallel_loop3A_264, %parallel_loop3A_340 : i32
        %parallel_loop3A_342 = arith.index_cast %parallel_loop3A_341 : i32 to index
        %parallel_loop3A_343 = arith.constant 0 : index
        %parallel_loop3A_344 = tpu.vector_load %arg6[%parallel_loop3A_342, %parallel_loop3A_343] {strides = array<i32>} : memref<512x16xi32, #tpu.memory_space<vmem>>, vector<16xi32>,
        tpu.vector_store %arg6[%parallel_loop3A_342, %parallel_loop3A_343], %broadcast_in_dim3A_5 {strides = array<i32>} : memref<512x16xi32, #tpu.memory_space<vmem>>, vector<16xi32>,
      } {sc.loop_unroll_factor = 2 : i64, sc.parallel_access}
      %mul3A_219 = arith.constant 512 : i32
      %mul3A_220 = arith.muli %add3A_187, %mul3A_219 : i32
      %add3A_221 = arith.addi %mul3A_220, %add3A_215 : i32
      %parallel_loop3A_222 = arith.constant 0 : i32
      %parallel_loop3A_223 = arith.constant 3136 : i32
      %parallel_loop3A_224 = arith.constant 1 : i32
      scf.for %parallel_loop3A_264 = %parallel_loop3A_222 to %parallel_loop3A_223 step %parallel_loop3A_224  : i32 {
        %parallel_loop3A_265 = arith.constant 16 : i32
        %parallel_loop3A_266 = arith.muli %parallel_loop3A_264, %parallel_loop3A_265 : i32
        %parallel_loop3A_267 = arith.index_cast %parallel_loop3A_266 : i32 to index
        %parallel_loop3A_268 = tpu.vector_load %arg5[%parallel_loop3A_267] {strides = array<i32>} : memref<50176xf32, #tpu.memory_space<vmem>>, vector<16xf32>,
        %parallel_loop3A_269 = vector.bitcast %parallel_loop3A_268 : vector<16xf32> to vector<16xi32>
        %parallel_loop3A_270 = arith.constant 2147483647 : i32
        %parallel_loop3A_271 = vector.broadcast %parallel_loop3A_270 : i32 to vector<16xi32>
        %parallel_loop3A_272 = arith.andi %parallel_loop3A_269, %parallel_loop3A_271 : vector<16xi32>
        %parallel_loop3A_273 = arith.constant 13 : i32
        %parallel_loop3A_274 = vector.broadcast %parallel_loop3A_273 : i32 to vector<16xi32>
        %parallel_loop3A_275 = arith.shrsi %parallel_loop3A_272, %parallel_loop3A_274 : vector<16xi32>
        %parallel_loop3A_276 = vector.broadcast %add3A_221 : i32 to vector<16xi32>
        %parallel_loop3A_277 = arith.cmpi eq, %parallel_loop3A_275, %parallel_loop3A_276 : vector<16xi32>
        %parallel_loop3A_278 = arith.constant 4 : i32
        %parallel_loop3A_279 = vector.broadcast %parallel_loop3A_278 : i32 to vector<16xi32>
        %parallel_loop3A_280 = arith.shrsi %parallel_loop3A_272, %parallel_loop3A_279 : vector<16xi32>
        %parallel_loop3A_281 = arith.constant 511 : i32
        %parallel_loop3A_282 = vector.broadcast %parallel_loop3A_281 : i32 to vector<16xi32>
        %parallel_loop3A_283 = arith.andi %parallel_loop3A_280, %parallel_loop3A_282 : vector<16xi32>
        tpu.vector_store_idx %arg6[%parallel_loop3A_283, %iota3A], %broadcast_in_dim3A_3 masked %parallel_loop3A_277 {add = true} : memref<512x16xi32, #tpu.memory_space<vmem>>[vector<16xi32>, vector<16xi32>], vector<16xi32>, vector<16xi1>
      } {sc.loop_unroll_factor = 16 : i64, sc.parallel_access}
      %sub3A_225 = arith.constant 5017 : i32
      %sub3A_226 = arith.subi %sub3A_225, %scan3A_183#0 : i32
      %sub3A_227 = arith.subi %sub3A_226, %scan3A_211#0 : i32
      %scan3A_228 = arith.constant 0 : i32
      %scan3A_229 = arith.constant 0 : i32
      %scan3A_230 = arith.constant false
      %scan3A_231 = arith.constant 0 : i32
      %scan3A_232 = arith.constant 32 : i32
      %scan3A_233 = arith.addi %scan3A_231, %scan3A_232 : i32
      %scan3A_234 = arith.constant 1 : i32
      %scan3A_235:3 = scf.for %scan3A_264 = %scan3A_231 to %scan3A_233 step %scan3A_234 iter_args(%scan3A_265 = %scan3A_228, %scan3A_266 = %scan3A_229, %scan3A_267 = %scan3A_230) -> (i32, i32, i1)  : i32 {
        %sub3A_268 = arith.constant 31 : i32
        %sub3A_269 = arith.subi %sub3A_268, %scan3A_264 : i32
        %mul3A_270 = arith.constant 16 : i32
        %mul3A_271 = arith.muli %sub3A_269, %mul3A_270 : i32
        %get3A = arith.index_cast %mul3A_271 : i32 to index
        %get3A_272 = arith.constant 0 : index
        %get3A_273 = tpu.vector_load %arg6[%get3A, %get3A_272] {strides = array<i32>} : memref<512x16xi32, #tpu.memory_space<vmem>>, vector<16xi32>,
        %add3A_274 = arith.constant 1 : i32
        %add3A_275 = arith.addi %mul3A_271, %add3A_274 : i32
        %get3A_276 = arith.index_cast %add3A_275 : i32 to index
        %get3A_277 = arith.constant 0 : index
        %get3A_278 = tpu.vector_load %arg6[%get3A_276, %get3A_277] {strides = array<i32>} : memref<512x16xi32, #tpu.memory_space<vmem>>, vector<16xi32>,
        %add3A_279 = arith.addi %get3A_273, %get3A_278 : vector<16xi32>
        %add3A_280 = arith.constant 2 : i32
        %add3A_281 = arith.addi %mul3A_271, %add3A_280 : i32
        %get3A_282 = arith.index_cast %add3A_281 : i32 to index
        %get3A_283 = arith.constant 0 : index
        %get3A_284 = tpu.vector_load %arg6[%get3A_282, %get3A_283] {strides = array<i32>} : memref<512x16xi32, #tpu.memory_space<vmem>>, vector<16xi32>,
        %add3A_285 = arith.addi %add3A_279, %get3A_284 : vector<16xi32>
        %add3A_286 = arith.constant 3 : i32
        %add3A_287 = arith.addi %mul3A_271, %add3A_286 : i32
        %get3A_288 = arith.index_cast %add3A_287 : i32 to index
        %get3A_289 = arith.constant 0 : index
        %get3A_290 = tpu.vector_load %arg6[%get3A_288, %get3A_289] {strides = array<i32>} : memref<512x16xi32, #tpu.memory_space<vmem>>, vector<16xi32>,
        %add3A_291 = arith.addi %add3A_285, %get3A_290 : vector<16xi32>
        %add3A_292 = arith.constant 4 : i32
        %add3A_293 = arith.addi %mul3A_271, %add3A_292 : i32
        %get3A_294 = arith.index_cast %add3A_293 : i32 to index
        %get3A_295 = arith.constant 0 : index
        %get3A_296 = tpu.vector_load %arg6[%get3A_294, %get3A_295] {strides = array<i32>} : memref<512x16xi32, #tpu.memory_space<vmem>>, vector<16xi32>,
        %add3A_297 = arith.addi %add3A_291, %get3A_296 : vector<16xi32>
        %add3A_298 = arith.constant 5 : i32
        %add3A_299 = arith.addi %mul3A_271, %add3A_298 : i32
        %get3A_300 = arith.index_cast %add3A_299 : i32 to index
        %get3A_301 = arith.constant 0 : index
        %get3A_302 = tpu.vector_load %arg6[%get3A_300, %get3A_301] {strides = array<i32>} : memref<512x16xi32, #tpu.memory_space<vmem>>, vector<16xi32>,
        %add3A_303 = arith.addi %add3A_297, %get3A_302 : vector<16xi32>
        %add3A_304 = arith.constant 6 : i32
        %add3A_305 = arith.addi %mul3A_271, %add3A_304 : i32
        %get3A_306 = arith.index_cast %add3A_305 : i32 to index
        %get3A_307 = arith.constant 0 : index
        %get3A_308 = tpu.vector_load %arg6[%get3A_306, %get3A_307] {strides = array<i32>} : memref<512x16xi32, #tpu.memory_space<vmem>>, vector<16xi32>,
        %add3A_309 = arith.addi %add3A_303, %get3A_308 : vector<16xi32>
        %add3A_310 = arith.constant 7 : i32
        %add3A_311 = arith.addi %mul3A_271, %add3A_310 : i32
        %get3A_312 = arith.index_cast %add3A_311 : i32 to index
        %get3A_313 = arith.constant 0 : index
        %get3A_314 = tpu.vector_load %arg6[%get3A_312, %get3A_313] {strides = array<i32>} : memref<512x16xi32, #tpu.memory_space<vmem>>, vector<16xi32>,
        %add3A_315 = arith.addi %add3A_309, %get3A_314 : vector<16xi32>
        %add3A_316 = arith.constant 8 : i32
        %add3A_317 = arith.addi %mul3A_271, %add3A_316 : i32
        %get3A_318 = arith.index_cast %add3A_317 : i32 to index
        %get3A_319 = arith.constant 0 : index
        %get3A_320 = tpu.vector_load %arg6[%get3A_318, %get3A_319] {strides = array<i32>} : memref<512x16xi32, #tpu.memory_space<vmem>>, vector<16xi32>,
        %add3A_321 = arith.addi %add3A_315, %get3A_320 : vector<16xi32>
        %add3A_322 = arith.constant 9 : i32
        %add3A_323 = arith.addi %mul3A_271, %add3A_322 : i32
        %get3A_324 = arith.index_cast %add3A_323 : i32 to index
        %get3A_325 = arith.constant 0 : index
        %get3A_326 = tpu.vector_load %arg6[%get3A_324, %get3A_325] {strides = array<i32>} : memref<512x16xi32, #tpu.memory_space<vmem>>, vector<16xi32>,
        %add3A_327 = arith.addi %add3A_321, %get3A_326 : vector<16xi32>
        %add3A_328 = arith.constant 10 : i32
        %add3A_329 = arith.addi %mul3A_271, %add3A_328 : i32
        %get3A_330 = arith.index_cast %add3A_329 : i32 to index
        %get3A_331 = arith.constant 0 : index
        %get3A_332 = tpu.vector_load %arg6[%get3A_330, %get3A_331] {strides = array<i32>} : memref<512x16xi32, #tpu.memory_space<vmem>>, vector<16xi32>,
        %add3A_333 = arith.addi %add3A_327, %get3A_332 : vector<16xi32>
        %add3A_334 = arith.constant 11 : i32
        %add3A_335 = arith.addi %mul3A_271, %add3A_334 : i32
        %get3A_336 = arith.index_cast %add3A_335 : i32 to index
        %get3A_337 = arith.constant 0 : index
        %get3A_338 = tpu.vector_load %arg6[%get3A_336, %get3A_337] {strides = array<i32>} : memref<512x16xi32, #tpu.memory_space<vmem>>, vector<16xi32>,
        %add3A_339 = arith.addi %add3A_333, %get3A_338 : vector<16xi32>
        %add3A_340 = arith.constant 12 : i32
        %add3A_341 = arith.addi %mul3A_271, %add3A_340 : i32
        %get3A_342 = arith.index_cast %add3A_341 : i32 to index
        %get3A_343 = arith.constant 0 : index
        %get3A_344 = tpu.vector_load %arg6[%get3A_342, %get3A_343] {strides = array<i32>} : memref<512x16xi32, #tpu.memory_space<vmem>>, vector<16xi32>,
        %add3A_345 = arith.addi %add3A_339, %get3A_344 : vector<16xi32>
        %add3A_346 = arith.constant 13 : i32
        %add3A_347 = arith.addi %mul3A_271, %add3A_346 : i32
        %get3A_348 = arith.index_cast %add3A_347 : i32 to index
        %get3A_349 = arith.constant 0 : index
        %get3A_350 = tpu.vector_load %arg6[%get3A_348, %get3A_349] {strides = array<i32>} : memref<512x16xi32, #tpu.memory_space<vmem>>, vector<16xi32>,
        %add3A_351 = arith.addi %add3A_345, %get3A_350 : vector<16xi32>
        %add3A_352 = arith.constant 14 : i32
        %add3A_353 = arith.addi %mul3A_271, %add3A_352 : i32
        %get3A_354 = arith.index_cast %add3A_353 : i32 to index
        %get3A_355 = arith.constant 0 : index
        %get3A_356 = tpu.vector_load %arg6[%get3A_354, %get3A_355] {strides = array<i32>} : memref<512x16xi32, #tpu.memory_space<vmem>>, vector<16xi32>,
        %add3A_357 = arith.addi %add3A_351, %get3A_356 : vector<16xi32>
        %add3A_358 = arith.constant 15 : i32
        %add3A_359 = arith.addi %mul3A_271, %add3A_358 : i32
        %get3A_360 = arith.index_cast %add3A_359 : i32 to index
        %get3A_361 = arith.constant 0 : index
        %get3A_362 = tpu.vector_load %arg6[%get3A_360, %get3A_361] {strides = array<i32>} : memref<512x16xi32, #tpu.memory_space<vmem>>, vector<16xi32>,
        %add3A_363 = arith.addi %add3A_357, %get3A_362 : vector<16xi32>
        %reduce_sum3A = arith.constant true
        %reduce_sum3A_364 = vector.broadcast %reduce_sum3A : i1 to vector<16xi1>
        %reduce_sum3A_365 = tpu.scan <sum>, %add3A_363 masked %reduce_sum3A_364 : vector<16xi32>, vector<16xi1> -> vector<16xi32>
        %reduce_sum3A_366 = vector.extract %reduce_sum3A_365[15] : i32 from vector<16xi32>
        %not3A = arith.constant true
        %not3A_367 = arith.xori %scan3A_267, %not3A : i1
        %add3A_368 = arith.addi %scan3A_265, %reduce_sum3A_366 : i32
        %ge3A = arith.cmpi sge, %add3A_368, %sub3A_227 : i32
        %and3A = arith.andi %not3A_367, %ge3A : i1
        %select_n3A_369 = arith.select %and3A, %sub3A_269, %scan3A_266 : i32
        %or3A = arith.ori %scan3A_267, %and3A : i1
        %add3A_370 = arith.addi %scan3A_265, %reduce_sum3A_366 : i32
        %select_n3A_371 = arith.select %or3A, %scan3A_265, %add3A_370 : i32
        %or3A_372 = arith.ori %scan3A_267, %and3A : i1
        scf.yield %select_n3A_371, %select_n3A_369, %or3A_372 : i32, i32, i1
      }
      %scan3A_236 = arith.constant 32 : i32
      %scan3A_237 = arith.constant 0 : i32
      %scan3A_238 = arith.constant false
      %scan3A_239 = arith.constant 0 : i32
      %scan3A_240 = arith.constant 16 : i32
      %scan3A_241 = arith.addi %scan3A_239, %scan3A_240 : i32
      %scan3A_242 = arith.constant 1 : i32
      %scan3A_243:3 = scf.for %scan3A_264 = %scan3A_239 to %scan3A_241 step %scan3A_242 iter_args(%scan3A_265 = %scan3A_235#0, %scan3A_266 = %scan3A_237, %scan3A_267 = %scan3A_238) -> (i32, i32, i1)  : i32 {
        %sub3A_268 = arith.constant 15 : i32
        %sub3A_269 = arith.subi %sub3A_268, %scan3A_264 : i32
        %mul3A_270 = arith.constant 16 : i32
        %mul3A_271 = arith.muli %scan3A_235#1, %mul3A_270 : i32
        %add3A_272 = arith.addi %mul3A_271, %sub3A_269 : i32
        %get3A = arith.index_cast %add3A_272 : i32 to index
        %get3A_273 = arith.constant 0 : index
        %get3A_274 = tpu.vector_load %arg6[%get3A, %get3A_273] {strides = array<i32>} : memref<512x16xi32, #tpu.memory_space<vmem>>, vector<16xi32>,
        %reduce_sum3A = arith.constant true
        %reduce_sum3A_275 = vector.broadcast %reduce_sum3A : i1 to vector<16xi1>
        %reduce_sum3A_276 = tpu.scan <sum>, %get3A_274 masked %reduce_sum3A_275 : vector<16xi32>, vector<16xi1> -> vector<16xi32>
        %reduce_sum3A_277 = vector.extract %reduce_sum3A_276[15] : i32 from vector<16xi32>
        %not3A = arith.constant true
        %not3A_278 = arith.xori %scan3A_267, %not3A : i1
        %add3A_279 = arith.addi %scan3A_265, %reduce_sum3A_277 : i32
        %ge3A = arith.cmpi sge, %add3A_279, %sub3A_227 : i32
        %and3A = arith.andi %not3A_278, %ge3A : i1
        %select_n3A_280 = arith.select %and3A, %sub3A_269, %scan3A_266 : i32
        %or3A = arith.ori %scan3A_267, %and3A : i1
        %add3A_281 = arith.addi %scan3A_265, %reduce_sum3A_277 : i32
        %select_n3A_282 = arith.select %or3A, %scan3A_265, %add3A_281 : i32
        %or3A_283 = arith.ori %scan3A_267, %and3A : i1
        scf.yield %select_n3A_282, %select_n3A_280, %or3A_283 : i32, i32, i1
      }
      %scan3A_244 = arith.constant 16 : i32
      %mul3A_245 = arith.constant 16 : i32
      %mul3A_246 = arith.muli %scan3A_235#1, %mul3A_245 : i32
      %add3A_247 = arith.addi %mul3A_246, %scan3A_243#1 : i32
      %parallel_loop3A_248 = arith.constant 0 : i32
      %parallel_loop3A_249 = arith.constant 512 : i32
      %parallel_loop3A_250 = arith.constant 16 : i32
      scf.for %parallel_loop3A_264 = %parallel_loop3A_248 to %parallel_loop3A_249 step %parallel_loop3A_250  : i32 {
        %parallel_loop3A_265 = arith.constant 0 : i32
        %parallel_loop3A_266 = arith.addi %parallel_loop3A_264, %parallel_loop3A_265 : i32
        %parallel_loop3A_267 = arith.index_cast %parallel_loop3A_266 : i32 to index
        %parallel_loop3A_268 = arith.constant 0 : index
        %parallel_loop3A_269 = tpu.vector_load %arg6[%parallel_loop3A_267, %parallel_loop3A_268] {strides = array<i32>} : memref<512x16xi32, #tpu.memory_space<vmem>>, vector<16xi32>,
        tpu.vector_store %arg6[%parallel_loop3A_267, %parallel_loop3A_268], %broadcast_in_dim3A_5 {strides = array<i32>} : memref<512x16xi32, #tpu.memory_space<vmem>>, vector<16xi32>,
        %parallel_loop3A_270 = arith.constant 1 : i32
        %parallel_loop3A_271 = arith.addi %parallel_loop3A_264, %parallel_loop3A_270 : i32
        %parallel_loop3A_272 = arith.index_cast %parallel_loop3A_271 : i32 to index
        %parallel_loop3A_273 = arith.constant 0 : index
        %parallel_loop3A_274 = tpu.vector_load %arg6[%parallel_loop3A_272, %parallel_loop3A_273] {strides = array<i32>} : memref<512x16xi32, #tpu.memory_space<vmem>>, vector<16xi32>,
        tpu.vector_store %arg6[%parallel_loop3A_272, %parallel_loop3A_273], %broadcast_in_dim3A_5 {strides = array<i32>} : memref<512x16xi32, #tpu.memory_space<vmem>>, vector<16xi32>,
        %parallel_loop3A_275 = arith.constant 2 : i32
        %parallel_loop3A_276 = arith.addi %parallel_loop3A_264, %parallel_loop3A_275 : i32
        %parallel_loop3A_277 = arith.index_cast %parallel_loop3A_276 : i32 to index
        %parallel_loop3A_278 = arith.constant 0 : index
        %parallel_loop3A_279 = tpu.vector_load %arg6[%parallel_loop3A_277, %parallel_loop3A_278] {strides = array<i32>} : memref<512x16xi32, #tpu.memory_space<vmem>>, vector<16xi32>,
        tpu.vector_store %arg6[%parallel_loop3A_277, %parallel_loop3A_278], %broadcast_in_dim3A_5 {strides = array<i32>} : memref<512x16xi32, #tpu.memory_space<vmem>>, vector<16xi32>,
        %parallel_loop3A_280 = arith.constant 3 : i32
        %parallel_loop3A_281 = arith.addi %parallel_loop3A_264, %parallel_loop3A_280 : i32
        %parallel_loop3A_282 = arith.index_cast %parallel_loop3A_281 : i32 to index
        %parallel_loop3A_283 = arith.constant 0 : index
        %parallel_loop3A_284 = tpu.vector_load %arg6[%parallel_loop3A_282, %parallel_loop3A_283] {strides = array<i32>} : memref<512x16xi32, #tpu.memory_space<vmem>>, vector<16xi32>,
        tpu.vector_store %arg6[%parallel_loop3A_282, %parallel_loop3A_283], %broadcast_in_dim3A_5 {strides = array<i32>} : memref<512x16xi32, #tpu.memory_space<vmem>>, vector<16xi32>,
        %parallel_loop3A_285 = arith.constant 4 : i32
        %parallel_loop3A_286 = arith.addi %parallel_loop3A_264, %parallel_loop3A_285 : i32
        %parallel_loop3A_287 = arith.index_cast %parallel_loop3A_286 : i32 to index
        %parallel_loop3A_288 = arith.constant 0 : index
        %parallel_loop3A_289 = tpu.vector_load %arg6[%parallel_loop3A_287, %parallel_loop3A_288] {strides = array<i32>} : memref<512x16xi32, #tpu.memory_space<vmem>>, vector<16xi32>,
        tpu.vector_store %arg6[%parallel_loop3A_287, %parallel_loop3A_288], %broadcast_in_dim3A_5 {strides = array<i32>} : memref<512x16xi32, #tpu.memory_space<vmem>>, vector<16xi32>,
        %parallel_loop3A_290 = arith.constant 5 : i32
        %parallel_loop3A_291 = arith.addi %parallel_loop3A_264, %parallel_loop3A_290 : i32
        %parallel_loop3A_292 = arith.index_cast %parallel_loop3A_291 : i32 to index
        %parallel_loop3A_293 = arith.constant 0 : index
        %parallel_loop3A_294 = tpu.vector_load %arg6[%parallel_loop3A_292, %parallel_loop3A_293] {strides = array<i32>} : memref<512x16xi32, #tpu.memory_space<vmem>>, vector<16xi32>,
        tpu.vector_store %arg6[%parallel_loop3A_292, %parallel_loop3A_293], %broadcast_in_dim3A_5 {strides = array<i32>} : memref<512x16xi32, #tpu.memory_space<vmem>>, vector<16xi32>,
        %parallel_loop3A_295 = arith.constant 6 : i32
        %parallel_loop3A_296 = arith.addi %parallel_loop3A_264, %parallel_loop3A_295 : i32
        %parallel_loop3A_297 = arith.index_cast %parallel_loop3A_296 : i32 to index
        %parallel_loop3A_298 = arith.constant 0 : index
        %parallel_loop3A_299 = tpu.vector_load %arg6[%parallel_loop3A_297, %parallel_loop3A_298] {strides = array<i32>} : memref<512x16xi32, #tpu.memory_space<vmem>>, vector<16xi32>,
        tpu.vector_store %arg6[%parallel_loop3A_297, %parallel_loop3A_298], %broadcast_in_dim3A_5 {strides = array<i32>} : memref<512x16xi32, #tpu.memory_space<vmem>>, vector<16xi32>,
        %parallel_loop3A_300 = arith.constant 7 : i32
        %parallel_loop3A_301 = arith.addi %parallel_loop3A_264, %parallel_loop3A_300 : i32
        %parallel_loop3A_302 = arith.index_cast %parallel_loop3A_301 : i32 to index
        %parallel_loop3A_303 = arith.constant 0 : index
        %parallel_loop3A_304 = tpu.vector_load %arg6[%parallel_loop3A_302, %parallel_loop3A_303] {strides = array<i32>} : memref<512x16xi32, #tpu.memory_space<vmem>>, vector<16xi32>,
        tpu.vector_store %arg6[%parallel_loop3A_302, %parallel_loop3A_303], %broadcast_in_dim3A_5 {strides = array<i32>} : memref<512x16xi32, #tpu.memory_space<vmem>>, vector<16xi32>,
        %parallel_loop3A_305 = arith.constant 8 : i32
        %parallel_loop3A_306 = arith.addi %parallel_loop3A_264, %parallel_loop3A_305 : i32
        %parallel_loop3A_307 = arith.index_cast %parallel_loop3A_306 : i32 to index
        %parallel_loop3A_308 = arith.constant 0 : index
        %parallel_loop3A_309 = tpu.vector_load %arg6[%parallel_loop3A_307, %parallel_loop3A_308] {strides = array<i32>} : memref<512x16xi32, #tpu.memory_space<vmem>>, vector<16xi32>,
        tpu.vector_store %arg6[%parallel_loop3A_307, %parallel_loop3A_308], %broadcast_in_dim3A_5 {strides = array<i32>} : memref<512x16xi32, #tpu.memory_space<vmem>>, vector<16xi32>,
        %parallel_loop3A_310 = arith.constant 9 : i32
        %parallel_loop3A_311 = arith.addi %parallel_loop3A_264, %parallel_loop3A_310 : i32
        %parallel_loop3A_312 = arith.index_cast %parallel_loop3A_311 : i32 to index
        %parallel_loop3A_313 = arith.constant 0 : index
        %parallel_loop3A_314 = tpu.vector_load %arg6[%parallel_loop3A_312, %parallel_loop3A_313] {strides = array<i32>} : memref<512x16xi32, #tpu.memory_space<vmem>>, vector<16xi32>,
        tpu.vector_store %arg6[%parallel_loop3A_312, %parallel_loop3A_313], %broadcast_in_dim3A_5 {strides = array<i32>} : memref<512x16xi32, #tpu.memory_space<vmem>>, vector<16xi32>,
        %parallel_loop3A_315 = arith.constant 10 : i32
        %parallel_loop3A_316 = arith.addi %parallel_loop3A_264, %parallel_loop3A_315 : i32
        %parallel_loop3A_317 = arith.index_cast %parallel_loop3A_316 : i32 to index
        %parallel_loop3A_318 = arith.constant 0 : index
        %parallel_loop3A_319 = tpu.vector_load %arg6[%parallel_loop3A_317, %parallel_loop3A_318] {strides = array<i32>} : memref<512x16xi32, #tpu.memory_space<vmem>>, vector<16xi32>,
        tpu.vector_store %arg6[%parallel_loop3A_317, %parallel_loop3A_318], %broadcast_in_dim3A_5 {strides = array<i32>} : memref<512x16xi32, #tpu.memory_space<vmem>>, vector<16xi32>,
        %parallel_loop3A_320 = arith.constant 11 : i32
        %parallel_loop3A_321 = arith.addi %parallel_loop3A_264, %parallel_loop3A_320 : i32
        %parallel_loop3A_322 = arith.index_cast %parallel_loop3A_321 : i32 to index
        %parallel_loop3A_323 = arith.constant 0 : index
        %parallel_loop3A_324 = tpu.vector_load %arg6[%parallel_loop3A_322, %parallel_loop3A_323] {strides = array<i32>} : memref<512x16xi32, #tpu.memory_space<vmem>>, vector<16xi32>,
        tpu.vector_store %arg6[%parallel_loop3A_322, %parallel_loop3A_323], %broadcast_in_dim3A_5 {strides = array<i32>} : memref<512x16xi32, #tpu.memory_space<vmem>>, vector<16xi32>,
        %parallel_loop3A_325 = arith.constant 12 : i32
        %parallel_loop3A_326 = arith.addi %parallel_loop3A_264, %parallel_loop3A_325 : i32
        %parallel_loop3A_327 = arith.index_cast %parallel_loop3A_326 : i32 to index
        %parallel_loop3A_328 = arith.constant 0 : index
        %parallel_loop3A_329 = tpu.vector_load %arg6[%parallel_loop3A_327, %parallel_loop3A_328] {strides = array<i32>} : memref<512x16xi32, #tpu.memory_space<vmem>>, vector<16xi32>,
        tpu.vector_store %arg6[%parallel_loop3A_327, %parallel_loop3A_328], %broadcast_in_dim3A_5 {strides = array<i32>} : memref<512x16xi32, #tpu.memory_space<vmem>>, vector<16xi32>,
        %parallel_loop3A_330 = arith.constant 13 : i32
        %parallel_loop3A_331 = arith.addi %parallel_loop3A_264, %parallel_loop3A_330 : i32
        %parallel_loop3A_332 = arith.index_cast %parallel_loop3A_331 : i32 to index
        %parallel_loop3A_333 = arith.constant 0 : index
        %parallel_loop3A_334 = tpu.vector_load %arg6[%parallel_loop3A_332, %parallel_loop3A_333] {strides = array<i32>} : memref<512x16xi32, #tpu.memory_space<vmem>>, vector<16xi32>,
        tpu.vector_store %arg6[%parallel_loop3A_332, %parallel_loop3A_333], %broadcast_in_dim3A_5 {strides = array<i32>} : memref<512x16xi32, #tpu.memory_space<vmem>>, vector<16xi32>,
        %parallel_loop3A_335 = arith.constant 14 : i32
        %parallel_loop3A_336 = arith.addi %parallel_loop3A_264, %parallel_loop3A_335 : i32
        %parallel_loop3A_337 = arith.index_cast %parallel_loop3A_336 : i32 to index
        %parallel_loop3A_338 = arith.constant 0 : index
        %parallel_loop3A_339 = tpu.vector_load %arg6[%parallel_loop3A_337, %parallel_loop3A_338] {strides = array<i32>} : memref<512x16xi32, #tpu.memory_space<vmem>>, vector<16xi32>,
        tpu.vector_store %arg6[%parallel_loop3A_337, %parallel_loop3A_338], %broadcast_in_dim3A_5 {strides = array<i32>} : memref<512x16xi32, #tpu.memory_space<vmem>>, vector<16xi32>,
        %parallel_loop3A_340 = arith.constant 15 : i32
        %parallel_loop3A_341 = arith.addi %parallel_loop3A_264, %parallel_loop3A_340 : i32
        %parallel_loop3A_342 = arith.index_cast %parallel_loop3A_341 : i32 to index
        %parallel_loop3A_343 = arith.constant 0 : index
        %parallel_loop3A_344 = tpu.vector_load %arg6[%parallel_loop3A_342, %parallel_loop3A_343] {strides = array<i32>} : memref<512x16xi32, #tpu.memory_space<vmem>>, vector<16xi32>,
        tpu.vector_store %arg6[%parallel_loop3A_342, %parallel_loop3A_343], %broadcast_in_dim3A_5 {strides = array<i32>} : memref<512x16xi32, #tpu.memory_space<vmem>>, vector<16xi32>,
      } {sc.loop_unroll_factor = 2 : i64, sc.parallel_access}
      %mul3A_251 = arith.constant 512 : i32
      %mul3A_252 = arith.muli %add3A_221, %mul3A_251 : i32
      %add3A_253 = arith.addi %mul3A_252, %add3A_247 : i32
      %mul3A_254 = arith.constant 16 : i32
      %mul3A_255 = arith.muli %add3A_253, %mul3A_254 : i32
      %parallel_loop3A_256 = arith.constant 0 : i32
      %parallel_loop3A_257 = arith.constant 3136 : i32
      %parallel_loop3A_258 = arith.constant 1 : i32
      scf.for %parallel_loop3A_264 = %parallel_loop3A_256 to %parallel_loop3A_257 step %parallel_loop3A_258  : i32 {
        %parallel_loop3A_265 = arith.constant 16 : i32
        %parallel_loop3A_266 = arith.muli %parallel_loop3A_264, %parallel_loop3A_265 : i32
        %parallel_loop3A_267 = arith.index_cast %parallel_loop3A_266 : i32 to index
        %parallel_loop3A_268 = tpu.vector_load %arg5[%parallel_loop3A_267] {strides = array<i32>} : memref<50176xf32, #tpu.memory_space<vmem>>, vector<16xf32>,
        %parallel_loop3A_269 = vector.bitcast %parallel_loop3A_268 : vector<16xf32> to vector<16xi32>
        %parallel_loop3A_270 = arith.constant 2147483647 : i32
        %parallel_loop3A_271 = vector.broadcast %parallel_loop3A_270 : i32 to vector<16xi32>
        %parallel_loop3A_272 = arith.andi %parallel_loop3A_269, %parallel_loop3A_271 : vector<16xi32>
        %parallel_loop3A_273 = vector.broadcast %mul3A_255 : i32 to vector<16xi32>
        %parallel_loop3A_274 = arith.cmpi sge, %parallel_loop3A_272, %parallel_loop3A_273 : vector<16xi32>
        %parallel_loop3A_275 = arith.constant 0.000000e+00 : f32
        %parallel_loop3A_276 = vector.broadcast %parallel_loop3A_275 : f32 to vector<16xf32>
        %parallel_loop3A_277 = arith.select %parallel_loop3A_274, %parallel_loop3A_268, %parallel_loop3A_276 : vector<16xi1>, vector<16xf32>
        %parallel_loop3A_278 = arith.constant 16 : i32
        %parallel_loop3A_279 = arith.muli %parallel_loop3A_264, %parallel_loop3A_278 : i32
        %parallel_loop3A_280 = arith.index_cast %parallel_loop3A_279 : i32 to index
        %parallel_loop3A_281 = tpu.vector_load %arg5[%parallel_loop3A_280] {strides = array<i32>} : memref<50176xf32, #tpu.memory_space<vmem>>, vector<16xf32>,
        tpu.vector_store %arg5[%parallel_loop3A_280], %parallel_loop3A_277 {strides = array<i32>} : memref<50176xf32, #tpu.memory_space<vmem>>, vector<16xf32>,
      } {sc.loop_unroll_factor = 16 : i64, sc.parallel_access}
      %mul3A_259 = arith.constant 50176 : i32
      %mul3A_260 = arith.muli %add3A_39, %mul3A_259 : i32
      %dma_start3A_261 = tpu.memref_slice %arg3[%mul3A_260] : memref<38535168xf32, #tpu.memory_space<hbm>> -> memref<50176xf32, #tpu.memory_space<hbm>>
      %dma_start3A_262 = tpu.memref_slice %arg3[%mul3A_260] : memref<38535168xf32, #tpu.memory_space<hbm>> -> memref<50176xf32, #tpu.memory_space<hbm>>
      tpu.enqueue_dma source(%arg5 : memref<50176xf32, #tpu.memory_space<vmem>>) target(%dma_start3A_262 : memref<50176xf32, #tpu.memory_space<hbm>>) target_semaphore(%arg10 : memref<!tpu.dma_semaphore, #tpu.memory_space<semaphore_mem>>)
      %scan3A_263 = arith.constant 0 : i32
      scf.yield %scan3A_263 : i32
    }
    %scan3A_22 = arith.constant 12 : i32
    %mul3A_23 = arith.constant 50176 : i32
    %mul3A_24 = arith.muli %mul3A_2, %mul3A_23 : i32
    %dma_wait3A = tpu.memref_slice %arg2[%mul3A_24] : memref<38535168xf32, #tpu.memory_space<hbm>> -> memref<50176xf32, #tpu.memory_space<hbm>>
    %dma_wait3A_25 = tpu.memref_slice %arg2[%mul3A_24] : memref<38535168xf32, #tpu.memory_space<hbm>> -> memref<50176xf32, #tpu.memory_space<hbm>>
    tpu.wait_dma2 semaphore(%arg7 : memref<!tpu.dma_semaphore, #tpu.memory_space<semaphore_mem>>) src(%dma_wait3A_25 : memref<50176xf32, #tpu.memory_space<hbm>>) dst(%arg4 : memref<50176xf32, #tpu.memory_space<vmem>>)
    %add3A_26 = arith.constant 24 : i32
    %add3A_27 = arith.addi %mul3A_2, %add3A_26 : i32
    %sub3A = arith.constant 1 : i32
    %sub3A_28 = arith.subi %add3A_27, %sub3A : i32
    %mul3A_29 = arith.constant 50176 : i32
    %mul3A_30 = arith.muli %sub3A_28, %mul3A_29 : i32
    %dma_wait3A_31 = tpu.memref_slice %arg3[%mul3A_30] : memref<38535168xf32, #tpu.memory_space<hbm>> -> memref<50176xf32, #tpu.memory_space<hbm>>
    %dma_wait3A_32 = tpu.memref_slice %arg3[%mul3A_30] : memref<38535168xf32, #tpu.memory_space<hbm>> -> memref<50176xf32, #tpu.memory_space<hbm>>
    tpu.wait_dma2 semaphore(%arg10 : memref<!tpu.dma_semaphore, #tpu.memory_space<semaphore_mem>>) src(%arg5 : memref<50176xf32, #tpu.memory_space<vmem>>) dst(%dma_wait3A_32 : memref<50176xf32, #tpu.memory_space<hbm>>)
    return
  }
}

</mosaic_0001>

<sc_bundles>
// kernel: kernel.3.cloned.1.call-start
scs
__scs_entry_jumppad:
0x0: {  	(pc) =	sbr.rel $0x88, $3  }
0x1: {  	(tag) =	ssettag $0x0;
	lr =	simm.s32 $0x1  }
0x2: {  	[smem:$0x3FA0] =	sst lr;
	_ =	strace $0xD0000000  }
0x3: {  	_ = 	snop  }
0x4: {  	_ = 	snop  }
0x5: {  	_ = 	snop  }
0x6: {  	_ = 	snop  }
0x7: {  	_ = 	snop  }
__scs_overlays_trampoline_lowered:
0x8: {  	[smem:$0x3FAF] =	sst s0  }
0x9: {  	[smem:$0x3FB0] =	sst s1  }
0xa: {  	[smem:$0x3FB1] =	sst s2  }
0xb: {  	[smem:$0x3FB2] =	sst s3  }
0xc: {  	[smem:$0x3FB3] =	sst s4  }
0xd: {  	[smem:$0x3FB4] =	sst s5  }
0xe: {  	[smem:$0x3FB5] =	sst s6  }
0xf: {  	[smem:$0x3FB6] =	sst s7  }
0x10: {  	[smem:$0x3FB7] =	sst s8  }
0x11: {  	[smem:$0x3FB8] =	sst s9;
	s0 =	simm.s32 @!p0 $0x0  }
0x12: {  	s1 =	sld [smem:$0x3F9E];
	s0 =	simm.s32 @p0 $0x1  }
0x13: {  	[smem:$0x3FB9] =	sst s0;
	s0 =	simm.s32 @!p1 $0x0  }
0x14: {  	s2 =	sld [smem:$0x3F9D];
	s0 =	simm.s32 @p1 $0x1  }
0x15: {  	[smem:$0x3FBA] =	sst s0;
	s0 =	simm.s32 @!p2 $0x0  }
0x16: {  	s3 =	sld [smem:$0x3FDB];
	s0 =	simm.s32 @p2 $0x1  }
0x17: {  	s4 =	simm.s32 $0x1BF5;
	[smem:$0x3FBC] =	sst s0  }
0x18: {  	s0 =	sld [smem:$0x3F9F];
	_ =	swait.ge [sflag:s4], $0x0  }
0x19: {  	s7 =	sld [smem:$0x3FA0]  }
0x1a: {  	s8 =	sadd.s32 $0xFFFFE003, lr  }
0x1b: {  	s9 =	sadd.s32 $0xFFFFFEF7, lr;
	s5 =	simm.s32 $0xFFFFFFFF;
	p2 =	slt.u32 s8, $0xFFFFF086  }
0x1c: {  	p1 =	slt.u32 s9, $0xF7A;
	s5 =	simm.s32 @!p2 $0x0  }
0x1d: {  	s5 =	simm.s32 @p1 $0x1;
	p0 =	seq.s32 s7, s2  }
0x1e: {  	s7 =	smul.u32 @!p0 $0xF7A, s2;
	p2 =	seq.s32 @!p0 s5, $0x0  }
0x1f: {  	s9 =	smul.u32 $0xF7A, s1;
	s8 =	simm.s32 @!p0 $0x1BF5;
	p2 =	por !p2, p0  }
0x20: {  	[sflag:s8] =	ssyncset.s32 @!p0 $0xFFFFF086;
	s6 =	sadd.s32 @!p0 s3, s7;
	s7 =	simm.s32 @!p0 $0x108  }
0x21: {  	s3 =	sadd.s32 s3, s9;
	s6 =	sadd.s32 @!p0 $0x88, s6;
	s7 =	simm.s32 @p2 $0x1082  }
0x22: {  	[simem:s7], [sflag:s8] =	dma.local @!p0 [hbm:s6], $0xF7A  }
0x23: {  	s9 =	sor.u32 $0xD0000000, s2;
	s6 =	simm.s32 $0x108;
	_ =	swait.ge @!p0 [sflag:s8], $0x0  }
0x24: {  	s3 =	sadd.s32 $0x88, s3;
	s6 =	simm.s32 @!p1 $0x1082;
	[sflag:s4] =	ssyncset.s32 $0xFFFFF086  }
0x25: {  	[simem:s6], [sflag:s4] =	dma.local [hbm:s3], $0xF7A  }
0x26: {  	[smem:$0x3FA0] =	sst s1;
	(tag) =	ssettag s2;
	_ =	strace s9  }
0x27: {  	s1 =	sld [smem:$0x3FB0]  }
0x28: {  	s2 =	sld [smem:$0x3FB1]  }
0x29: {  	s4 =	sld [smem:$0x3FB3]  }
0x2a: {  	p0 =	seq.s32 s5, $0x0;
	s5 =	sld [smem:$0x3FB4]  }
0x2b: {  	s6 =	sld [smem:$0x3FB5]  }
0x2c: {  	s7 =	sld [smem:$0x3FB6]  }
0x2d: {  	s3 =	simm.s32 $0x108;
	s8 =	sld [smem:$0x3FB7]  }
0x2e: {  	s3 =	simm.s32 @!p0 $0x1082;
	s9 =	sld [smem:$0x3FB8]  }
0x2f: {  	lr =	sadd.s32 s0, s3;
	s0 =	sld [smem:$0x3FAF]  }
0x30: {  	s3 =	sld [smem:$0x3FB2]  }
0x31: {  	[smem:$0x3FBB] =	sst s10  }
0x32: {  	s10 =	sld [smem:$0x3FB9];
	_ =	sdelay $0x3  }
0x33: {  	p0 =	seq.s32 s10, $0x1;
	s10 =	sld [smem:$0x3FBB];
	_ =	sdelay $0x3  }
0x34: {  	[smem:$0x3FBB] =	sst s10  }
0x35: {  	s10 =	sld [smem:$0x3FBA];
	_ =	sdelay $0x3  }
0x36: {  	p1 =	seq.s32 s10, $0x1;
	s10 =	sld [smem:$0x3FBB];
	_ =	sdelay $0x3  }
0x37: {  	[smem:$0x3FBB] =	sst s10  }
0x38: {  	s10 =	sld [smem:$0x3FBC]  }
0x39: {  	_ = 	snop;
	(pc) =	sbr.ind lr, $3  }
0x3a: {  	_ = 	snop  }
0x3b: {  	_ = 	snop  }
0x3c: {  	p2 =	seq.s32 s10, $0x1;
	s10 =	sld [smem:$0x3FBB]  }
0x3d: {  	_ =	shalt  }
0x3e: {  	_ =	shalt  }
0x3f: {  	_ =	shalt  }
0x40: {  	_ =	shalt  }
0x41: {  	_ =	shalt  }
0x42: {  	_ =	shalt  }
0x43: {  	_ =	shalt  }
0x44: {  	_ =	shalt  }
0x45: {  	_ =	shalt  }
0x46: {  	_ =	shalt  }
0x47: {  	_ =	shalt  }
0x48: {  	_ =	shalt  }
0x49: {  	_ =	shalt  }
0x4a: {  	_ =	shalt  }
0x4b: {  	_ =	shalt  }
0x4c: {  	_ =	shalt  }
0x4d: {  	_ =	shalt  }
0x4e: {  	_ =	shalt  }
0x4f: {  	_ =	shalt  }
0x50: {  	_ =	shalt  }
0x51: {  	_ =	shalt  }
0x52: {  	_ =	shalt  }
0x53: {  	_ =	shalt  }
0x54: {  	_ =	shalt  }
0x55: {  	_ =	shalt  }
0x56: {  	_ =	shalt  }
0x57: {  	_ =	shalt  }
0x58: {  	_ =	shalt  }
0x59: {  	_ =	shalt  }
0x5a: {  	_ =	shalt  }
0x5b: {  	_ =	shalt  }
0x5c: {  	_ =	shalt  }
0x5d: {  	_ =	shalt  }
0x5e: {  	_ =	shalt  }
0x5f: {  	_ =	shalt  }
0x60: {  	_ =	shalt  }
0x61: {  	_ =	shalt  }
0x62: {  	_ =	shalt  }
0x63: {  	_ =	shalt  }
0x64: {  	_ =	shalt  }
0x65: {  	_ =	shalt  }
0x66: {  	_ =	shalt  }
0x67: {  	_ =	shalt  }
0x68: {  	_ =	shalt  }
0x69: {  	_ =	shalt  }
0x6a: {  	_ =	shalt  }
0x6b: {  	_ =	shalt  }
0x6c: {  	_ =	shalt  }
0x6d: {  	_ =	shalt  }
0x6e: {  	_ =	shalt  }
0x6f: {  	_ =	shalt  }
0x70: {  	_ =	shalt  }
0x71: {  	_ =	shalt  }
0x72: {  	_ =	shalt  }
0x73: {  	_ =	shalt  }
0x74: {  	_ =	shalt  }
0x75: {  	_ =	shalt  }
0x76: {  	_ =	shalt  }
0x77: {  	_ =	shalt  }
0x78: {  	_ =	shalt  }
0x79: {  	_ =	shalt  }
0x7a: {  	_ =	shalt  }
0x7b: {  	_ =	shalt  }
0x7c: {  	_ =	shalt  }
0x7d: {  	_ =	shalt  }
0x7e: {  	_ =	shalt  }
0x7f: {  	_ =	shalt  }
0x80: {  	_ =	shalt  }
0x81: {  	_ =	shalt  }
0x82: {  	_ =	shalt  }
0x83: {  	_ =	shalt  }
0x84: {  	_ =	shalt  }
0x85: {  	_ =	shalt  }
0x86: {  	_ =	shalt  }
0x87: {  	_ =	shalt  }
.Lfunc_end0:
.L_simem_size_0:
called_computation_lowered:
.L_overlay_start_0:
0x88: {  	s2 =	sld [smem:$0x3FD9]  }
0x89: {  	s3 =	sld [smem:$0x3FFE];
	_ =	sdelay $0x1  }
0x8a: {  	s1 =	srdreg.scid  }
0x8b: {  	s0 =	sand.u32 $0x1, s1  }
0x8c: {  	s17 =	sshll.u32 s0, $0xA;
	s2 =	sadd.s32 s3, s2  }
0x8d: {  	s2 =	sadd.s32 s2, s17  }
0x8e: {  	[smem:$0x3FC7] =	sst s2  }
0x8f: {  	_ = 	snop  }
0x90: {  	s2 =	sld [smem:$0x3FD0];
	(tm) =	ssettm $0x1  }
0x91: {  	s18 =	sld [smem:$0x3FFB];
	_ =	sdelay $0x3  }
0x92: {  	_ =	strace s18  }
0x93: {  	s3 =	sld [smem:$0x3FFC];
	_ =	sdelay $0x3  }
0x94: {  	_ =	strace s3  }
0x95: {  	s3 =	sld [smem:$0x3FFD];
	_ =	sdelay $0x3  }
0x96: {  	_ =	strace s3  }
0x97: {  	_ =	strace $0x8FFFFFFF  }
0x98: {  	s19 =	sld [smem:$0x3FDB];
	_ =	sdelay $0x1  }
0x99: {  	s4 =	simm.s32 $_scs_section_size  }
0x9a: {  	s5 =	simm.s32 $_size__tile_overlayer_lowered;
	s6 =	simm.s32 $_tile_overlayer_lowered  }
0x9b: {  	s22 =	simm.s32 $0x1BFF;
	s21 =	sshll.u32 s6, $0x1;
	s3 =	sadd.s32 s4, s19  }
0x9c: {  	s7 =	simm.s32 $0x0;
	s20 =	sshll.u32 s5, $0x1;
	s5 =	sadd.s32 s21, s3  }
0x9d: {  	[timem:s7], [sflag:s22] =	dma.local [hbm:s5], s20  }
0x9e: {  	_ =	swait.ge [sflag:s22], s20  }
0x9f: {  	s4 =	ssub.s32 $0x0, s20;
	[sflag:s22] =	ssyncset.done $0x0  }
0xa0: {  	[sflag:s22] =	ssyncadd.s32 s4;
	_ =	sdelay $0x1  }
0xa1: {  	s23 =	simm.s32 $0x1B8B  }
0xa2: {  	_ =	swait.ge [sflag:s23], $0x1  }
0xa3: {  	[sflag:s23] =	ssyncset.done $0x0  }
0xa4: {  	s25 =	simm.s32 $0x1B8E;
	s24 =	sld [smem:$0x3FFE];
	[sflag:s23] =	ssyncadd.s32 $0xFFFFFFFF  }
0xa5: {  	s26 =	simm.s32 $execute0_lowered;
	[smem:$0x3FD2] =	sst s25  }
0xa6: {  	s5 =	sshll.u32 s26, $0x1;
	_ =	strace $0x80000046;
	[dreg:$0x1] =	wrdreg $0xFFFFFFFF  }
0xa7: {  	s28 =	simm.s32 $_size_execute0_lowered;
	s3 =	sadd.s32 s3, s5;
	[dreg:$0x0] =	wrdreg $0x0  }
0xa8: {  	s5 =	sshll.u32 s28, $0x1;
	[dreg:$0x2] =	wrdreg s3  }
0xa9: {  	[dreg:$0x3] =	wrdreg s5  }
0xaa: {  	[dreg:$0x4] =	wrdreg $0xC0  }
0xab: {  	_ =	task [dreg:s7], $0x5FFFF  }
0xac: {  	[dreg:$0x1] =	wrdreg $0xFFFFFFFF  }
0xad: {  	[dreg:$0x0] =	wrdreg $0x60  }
0xae: {  	[dreg:$0x2] =	wrdreg s2  }
0xaf: {  	[dreg:$0x3] =	wrdreg s24  }
0xb0: {  	[dreg:$0x4] =	wrdreg $0x9  }
0xb1: {  	_ =	task.clear_ibuf [dreg:s7], $0x5FFFF;
	_ =	strace $0x90000046  }
0xb2: {  	s29 =	simm.s32 $0x9;
	_ =	strace $0x80000048  }
0xb3: {  	_ =	swait.ge [sflag:s29], $0x1  }
0xb4: {  	[sflag:s29] =	ssyncadd.s32 $0xFFFFFFFF  }
0xb5: {  	_ =	strace $0x90000048  }
0xb6: {  	_ =	sfence  }
0xb7: {  	s30 =	sld [smem:$0x0];
	_ =	sdelay $0x2  }
0xb8: {  	s31 =	sshll.u32 s1, $0xD;
	s1 =	sshrl.u32 s1, $0x2  }
0xb9: {  	s3 =	sand.u32 $0x4000, s31;
	s1 =	sadd.s32 s1, s30  }
0xba: {  	s0 =	sor.u32 s3, s0;
	s1 =	sshll.u32 s1, $0x11  }
0xbb: {  	s0 =	sor.u32 s1, s0  }
0xbc: {  	s0 =	sadd.s32 $0x8F2B, s0  }
0xbd: {  	[sflag:s0] =	ssyncadd.remote.s32 $0x1  }
0xbe: {  	_ =	sfence.sel $0xFFFF  }
0xbf: {  	[dreg:$0x0] =	wrdreg $0xFFFFFFFF;
	(pc) =	sbr.abs _section_cstart, $3  }
0xc0: {  	[dreg:$0x1] =	wrdreg $0xFFFFFFFF  }
0xc1: {  	_ =	task.clear_ibuf [dreg:s7], $0x2FFFF;
	_ =	strace $0x9FFFFFFF  }
0xc2: {  	(tm) =	ssettm $0x7FFFFFFF  }
0xc3: {  	_ =	shalt  }
tec
execute0_lowered:
.L_overlay_start_1:
0x0: {  	(tag) =	ssettag $0x1  }
0x1: {  	s2 =	rddreg [dreg:$0x0];
	s0 =	srdreg.scid  }
0x2: {  	s3 =	stileid.u32;
	s1 =	rddreg [dreg:$0x1];
	s9 =	simm.s32 $0xC400  }
0x3: {  	s10 =	simm.s32 $0x1;
	s0 =	sand.u32 $0x1, s0;
	s4 =	sshll.u32 s3, $0x1  }
0x4: {  	s11 =	simm.s32 $0x18800;
	s12 =	simm.s32 $0x4;
	s5 =	sor.u32 s0, s4  }
0x5: {  	s13 =	simm.s32 $0x2;
	s14 =	simm.s32 $0x3;
	s6 =	smul.u32 $0x126000, s5  }
0x6: {  	s15 =	simm.s32 $0x0;
	s3 =	simm.s32 $0x0;
	s8 =	smul.u32 $0x24C00, s5  }
.Ltmp0:
0x7: {  	[smem:$0x7FF] =	sst s3;
	s0 =	ssub.s32 $0x2, s0;
	(pc) =	sbr.rel .LBB2_1-.Ltmp0, $4  }
0x8: {  	s4 =	sadd.s32 $0x400, s1;
	_ =	strace $0x80000047;
	s30 =	sshrl.u32 s6, $0x3  }
0x9: {  	s7 =	sshrl.u32 s0, $0x1;
	s31 =	sadd.s32 s2, s8;
	s1 =	sadd.s32 s4, s30  }
0xa: {  	s0 =	ssub.s32 s0, s7;
	[dreg:$0x3] =	wrdreg s31;
	s1 =	sadd.s32 $0x1880, s1  }
0xb: {  	v0 =	vimm.s32 $0x0;
	v1 =	vlaneseq.u32;
	v2 =	vimm.s32 $0x1;
	s5 =	smul.u32 $0x18, s5;
	s8 =	smax.u32 s0, $0x1;
	[dreg:$0x4] =	wrdreg s1  }
.LBB2_77:
0xc: {  	s15 =	sadd.s32 $0x1, s15  }
0xd: {  	_ =	swait.ge [sflag:s10], $0xC400;
	p0 =	sne.s32 s15, s8  }
.Ltmp1:
0xe: {  	[sflag:s10] =	ssyncset.done $0x0;
	(pc) =	sbr.rel @!p0 .LBB2_78-.Ltmp1, $4  }
0xf: {  	[sflag:s10] =	ssyncadd.s32 $0xFFFF3C00  }
0x10: {  	_ =	swait.ge [sflag:s12], $0xC400  }
0x11: {  	[sflag:s12] =	ssyncset.done $0x0  }
0x12: {  	[sflag:s12] =	ssyncadd.s32 $0xFFFF3C00  }
.LBB2_1:
0x13: {  	s16 =	simm.s32 $0x18900  }
0x14: {  	[tilespmem:s16+$0xFFFFFF00] =	vst v0  }
0x15: {  	[tilespmem:s16+$0xF0] =	vst v0  }
0x16: {  	[tilespmem:s16+$0xE0] =	vst v0  }
0x17: {  	[tilespmem:s16+$0xD0] =	vst v0  }
0x18: {  	[tilespmem:s16+$0xC0] =	vst v0  }
0x19: {  	[tilespmem:s16+$0xB0] =	vst v0  }
0x1a: {  	[tilespmem:s16+$0xA0] =	vst v0  }
0x1b: {  	[tilespmem:s16+$0x90] =	vst v0  }
0x1c: {  	[tilespmem:s16+$0x80] =	vst v0  }
0x1d: {  	[tilespmem:s16+$0x70] =	vst v0  }
0x1e: {  	[tilespmem:s16+$0x60] =	vst v0  }
0x1f: {  	[tilespmem:s16+$0x50] =	vst v0  }
0x20: {  	[tilespmem:s16+$0x40] =	vst v0  }
0x21: {  	[tilespmem:s16+$0x30] =	vst v0  }
0x22: {  	[tilespmem:s16+$0x20] =	vst v0  }
0x23: {  	[tilespmem:s16+$0x10] =	vst v0  }
0x24: {  	[tilespmem:s16+$0x0] =	vst v0  }
0x25: {  	[tilespmem:s16+$0xFFFFFFF0] =	vst v0  }
0x26: {  	[tilespmem:s16+$0xFFFFFFE0] =	vst v0  }
0x27: {  	[tilespmem:s16+$0xFFFFFFD0] =	vst v0  }
0x28: {  	[tilespmem:s16+$0xFFFFFFC0] =	vst v0  }
0x29: {  	[tilespmem:s16+$0xFFFFFFB0] =	vst v0  }
0x2a: {  	[tilespmem:s16+$0xFFFFFFA0] =	vst v0  }
0x2b: {  	[tilespmem:s16+$0xFFFFFF90] =	vst v0  }
0x2c: {  	[tilespmem:s16+$0xFFFFFF80] =	vst v0  }
0x2d: {  	[tilespmem:s16+$0xFFFFFF70] =	vst v0  }
0x2e: {  	[tilespmem:s16+$0xFFFFFF60] =	vst v0  }
0x2f: {  	[tilespmem:s16+$0xFFFFFF50] =	vst v0  }
0x30: {  	[tilespmem:s16+$0xFFFFFF40] =	vst v0  }
0x31: {  	[tilespmem:s16+$0xFFFFFF30] =	vst v0  }
0x32: {  	s1 =	simm.s32 $0x0;
	[tilespmem:s16+$0xFFFFFF20] =	vst v0  }
.LBB2_2:
0x33: {  	s1 =	sadd.s32 $0x20, s1;
	[tilespmem:s16+$0xFFFFFF10] =	vst v0;
	s16 =	sadd.s32 $0x200, s16  }
0x34: {  	[tilespmem:s16+$0xFFFFFF00] =	vst v0;
	p0 =	slt.u32 s1, $0x1E0  }
0x35: {  	[tilespmem:s16+$0xF0] =	vst v0  }
0x36: {  	[tilespmem:s16+$0xE0] =	vst v0  }
0x37: {  	[tilespmem:s16+$0xD0] =	vst v0  }
0x38: {  	[tilespmem:s16+$0xC0] =	vst v0  }
0x39: {  	[tilespmem:s16+$0xB0] =	vst v0  }
0x3a: {  	[tilespmem:s16+$0xA0] =	vst v0  }
0x3b: {  	[tilespmem:s16+$0x90] =	vst v0  }
0x3c: {  	[tilespmem:s16+$0x80] =	vst v0  }
0x3d: {  	[tilespmem:s16+$0x70] =	vst v0  }
0x3e: {  	[tilespmem:s16+$0x60] =	vst v0  }
0x3f: {  	[tilespmem:s16+$0x50] =	vst v0  }
0x40: {  	[tilespmem:s16+$0x40] =	vst v0  }
0x41: {  	[tilespmem:s16+$0x30] =	vst v0  }
0x42: {  	[tilespmem:s16+$0x20] =	vst v0  }
0x43: {  	[tilespmem:s16+$0x10] =	vst v0  }
0x44: {  	[tilespmem:s16+$0x0] =	vst v0  }
0x45: {  	[tilespmem:s16+$0xFFFFFFF0] =	vst v0  }
0x46: {  	[tilespmem:s16+$0xFFFFFFE0] =	vst v0  }
0x47: {  	[tilespmem:s16+$0xFFFFFFD0] =	vst v0  }
0x48: {  	[tilespmem:s16+$0xFFFFFFC0] =	vst v0  }
0x49: {  	[tilespmem:s16+$0xFFFFFFB0] =	vst v0  }
0x4a: {  	[tilespmem:s16+$0xFFFFFFA0] =	vst v0  }
0x4b: {  	[tilespmem:s16+$0xFFFFFF90] =	vst v0  }
0x4c: {  	[tilespmem:s16+$0xFFFFFF80] =	vst v0  }
0x4d: {  	[tilespmem:s16+$0xFFFFFF70] =	vst v0  }
.Ltmp2:
0x4e: {  	[tilespmem:s16+$0xFFFFFF60] =	vst v0;
	(pc) =	sbr.rel @p0 .LBB2_2-.Ltmp2, $4  }
0x4f: {  	[tilespmem:s16+$0xFFFFFF50] =	vst v0  }
0x50: {  	[tilespmem:s16+$0xFFFFFF40] =	vst v0  }
0x51: {  	[tilespmem:s16+$0xFFFFFF30] =	vst v0  }
0x52: {  	[tilespmem:s16+$0xFFFFFF20] =	vst v0  }
0x53: {  	[tilespmem:s16+$0xFFFFFF10] =	vst v0  }
0x54: {  	s16 =	simm.s32 $0x0;
	s0 =	rddreg [dreg:$0x3]  }
0x55: {  	[tilespmem:s16], [sflag:$0x1] =	stream.linear.gather [hbm4b:s0+s16], $0xC400, $0x38;
	[tilespmem:$0x1A800] =	vst v63  }
0x56: {  	s31 =	rddreg [dreg:$0x4]  }
0x57: {  	[hbm4b:s31+s16] =	stream.linear.scatter [tilespmem:s9], [sflag:$0x4], $0xC400, $0x38;
	[tilespmem:$0x1A800] =	vst v63  }
.LBB2_4:
0x58: {  	_ =	swait.ge [sflag:s10], $0xC400  }
0x59: {  	[sflag:s10] =	ssyncset.done $0x0  }
0x5a: {  	s17 =	simm.s32 $0x80;
	[sflag:s10] =	ssyncadd.s32 $0xFFFF3C00  }
0x5b: {  	v3 =	vld [tilespmem:s17+$0xFFFFFF80]  }
0x5c: {  	v4 =	vld [tilespmem:s17+$0xFFFFFFB0]  }
0x5d: {  	v5 =	vld [tilespmem:s17+$0x70]  }
0x5e: {  	v8 =	vld [tilespmem:s17+$0x40]  }
0x5f: {  	v6 =	vld [tilespmem:s17+$0x60]  }
0x60: {  	v7 =	vld [tilespmem:s17+$0x50]  }
0x61: {  	v9 =	vld [tilespmem:s17+$0x30]  }
0x62: {  	v10 =	vld [tilespmem:s17+$0x20];
	v5 =	vshrl.u32 v5, $0x12  }
0x63: {  	v13 =	vld [tilespmem:s17+$0xFFFFFFF0];
	v8 =	vshrl.u32 v8, $0x12;
	v5 =	vand.u32 $0x1FF0, v5  }
0x64: {  	v16 =	vld [tilespmem:s17+$0xFFFFFFC0];
	v8 =	vand.u32 $0x1FF0, v8;
	v5 =	vor.u32 v1, v5  }
0x65: {  	v12 =	vld [tilespmem:s17+$0x0];
	v7 =	vshrl.u32 v7, $0x12;
	v8 =	vor.u32 v1, v8  }
0x66: {  	v14 =	vld [tilespmem:s17+$0xFFFFFFE0];
	v6 =	vshrl.u32 v6, $0x12;
	v7 =	vand.u32 $0x1FF0, v7  }
0x67: {  	v15 =	vld [tilespmem:s17+$0xFFFFFFD0];
	v9 =	vshrl.u32 v9, $0x12;
	v6 =	vand.u32 $0x1FF0, v6;
	v7 =	vor.u32 v1, v7  }
0x68: {  	v60 =	vld [tilespmem:s17+$0xFFFFFFA0];
	v3 =	vshrl.u32 v3, $0x12;
	v13 =	vshrl.u32 v13, $0x12;
	v6 =	vor.u32 v1, v6  }
0x69: {  	v62 =	vshrl.u32 v16, $0x12;
	v9 =	vand.u32 $0x1FF0, v9;
	[tilespmem:v5+s11+$0x0] =	vst.idx.add.s32.msk $0xffff, v2;
	v5 =	vshrl.u32 v10, $0x12  }
0x6a: {  	v9 =	vor.u32 v1, v9;
	[tilespmem:v8+s11+$0x0] =	vst.idx.add.s32.msk $0xffff, v2;
	v8 =	vshrl.u32 v12, $0x12;
	v5 =	vand.u32 $0x1FF0, v5  }
0x6b: {  	v17 =	vld [tilespmem:s17+$0xFFFFFF90];
	v3 =	vand.u32 $0x1FF0, v3;
	v8 =	vand.u32 $0x1FF0, v8;
	v5 =	vor.u32 v1, v5  }
0x6c: {  	v3 =	vor.u32 v1, v3;
	[tilespmem:v7+s11+$0x0] =	vst.idx.add.s32.msk $0xffff, v2;
	v7 =	vor.u32 v1, v8;
	v8 =	vand.u32 $0x1FF0, v62  }
0x6d: {  	v14 =	vshrl.u32 v14, $0x12;
	v13 =	vand.u32 $0x1FF0, v13;
	[tilespmem:v6+s11+$0x0] =	vst.idx.add.s32.msk $0xffff, v2;
	v6 =	vor.u32 v1, v8  }
0x6e: {  	v11 =	vld [tilespmem:s17+$0x10];
	v4 =	vshrl.u32 v4, $0x12;
	v61 =	vand.u32 $0x1FF0, v14;
	v13 =	vor.u32 v1, v13  }
0x6f: {  	v4 =	vand.u32 $0x1FF0, v4;
	[tilespmem:v9+s11+$0x0] =	vst.idx.add.s32.msk $0xffff, v2;
	v12 =	vor.u32 v1, v61  }
0x70: {  	v8 =	vor.u32 v1, v4;
	v4 =	vshrl.u32 v15, $0x12;
	[tilespmem:v5+s11+$0x0] =	vst.idx.add.s32.msk $0xffff, v2;
	v5 =	vshrl.u32 v17, $0x12  }
0x71: {  	[tilespmem:v3+s11+$0x0] =	vst.idx.add.s32.msk $0xffff, v2;
	v63 =	vand.u32 $0x1FF0, v4;
	v4 =	vand.u32 $0x1FF0, v5;
	v5 =	vshrl.u32 v60, $0x12  }
0x72: {  	[tilespmem:v6+s11+$0x0] =	vst.idx.add.s32.msk $0xffff, v2;
	v6 =	vor.u32 v1, v63;
	v5 =	vand.u32 $0x1FF0, v5  }
0x73: {  	v3 =	vshrl.u32 v11, $0x12;
	[tilespmem:v13+s11+$0x0] =	vst.idx.add.s32.msk $0xffff, v2;
	v5 =	vor.u32 v1, v5  }
0x74: {  	v3 =	vand.u32 $0x1FF0, v3;
	[tilespmem:v12+s11+$0x0] =	vst.idx.add.s32.msk $0xffff, v2;
	v4 =	vor.u32 v1, v4  }
0x75: {  	v3 =	vor.u32 v1, v3;
	[tilespmem:v7+s11+$0x0] =	vst.idx.add.s32.msk $0xffff, v2  }
0x76: {  	s18 =	simm.s32 $0x0;
	[tilespmem:v8+s11+$0x0] =	vst.idx.add.s32.msk $0xffff, v2  }
.LBB2_5:
0x77: {  	s18 =	sadd.s32 $0x10, s18;
	[tilespmem:v6+s11+$0x0] =	vst.idx.add.s32.msk $0xffff, v2;
	s17 =	sadd.s32 $0x100, s17  }
0x78: {  	p0 =	slt.u32 s18, $0xC30;
	[tilespmem:v5+s11+$0x0] =	vst.idx.add.s32.msk $0xffff, v2  }
0x79: {  	[tilespmem:v4+s11+$0x0] =	vst.idx.add.s32.msk $0xffff, v2  }
0x7a: {  	[tilespmem:v3+s11+$0x0] =	vst.idx.add.s32.msk $0xffff, v2  }
0x7b: {  	v3 =	vld [tilespmem:s17+$0xFFFFFF80]  }
0x7c: {  	v4 =	vld [tilespmem:s17+$0xFFFFFFB0]  }
0x7d: {  	v5 =	vld [tilespmem:s17+$0x70]  }
0x7e: {  	v6 =	vld [tilespmem:s17+$0x60]  }
0x7f: {  	v7 =	vld [tilespmem:s17+$0x50]  }
0x80: {  	v3 =	vshrl.u32 v3, $0x12;
	v8 =	vld [tilespmem:s17+$0x40]  }
0x81: {  	v3 =	vand.u32 $0x1FF0, v3;
	v9 =	vld [tilespmem:s17+$0x30]  }
0x82: {  	v10 =	vld [tilespmem:s17+$0x20];
	v5 =	vshrl.u32 v5, $0x12  }
0x83: {  	v11 =	vld [tilespmem:s17+$0x10];
	v6 =	vshrl.u32 v6, $0x12;
	v5 =	vand.u32 $0x1FF0, v5  }
0x84: {  	v12 =	vld [tilespmem:s17+$0x0];
	v7 =	vshrl.u32 v7, $0x12;
	v5 =	vor.u32 v1, v5  }
0x85: {  	v3 =	vor.u32 v1, v3;
	v13 =	vld [tilespmem:s17+$0xFFFFFFF0];
	v8 =	vshrl.u32 v8, $0x12;
	v7 =	vand.u32 $0x1FF0, v7  }
0x86: {  	v6 =	vand.u32 $0x1FF0, v6;
	v14 =	vld [tilespmem:s17+$0xFFFFFFE0];
	v9 =	vshrl.u32 v9, $0x12;
	v8 =	vand.u32 $0x1FF0, v8  }
0x87: {  	v15 =	vld [tilespmem:s17+$0xFFFFFFD0];
	v10 =	vshrl.u32 v10, $0x12;
	v9 =	vand.u32 $0x1FF0, v9;
	v8 =	vor.u32 v1, v8  }
0x88: {  	v16 =	vld [tilespmem:s17+$0xFFFFFFC0];
	v11 =	vshrl.u32 v11, $0x12;
	v10 =	vand.u32 $0x1FF0, v10;
	v9 =	vor.u32 v1, v9  }
0x89: {  	v6 =	vor.u32 v1, v6;
	v7 =	vor.u32 v1, v7;
	[tilespmem:v5+s11+$0x0] =	vst.idx.add.s32.msk $0xffff, v2  }
0x8a: {  	v12 =	vshrl.u32 v12, $0x12;
	v11 =	vand.u32 $0x1FF0, v11;
	v5 =	vld [tilespmem:s17+$0xFFFFFFA0];
	v13 =	vshrl.u32 v13, $0x12  }
0x8b: {  	v12 =	vand.u32 $0x1FF0, v12;
	v17 =	vld [tilespmem:s17+$0xFFFFFF90];
	v14 =	vshrl.u32 v14, $0x12;
	v13 =	vand.u32 $0x1FF0, v13  }
0x8c: {  	v10 =	vor.u32 v1, v10;
	v14 =	vand.u32 $0x1FF0, v14;
	v13 =	vor.u32 v1, v13;
	[tilespmem:v8+s11+$0x0] =	vst.idx.add.s32.msk $0xffff, v2  }
0x8d: {  	v12 =	vor.u32 v1, v12;
	v8 =	vshrl.u32 v16, $0x12;
	v14 =	vor.u32 v1, v14;
	[tilespmem:v9+s11+$0x0] =	vst.idx.add.s32.msk $0xffff, v2  }
0x8e: {  	v4 =	vshrl.u32 v4, $0x12;
	v9 =	vshrl.u32 v15, $0x12;
	v8 =	vand.u32 $0x1FF0, v8;
	[tilespmem:v7+s11+$0x0] =	vst.idx.add.s32.msk $0xffff, v2  }
0x8f: {  	v4 =	vand.u32 $0x1FF0, v4;
	v7 =	vor.u32 v1, v8;
	v8 =	vand.u32 $0x1FF0, v9;
	[tilespmem:v6+s11+$0x0] =	vst.idx.add.s32.msk $0xffff, v2  }
0x90: {  	v9 =	vor.u32 v1, v4;
	[tilespmem:v3+s11+$0x0] =	vst.idx.add.s32.msk $0xffff, v2;
	v6 =	vshrl.u32 v17, $0x12;
	v3 =	vor.u32 v1, v11  }
0x91: {  	v5 =	vshrl.u32 v5, $0x12;
	v4 =	vand.u32 $0x1FF0, v6;
	[tilespmem:v10+s11+$0x0] =	vst.idx.add.s32.msk $0xffff, v2  }
.Ltmp3:
0x92: {  	v5 =	vand.u32 $0x1FF0, v5;
	v6 =	vor.u32 v1, v8;
	v4 =	vor.u32 v1, v4;
	[tilespmem:v13+s11+$0x0] =	vst.idx.add.s32.msk $0xffff, v2;
	(pc) =	sbr.rel @p0 .LBB2_5-.Ltmp3, $4  }
0x93: {  	v5 =	vor.u32 v1, v5;
	[tilespmem:v14+s11+$0x0] =	vst.idx.add.s32.msk $0xffff, v2  }
0x94: {  	[tilespmem:v12+s11+$0x0] =	vst.idx.add.s32.msk $0xffff, v2  }
0x95: {  	[tilespmem:v7+s11+$0x0] =	vst.idx.add.s32.msk $0xffff, v2  }
0x96: {  	[tilespmem:v9+s11+$0x0] =	vst.idx.add.s32.msk $0xffff, v2  }
0x97: {  	_ =	sdelay $0x3  }
0x98: {  	[tilespmem:v6+s11+$0x0] =	vst.idx.add.s32.msk $0xffff, v2;
	s0 =	sshll.u32 s16, $0x1  }
0x99: {  	[tilespmem:v5+s11+$0x0] =	vst.idx.add.s32.msk $0xffff, v2;
	s18 =	sadd.s32 s5, s0  }
0x9a: {  	[tilespmem:v4+s11+$0x0] =	vst.idx.add.s32.msk $0xffff, v2;
	s0 =	smul.u32 $0xC400, s18  }
0x9b: {  	[tilespmem:v3+s11+$0x0] =	vst.idx.add.s32.msk $0xffff, v2  }
0x9c: {  	_ =	swait.ge [sflag:s12], $0xC400;
	s0 =	sshrl.u32 s0, $0x3  }
0x9d: {  	s21 =	simm.s32 $0x0;
	[sflag:s12] =	ssyncset.done $0x0;
	s0 =	sadd.s32 $0x1880, s0  }
0x9e: {  	s30 =	simm.s32 $0x1A7F0;
	[sflag:s12] =	ssyncadd.s32 $0xFFFF3C00;
	s1 =	sadd.s32 s2, s0  }
0x9f: {  	[tilespmem:s9], [sflag:$0x2] =	stream.linear.gather [hbm4b:s1+s21], $0xC400, $0x38;
	[tilespmem:$0x1A800] =	vst v63  }
0xa0: {  	v3 =	vld [tilespmem:s30+$0xFFFFFF10]  }
0xa1: {  	v4 =	vld [tilespmem:s30+$0xFFFFFF20]  }
0xa2: {  	v5 =	vld [tilespmem:s30+$0xFFFFFF30]  }
0xa3: {  	v6 =	vld [tilespmem:s30+$0xFFFFFF40]  }
0xa4: {  	v7 =	vld [tilespmem:s30+$0xFFFFFF50]  }
0xa5: {  	v8 =	vld [tilespmem:s30+$0xFFFFFF60]  }
0xa6: {  	v9 =	vld [tilespmem:s30+$0xFFFFFF70]  }
0xa7: {  	v10 =	vld [tilespmem:s30+$0xFFFFFF80]  }
0xa8: {  	v11 =	vld [tilespmem:s30+$0xFFFFFF90];
	v3 =	vadd.s32 v3, v4  }
0xa9: {  	v12 =	vld [tilespmem:s30+$0xFFFFFFA0];
	v3 =	vadd.s32 v5, v3  }
0xaa: {  	v13 =	vld [tilespmem:s30+$0xFFFFFFB0];
	v3 =	vadd.s32 v6, v3  }
0xab: {  	v4 =	vld [tilespmem:s30+$0xFFFFFFC0];
	v3 =	vadd.s32 v7, v3  }
0xac: {  	v5 =	vld [tilespmem:s30+$0xFFFFFFD0];
	v3 =	vadd.s32 v8, v3  }
0xad: {  	v6 =	vld [tilespmem:s30+$0xFFFFFFE0];
	v3 =	vadd.s32 v9, v3  }
0xae: {  	v7 =	vld [tilespmem:s30+$0xFFFFFFF0];
	v3 =	vadd.s32 v10, v3  }
0xaf: {  	s31 =	simm.s32 $0x1A6F0;
	v8 =	vld [tilespmem:s30+$0x0];
	v3 =	vadd.s32 v11, v3  }
0xb0: {  	v9 =	vld [tilespmem:s31+$0xFFFFFF10];
	v3 =	vadd.s32 v12, v3  }
0xb1: {  	v10 =	vld [tilespmem:s31+$0xFFFFFF20];
	v3 =	vadd.s32 v13, v3  }
0xb2: {  	v11 =	vld [tilespmem:s31+$0xFFFFFF30];
	v3 =	vadd.s32 v4, v3  }
0xb3: {  	v62 =	vld [tilespmem:s31+$0xFFFFFF40];
	v3 =	vadd.s32 v5, v3  }
0xb4: {  	v63 =	vld [tilespmem:s31+$0xFFFFFF50];
	v3 =	vadd.s32 v6, v3  }
0xb5: {  	v4 =	vld [tilespmem:s31+$0xFFFFFF60];
	v3 =	vadd.s32 v7, v3  }
0xb6: {  	v5 =	vadd.s32 v9, v10;
	v9 =	vld [tilespmem:s31+$0xFFFFFF70];
	v3 =	vadd.s32 v8, v3  }
0xb7: {  	v5 =	vadd.s32 v11, v5;
	v6 =	vld [tilespmem:s31+$0xFFFFFF80];
	(xrf0) =	vadd.scan.msk.s32 $0xffff, v3  }
0xb8: {  	v5 =	vadd.s32 v62, v5;
	v7 =	vld [tilespmem:s31+$0xFFFFFF90]  }
0xb9: {  	v5 =	vadd.s32 v63, v5  }
0xba: {  	v8 =	vld [tilespmem:s31+$0xFFFFFFA0];
	v3 =	vadd.s32 v4, v5  }
0xbb: {  	v5 =	vld [tilespmem:s31+$0xFFFFFFB0];
	v3 =	vadd.s32 v9, v3  }
0xbc: {  	v9 =	vld [tilespmem:s31+$0xFFFFFFC0];
	v3 =	vadd.s32 v6, v3  }
0xbd: {  	v10 =	vld [tilespmem:s31+$0xFFFFFFD0];
	v4 =	vadd.s32 v7, v3;
	v7, _, _ =	vpop (xrf0)  }
0xbe: {  	v3 =	vld [tilespmem:s31+$0xFFFFFFE0];
	(v2sf) =	vpush v7, $0xF  }
0xbf: {  	s22 =	simm.s32 $0x1A5F0;
	v6 =	vadd.s32 v8, v4;
	v4 =	vld [tilespmem:s31+$0xFFFFFFF0]  }
0xc0: {  	p0 =	por $0x0, $0x0;
	s20 =	simm.s32 $0x1F;
	v8 =	vld [tilespmem:s22+$0xFFFFFF20];
	v6 =	vadd.s32 v5, v6  }
0xc1: {  	s24 =	simm.s32 $0x1E;
	s23 =	simm.s32 $0x1D;
	s19 =	simm.s32 $0x0;
	v5 =	vld [tilespmem:s31+$0x0];
	v9 =	vadd.s32 v9, v6  }
0xc2: {  	s20 =	smov.u32 @p0 s21;
	s17 =	sadd.s32 s4, s0;
	s1 =	simm.s32 $0x1C;
	v6 =	vld [tilespmem:s22+$0xFFFFFF10];
	v7 =	vadd.s32 v10, v9  }
.LBB2_7:
0xc3: {  	s0 =	smov.u32 s21  }
0xc4: {  	p1 =	seq.s32 s1, $0x0;
	v3 =	vadd.s32 v3, v7;
	v9 =	vld [tilespmem:s22+$0xFFFFFF30]  }
0xc5: {  	v3 =	vadd.s32 v4, v3;
	v7 =	vld [tilespmem:s22+$0xFFFFFF40]  }
0xc6: {  	v3 =	vadd.s32 v5, v3;
	v4 =	vld [tilespmem:s22+$0xFFFFFF50]  }
0xc7: {  	v5 =	vld [tilespmem:s22+$0xFFFFFF60];
	(xrf0) =	vadd.scan.msk.s32 $0xffff, v3  }
0xc8: {  	v3 =	vadd.s32 v6, v8;
	v6 =	vld [tilespmem:s22+$0xFFFFFF70]  }
0xc9: {  	v3 =	vadd.s32 v9, v3;
	v8 =	vld [tilespmem:s22+$0xFFFFFF80]  }
0xca: {  	v3 =	vadd.s32 v7, v3;
	v7 =	vld [tilespmem:s22+$0xFFFFFF90]  }
0xcb: {  	v3 =	vadd.s32 v4, v3;
	v4 =	vld [tilespmem:s22+$0xFFFFFFA0]  }
0xcc: {  	v3 =	vadd.s32 v5, v3;
	v5 =	vld [tilespmem:s22+$0xFFFFFFB0]  }
0xcd: {  	v3 =	vadd.s32 v6, v3;
	v9 =	vld [tilespmem:s22+$0xFFFFFFC0];
	v6, _, _ =	vpop (xrf0);
	s6 =	spop (v2sf)  }
0xce: {  	v3 =	vadd.s32 v8, v3;
	v10 =	vld [tilespmem:s22+$0xFFFFFFD0];
	(v2sf) =	vpush v6, $0xF;
	s21 =	sadd.s32 s21, s6  }
.Ltmp4:
0xcf: {  	v6 =	vadd.s32 v7, v3;
	v3 =	vld [tilespmem:s22+$0xFFFFFFE0];
	p2 =	sgt.s32 s21, $0x1398;
	(pc) =	sbr.rel @!p1 .LBB2_7-.Ltmp4, $4  }
0xd0: {  	v6 =	vadd.s32 v4, v6;
	v4 =	vld [tilespmem:s22+$0xFFFFFFF0];
	s19 =	smov.u32 @p2 s20;
	p0 =	por p0, p2;
	s20 =	smov.u32 s24  }
0xd1: {  	v7 =	vadd.s32 v5, v6;
	v5 =	vld [tilespmem:s22+$0x0];
	s22 =	sadd.s32 $0xFFFFFF00, s22;
	s20 =	smov.u32 @p0 s19;
	s21 =	smov.u32 @p0 s0  }
0xd2: {  	s24 =	smov.u32 s23;
	s23 =	smov.u32 s1;
	v6 =	vld [tilespmem:s22+$0xFFFFFF10];
	v7 =	vadd.s32 v9, v7  }
0xd3: {  	s1 =	sadd.s32 $0xFFFFFFFF, s1;
	v8 =	vld [tilespmem:s22+$0xFFFFFF20];
	v7 =	vadd.s32 v10, v7  }
0xd4: {  	v9 =	vld [tilespmem:s22+$0xFFFFFF30]  }
0xd5: {  	v10 =	vld [tilespmem:s22+$0xFFFFFF40]  }
0xd6: {  	v11 =	vld [tilespmem:s22+$0xFFFFFF50]  }
0xd7: {  	v12 =	vld [tilespmem:s22+$0xFFFFFF60]  }
0xd8: {  	v54 =	vld [tilespmem:s22+$0xFFFFFF70];
	v6 =	vadd.s32 v6, v8  }
0xd9: {  	v55 =	vld [tilespmem:s22+$0xFFFFFF80];
	v6 =	vadd.s32 v9, v6  }
0xda: {  	v56 =	vld [tilespmem:s22+$0xFFFFFF90];
	v6 =	vadd.s32 v10, v6  }
0xdb: {  	v57 =	vld [tilespmem:s22+$0xFFFFFFA0];
	v6 =	vadd.s32 v11, v6  }
0xdc: {  	v58 =	vld [tilespmem:s22+$0xFFFFFFB0];
	v6 =	vadd.s32 v12, v6  }
0xdd: {  	v59 =	vld [tilespmem:s22+$0xFFFFFFC0];
	v6 =	vadd.s32 v54, v6  }
0xde: {  	v60 =	vld [tilespmem:s22+$0xFFFFFFD0];
	v6 =	vadd.s32 v55, v6  }
0xdf: {  	v61 =	vld [tilespmem:s22+$0xFFFFFFE0];
	v6 =	vadd.s32 v56, v6  }
0xe0: {  	v3 =	vadd.s32 v3, v7;
	v62 =	vld [tilespmem:s22+$0xFFFFFFF0];
	v6 =	vadd.s32 v57, v6  }
0xe1: {  	v63 =	vld [tilespmem:s22+$0x0];
	v3 =	vadd.s32 v4, v3;
	v4 =	vadd.s32 v58, v6  }
0xe2: {  	v3 =	vadd.s32 v5, v3;
	v4 =	vadd.s32 v59, v4  }
0xe3: {  	(xrf0) =	vadd.scan.msk.s32 $0xffff, v3;
	v3 =	vadd.s32 v60, v4  }
0xe4: {  	v3 =	vadd.s32 v61, v3  }
0xe5: {  	v3 =	vadd.s32 v62, v3  }
0xe6: {  	v3 =	vadd.s32 v63, v3  }
0xe7: {  	(xrf0) =	vadd.scan.msk.s32 $0xffff, v3;
	_ =	sdelay $0x1  }
0xe8: {  	v3, _, _ =	vpop (xrf0)  }
0xe9: {  	(v2sf) =	vpush v3, $0xF;
	_ =	sdelay $0x2  }
0xea: {  	v3, _, _ =	vpop (xrf0)  }
0xeb: {  	(v2sf) =	vpush v3, $0xF;
	_ =	sdelay $0x6  }
0xec: {  	s0 =	spop (v2sf)  }
0xed: {  	s0 =	sadd.s32 s21, s0  }
0xee: {  	p1 =	sgt.s32 s0, $0x1398  }
0xef: {  	p0 =	por p0, p1  }
0xf0: {  	s0 =	smov.u32 @p0 s21;
	s1 =	spop (v2sf)  }
0xf1: {  	s1 =	sadd.s32 s0, s1  }
0xf2: {  	p2 =	sgt.s32 s1, $0x1398  }
0xf3: {  	s19 =	smov.u32 @p1 s20;
	p1 =	por p0, p2  }
0xf4: {  	s24 =	smov.u32 @p0 s19;
	s1 =	smov.u32 @p1 s0;
	s30 =	spop (v2sf)  }
0xf5: {  	s19 =	smov.u32 @p2 s24;
	s22 =	sadd.s32 s1, s30  }
0xf6: {  	p5 =	por $0x0, $0x0;
	s23 =	smov.u32 @p1 s19;
	p0 =	sgt.s32 s22, $0x1398  }
.Ltmp5:
0xf7: {  	p3 =	por $0x0, $0x0;
	s19 =	smov.u32 @p0 s23;
	(pc) =	sbr.rel @p5 .LBB2_9-.Ltmp5, $4  }
0xf8: {  	p4 =	por $0x0, $0x0;
	s20 =	simm.s32 $0xF;
	s31 =	sshll.u32 s19, $0x8  }
0xf9: {  	s21 =	simm.s32 $0x0;
	s24 =	simm.s32 $0xE;
	s0 =	sand.u32 $0x3FFFFF00, s31  }
0xfa: {  	p2 =	por $0x0, $0x0;
	p1 =	por p1, p0;
	s0 =	sadd.s32 $0x188F0, s0  }
0xfb: {  	p0 =	por $0x0, $0x0;
	s22 =	smov.u32 @p1 s1;
	p1 =	por $0x0, $0x0;
	v3 =	vld [tilespmem:s0+$0x0]  }
0xfc: {  	p5 =	por $0x0, $0x0  }
.Ltmp6:
0xfd: {  	_ = 	snop;
	(pc) =	sbr.rel @p5 .LBB2_11-.Ltmp6, $3  }
0xfe: {  	_ =	sdelay $0x1  }
0xff: {  	s0 =	sadd.s32 $0xFFFFFFF0, s0  }
0x100: {  	s25 =	simm.s32 $0xD;
	p1 =	por $0x1, $0x1;
	(xrf0) =	vadd.scan.msk.s32 $0xffff, v3;
	v3 =	vld [tilespmem:s0+$0x0]  }
0x101: {  	_ = 	snop  }
0x102: {  	p5 =	por $0x0, $0x0  }
.Ltmp7:
0x103: {  	_ = 	snop;
	(pc) =	sbr.rel @p5 .LBB2_13-.Ltmp7, $3  }
0x104: {  	_ =	sdelay $0x1  }
0x105: {  	s0 =	sadd.s32 $0xFFFFFFF0, s0;
	v4, _, _ =	vpop (xrf0)  }
0x106: {  	s1 =	simm.s32 $0xC;
	p2 =	por $0x1, $0x1;
	(xrf0) =	vadd.scan.msk.s32 $0xffff, v3;
	v3 =	vld [tilespmem:s0+$0x0];
	(v2sf) =	vpush v4, $0xF  }
0x107: {  	_ =	sdelay $0x4  }
0x108: {  	v4, _, _ =	vpop (xrf0)  }
0x109: {  	(v2sf) =	vpush v4, $0xF;
	_ =	sdelay $0x2  }
0x10a: {  	p5 =	por $0x0, $0x0  }
.Ltmp8:
0x10b: {  	_ = 	snop;
	(pc) =	sbr.rel @p5 .LBB2_15-.Ltmp8, $3  }
0x10c: {  	_ =	sdelay $0x1  }
0x10d: {  	s0 =	sadd.s32 $0xFFFFFFF0, s0  }
0x10e: {  	s23 =	simm.s32 $0xB;
	p3 =	por $0x1, $0x1;
	(xrf0) =	vadd.scan.msk.s32 $0xffff, v3;
	v3 =	vld [tilespmem:s0+$0x0]  }
0x10f: {  	_ =	sdelay $0x4  }
0x110: {  	v4, _, _ =	vpop (xrf0)  }
0x111: {  	(v2sf) =	vpush v4, $0xF;
	_ =	sdelay $0x1  }
0x112: {  	p6 =	por $0x0, $0x0  }
.Ltmp9:
0x113: {  	_ = 	snop;
	(pc) =	sbr.rel @p6 .LBB2_17-.Ltmp9, $4  }
0x114: {  	s26 =	simm.s32 $0xF;
	s0 =	sadd.s32 $0xFFFFFFF0, s0  }
0x115: {  	s28 =	spop (v2sf);
	s6 =	simm.s32 $0xA;
	p4 =	por $0x1, $0x1  }
0x116: {  	p5 =	por $0x0, $0x0;
	s29 =	simm.s32 $0xE;
	s31 =	smov.u32 s22;
	(xrf0) =	vadd.scan.msk.s32 $0xffff, v3  }
0x117: {  	s26 =	smov.u32 @p0 s21;
	s30 =	sadd.s32 s22, s28;
	s28 =	simm.s32 $0x0;
	v3 =	vld [tilespmem:s0+$0x0]  }
.LBB2_18:
0x118: {  	s7 =	smov.u32 s31  }
0x119: {  	p6 =	seq.s32 s6, $0x0;
	p0 =	sgt.s32 s30, $0x1398;
	s31 =	smov.u32 s30  }
0x11a: {  	s28 =	smov.u32 @p0 s26;
	p5 =	por p5, p0;
	s26 =	smov.u32 s29  }
.Ltmp10:
0x11b: {  	s26 =	smov.u32 @p5 s28;
	s31 =	smov.u32 @p5 s7;
	(pc) =	sbr.rel @!p6 .LBB2_18-.Ltmp10, $4  }
0x11c: {  	s29 =	smov.u32 s25;
	s25 =	smov.u32 s1;
	s1 =	smov.u32 s23;
	v4, _, _ =	vpop (xrf0)  }
0x11d: {  	s23 =	smov.u32 s6;
	(xrf0) =	vadd.scan.msk.s32 $0xffff, v3;
	(v2sf) =	vpush v4, $0xF  }
0x11e: {  	s0 =	sadd.s32 $0xFFFFFFF0, s0;
	s7 =	spop (v2sf)  }
0x11f: {  	s6 =	sadd.s32 $0xFFFFFFFF, s6;
	v3 =	vld [tilespmem:s0+$0x0];
	s30 =	sadd.s32 s31, s7  }
0x120: {  	s0 =	smov.u32 s1;
	s1 =	smov.u32 s23  }
.LBB2_20:
0x121: {  	p0 =	sgt.s32 @p4 s30, $0x1398  }
0x122: {  	p5 =	por @p4 p5, p0  }
0x123: {  	v4, _, _ =	vpop @p1 (xrf0);
	p6 =	por !p5, !p4  }
0x124: {  	s6 =	smov.u32 s22;
	s31 =	smov.u32 @p6 s30;
	(xrf0) =	vadd.scan.msk.s32 $0xffff, v3;
	(v2sf) =	vpush @p1 v4, $0xF  }
0x125: {  	s7 =	spop @p3 (v2sf);
	s6 =	smov.u32 @p4 s31  }
0x126: {  	p0 =	por !p0, !p4;
	s7 =	sadd.s32 @p3 s6, s7  }
0x127: {  	s26 =	smov.u32 @p0 s28;
	p0 =	por $0x0, $0x0;
	s7 =	smov.u32 @p3 s7  }
0x128: {  	s23 =	simm.s32 $0x0;
	p5 =	por @!p4 p0, p0;
	p6 =	sgt.s32 @p3 s7, $0x1398  }
0x129: {  	s20 =	smov.u32 @p2 s25;
	s23 =	smov.u32 @p4 s26;
	p4 =	por @p3 p5, p6  }
0x12a: {  	p0 =	por !p5, !p3;
	s26 =	smov.u32 s23;
	v3, _, _ =	vpop (xrf0);
	p5 =	por !p4, !p3  }
0x12b: {  	s26 =	smov.u32 @p0 s29;
	s6 =	smov.u32 @p5 s7;
	(v2sf) =	vpush v3, $0xF;
	s7 =	smov.u32 s22  }
0x12c: {  	p0 =	por !p6, !p3;
	s28 =	spop @p2 (v2sf);
	s7 =	smov.u32 @p3 s6  }
0x12d: {  	p6 =	por $0x0, $0x0;
	s6 =	smov.u32 @p3 s26;
	s26 =	sadd.s32 @p2 s7, s28  }
0x12e: {  	s6 =	smov.u32 @p0 s23;
	s23 =	simm.s32 $0x0;
	s26 =	smov.u32 @p2 s26  }
0x12f: {  	p4 =	por @!p3 p6, p6;
	s23 =	smov.u32 @p3 s6;
	p5 =	sgt.s32 @p2 s26, $0x1398  }
0x130: {  	p0 =	por !p4, !p2;
	s6 =	smov.u32 s23;
	p3 =	por @p2 p4, p5  }
0x131: {  	s24 =	smov.u32 @p1 s0;
	s6 =	smov.u32 @p0 s20;
	p0 =	por !p3, !p2  }
0x132: {  	s0 =	smov.u32 s22;
	s20 =	smov.u32 @p1 s24;
	s7 =	smov.u32 @p0 s26  }
0x133: {  	s6 =	smov.u32 @p2 s6;
	s24 =	spop @p1 (v2sf);
	s0 =	smov.u32 @p2 s7  }
0x134: {  	p3 =	por @!p2 p6, p6;
	p0 =	por !p5, !p2;
	s7 =	sadd.s32 @p1 s0, s24  }
0x135: {  	s6 =	smov.u32 @p0 s23;
	s23 =	simm.s32 $0x0;
	s7 =	smov.u32 @p1 s7  }
0x136: {  	s23 =	smov.u32 @p2 s6;
	s6 =	smov.u32 @p1 s20;
	p0 =	sgt.s32 @p1 s7, $0x1398  }
0x137: {  	p2 =	por !p3, !p1;
	s20 =	smov.u32 s23;
	p3 =	por @p1 p3, p0  }
0x138: {  	s20 =	smov.u32 @p2 s6;
	p2 =	por !p3, !p1  }
0x139: {  	s0 =	smov.u32 @p2 s7  }
0x13a: {  	p4 =	por $0x0, $0x0;
	s31 =	spop (v2sf);
	s22 =	smov.u32 @p1 s0  }
0x13b: {  	s6 =	smov.u32 @p1 s20;
	p0 =	por !p0, !p1;
	s20 =	sadd.s32 s22, s31  }
0x13c: {  	s6 =	smov.u32 @p0 s23;
	p3 =	por @!p1 p4, p4;
	p0 =	sgt.s32 s20, $0x1398  }
0x13d: {  	s21 =	smov.u32 @p1 s6;
	p1 =	por p3, p0  }
0x13e: {  	s20 =	smov.u32 @p1 s22;
	s22 =	simm.s32 $0x18900  }
0x13f: {  	[tilespmem:s22+$0xFFFFFF00] =	vst v0  }
0x140: {  	[tilespmem:s22+$0xF0] =	vst v0  }
0x141: {  	[tilespmem:s22+$0xE0] =	vst v0  }
0x142: {  	[tilespmem:s22+$0xD0] =	vst v0  }
0x143: {  	[tilespmem:s22+$0xC0] =	vst v0  }
0x144: {  	[tilespmem:s22+$0xB0] =	vst v0  }
0x145: {  	[tilespmem:s22+$0xA0] =	vst v0  }
0x146: {  	[tilespmem:s22+$0x90] =	vst v0  }
0x147: {  	[tilespmem:s22+$0x80] =	vst v0  }
0x148: {  	[tilespmem:s22+$0x70] =	vst v0  }
0x149: {  	[tilespmem:s22+$0x60] =	vst v0  }
0x14a: {  	[tilespmem:s22+$0x50] =	vst v0  }
0x14b: {  	[tilespmem:s22+$0x40] =	vst v0  }
0x14c: {  	[tilespmem:s22+$0x30] =	vst v0  }
0x14d: {  	[tilespmem:s22+$0x20] =	vst v0  }
0x14e: {  	[tilespmem:s22+$0x10] =	vst v0  }
0x14f: {  	[tilespmem:s22+$0x0] =	vst v0  }
0x150: {  	[tilespmem:s22+$0xFFFFFFF0] =	vst v0  }
0x151: {  	[tilespmem:s22+$0xFFFFFFE0] =	vst v0  }
0x152: {  	[tilespmem:s22+$0xFFFFFFD0] =	vst v0  }
0x153: {  	[tilespmem:s22+$0xFFFFFFC0] =	vst v0  }
0x154: {  	[tilespmem:s22+$0xFFFFFFB0] =	vst v0  }
0x155: {  	[tilespmem:s22+$0xFFFFFFA0] =	vst v0  }
0x156: {  	[tilespmem:s22+$0xFFFFFF90] =	vst v0  }
0x157: {  	[tilespmem:s22+$0xFFFFFF80] =	vst v0  }
0x158: {  	[tilespmem:s22+$0xFFFFFF70] =	vst v0  }
0x159: {  	[tilespmem:s22+$0xFFFFFF60] =	vst v0  }
0x15a: {  	[tilespmem:s22+$0xFFFFFF50] =	vst v0  }
0x15b: {  	[tilespmem:s22+$0xFFFFFF40] =	vst v0  }
0x15c: {  	s1 =	smov.u32 @p3 s21;
	[tilespmem:s22+$0xFFFFFF30] =	vst v0  }
0x15d: {  	s21 =	smov.u32 @p0 s1;
	s1 =	simm.s32 $0x0;
	[tilespmem:s22+$0xFFFFFF20] =	vst v0  }
.LBB2_21:
0x15e: {  	s1 =	sadd.s32 $0x20, s1;
	[tilespmem:s22+$0xFFFFFF10] =	vst v0;
	s22 =	sadd.s32 $0x200, s22  }
0x15f: {  	[tilespmem:s22+$0xFFFFFF00] =	vst v0;
	p0 =	slt.u32 s1, $0x1E0  }
0x160: {  	[tilespmem:s22+$0xF0] =	vst v0  }
0x161: {  	[tilespmem:s22+$0xE0] =	vst v0  }
0x162: {  	[tilespmem:s22+$0xD0] =	vst v0  }
0x163: {  	[tilespmem:s22+$0xC0] =	vst v0  }
0x164: {  	[tilespmem:s22+$0xB0] =	vst v0  }
0x165: {  	[tilespmem:s22+$0xA0] =	vst v0  }
0x166: {  	[tilespmem:s22+$0x90] =	vst v0  }
0x167: {  	[tilespmem:s22+$0x80] =	vst v0  }
0x168: {  	[tilespmem:s22+$0x70] =	vst v0  }
0x169: {  	[tilespmem:s22+$0x60] =	vst v0  }
0x16a: {  	[tilespmem:s22+$0x50] =	vst v0  }
0x16b: {  	[tilespmem:s22+$0x40] =	vst v0  }
0x16c: {  	[tilespmem:s22+$0x30] =	vst v0  }
0x16d: {  	[tilespmem:s22+$0x20] =	vst v0  }
0x16e: {  	[tilespmem:s22+$0x10] =	vst v0  }
0x16f: {  	[tilespmem:s22+$0x0] =	vst v0  }
0x170: {  	[tilespmem:s22+$0xFFFFFFF0] =	vst v0  }
0x171: {  	[tilespmem:s22+$0xFFFFFFE0] =	vst v0  }
0x172: {  	[tilespmem:s22+$0xFFFFFFD0] =	vst v0  }
0x173: {  	[tilespmem:s22+$0xFFFFFFC0] =	vst v0  }
0x174: {  	[tilespmem:s22+$0xFFFFFFB0] =	vst v0  }
0x175: {  	[tilespmem:s22+$0xFFFFFFA0] =	vst v0  }
0x176: {  	[tilespmem:s22+$0xFFFFFF90] =	vst v0  }
0x177: {  	[tilespmem:s22+$0xFFFFFF80] =	vst v0  }
0x178: {  	[tilespmem:s22+$0xFFFFFF70] =	vst v0  }
.Ltmp11:
0x179: {  	[tilespmem:s22+$0xFFFFFF60] =	vst v0;
	(pc) =	sbr.rel @p0 .LBB2_21-.Ltmp11, $4  }
0x17a: {  	[tilespmem:s22+$0xFFFFFF50] =	vst v0  }
0x17b: {  	[tilespmem:s22+$0xFFFFFF40] =	vst v0  }
0x17c: {  	[tilespmem:s22+$0xFFFFFF30] =	vst v0  }
0x17d: {  	[tilespmem:s22+$0xFFFFFF20] =	vst v0  }
0x17e: {  	[tilespmem:s22+$0xFFFFFF10] =	vst v0;
	s31 =	simm.s32 $0x80  }
0x17f: {  	v4 =	vld [tilespmem:s31+$0x30]  }
0x180: {  	v5 =	vld [tilespmem:s31+$0x50]  }
0x181: {  	v15 =	vld [tilespmem:s31+$0xFFFFFFD0]  }
0x182: {  	v19 =	vld [tilespmem:s31+$0xFFFFFFB0]  }
0x183: {  	s0 =	sshll.u32 s19, $0x4;
	v11 =	vld [tilespmem:s31+$0xFFFFFFF0]  }
0x184: {  	s19 =	sor.u32 s0, s21;
	v6 =	vld [tilespmem:s31+$0x60]  }
0x185: {  	v9 =	vld [tilespmem:s31+$0x10];
	v3 =	vmov s19  }
0x186: {  	v7 =	vshrl.u32 v4, $0x16;
	v4 =	vshrl.u32 v4, $0x9;
	v22 =	vshrl.u32 v15, $0x16  }
0x187: {  	v12 =	vld [tilespmem:s31+$0xFFFFFFE0];
	v14 =	vshrl.u32 v19, $0x9;
	v7 =	vand.u32 $0x1FF, v7;
	v4 =	vand.u32 $0x1FF0, v4  }
0x188: {  	v23 =	vand.u32 $0x1FF0, v14;
	v14 =	vshrl.u32 v11, $0x16;
	vm0 =	veq.s32 v7, v3  }
0x189: {  	v7 =	vshrl.u32 v5, $0x9;
	v5 =	vshrl.u32 v5, $0x16;
	v18 =	vor.u32 v1, v4  }
0x18a: {  	v21 =	vld [tilespmem:s31+$0xFFFFFF90];
	v4 =	vshrl.u32 v9, $0x16;
	v10 =	vand.u32 $0x1FF0, v7;
	v7 =	vshrl.u32 v6, $0x16  }
0x18b: {  	v8 =	vld [tilespmem:s31+$0x0];
	v5 =	vand.u32 $0x1FF, v5;
	v6 =	vshrl.u32 v6, $0x9;
	v13 =	vand.u32 $0x1FF, v4  }
0x18c: {  	v4 =	vshrl.u32 v12, $0x9;
	v12 =	vshrl.u32 v12, $0x16;
	v7 =	vand.u32 $0x1FF, v7  }
0x18d: {  	v16 =	vld [tilespmem:s31+$0xFFFFFFC0];
	vm2 =	veq.s32 v5, v3;
	v5 =	vand.u32 $0x1FF0, v6;
	v6 =	vshrl.u32 v11, $0x9  }
0x18e: {  	v4 =	vand.u32 $0x1FF0, v4;
	vm3 =	veq.s32 v13, v3;
	v11 =	vshrl.u32 v15, $0x9  }
0x18f: {  	v20 =	vld [tilespmem:s31+$0xFFFFFFA0];
	v15 =	vshrl.u32 v21, $0x9;
	vm1 =	veq.s32 v7, v3;
	v17 =	vor.u32 v1, v5  }
0x190: {  	v7 =	vshrl.u32 v8, $0x16;
	v5 =	vshrl.u32 v9, $0x9;
	v9 =	vor.u32 v1, v10  }
0x191: {  	v8 =	vshrl.u32 v8, $0x9;
	v15 =	vand.u32 $0x1FF0, v15;
	v62 =	vand.u32 $0x1FF0, v11  }
0x192: {  	v5 =	vand.u32 $0x1FF0, v5;
	v10 =	vand.u32 $0x1FF0, v8;
	v8 =	vshrl.u32 v16, $0x9  }
0x193: {  	v11 =	vor.u32 v1, v15;
	v15 =	vld [tilespmem:s31+$0x20];
	v13 =	vand.u32 $0x1FF0, v8;
	v8 =	vor.u32 v1, v5  }
0x194: {  	v63 =	vand.u32 $0x1FF, v12;
	v12 =	vand.u32 $0x1FF, v22;
	v5 =	vshrl.u32 v20, $0x16;
	[tilespmem:v18+s11+$0x0] =	vst.idx.add.s32.msk vm0, v2  }
0x195: {  	v6 =	vand.u32 $0x1FF0, v6;
	v4 =	vor.u32 v1, v4;
	v24 =	vand.u32 $0x1FF, v5;
	[tilespmem:v9+s11+$0x0] =	vst.idx.add.s32.msk vm2, v2  }
0x196: {  	v5 =	vor.u32 v1, v23;
	v18 =	vshrl.u32 v20, $0x9;
	vm0 =	veq.s32 v12, v3;
	[tilespmem:v17+s11+$0x0] =	vst.idx.add.s32.msk vm1, v2  }
0x197: {  	v12 =	vand.u32 $0x1FF0, v18;
	v9 =	vshrl.u32 v21, $0x16;
	vm2 =	veq.s32 v24, v3;
	v17 =	vld [tilespmem:s31+$0xFFFFFF80]  }
0x198: {  	v12 =	vor.u32 v1, v12;
	v9 =	vand.u32 $0x1FF, v9;
	[tilespmem:v8+s11+$0x0] =	vst.idx.add.s32.msk vm3, v2;
	v8 =	vshrl.u32 v19, $0x16  }
0x199: {  	v18 =	vld [tilespmem:s31+$0x70];
	vm4 =	veq.s32 v9, v3;
	v9 =	vshrl.u32 v16, $0x16;
	v16 =	vand.u32 $0x1FF, v8  }
0x19a: {  	s22 =	simm.s32 $0x180;
	s21 =	simm.s32 $0x0;
	vm3 =	veq.s32 v63, v3;
	v8 =	vor.u32 v1, v62;
	vm1 =	veq.s32 v16, v3;
	v16 =	vld [tilespmem:s31+$0x40]  }
.LBB2_23:
0x19b: {  	v19 =	vld [tilespmem:s22+$0x30];
	s21 =	sadd.s32 $0x10, s21;
	v9 =	vand.u32 $0x1FF, v9;
	v14 =	vand.u32 $0x1FF, v14;
	v7 =	vand.u32 $0x1FF, v7  }
0x19c: {  	v13 =	vor.u32 v1, v13;
	v20 =	vld [tilespmem:s22+$0xFFFFFF90];
	p0 =	slt.u32 s21, $0xC30;
	vm7 =	veq.s32 v9, v3;
	v21 =	vshrl.u32 v15, $0x16  }
0x19d: {  	vm6 =	veq.s32 v14, v3;
	vm10 =	veq.s32 v7, v3;
	v9 =	vld [tilespmem:s22+$0xFFFFFFA0];
	v22 =	vshrl.u32 v17, $0x9  }
0x19e: {  	v7 =	vshrl.u32 v17, $0x16;
	v23 =	vld [tilespmem:s22+$0xFFFFFFB0];
	v14 =	vshrl.u32 v18, $0x16;
	v17 =	vshrl.u32 v18, $0x9  }
0x19f: {  	v6 =	vor.u32 v1, v6;
	v10 =	vor.u32 v1, v10;
	v7 =	vand.u32 $0x1FF, v7;
	v18 =	vld [tilespmem:s22+$0x50]  }
0x1a0: {  	v15 =	vshrl.u32 v15, $0x9;
	v24 =	vld [tilespmem:s22+$0xFFFFFFC0];
	v25 =	vshrl.u32 v19, $0x16;
	v19 =	vshrl.u32 v19, $0x9  }
0x1a1: {  	v27 =	vshrl.u32 v16, $0x9;
	v14 =	vand.u32 $0x1FF, v14;
	v26 =	vld [tilespmem:s22+$0xFFFFFFD0];
	v19 =	vand.u32 $0x1FF0, v19  }
0x1a2: {  	v16 =	vshrl.u32 v16, $0x16;
	v27 =	vand.u32 $0x1FF0, v27;
	v25 =	vand.u32 $0x1FF, v25;
	v28 =	vld [tilespmem:s22+$0x60]  }
0x1a3: {  	v17 =	vand.u32 $0x1FF0, v17;
	vm5 =	veq.s32 v25, v3;
	v25 =	vor.u32 v1, v27;
	v29 =	vld [tilespmem:s22+$0xFFFFFFE0]  }
0x1a4: {  	v22 =	vand.u32 $0x1FF0, v22;
	vm8 =	veq.s32 v7, v3;
	vm11 =	veq.s32 v14, v3;
	v27 =	vld [tilespmem:s22+$0x0]  }
0x1a5: {  	v16 =	vand.u32 $0x1FF, v16;
	v17 =	vor.u32 v1, v17;
	v7 =	vshrl.u32 v18, $0x9;
	v14 =	vld [tilespmem:s22+$0xFFFFFFF0]  }
0x1a6: {  	v18 =	vshrl.u32 v18, $0x16;
	v30 =	vand.u32 $0x1FF0, v7;
	[tilespmem:v11+s11+$0x0] =	vst.idx.add.s32.msk vm4, v2;
	vm4 =	veq.s32 v16, v3  }
0x1a7: {  	v7 =	vand.u32 $0x1FF, v18;
	v11 =	vld [tilespmem:s22+$0x10];
	v16 =	vshrl.u32 v28, $0x16;
	v18 =	vshrl.u32 v28, $0x9  }
0x1a8: {  	vm9 =	veq.s32 v7, v3;
	v7 =	vand.u32 $0x1FF, v16;
	v16 =	vand.u32 $0x1FF0, v18;
	[tilespmem:v10+s11+$0x0] =	vst.idx.add.s32.msk vm10, v2  }
0x1a9: {  	vm10 =	veq.s32 v7, v3;
	v16 =	vor.u32 v1, v16;
	[tilespmem:v13+s11+$0x0] =	vst.idx.add.s32.msk vm7, v2;
	v7 =	vand.u32 $0x1FF, v21  }
0x1aa: {  	v18 =	vor.u32 v1, v19;
	v10 =	vand.u32 $0x1FF0, v15;
	[tilespmem:v12+s11+$0x0] =	vst.idx.add.s32.msk vm2, v2;
	vm2 =	veq.s32 v7, v3  }
0x1ab: {  	v15 =	vor.u32 v1, v10;
	v7 =	vshrl.u32 v27, $0x16;
	v12 =	vor.u32 v1, v22;
	[tilespmem:v6+s11+$0x0] =	vst.idx.add.s32.msk vm6, v2  }
0x1ac: {  	v6 =	vshrl.u32 v11, $0x16;
	v10 =	vshrl.u32 v11, $0x9;
	v11 =	vor.u32 v1, v30;
	[tilespmem:v8+s11+$0x0] =	vst.idx.add.s32.msk vm0, v2  }
0x1ad: {  	v8 =	vshrl.u32 v14, $0x9;
	v13 =	vand.u32 $0x1FF, v6;
	v19 =	vand.u32 $0x1FF0, v10;
	[tilespmem:v4+s11+$0x0] =	vst.idx.add.s32.msk vm3, v2  }
0x1ae: {  	v4 =	vshrl.u32 v29, $0x9;
	v6 =	vand.u32 $0x1FF0, v8;
	v8 =	vshrl.u32 v27, $0x9;
	[tilespmem:v5+s11+$0x0] =	vst.idx.add.s32.msk vm1, v2  }
0x1af: {  	v21 =	vshrl.u32 v26, $0x16;
	v4 =	vand.u32 $0x1FF0, v4;
	v10 =	vand.u32 $0x1FF0, v8;
	[tilespmem:v17+s11+$0x0] =	vst.idx.add.s32.msk vm11, v2  }
0x1b0: {  	v5 =	vshrl.u32 v24, $0x9;
	vm0 =	veq.s32 v13, v3;
	v4 =	vor.u32 v1, v4;
	[tilespmem:v12+s11+$0x0] =	vst.idx.add.s32.msk vm8, v2  }
0x1b1: {  	v8 =	vshrl.u32 v23, $0x9;
	v13 =	vand.u32 $0x1FF0, v5;
	v12 =	vor.u32 v1, v19;
	[tilespmem:v15+s11+$0x0] =	vst.idx.add.s32.msk vm2, v2  }
0x1b2: {  	v14 =	vshrl.u32 v14, $0x16;
	v5 =	vshrl.u32 v9, $0x16;
	v8 =	vand.u32 $0x1FF0, v8;
	[tilespmem:v25+s11+$0x0] =	vst.idx.add.s32.msk vm4, v2  }
0x1b3: {  	v15 =	vand.u32 $0x1FF, v5;
	v5 =	vor.u32 v1, v8;
	v8 =	vshrl.u32 v26, $0x9;
	[tilespmem:v11+s11+$0x0] =	vst.idx.add.s32.msk vm9, v2  }
0x1b4: {  	v17 =	vshrl.u32 v20, $0x9;
	v19 =	vshrl.u32 v29, $0x16;
	v11 =	vshrl.u32 v20, $0x16;
	[tilespmem:v16+s11+$0x0] =	vst.idx.add.s32.msk vm10, v2  }
0x1b5: {  	v8 =	vand.u32 $0x1FF0, v8;
	v11 =	vand.u32 $0x1FF, v11;
	v16 =	vand.u32 $0x1FF0, v17;
	[tilespmem:v18+s11+$0x0] =	vst.idx.add.s32.msk vm5, v2  }
.Ltmp12:
0x1b6: {  	vm4 =	veq.s32 v11, v3;
	v11 =	vor.u32 v1, v16;
	v16 =	vand.u32 $0x1FF, v19;
	[tilespmem:v12+s11+$0x0] =	vst.idx.add.s32.msk vm0, v2;
	(pc) =	sbr.rel @p0 .LBB2_23-.Ltmp12, $4  }
0x1b7: {  	vm2 =	veq.s32 v15, v3;
	v18 =	vand.u32 $0x1FF, v21;
	v12 =	vshrl.u32 v23, $0x16;
	v15 =	vld [tilespmem:s22+$0x20]  }
0x1b8: {  	v19 =	vshrl.u32 v9, $0x9;
	v9 =	vshrl.u32 v24, $0x16;
	vm0 =	veq.s32 v18, v3;
	v17 =	vld [tilespmem:s22+$0xFFFFFF80]  }
0x1b9: {  	v8 =	vor.u32 v1, v8;
	v19 =	vand.u32 $0x1FF0, v19;
	v20 =	vand.u32 $0x1FF, v12;
	v18 =	vld [tilespmem:s22+$0x70]  }
0x1ba: {  	vm3 =	veq.s32 v16, v3;
	v12 =	vor.u32 v1, v19;
	vm1 =	veq.s32 v20, v3;
	v16 =	vld [tilespmem:s22+$0x40];
	s22 =	sadd.s32 $0x100, s22  }
0x1bb: {  	v7 =	vand.u32 $0x1FF, v7;
	v9 =	vand.u32 $0x1FF, v9;
	v6 =	vor.u32 v1, v6  }
0x1bc: {  	vm5 =	veq.s32 v7, v3;
	vm6 =	veq.s32 v9, v3;
	v7 =	vor.u32 v1, v10  }
0x1bd: {  	v9 =	vand.u32 $0x1FF, v14;
	v10 =	vor.u32 v1, v13;
	v54 =	vshrl.u32 v15, $0x16  }
0x1be: {  	v58 =	vshrl.u32 v15, $0x9;
	v55 =	vshrl.u32 v17, $0x9;
	vm7 =	veq.s32 v9, v3  }
0x1bf: {  	v9 =	vshrl.u32 v17, $0x16;
	v56 =	vshrl.u32 v18, $0x16;
	v57 =	vshrl.u32 v18, $0x9  }
0x1c0: {  	[tilespmem:v11+s11+$0x0] =	vst.idx.add.s32.msk vm4, v2;
	v9 =	vand.u32 $0x1FF, v9;
	v19 =	vshrl.u32 v16, $0x9;
	v11 =	vand.u32 $0x1FF, v56  }
0x1c1: {  	[tilespmem:v12+s11+$0x0] =	vst.idx.add.s32.msk vm2, v2;
	v59 =	vshrl.u32 v16, $0x16;
	v60 =	vand.u32 $0x1FF0, v57;
	vm12 =	veq.s32 v9, v3  }
0x1c2: {  	[tilespmem:v8+s11+$0x0] =	vst.idx.add.s32.msk vm0, v2;
	vm13 =	veq.s32 v11, v3;
	v9 =	vand.u32 $0x1FF, v59;
	v11 =	vand.u32 $0x1FF, v54  }
0x1c3: {  	vm14 =	veq.s32 v11, v3;
	v11 =	vand.u32 $0x1FF0, v58;
	[tilespmem:v10+s11+$0x0] =	vst.idx.add.s32.msk vm6, v2;
	v10 =	vor.u32 v1, v60  }
0x1c4: {  	vm15 =	veq.s32 v9, v3;
	[tilespmem:v7+s11+$0x0] =	vst.idx.add.s32.msk vm5, v2;
	v7 =	vand.u32 $0x1FF0, v55;
	v3 =	vor.u32 v1, v11  }
0x1c5: {  	v7 =	vor.u32 v1, v7;
	[tilespmem:v6+s11+$0x0] =	vst.idx.add.s32.msk vm7, v2;
	v6 =	vand.u32 $0x1FF0, v19  }
0x1c6: {  	[tilespmem:v4+s11+$0x0] =	vst.idx.add.s32.msk vm3, v2;
	v6 =	vor.u32 v1, v6  }
0x1c7: {  	[tilespmem:v5+s11+$0x0] =	vst.idx.add.s32.msk vm1, v2  }
0x1c8: {  	[tilespmem:v10+s11+$0x0] =	vst.idx.add.s32.msk vm13, v2  }
0x1c9: {  	[tilespmem:v3+s11+$0x0] =	vst.idx.add.s32.msk vm14, v2  }
0x1ca: {  	[tilespmem:v7+s11+$0x0] =	vst.idx.add.s32.msk vm12, v2  }
0x1cb: {  	s0 =	simm.s32 $0x1A7F0;
	[tilespmem:v6+s11+$0x0] =	vst.idx.add.s32.msk vm15, v2  }
0x1cc: {  	v3 =	vld [tilespmem:s0+$0xFFFFFF10]  }
0x1cd: {  	v4 =	vld [tilespmem:s0+$0xFFFFFF20]  }
0x1ce: {  	v5 =	vld [tilespmem:s0+$0xFFFFFF30]  }
0x1cf: {  	v6 =	vld [tilespmem:s0+$0xFFFFFF40]  }
0x1d0: {  	v7 =	vld [tilespmem:s0+$0xFFFFFF50]  }
0x1d1: {  	v8 =	vld [tilespmem:s0+$0xFFFFFF60]  }
0x1d2: {  	v9 =	vld [tilespmem:s0+$0xFFFFFF70]  }
0x1d3: {  	v10 =	vld [tilespmem:s0+$0xFFFFFF80]  }
0x1d4: {  	v11 =	vld [tilespmem:s0+$0xFFFFFF90];
	v3 =	vadd.s32 v3, v4  }
0x1d5: {  	v12 =	vld [tilespmem:s0+$0xFFFFFFA0];
	v3 =	vadd.s32 v5, v3  }
0x1d6: {  	v61 =	vld [tilespmem:s0+$0xFFFFFFB0];
	v3 =	vadd.s32 v6, v3  }
0x1d7: {  	v4 =	vld [tilespmem:s0+$0xFFFFFFC0];
	v3 =	vadd.s32 v7, v3  }
0x1d8: {  	v5 =	vld [tilespmem:s0+$0xFFFFFFD0];
	v3 =	vadd.s32 v8, v3  }
0x1d9: {  	v6 =	vld [tilespmem:s0+$0xFFFFFFE0];
	v3 =	vadd.s32 v9, v3  }
0x1da: {  	v7 =	vld [tilespmem:s0+$0xFFFFFFF0];
	v3 =	vadd.s32 v10, v3  }
0x1db: {  	s31 =	simm.s32 $0x1A6F0;
	v8 =	vld [tilespmem:s0+$0x0];
	v3 =	vadd.s32 v11, v3  }
0x1dc: {  	v9 =	vld [tilespmem:s31+$0xFFFFFF10];
	v3 =	vadd.s32 v12, v3  }
0x1dd: {  	v10 =	vld [tilespmem:s31+$0xFFFFFF20];
	v3 =	vadd.s32 v61, v3  }
0x1de: {  	v11 =	vld [tilespmem:s31+$0xFFFFFF30];
	v3 =	vadd.s32 v4, v3  }
0x1df: {  	v62 =	vld [tilespmem:s31+$0xFFFFFF40];
	v3 =	vadd.s32 v5, v3  }
0x1e0: {  	v63 =	vld [tilespmem:s31+$0xFFFFFF50];
	v3 =	vadd.s32 v6, v3  }
0x1e1: {  	v4 =	vld [tilespmem:s31+$0xFFFFFF60];
	v3 =	vadd.s32 v7, v3  }
0x1e2: {  	v5 =	vadd.s32 v9, v10;
	v9 =	vld [tilespmem:s31+$0xFFFFFF70];
	v3 =	vadd.s32 v8, v3  }
0x1e3: {  	v5 =	vadd.s32 v11, v5;
	v6 =	vld [tilespmem:s31+$0xFFFFFF80];
	(xrf0) =	vadd.scan.msk.s32 $0xffff, v3  }
0x1e4: {  	v5 =	vadd.s32 v62, v5;
	v7 =	vld [tilespmem:s31+$0xFFFFFF90]  }
0x1e5: {  	v5 =	vadd.s32 v63, v5  }
0x1e6: {  	v8 =	vld [tilespmem:s31+$0xFFFFFFA0];
	v3 =	vadd.s32 v4, v5  }
0x1e7: {  	v5 =	vld [tilespmem:s31+$0xFFFFFFB0];
	v3 =	vadd.s32 v9, v3  }
0x1e8: {  	v9 =	vld [tilespmem:s31+$0xFFFFFFC0];
	v3 =	vadd.s32 v6, v3  }
0x1e9: {  	v10 =	vld [tilespmem:s31+$0xFFFFFFD0];
	v4 =	vadd.s32 v7, v3;
	v7, _, _ =	vpop (xrf0)  }
0x1ea: {  	v3 =	vld [tilespmem:s31+$0xFFFFFFE0];
	(v2sf) =	vpush v7, $0xF  }
0x1eb: {  	s26 =	simm.s32 $0x1A5F0;
	v6 =	vadd.s32 v8, v4;
	v4 =	vld [tilespmem:s31+$0xFFFFFFF0]  }
0x1ec: {  	s20 =	ssub.s32 $0x1399, s20;
	s23 =	simm.s32 $0x0;
	p0 =	por $0x0, $0x0;
	v8 =	vld [tilespmem:s26+$0xFFFFFF20];
	v6 =	vadd.s32 v5, v6  }
0x1ed: {  	s21 =	simm.s32 $0x1F;
	s25 =	simm.s32 $0x1E;
	s24 =	simm.s32 $0x1D;
	v5 =	vld [tilespmem:s31+$0x0];
	v9 =	vadd.s32 v9, v6  }
0x1ee: {  	s1 =	simm.s32 $0x1C;
	s22 =	simm.s32 $0x0;
	s21 =	smov.u32 @p0 s23;
	v6 =	vld [tilespmem:s26+$0xFFFFFF10];
	v7 =	vadd.s32 v10, v9  }
.LBB2_25:
0x1ef: {  	s0 =	smov.u32 s23  }
0x1f0: {  	p1 =	seq.s32 s1, $0x0;
	v3 =	vadd.s32 v3, v7;
	v9 =	vld [tilespmem:s26+$0xFFFFFF30]  }
0x1f1: {  	v3 =	vadd.s32 v4, v3;
	v7 =	vld [tilespmem:s26+$0xFFFFFF40]  }
0x1f2: {  	v3 =	vadd.s32 v5, v3;
	v4 =	vld [tilespmem:s26+$0xFFFFFF50]  }
0x1f3: {  	v5 =	vld [tilespmem:s26+$0xFFFFFF60];
	(xrf0) =	vadd.scan.msk.s32 $0xffff, v3  }
0x1f4: {  	v3 =	vadd.s32 v6, v8;
	v6 =	vld [tilespmem:s26+$0xFFFFFF70]  }
0x1f5: {  	v3 =	vadd.s32 v9, v3;
	v8 =	vld [tilespmem:s26+$0xFFFFFF80]  }
0x1f6: {  	v3 =	vadd.s32 v7, v3;
	v7 =	vld [tilespmem:s26+$0xFFFFFF90]  }
0x1f7: {  	v3 =	vadd.s32 v4, v3;
	v4 =	vld [tilespmem:s26+$0xFFFFFFA0]  }
0x1f8: {  	v3 =	vadd.s32 v5, v3;
	v5 =	vld [tilespmem:s26+$0xFFFFFFB0]  }
0x1f9: {  	v3 =	vadd.s32 v6, v3;
	v9 =	vld [tilespmem:s26+$0xFFFFFFC0];
	v6, _, _ =	vpop (xrf0);
	s6 =	spop (v2sf)  }
0x1fa: {  	v3 =	vadd.s32 v8, v3;
	v10 =	vld [tilespmem:s26+$0xFFFFFFD0];
	(v2sf) =	vpush v6, $0xF;
	s23 =	sadd.s32 s23, s6  }
.Ltmp13:
0x1fb: {  	v6 =	vadd.s32 v7, v3;
	v3 =	vld [tilespmem:s26+$0xFFFFFFE0];
	p2 =	sge.s32 s23, s20;
	(pc) =	sbr.rel @!p1 .LBB2_25-.Ltmp13, $4  }
0x1fc: {  	v6 =	vadd.s32 v4, v6;
	v4 =	vld [tilespmem:s26+$0xFFFFFFF0];
	s22 =	smov.u32 @p2 s21;
	p0 =	por p0, p2;
	s21 =	smov.u32 s25  }
0x1fd: {  	v7 =	vadd.s32 v5, v6;
	v5 =	vld [tilespmem:s26+$0x0];
	s26 =	sadd.s32 $0xFFFFFF00, s26;
	s21 =	smov.u32 @p0 s22;
	s23 =	smov.u32 @p0 s0  }
0x1fe: {  	s25 =	smov.u32 s24;
	s24 =	smov.u32 s1;
	v6 =	vld [tilespmem:s26+$0xFFFFFF10];
	v7 =	vadd.s32 v9, v7  }
0x1ff: {  	s1 =	sadd.s32 $0xFFFFFFFF, s1;
	v8 =	vld [tilespmem:s26+$0xFFFFFF20];
	v7 =	vadd.s32 v10, v7  }
0x200: {  	v9 =	vld [tilespmem:s26+$0xFFFFFF30]  }
0x201: {  	v10 =	vld [tilespmem:s26+$0xFFFFFF40]  }
0x202: {  	v11 =	vld [tilespmem:s26+$0xFFFFFF50]  }
0x203: {  	v12 =	vld [tilespmem:s26+$0xFFFFFF60]  }
0x204: {  	v54 =	vld [tilespmem:s26+$0xFFFFFF70];
	v6 =	vadd.s32 v6, v8  }
0x205: {  	v55 =	vld [tilespmem:s26+$0xFFFFFF80];
	v6 =	vadd.s32 v9, v6  }
0x206: {  	v56 =	vld [tilespmem:s26+$0xFFFFFF90];
	v6 =	vadd.s32 v10, v6  }
0x207: {  	v57 =	vld [tilespmem:s26+$0xFFFFFFA0];
	v6 =	vadd.s32 v11, v6  }
0x208: {  	v58 =	vld [tilespmem:s26+$0xFFFFFFB0];
	v6 =	vadd.s32 v12, v6  }
0x209: {  	v59 =	vld [tilespmem:s26+$0xFFFFFFC0];
	v6 =	vadd.s32 v54, v6  }
0x20a: {  	v60 =	vld [tilespmem:s26+$0xFFFFFFD0];
	v6 =	vadd.s32 v55, v6  }
0x20b: {  	v61 =	vld [tilespmem:s26+$0xFFFFFFE0];
	v6 =	vadd.s32 v56, v6  }
0x20c: {  	v3 =	vadd.s32 v3, v7;
	v62 =	vld [tilespmem:s26+$0xFFFFFFF0];
	v6 =	vadd.s32 v57, v6  }
0x20d: {  	v63 =	vld [tilespmem:s26+$0x0];
	v3 =	vadd.s32 v4, v3;
	v4 =	vadd.s32 v58, v6  }
0x20e: {  	v3 =	vadd.s32 v5, v3;
	v4 =	vadd.s32 v59, v4  }
0x20f: {  	(xrf0) =	vadd.scan.msk.s32 $0xffff, v3;
	v3 =	vadd.s32 v60, v4  }
0x210: {  	v3 =	vadd.s32 v61, v3  }
0x211: {  	v3 =	vadd.s32 v62, v3  }
0x212: {  	v3 =	vadd.s32 v63, v3  }
0x213: {  	(xrf0) =	vadd.scan.msk.s32 $0xffff, v3;
	_ =	sdelay $0x1  }
0x214: {  	v3, _, _ =	vpop (xrf0)  }
0x215: {  	(v2sf) =	vpush v3, $0xF;
	_ =	sdelay $0x2  }
0x216: {  	v3, _, _ =	vpop (xrf0)  }
0x217: {  	(v2sf) =	vpush v3, $0xF;
	_ =	sdelay $0x6  }
0x218: {  	s0 =	spop (v2sf)  }
0x219: {  	s0 =	sadd.s32 s23, s0  }
0x21a: {  	p1 =	sge.s32 s0, s20  }
0x21b: {  	p0 =	por p0, p1  }
0x21c: {  	s0 =	smov.u32 @p0 s23;
	s1 =	spop (v2sf)  }
0x21d: {  	s1 =	sadd.s32 s0, s1  }
0x21e: {  	p2 =	sge.s32 s1, s20  }
0x21f: {  	s22 =	smov.u32 @p1 s21;
	p1 =	por p0, p2  }
0x220: {  	s25 =	smov.u32 @p0 s22;
	s1 =	smov.u32 @p1 s0;
	s23 =	spop (v2sf)  }
0x221: {  	s22 =	smov.u32 @p2 s25;
	s29 =	sadd.s32 s1, s23  }
0x222: {  	s24 =	smov.u32 @p1 s22;
	p0 =	sge.s32 s29, s20  }
0x223: {  	s22 =	smov.u32 @p0 s24  }
0x224: {  	s26 =	sshll.u32 s22, $0x8  }
0x225: {  	s0 =	sand.u32 $0x3FFFFF00, s26  }
0x226: {  	s0 =	sadd.s32 $0x188F0, s0  }
0x227: {  	v3 =	vld [tilespmem:s0+$0x0];
	_ =	sdelay $0x4  }
0x228: {  	(xrf0) =	vadd.scan.msk.s32 $0xffff, v3;
	_ =	sdelay $0x5  }
0x229: {  	v3, _, _ =	vpop (xrf0)  }
0x22a: {  	(v2sf) =	vpush v3, $0xF  }
0x22b: {  	s0 =	sadd.s32 $0xFFFFFFF0, s0  }
0x22c: {  	v3 =	vld [tilespmem:s0+$0x0];
	s0 =	sadd.s32 $0xFFFFFFF0, s0  }
0x22d: {  	v4 =	vld [tilespmem:s0+$0x0];
	_ =	sdelay $0x3  }
0x22e: {  	(xrf0) =	vadd.scan.msk.s32 $0xffff, v3  }
0x22f: {  	(xrf0) =	vadd.scan.msk.s32 $0xffff, v4;
	_ =	sdelay $0x4  }
0x230: {  	v4, _, _ =	vpop (xrf0)  }
0x231: {  	(v2sf) =	vpush v4, $0xF;
	v4, _, _ =	vpop (xrf0)  }
0x232: {  	s0 =	sadd.s32 $0xFFFFFFF0, s0;
	s31 =	spop (v2sf);
	(v2sf) =	vpush v4, $0xF  }
0x233: {  	v3 =	vld [tilespmem:s0+$0x0];
	_ =	sdelay $0x1  }
0x234: {  	s28 =	simm.s32 $0xF  }
0x235: {  	s30 =	simm.s32 $0xE;
	s6 =	simm.s32 $0xA;
	s21 =	simm.s32 $0xD  }
0x236: {  	s25 =	simm.s32 $0xB;
	s23 =	simm.s32 $0x0;
	p1 =	por p1, p0  }
0x237: {  	p0 =	por $0x0, $0x0;
	s29 =	smov.u32 @p1 s1;
	s1 =	sadd.s32 $0xFFFFFFF0, s0;
	(xrf0) =	vadd.scan.msk.s32 $0xffff, v3  }
0x238: {  	s28 =	smov.u32 @p0 s23;
	s26 =	simm.s32 $0xC;
	v3 =	vld [tilespmem:s1+$0x0];
	s0 =	sadd.s32 s29, s31  }
.LBB2_27:
0x239: {  	s7 =	smov.u32 s29  }
0x23a: {  	p1 =	sne.s32 s6, $0x0;
	p2 =	sge.s32 s0, s20;
	s29 =	smov.u32 s0  }
0x23b: {  	s23 =	smov.u32 @p2 s28;
	p0 =	por p0, p2;
	s28 =	smov.u32 s30  }
.Ltmp14:
0x23c: {  	s28 =	smov.u32 @p0 s23;
	s29 =	smov.u32 @p0 s7;
	(pc) =	sbr.rel @p1 .LBB2_27-.Ltmp14, $4  }
0x23d: {  	s30 =	smov.u32 s21;
	s21 =	smov.u32 s26;
	s26 =	smov.u32 s25;
	v4, _, _ =	vpop (xrf0)  }
0x23e: {  	s25 =	smov.u32 s6;
	(xrf0) =	vadd.scan.msk.s32 $0xffff, v3;
	(v2sf) =	vpush v4, $0xF  }
0x23f: {  	s1 =	sadd.s32 $0xFFFFFFF0, s1;
	s0 =	spop (v2sf)  }
0x240: {  	s6 =	sadd.s32 $0xFFFFFFFF, s6;
	v3 =	vld [tilespmem:s1+$0x0];
	s0 =	sadd.s32 s29, s0  }
0x241: {  	s24 =	simm.s32 $0x18900  }
0x242: {  	[tilespmem:s24+$0xFFFFFF00] =	vst v0  }
0x243: {  	[tilespmem:s24+$0xF0] =	vst v0  }
0x244: {  	[tilespmem:s24+$0xE0] =	vst v0  }
0x245: {  	[tilespmem:s24+$0xD0] =	vst v0  }
0x246: {  	[tilespmem:s24+$0xC0] =	vst v0;
	(xrf0) =	vadd.scan.msk.s32 $0xffff, v3  }
0x247: {  	[tilespmem:s24+$0xB0] =	vst v0  }
0x248: {  	[tilespmem:s24+$0xA0] =	vst v0;
	v3, _, _ =	vpop (xrf0)  }
0x249: {  	[tilespmem:s24+$0x90] =	vst v0;
	(v2sf) =	vpush v3, $0xF  }
0x24a: {  	[tilespmem:s24+$0x80] =	vst v0  }
0x24b: {  	[tilespmem:s24+$0x70] =	vst v0  }
0x24c: {  	[tilespmem:s24+$0x60] =	vst v0;
	v3, _, _ =	vpop (xrf0)  }
0x24d: {  	[tilespmem:s24+$0x50] =	vst v0;
	(v2sf) =	vpush v3, $0xF  }
0x24e: {  	p3 =	sge.s32 s0, s20;
	[tilespmem:s24+$0x40] =	vst v0  }
0x24f: {  	p1 =	por p0, p3;
	[tilespmem:s24+$0x30] =	vst v0  }
0x250: {  	s1 =	spop (v2sf);
	[tilespmem:s24+$0x20] =	vst v0;
	s0 =	smov.u32 @p1 s29  }
0x251: {  	[tilespmem:s24+$0x10] =	vst v0;
	s1 =	sadd.s32 s0, s1  }
0x252: {  	[tilespmem:s24+$0x0] =	vst v0;
	p2 =	sge.s32 s1, s20  }
0x253: {  	[tilespmem:s24+$0xFFFFFFF0] =	vst v0;
	p0 =	por p1, p2  }
0x254: {  	[tilespmem:s24+$0xFFFFFFE0] =	vst v0;
	s1 =	smov.u32 @p0 s0;
	s7 =	spop (v2sf)  }
0x255: {  	[tilespmem:s24+$0xFFFFFFD0] =	vst v0;
	s0 =	sadd.s32 s1, s7  }
0x256: {  	s23 =	smov.u32 @p3 s28;
	[tilespmem:s24+$0xFFFFFFC0] =	vst v0;
	p3 =	sge.s32 s0, s20  }
0x257: {  	[tilespmem:s24+$0xFFFFFFB0] =	vst v0;
	s30 =	smov.u32 @p1 s23;
	p1 =	por p0, p3  }
0x258: {  	[tilespmem:s24+$0xFFFFFFA0] =	vst v0;
	s0 =	smov.u32 @p1 s1;
	s29 =	spop (v2sf)  }
0x259: {  	[tilespmem:s24+$0xFFFFFF90] =	vst v0;
	s23 =	smov.u32 @p2 s30;
	s1 =	sadd.s32 s0, s29  }
0x25a: {  	[tilespmem:s24+$0xFFFFFF80] =	vst v0;
	s21 =	smov.u32 @p0 s23;
	p0 =	sge.s32 s1, s20  }
0x25b: {  	[tilespmem:s24+$0xFFFFFF70] =	vst v0;
	p2 =	por p1, p0  }
0x25c: {  	[tilespmem:s24+$0xFFFFFF60] =	vst v0;
	s23 =	smov.u32 @p3 s21;
	s1 =	smov.u32 @p2 s0;
	s31 =	spop (v2sf)  }
0x25d: {  	[tilespmem:s24+$0xFFFFFF50] =	vst v0;
	s26 =	smov.u32 @p1 s23;
	s21 =	sadd.s32 s1, s31  }
0x25e: {  	[tilespmem:s24+$0xFFFFFF40] =	vst v0;
	s23 =	smov.u32 @p0 s26;
	p0 =	sge.s32 s21, s20  }
0x25f: {  	[tilespmem:s24+$0xFFFFFF30] =	vst v0;
	s25 =	smov.u32 @p2 s23;
	p1 =	por p2, p0  }
0x260: {  	[tilespmem:s24+$0xFFFFFF20] =	vst v0;
	s23 =	smov.u32 @p0 s25;
	s21 =	smov.u32 @p1 s1;
	s1 =	simm.s32 $0x0  }
.LBB2_29:
0x261: {  	s1 =	sadd.s32 $0x20, s1;
	[tilespmem:s24+$0xFFFFFF10] =	vst v0;
	s24 =	sadd.s32 $0x200, s24  }
0x262: {  	[tilespmem:s24+$0xFFFFFF00] =	vst v0;
	p0 =	slt.u32 s1, $0x1E0  }
0x263: {  	[tilespmem:s24+$0xF0] =	vst v0  }
0x264: {  	[tilespmem:s24+$0xE0] =	vst v0  }
0x265: {  	[tilespmem:s24+$0xD0] =	vst v0  }
0x266: {  	[tilespmem:s24+$0xC0] =	vst v0  }
0x267: {  	[tilespmem:s24+$0xB0] =	vst v0  }
0x268: {  	[tilespmem:s24+$0xA0] =	vst v0  }
0x269: {  	[tilespmem:s24+$0x90] =	vst v0  }
0x26a: {  	[tilespmem:s24+$0x80] =	vst v0  }
0x26b: {  	[tilespmem:s24+$0x70] =	vst v0  }
0x26c: {  	[tilespmem:s24+$0x60] =	vst v0  }
0x26d: {  	[tilespmem:s24+$0x50] =	vst v0  }
0x26e: {  	[tilespmem:s24+$0x40] =	vst v0  }
0x26f: {  	[tilespmem:s24+$0x30] =	vst v0  }
0x270: {  	[tilespmem:s24+$0x20] =	vst v0  }
0x271: {  	[tilespmem:s24+$0x10] =	vst v0  }
0x272: {  	[tilespmem:s24+$0x0] =	vst v0  }
0x273: {  	[tilespmem:s24+$0xFFFFFFF0] =	vst v0  }
0x274: {  	[tilespmem:s24+$0xFFFFFFE0] =	vst v0  }
0x275: {  	[tilespmem:s24+$0xFFFFFFD0] =	vst v0  }
0x276: {  	[tilespmem:s24+$0xFFFFFFC0] =	vst v0  }
0x277: {  	[tilespmem:s24+$0xFFFFFFB0] =	vst v0  }
0x278: {  	[tilespmem:s24+$0xFFFFFFA0] =	vst v0  }
0x279: {  	[tilespmem:s24+$0xFFFFFF90] =	vst v0  }
0x27a: {  	[tilespmem:s24+$0xFFFFFF80] =	vst v0  }
0x27b: {  	[tilespmem:s24+$0xFFFFFF70] =	vst v0  }
.Ltmp15:
0x27c: {  	[tilespmem:s24+$0xFFFFFF60] =	vst v0;
	(pc) =	sbr.rel @p0 .LBB2_29-.Ltmp15, $4  }
0x27d: {  	[tilespmem:s24+$0xFFFFFF50] =	vst v0  }
0x27e: {  	[tilespmem:s24+$0xFFFFFF40] =	vst v0  }
0x27f: {  	[tilespmem:s24+$0xFFFFFF30] =	vst v0  }
0x280: {  	[tilespmem:s24+$0xFFFFFF20] =	vst v0  }
0x281: {  	[tilespmem:s24+$0xFFFFFF10] =	vst v0;
	s1 =	simm.s32 $0x80  }
0x282: {  	v4 =	vld [tilespmem:s1+$0x0]  }
0x283: {  	v5 =	vld [tilespmem:s1+$0xFFFFFFF0]  }
0x284: {  	v7 =	vld [tilespmem:s1+$0xFFFFFFA0]  }
0x285: {  	v8 =	vld [tilespmem:s1+$0xFFFFFFE0]  }
0x286: {  	s0 =	sshll.u32 s22, $0x4;
	s6 =	sshll.u32 s19, $0x9;
	v12 =	vld [tilespmem:s1+$0xFFFFFFB0]  }
0x287: {  	s0 =	sor.u32 s6, s0;
	v14 =	vld [tilespmem:s1+$0xFFFFFF90]  }
0x288: {  	s19 =	sor.u32 s0, s23  }
0x289: {  	v9 =	vld [tilespmem:s1+$0xFFFFFFD0];
	v3 =	vmov s19  }
0x28a: {  	v6 =	vld [tilespmem:s1+$0x40];
	v10 =	vshrl.u32 v5, $0xD;
	v13 =	vshrl.u32 v4, $0xD;
	v4 =	vand.u32 $0x1FF0, v4  }
0x28b: {  	v21 =	vshrl.u32 v8, $0xD;
	v19 =	vand.u32 $0x1FF0, v12;
	v22 =	vand.u32 $0x1FF0, v7  }
0x28c: {  	v20 =	vshrl.u32 v14, $0xD;
	v23 =	vand.u32 $0x1FF0, v14;
	v12 =	vshrl.u32 v12, $0xD  }
0x28d: {  	v11 =	vld [tilespmem:s1+$0x50];
	v17 =	vand.u32 $0x3FFFF, v10;
	v10 =	vand.u32 $0x3FFFF, v13;
	v18 =	vor.u32 v1, v4  }
0x28e: {  	v16 =	vld [tilespmem:s1+$0x10];
	v4 =	vand.u32 $0x1FF0, v8;
	v13 =	vshrl.u32 v9, $0xD;
	vm2 =	veq.s32 v10, v3  }
0x28f: {  	v9 =	vand.u32 $0x1FF0, v9;
	v14 =	vor.u32 v1, v19;
	v10 =	vand.u32 $0x1FF0, v6  }
0x290: {  	v6 =	vshrl.u32 v6, $0xD;
	v8 =	vor.u32 v1, v10;
	v10 =	vand.u32 $0x3FFFF, v13  }
0x291: {  	v9 =	vor.u32 v1, v9;
	vm0 =	veq.s32 v10, v3;
	v10 =	vshrl.u32 v7, $0xD  }
0x292: {  	vm3 =	veq.s32 v17, v3;
	v13 =	vand.u32 $0x1FF0, v11;
	v24 =	vand.u32 $0x3FFFF, v10;
	v10 =	vld [tilespmem:s1+$0xFFFFFFC0]  }
0x293: {  	v19 =	vld [tilespmem:s1+$0x60];
	v25 =	vand.u32 $0x3FFFF, v6;
	v6 =	vor.u32 v1, v22;
	v7 =	vshrl.u32 v16, $0xD  }
0x294: {  	vm7 =	veq.s32 v25, v3;
	v15 =	vand.u32 $0x3FFFF, v7;
	[tilespmem:v18+s11+$0x0] =	vst.idx.add.s32.msk vm2, v2;
	v18 =	vand.u32 $0x3FFFF, v12  }
0x295: {  	v17 =	vld [tilespmem:s1+$0xFFFFFF80];
	v7 =	vand.u32 $0x3FFFF, v20;
	v20 =	vand.u32 $0x1FF0, v16;
	vm6 =	veq.s32 v18, v3  }
0x296: {  	v16 =	vshrl.u32 v11, $0xD;
	v11 =	vand.u32 $0x3FFFF, v21;
	vm1 =	veq.s32 v7, v3;
	v18 =	vld [tilespmem:s1+$0x70]  }
0x297: {  	v7 =	vor.u32 v1, v23;
	v22 =	vand.u32 $0x3FFFF, v16;
	v16 =	vld [tilespmem:s1+$0x30];
	v21 =	vshrl.u32 v10, $0xD  }
0x298: {  	s22 =	simm.s32 $0x0;
	s23 =	simm.s32 $0x180;
	vm5 =	veq.s32 v22, v3;
	v12 =	vld [tilespmem:s1+$0x20];
	vm2 =	veq.s32 v24, v3;
	v21 =	vand.u32 $0x3FFFF, v21  }
.LBB2_31:
0x299: {  	v22 =	vld [tilespmem:s23+$0x40];
	s22 =	sadd.s32 $0x10, s22;
	vm4 =	veq.s32 v21, v3;
	v20 =	vor.u32 v1, v20;
	v13 =	vor.u32 v1, v13  }
0x29a: {  	vm8 =	veq.s32 v15, v3;
	v21 =	vld [tilespmem:s23+$0xFFFFFF90];
	p0 =	slt.u32 s22, $0xC30;
	v15 =	vshrl.u32 v19, $0xD;
	v19 =	vand.u32 $0x1FF0, v19  }
0x29b: {  	[tilespmem:v14+s11+$0x0] =	vst.idx.add.s32.msk vm6, v2;
	v14 =	vand.u32 $0x3FFFF, v15;
	v15 =	vshrl.u32 v18, $0xD;
	v18 =	vand.u32 $0x1FF0, v18  }
0x29c: {  	v19 =	vor.u32 v1, v19;
	v23 =	vld [tilespmem:s23+$0xFFFFFFA0];
	v24 =	vshrl.u32 v16, $0xD;
	v16 =	vand.u32 $0x1FF0, v16  }
0x29d: {  	v15 =	vand.u32 $0x3FFFF, v15;
	v25 =	vld [tilespmem:s23+$0x0];
	v26 =	vshrl.u32 v17, $0xD;
	v24 =	vand.u32 $0x3FFFF, v24  }
0x29e: {  	v26 =	vand.u32 $0x3FFFF, v26;
	vm6 =	veq.s32 v24, v3;
	[tilespmem:v8+s11+$0x0] =	vst.idx.add.s32.msk vm7, v2;
	v8 =	vor.u32 v1, v18  }
0x29f: {  	v17 =	vand.u32 $0x1FF0, v17;
	v16 =	vor.u32 v1, v16;
	v18 =	vld [tilespmem:s23+$0x50];
	vm7 =	veq.s32 v26, v3  }
0x2a0: {  	v17 =	vor.u32 v1, v17;
	v24 =	vand.u32 $0x1FF0, v5;
	[tilespmem:v20+s11+$0x0] =	vst.idx.add.s32.msk vm8, v2;
	vm8 =	veq.s32 v14, v3  }
0x2a1: {  	v5 =	vand.u32 $0x1FF0, v10;
	[tilespmem:v13+s11+$0x0] =	vst.idx.add.s32.msk vm5, v2  }
0x2a2: {  	v10 =	vor.u32 v1, v5;
	v20 =	vld [tilespmem:s23+$0xFFFFFFB0]  }
0x2a3: {  	vm9 =	veq.s32 v15, v3;
	v5 =	vshrl.u32 v12, $0xD;
	v12 =	vand.u32 $0x1FF0, v12;
	v13 =	vld [tilespmem:s23+$0xFFFFFFD0]  }
0x2a4: {  	v15 =	vand.u32 $0x3FFFF, v5;
	v14 =	vld [tilespmem:s23+$0xFFFFFFE0]  }
0x2a5: {  	v24 =	vor.u32 v1, v24;
	vm10 =	veq.s32 v15, v3;
	v5 =	vld [tilespmem:s23+$0xFFFFFFF0]  }
0x2a6: {  	v12 =	vor.u32 v1, v12;
	[tilespmem:v17+s11+$0x0] =	vst.idx.add.s32.msk vm7, v2  }
0x2a7: {  	vm5 =	veq.s32 v11, v3;
	v17 =	vld [tilespmem:s23+$0x10]  }
0x2a8: {  	[tilespmem:v19+s11+$0x0] =	vst.idx.add.s32.msk vm8, v2  }
0x2a9: {  	v11 =	vor.u32 v1, v4;
	[tilespmem:v8+s11+$0x0] =	vst.idx.add.s32.msk vm9, v2  }
0x2aa: {  	v15 =	vand.u32 $0x1FF0, v25;
	v8 =	vshrl.u32 v25, $0xD;
	v4 =	vshrl.u32 v5, $0xD;
	[tilespmem:v24+s11+$0x0] =	vst.idx.add.s32.msk vm3, v2  }
0x2ab: {  	v19 =	vor.u32 v1, v15;
	v8 =	vand.u32 $0x3FFFF, v8;
	v24 =	vand.u32 $0x3FFFF, v4;
	[tilespmem:v9+s11+$0x0] =	vst.idx.add.s32.msk vm0, v2  }
0x2ac: {  	v4 =	vand.u32 $0x1FF0, v14;
	vm3 =	veq.s32 v8, v3;
	v8 =	vand.u32 $0x1FF0, v22;
	[tilespmem:v12+s11+$0x0] =	vst.idx.add.s32.msk vm10, v2  }
0x2ad: {  	v25 =	vshrl.u32 v14, $0xD;
	v9 =	vshrl.u32 v13, $0xD;
	v8 =	vor.u32 v1, v8;
	[tilespmem:v7+s11+$0x0] =	vst.idx.add.s32.msk vm1, v2  }
0x2ae: {  	v7 =	vand.u32 $0x3FFFF, v9;
	v9 =	vand.u32 $0x1FF0, v13;
	v13 =	vand.u32 $0x1FF0, v18;
	[tilespmem:v16+s11+$0x0] =	vst.idx.add.s32.msk vm6, v2  }
0x2af: {  	v12 =	vand.u32 $0x1FF0, v20;
	vm0 =	veq.s32 v7, v3;
	v7 =	vshrl.u32 v22, $0xD;
	[tilespmem:v10+s11+$0x0] =	vst.idx.add.s32.msk vm4, v2  }
0x2b0: {  	v14 =	vshrl.u32 v17, $0xD;
	v16 =	vand.u32 $0x1FF0, v23;
	v10 =	vshrl.u32 v23, $0xD;
	[tilespmem:v11+s11+$0x0] =	vst.idx.add.s32.msk vm5, v2  }
0x2b1: {  	v15 =	vand.u32 $0x3FFFF, v14;
	v11 =	vshrl.u32 v21, $0xD;
	v21 =	vand.u32 $0x1FF0, v21;
	[tilespmem:v6+s11+$0x0] =	vst.idx.add.s32.msk vm2, v2  }
0x2b2: {  	v14 =	vor.u32 v1, v12;
	v6 =	vand.u32 $0x3FFFF, v11;
	v11 =	vand.u32 $0x3FFFF, v10;
	v10 =	vld [tilespmem:s23+$0xFFFFFFC0]  }
0x2b3: {  	v22 =	vand.u32 $0x3FFFF, v7;
	vm1 =	veq.s32 v6, v3;
	v6 =	vshrl.u32 v20, $0xD;
	[tilespmem:v19+s11+$0x0] =	vst.idx.add.s32.msk vm3, v2  }
.Ltmp16:
0x2b4: {  	v7 =	vor.u32 v1, v21;
	v20 =	vand.u32 $0x1FF0, v17;
	v19 =	vand.u32 $0x3FFFF, v6;
	v12 =	vld [tilespmem:s23+$0x20];
	(pc) =	sbr.rel @p0 .LBB2_31-.Ltmp16, $4  }
0x2b5: {  	v6 =	vor.u32 v1, v16;
	v16 =	vshrl.u32 v18, $0xD;
	vm6 =	veq.s32 v19, v3;
	v19 =	vld [tilespmem:s23+$0x60]  }
0x2b6: {  	vm2 =	veq.s32 v11, v3;
	v11 =	vand.u32 $0x3FFFF, v25;
	v23 =	vand.u32 $0x3FFFF, v16;
	v18 =	vld [tilespmem:s23+$0x70]  }
0x2b7: {  	v9 =	vor.u32 v1, v9;
	vm3 =	veq.s32 v24, v3;
	v21 =	vshrl.u32 v10, $0xD;
	v16 =	vld [tilespmem:s23+$0x30]  }
0x2b8: {  	vm7 =	veq.s32 v22, v3;
	vm5 =	veq.s32 v23, v3;
	v17 =	vld [tilespmem:s23+$0xFFFFFF80];
	v21 =	vand.u32 $0x3FFFF, v21;
	s23 =	sadd.s32 $0x100, s23  }
0x2b9: {  	_ =	sdelay $0x2  }
0x2ba: {  	v20 =	vor.u32 v1, v20;
	v13 =	vor.u32 v1, v13;
	vm4 =	veq.s32 v15, v3  }
0x2bb: {  	v5 =	vand.u32 $0x1FF0, v5;
	v56 =	vshrl.u32 v12, $0xD;
	v58 =	vand.u32 $0x1FF0, v12  }
0x2bc: {  	[tilespmem:v14+s11+$0x0] =	vst.idx.add.s32.msk vm6, v2;
	v50 =	vshrl.u32 v19, $0xD;
	v51 =	vand.u32 $0x1FF0, v19;
	v14 =	vand.u32 $0x3FFFF, v56  }
0x2bd: {  	v5 =	vor.u32 v1, v5;
	v12 =	vor.u32 v1, v58;
	v22 =	vshrl.u32 v17, $0xD  }
0x2be: {  	[tilespmem:v8+s11+$0x0] =	vst.idx.add.s32.msk vm7, v2;
	v15 =	vand.u32 $0x3FFFF, v50;
	v52 =	vshrl.u32 v18, $0xD;
	v22 =	vand.u32 $0x3FFFF, v22  }
0x2bf: {  	[tilespmem:v9+s11+$0x0] =	vst.idx.add.s32.msk vm0, v2;
	vm12 =	veq.s32 v14, v3;
	vm8 =	veq.s32 v22, v3;
	v22 =	vand.u32 $0x3FFFF, v52  }
0x2c0: {  	[tilespmem:v7+s11+$0x0] =	vst.idx.add.s32.msk vm1, v2;
	v54 =	vand.u32 $0x1FF0, v18;
	v57 =	vshrl.u32 v16, $0xD;
	vm11 =	veq.s32 v22, v3  }
0x2c1: {  	[tilespmem:v6+s11+$0x0] =	vst.idx.add.s32.msk vm2, v2;
	vm9 =	veq.s32 v15, v3;
	v8 =	vor.u32 v1, v54;
	v59 =	vand.u32 $0x3FFFF, v57  }
0x2c2: {  	v55 =	vor.u32 v1, v51;
	v60 =	vand.u32 $0x1FF0, v16;
	[tilespmem:v13+s11+$0x0] =	vst.idx.add.s32.msk vm5, v2;
	vm13 =	veq.s32 v59, v3  }
0x2c3: {  	v53 =	vand.u32 $0x1FF0, v17;
	v61 =	vor.u32 v1, v60;
	[tilespmem:v20+s11+$0x0] =	vst.idx.add.s32.msk vm4, v2  }
0x2c4: {  	vm15 =	veq.s32 v11, v3;
	v17 =	vor.u32 v1, v53;
	[tilespmem:v5+s11+$0x0] =	vst.idx.add.s32.msk vm3, v2  }
0x2c5: {  	vm14 =	veq.s32 v21, v3;
	v10 =	vand.u32 $0x1FF0, v10;
	v3 =	vor.u32 v1, v4;
	[tilespmem:v12+s11+$0x0] =	vst.idx.add.s32.msk vm12, v2  }
0x2c6: {  	[tilespmem:v8+s11+$0x0] =	vst.idx.add.s32.msk vm11, v2;
	v8 =	vor.u32 v1, v10  }
0x2c7: {  	[tilespmem:v55+s11+$0x0] =	vst.idx.add.s32.msk vm9, v2  }
0x2c8: {  	[tilespmem:v61+s11+$0x0] =	vst.idx.add.s32.msk vm13, v2  }
0x2c9: {  	[tilespmem:v17+s11+$0x0] =	vst.idx.add.s32.msk vm8, v2  }
0x2ca: {  	[tilespmem:v3+s11+$0x0] =	vst.idx.add.s32.msk vm15, v2  }
0x2cb: {  	s0 =	simm.s32 $0x1A7F0;
	[tilespmem:v8+s11+$0x0] =	vst.idx.add.s32.msk vm14, v2  }
0x2cc: {  	v3 =	vld [tilespmem:s0+$0xFFFFFF10]  }
0x2cd: {  	v4 =	vld [tilespmem:s0+$0xFFFFFF20]  }
0x2ce: {  	v5 =	vld [tilespmem:s0+$0xFFFFFF30]  }
0x2cf: {  	v6 =	vld [tilespmem:s0+$0xFFFFFF40]  }
0x2d0: {  	v7 =	vld [tilespmem:s0+$0xFFFFFF50]  }
0x2d1: {  	v8 =	vld [tilespmem:s0+$0xFFFFFF60]  }
0x2d2: {  	v9 =	vld [tilespmem:s0+$0xFFFFFF70]  }
0x2d3: {  	v10 =	vld [tilespmem:s0+$0xFFFFFF80]  }
0x2d4: {  	v11 =	vld [tilespmem:s0+$0xFFFFFF90];
	v3 =	vadd.s32 v3, v4  }
0x2d5: {  	v12 =	vld [tilespmem:s0+$0xFFFFFFA0];
	v3 =	vadd.s32 v5, v3  }
0x2d6: {  	v13 =	vld [tilespmem:s0+$0xFFFFFFB0];
	v3 =	vadd.s32 v6, v3  }
0x2d7: {  	v4 =	vld [tilespmem:s0+$0xFFFFFFC0];
	v3 =	vadd.s32 v7, v3  }
0x2d8: {  	v5 =	vld [tilespmem:s0+$0xFFFFFFD0];
	v3 =	vadd.s32 v8, v3  }
0x2d9: {  	v6 =	vld [tilespmem:s0+$0xFFFFFFE0];
	v3 =	vadd.s32 v9, v3  }
0x2da: {  	v7 =	vld [tilespmem:s0+$0xFFFFFFF0];
	v3 =	vadd.s32 v10, v3  }
0x2db: {  	s31 =	simm.s32 $0x1A6F0;
	v8 =	vld [tilespmem:s0+$0x0];
	v3 =	vadd.s32 v11, v3  }
0x2dc: {  	v9 =	vld [tilespmem:s31+$0xFFFFFF10];
	v3 =	vadd.s32 v12, v3  }
0x2dd: {  	v10 =	vld [tilespmem:s31+$0xFFFFFF20];
	v3 =	vadd.s32 v13, v3  }
0x2de: {  	v11 =	vld [tilespmem:s31+$0xFFFFFF30];
	v3 =	vadd.s32 v4, v3  }
0x2df: {  	v62 =	vld [tilespmem:s31+$0xFFFFFF40];
	v3 =	vadd.s32 v5, v3  }
0x2e0: {  	v63 =	vld [tilespmem:s31+$0xFFFFFF50];
	v3 =	vadd.s32 v6, v3  }
0x2e1: {  	v4 =	vld [tilespmem:s31+$0xFFFFFF60];
	v3 =	vadd.s32 v7, v3  }
0x2e2: {  	v5 =	vadd.s32 v9, v10;
	v9 =	vld [tilespmem:s31+$0xFFFFFF70];
	v3 =	vadd.s32 v8, v3  }
0x2e3: {  	v5 =	vadd.s32 v11, v5;
	v6 =	vld [tilespmem:s31+$0xFFFFFF80];
	(xrf0) =	vadd.scan.msk.s32 $0xffff, v3  }
0x2e4: {  	v5 =	vadd.s32 v62, v5;
	v7 =	vld [tilespmem:s31+$0xFFFFFF90]  }
0x2e5: {  	v5 =	vadd.s32 v63, v5  }
0x2e6: {  	v8 =	vld [tilespmem:s31+$0xFFFFFFA0];
	v3 =	vadd.s32 v4, v5  }
0x2e7: {  	v5 =	vld [tilespmem:s31+$0xFFFFFFB0];
	v3 =	vadd.s32 v9, v3  }
0x2e8: {  	v9 =	vld [tilespmem:s31+$0xFFFFFFC0];
	v3 =	vadd.s32 v6, v3  }
0x2e9: {  	v10 =	vld [tilespmem:s31+$0xFFFFFFD0];
	v4 =	vadd.s32 v7, v3;
	v7, _, _ =	vpop (xrf0)  }
0x2ea: {  	v3 =	vld [tilespmem:s31+$0xFFFFFFE0];
	(v2sf) =	vpush v7, $0xF  }
0x2eb: {  	s26 =	simm.s32 $0x1A5F0;
	v6 =	vadd.s32 v8, v4;
	v4 =	vld [tilespmem:s31+$0xFFFFFFF0]  }
0x2ec: {  	s20 =	ssub.s32 s20, s21;
	s22 =	simm.s32 $0x0;
	p0 =	por $0x0, $0x0;
	v8 =	vld [tilespmem:s26+$0xFFFFFF20];
	v6 =	vadd.s32 v5, v6  }
0x2ed: {  	s21 =	simm.s32 $0x1F;
	s25 =	simm.s32 $0x1E;
	s23 =	simm.s32 $0x1D;
	v5 =	vld [tilespmem:s31+$0x0];
	v9 =	vadd.s32 v9, v6  }
0x2ee: {  	s1 =	simm.s32 $0x1C;
	s24 =	simm.s32 $0x0;
	s21 =	smov.u32 @p0 s22;
	v6 =	vld [tilespmem:s26+$0xFFFFFF10];
	v7 =	vadd.s32 v10, v9  }
.LBB2_33:
0x2ef: {  	s0 =	smov.u32 s22  }
0x2f0: {  	p1 =	seq.s32 s1, $0x0;
	v3 =	vadd.s32 v3, v7;
	v9 =	vld [tilespmem:s26+$0xFFFFFF30]  }
0x2f1: {  	v3 =	vadd.s32 v4, v3;
	v7 =	vld [tilespmem:s26+$0xFFFFFF40]  }
0x2f2: {  	v3 =	vadd.s32 v5, v3;
	v4 =	vld [tilespmem:s26+$0xFFFFFF50]  }
0x2f3: {  	v5 =	vld [tilespmem:s26+$0xFFFFFF60];
	(xrf0) =	vadd.scan.msk.s32 $0xffff, v3  }
0x2f4: {  	v3 =	vadd.s32 v6, v8;
	v6 =	vld [tilespmem:s26+$0xFFFFFF70]  }
0x2f5: {  	v3 =	vadd.s32 v9, v3;
	v8 =	vld [tilespmem:s26+$0xFFFFFF80]  }
0x2f6: {  	v3 =	vadd.s32 v7, v3;
	v7 =	vld [tilespmem:s26+$0xFFFFFF90]  }
0x2f7: {  	v3 =	vadd.s32 v4, v3;
	v4 =	vld [tilespmem:s26+$0xFFFFFFA0]  }
0x2f8: {  	v3 =	vadd.s32 v5, v3;
	v5 =	vld [tilespmem:s26+$0xFFFFFFB0]  }
0x2f9: {  	v3 =	vadd.s32 v6, v3;
	v9 =	vld [tilespmem:s26+$0xFFFFFFC0];
	v6, _, _ =	vpop (xrf0);
	s6 =	spop (v2sf)  }
0x2fa: {  	v3 =	vadd.s32 v8, v3;
	v10 =	vld [tilespmem:s26+$0xFFFFFFD0];
	(v2sf) =	vpush v6, $0xF;
	s22 =	sadd.s32 s22, s6  }
.Ltmp17:
0x2fb: {  	v6 =	vadd.s32 v7, v3;
	v3 =	vld [tilespmem:s26+$0xFFFFFFE0];
	p2 =	sge.s32 s22, s20;
	(pc) =	sbr.rel @!p1 .LBB2_33-.Ltmp17, $4  }
0x2fc: {  	v6 =	vadd.s32 v4, v6;
	v4 =	vld [tilespmem:s26+$0xFFFFFFF0];
	s24 =	smov.u32 @p2 s21;
	p0 =	por p0, p2;
	s21 =	smov.u32 s25  }
0x2fd: {  	v7 =	vadd.s32 v5, v6;
	v5 =	vld [tilespmem:s26+$0x0];
	s26 =	sadd.s32 $0xFFFFFF00, s26;
	s21 =	smov.u32 @p0 s24;
	s22 =	smov.u32 @p0 s0  }
0x2fe: {  	s25 =	smov.u32 s23;
	s23 =	smov.u32 s1;
	v6 =	vld [tilespmem:s26+$0xFFFFFF10];
	v7 =	vadd.s32 v9, v7  }
0x2ff: {  	s1 =	sadd.s32 $0xFFFFFFFF, s1;
	v8 =	vld [tilespmem:s26+$0xFFFFFF20];
	v7 =	vadd.s32 v10, v7  }
0x300: {  	v9 =	vld [tilespmem:s26+$0xFFFFFF30]  }
0x301: {  	v10 =	vld [tilespmem:s26+$0xFFFFFF40]  }
0x302: {  	v11 =	vld [tilespmem:s26+$0xFFFFFF50]  }
0x303: {  	v12 =	vld [tilespmem:s26+$0xFFFFFF60]  }
0x304: {  	v54 =	vld [tilespmem:s26+$0xFFFFFF70];
	v6 =	vadd.s32 v6, v8  }
0x305: {  	v55 =	vld [tilespmem:s26+$0xFFFFFF80];
	v6 =	vadd.s32 v9, v6  }
0x306: {  	v56 =	vld [tilespmem:s26+$0xFFFFFF90];
	v6 =	vadd.s32 v10, v6  }
0x307: {  	v57 =	vld [tilespmem:s26+$0xFFFFFFA0];
	v6 =	vadd.s32 v11, v6  }
0x308: {  	v58 =	vld [tilespmem:s26+$0xFFFFFFB0];
	v6 =	vadd.s32 v12, v6  }
0x309: {  	v59 =	vld [tilespmem:s26+$0xFFFFFFC0];
	v6 =	vadd.s32 v54, v6  }
0x30a: {  	v60 =	vld [tilespmem:s26+$0xFFFFFFD0];
	v6 =	vadd.s32 v55, v6  }
0x30b: {  	v61 =	vld [tilespmem:s26+$0xFFFFFFE0];
	v6 =	vadd.s32 v56, v6  }
0x30c: {  	v3 =	vadd.s32 v3, v7;
	v62 =	vld [tilespmem:s26+$0xFFFFFFF0];
	v6 =	vadd.s32 v57, v6  }
0x30d: {  	v63 =	vld [tilespmem:s26+$0x0];
	v3 =	vadd.s32 v4, v3;
	v4 =	vadd.s32 v58, v6  }
0x30e: {  	v3 =	vadd.s32 v5, v3;
	v4 =	vadd.s32 v59, v4  }
0x30f: {  	(xrf0) =	vadd.scan.msk.s32 $0xffff, v3;
	v3 =	vadd.s32 v60, v4  }
0x310: {  	v3 =	vadd.s32 v61, v3  }
0x311: {  	v3 =	vadd.s32 v62, v3  }
0x312: {  	v3 =	vadd.s32 v63, v3  }
0x313: {  	(xrf0) =	vadd.scan.msk.s32 $0xffff, v3;
	_ =	sdelay $0x1  }
0x314: {  	v3, _, _ =	vpop (xrf0)  }
0x315: {  	(v2sf) =	vpush v3, $0xF;
	_ =	sdelay $0x2  }
0x316: {  	v3, _, _ =	vpop (xrf0)  }
0x317: {  	(v2sf) =	vpush v3, $0xF;
	_ =	sdelay $0x6  }
0x318: {  	s0 =	spop (v2sf)  }
0x319: {  	s0 =	sadd.s32 s22, s0  }
0x31a: {  	p1 =	sge.s32 s0, s20  }
0x31b: {  	p0 =	por p0, p1  }
0x31c: {  	s0 =	smov.u32 @p0 s22;
	s1 =	spop (v2sf)  }
0x31d: {  	s1 =	sadd.s32 s0, s1  }
0x31e: {  	p2 =	sge.s32 s1, s20  }
0x31f: {  	s24 =	smov.u32 @p1 s21;
	p1 =	por p0, p2  }
0x320: {  	s25 =	smov.u32 @p0 s24;
	s1 =	smov.u32 @p1 s0;
	s22 =	spop (v2sf)  }
0x321: {  	s24 =	smov.u32 @p2 s25;
	s29 =	sadd.s32 s1, s22  }
0x322: {  	s23 =	smov.u32 @p1 s24;
	p0 =	sge.s32 s29, s20  }
0x323: {  	s24 =	smov.u32 @p0 s23  }
0x324: {  	s21 =	sshll.u32 s24, $0x8  }
0x325: {  	s26 =	sand.u32 $0x3FFFFF00, s21  }
0x326: {  	s0 =	sadd.s32 $0x188F0, s26  }
0x327: {  	v3 =	vld [tilespmem:s0+$0x0];
	_ =	sdelay $0x4  }
0x328: {  	(xrf0) =	vadd.scan.msk.s32 $0xffff, v3;
	_ =	sdelay $0x5  }
0x329: {  	v3, _, _ =	vpop (xrf0)  }
0x32a: {  	(v2sf) =	vpush v3, $0xF  }
0x32b: {  	s0 =	sadd.s32 $0xFFFFFFF0, s0  }
0x32c: {  	v3 =	vld [tilespmem:s0+$0x0];
	s0 =	sadd.s32 $0xFFFFFFF0, s0  }
0x32d: {  	v4 =	vld [tilespmem:s0+$0x0];
	_ =	sdelay $0x3  }
0x32e: {  	(xrf0) =	vadd.scan.msk.s32 $0xffff, v3  }
0x32f: {  	(xrf0) =	vadd.scan.msk.s32 $0xffff, v4;
	_ =	sdelay $0x4  }
0x330: {  	v4, _, _ =	vpop (xrf0)  }
0x331: {  	(v2sf) =	vpush v4, $0xF;
	v4, _, _ =	vpop (xrf0)  }
0x332: {  	s0 =	sadd.s32 $0xFFFFFFF0, s0;
	s31 =	spop (v2sf);
	(v2sf) =	vpush v4, $0xF  }
0x333: {  	v3 =	vld [tilespmem:s0+$0x0];
	_ =	sdelay $0x1  }
0x334: {  	s28 =	simm.s32 $0xF  }
0x335: {  	s30 =	simm.s32 $0xE;
	s6 =	simm.s32 $0xA;
	s25 =	simm.s32 $0xC  }
0x336: {  	s22 =	simm.s32 $0x0;
	p1 =	por p1, p0;
	p0 =	por $0x0, $0x0  }
0x337: {  	s29 =	smov.u32 @p1 s1;
	s24 =	simm.s32 $0xB;
	s1 =	sadd.s32 $0xFFFFFFF0, s0;
	(xrf0) =	vadd.scan.msk.s32 $0xffff, v3  }
0x338: {  	s28 =	smov.u32 @p0 s22;
	s26 =	simm.s32 $0xD;
	v3 =	vld [tilespmem:s1+$0x0];
	s0 =	sadd.s32 s29, s31  }
.LBB2_35:
0x339: {  	s7 =	smov.u32 s29  }
0x33a: {  	p1 =	sne.s32 s6, $0x0;
	p2 =	sge.s32 s0, s20;
	s29 =	smov.u32 s0  }
0x33b: {  	s22 =	smov.u32 @p2 s28;
	p0 =	por p0, p2;
	s28 =	smov.u32 s30  }
.Ltmp18:
0x33c: {  	s28 =	smov.u32 @p0 s22;
	s29 =	smov.u32 @p0 s7;
	(pc) =	sbr.rel @p1 .LBB2_35-.Ltmp18, $4  }
0x33d: {  	s30 =	smov.u32 s26;
	s26 =	smov.u32 s25;
	s25 =	smov.u32 s24;
	v4, _, _ =	vpop (xrf0)  }
0x33e: {  	s24 =	smov.u32 s6;
	(xrf0) =	vadd.scan.msk.s32 $0xffff, v3;
	(v2sf) =	vpush v4, $0xF  }
0x33f: {  	s1 =	sadd.s32 $0xFFFFFFF0, s1;
	s0 =	spop (v2sf)  }
0x340: {  	s6 =	sadd.s32 $0xFFFFFFFF, s6;
	v3 =	vld [tilespmem:s1+$0x0];
	s0 =	sadd.s32 s29, s0  }
0x341: {  	s23 =	simm.s32 $0x18900  }
0x342: {  	[tilespmem:s23+$0xFFFFFF00] =	vst v0  }
0x343: {  	[tilespmem:s23+$0xF0] =	vst v0  }
0x344: {  	[tilespmem:s23+$0xE0] =	vst v0  }
0x345: {  	[tilespmem:s23+$0xD0] =	vst v0  }
0x346: {  	[tilespmem:s23+$0xC0] =	vst v0  }
0x347: {  	[tilespmem:s23+$0xB0] =	vst v0;
	(xrf0) =	vadd.scan.msk.s32 $0xffff, v3  }
0x348: {  	[tilespmem:s23+$0xA0] =	vst v0  }
0x349: {  	[tilespmem:s23+$0x90] =	vst v0;
	v3, _, _ =	vpop (xrf0)  }
0x34a: {  	[tilespmem:s23+$0x80] =	vst v0;
	(v2sf) =	vpush v3, $0xF  }
0x34b: {  	[tilespmem:s23+$0x70] =	vst v0  }
0x34c: {  	[tilespmem:s23+$0x60] =	vst v0  }
0x34d: {  	[tilespmem:s23+$0x50] =	vst v0;
	v3, _, _ =	vpop (xrf0)  }
0x34e: {  	[tilespmem:s23+$0x40] =	vst v0;
	(v2sf) =	vpush v3, $0xF  }
0x34f: {  	p2 =	sge.s32 s0, s20;
	[tilespmem:s23+$0x30] =	vst v0  }
0x350: {  	p1 =	por p0, p2;
	[tilespmem:s23+$0x20] =	vst v0  }
0x351: {  	s1 =	spop (v2sf);
	[tilespmem:s23+$0x10] =	vst v0;
	s0 =	smov.u32 @p1 s29  }
0x352: {  	[tilespmem:s23+$0x0] =	vst v0;
	s1 =	sadd.s32 s0, s1  }
0x353: {  	[tilespmem:s23+$0xFFFFFFF0] =	vst v0;
	p3 =	sge.s32 s1, s20  }
0x354: {  	[tilespmem:s23+$0xFFFFFFE0] =	vst v0;
	p0 =	por p1, p3  }
0x355: {  	[tilespmem:s23+$0xFFFFFFD0] =	vst v0;
	s1 =	smov.u32 @p0 s0;
	s29 =	spop (v2sf)  }
0x356: {  	s22 =	smov.u32 @p2 s28;
	[tilespmem:s23+$0xFFFFFFC0] =	vst v0;
	s0 =	sadd.s32 s1, s29  }
0x357: {  	[tilespmem:s23+$0xFFFFFFB0] =	vst v0;
	s30 =	smov.u32 @p1 s22;
	p1 =	sge.s32 s0, s20  }
0x358: {  	[tilespmem:s23+$0xFFFFFFA0] =	vst v0;
	p2 =	por p0, p1  }
0x359: {  	[tilespmem:s23+$0xFFFFFF90] =	vst v0;
	s22 =	smov.u32 @p3 s30;
	s0 =	smov.u32 @p2 s1;
	s30 =	spop (v2sf)  }
0x35a: {  	[tilespmem:s23+$0xFFFFFF80] =	vst v0;
	s1 =	sadd.s32 s0, s30  }
0x35b: {  	[tilespmem:s23+$0xFFFFFF70] =	vst v0;
	s26 =	smov.u32 @p0 s22;
	p0 =	sge.s32 s1, s20  }
0x35c: {  	[tilespmem:s23+$0xFFFFFF60] =	vst v0;
	s22 =	smov.u32 @p1 s26;
	p1 =	por p2, p0  }
0x35d: {  	[tilespmem:s23+$0xFFFFFF50] =	vst v0;
	s25 =	smov.u32 @p2 s22;
	s1 =	smov.u32 @p1 s0;
	s31 =	spop (v2sf)  }
0x35e: {  	[tilespmem:s23+$0xFFFFFF40] =	vst v0;
	s22 =	smov.u32 @p0 s25;
	s0 =	sadd.s32 s1, s31  }
0x35f: {  	[tilespmem:s23+$0xFFFFFF30] =	vst v0;
	s24 =	smov.u32 @p1 s22;
	p0 =	sge.s32 s0, s20  }
0x360: {  	[tilespmem:s23+$0xFFFFFF20] =	vst v0;
	s1 =	simm.s32 $0x0;
	s22 =	smov.u32 @p0 s24  }
.LBB2_37:
0x361: {  	s1 =	sadd.s32 $0x20, s1;
	[tilespmem:s23+$0xFFFFFF10] =	vst v0;
	s23 =	sadd.s32 $0x200, s23  }
0x362: {  	[tilespmem:s23+$0xFFFFFF00] =	vst v0;
	p0 =	slt.u32 s1, $0x1E0  }
0x363: {  	[tilespmem:s23+$0xF0] =	vst v0  }
0x364: {  	[tilespmem:s23+$0xE0] =	vst v0  }
0x365: {  	[tilespmem:s23+$0xD0] =	vst v0  }
0x366: {  	[tilespmem:s23+$0xC0] =	vst v0  }
0x367: {  	[tilespmem:s23+$0xB0] =	vst v0  }
0x368: {  	[tilespmem:s23+$0xA0] =	vst v0  }
0x369: {  	[tilespmem:s23+$0x90] =	vst v0  }
0x36a: {  	[tilespmem:s23+$0x80] =	vst v0  }
0x36b: {  	[tilespmem:s23+$0x70] =	vst v0  }
0x36c: {  	[tilespmem:s23+$0x60] =	vst v0  }
0x36d: {  	[tilespmem:s23+$0x50] =	vst v0  }
0x36e: {  	[tilespmem:s23+$0x40] =	vst v0  }
0x36f: {  	[tilespmem:s23+$0x30] =	vst v0  }
0x370: {  	[tilespmem:s23+$0x20] =	vst v0  }
0x371: {  	[tilespmem:s23+$0x10] =	vst v0  }
0x372: {  	[tilespmem:s23+$0x0] =	vst v0  }
0x373: {  	[tilespmem:s23+$0xFFFFFFF0] =	vst v0  }
0x374: {  	[tilespmem:s23+$0xFFFFFFE0] =	vst v0  }
0x375: {  	[tilespmem:s23+$0xFFFFFFD0] =	vst v0  }
0x376: {  	[tilespmem:s23+$0xFFFFFFC0] =	vst v0  }
0x377: {  	[tilespmem:s23+$0xFFFFFFB0] =	vst v0  }
0x378: {  	[tilespmem:s23+$0xFFFFFFA0] =	vst v0  }
0x379: {  	[tilespmem:s23+$0xFFFFFF90] =	vst v0  }
0x37a: {  	[tilespmem:s23+$0xFFFFFF80] =	vst v0  }
0x37b: {  	[tilespmem:s23+$0xFFFFFF70] =	vst v0  }
.Ltmp19:
0x37c: {  	[tilespmem:s23+$0xFFFFFF60] =	vst v0;
	(pc) =	sbr.rel @p0 .LBB2_37-.Ltmp19, $4  }
0x37d: {  	[tilespmem:s23+$0xFFFFFF50] =	vst v0  }
0x37e: {  	[tilespmem:s23+$0xFFFFFF40] =	vst v0  }
0x37f: {  	[tilespmem:s23+$0xFFFFFF30] =	vst v0  }
0x380: {  	[tilespmem:s23+$0xFFFFFF20] =	vst v0  }
0x381: {  	[tilespmem:s23+$0xFFFFFF10] =	vst v0;
	s20 =	simm.s32 $0x80  }
0x382: {  	v4 =	vld [tilespmem:s20+$0x70]  }
0x383: {  	v5 =	vld [tilespmem:s20+$0xFFFFFF90]  }
0x384: {  	s0 =	sshll.u32 s22, $0x4;
	v6 =	vld [tilespmem:s20+$0xFFFFFFA0]  }
0x385: {  	s1 =	sshll.u32 s19, $0xD;
	s0 =	sor.u32 s21, s0;
	v7 =	vld [tilespmem:s20+$0xFFFFFFB0]  }
0x386: {  	v8 =	vld [tilespmem:s20+$0xFFFFFFC0];
	s0 =	sor.u32 s1, s0  }
0x387: {  	v9 =	vld [tilespmem:s20+$0xFFFFFFD0];
	v3 =	vmov s0;
	v10 =	vand.u32 $0x7FFFFFFF, v4  }
0x388: {  	v12 =	vld [tilespmem:s20+$0xFFFFFFE0];
	v11 =	vand.u32 $0x7FFFFFFF, v5;
	vm0 =	vgt.u32 v3, v10  }
0x389: {  	vm1 =	vgt.u32 v3, v11;
	v10 =	vand.u32 $0x7FFFFFFF, v6;
	v11 =	vld [tilespmem:s20+$0xFFFFFFF0];
	v4 =	vsel vm0, $0x0, v4  }
0x38a: {  	v13 =	vld [tilespmem:s20+$0x0];
	v5 =	vsel vm1, $0x0, v5;
	vm0 =	vgt.u32 v3, v10;
	v10 =	vand.u32 $0x7FFFFFFF, v7;
	[tilespmem:s20+$0x70] =	vst v4  }
0x38b: {  	[tilespmem:s20+$0xFFFFFF90] =	vst v5;
	v4 =	vsel vm0, $0x0, v6;
	vm0 =	vgt.u32 v3, v10;
	v6 =	vand.u32 $0x7FFFFFFF, v8;
	v5 =	vld [tilespmem:s20+$0x10]  }
0x38c: {  	[tilespmem:s20+$0xFFFFFFA0] =	vst v4;
	v4 =	vsel vm0, $0x0, v7;
	vm0 =	vgt.u32 v3, v6;
	v7 =	vand.u32 $0x7FFFFFFF, v9;
	v6 =	vld [tilespmem:s20+$0x20]  }
0x38d: {  	[tilespmem:s20+$0xFFFFFFB0] =	vst v4;
	v4 =	vsel vm0, $0x0, v8;
	vm0 =	vgt.u32 v3, v7;
	v8 =	vand.u32 $0x7FFFFFFF, v12;
	v7 =	vld [tilespmem:s20+$0x30]  }
0x38e: {  	v10 =	vld [tilespmem:s20+$0x40];
	[tilespmem:s20+$0xFFFFFFC0] =	vst v4;
	v4 =	vsel vm0, $0x0, v9;
	vm0 =	vgt.u32 v3, v8;
	v8 =	vand.u32 $0x7FFFFFFF, v11  }
0x38f: {  	v9 =	vand.u32 $0x7FFFFFFF, v13;
	[tilespmem:s20+$0xFFFFFFD0] =	vst v4;
	v4 =	vsel vm0, $0x0, v12;
	vm0 =	vgt.u32 v3, v8;
	v8 =	vld [tilespmem:s20+$0x50]  }
0x390: {  	[tilespmem:s20+$0xFFFFFFE0] =	vst v4;
	v11 =	vsel vm0, $0x0, v11;
	vm0 =	vgt.u32 v3, v9;
	v12 =	vand.u32 $0x7FFFFFFF, v5;
	v9 =	vld [tilespmem:s20+$0x60]  }
0x391: {  	s19 =	simm.s32 $0x0;
	s21 =	simm.s32 $0x180;
	v4 =	vld [tilespmem:s20+$0xFFFFFF80];
	[tilespmem:s20+$0xFFFFFFF0] =	vst v11;
	v11 =	vsel vm0, $0x0, v13;
	vm0 =	vgt.u32 v3, v12;
	v12 =	vand.u32 $0x7FFFFFFF, v6  }
.LBB2_39:
0x392: {  	v13 =	vld [tilespmem:s21+$0x70];
	s19 =	sadd.s32 $0x10, s19;
	[tilespmem:s20+$0x0] =	vst v11;
	v5 =	vsel vm0, $0x0, v5;
	vm0 =	vgt.u32 v3, v12;
	v11 =	vand.u32 $0x7FFFFFFF, v7  }
0x393: {  	v12 =	vld [tilespmem:s21+$0xFFFFFF90];
	p0 =	slt.u32 s19, $0xC30;
	[tilespmem:s20+$0x10] =	vst v5;
	v5 =	vsel vm0, $0x0, v6;
	vm0 =	vgt.u32 v3, v11;
	v6 =	vand.u32 $0x7FFFFFFF, v10  }
0x394: {  	v11 =	vld [tilespmem:s21+$0xFFFFFFA0];
	[tilespmem:s20+$0x20] =	vst v5;
	v5 =	vsel vm0, $0x0, v7;
	vm0 =	vgt.u32 v3, v6;
	v6 =	vand.u32 $0x7FFFFFFF, v8  }
0x395: {  	v7 =	vld [tilespmem:s21+$0xFFFFFFB0];
	[tilespmem:s20+$0x30] =	vst v5;
	v5 =	vsel vm0, $0x0, v10;
	vm0 =	vgt.u32 v3, v6;
	v6 =	vand.u32 $0x7FFFFFFF, v9  }
0x396: {  	v10 =	vld [tilespmem:s21+$0xFFFFFFC0];
	v14 =	vand.u32 $0x7FFFFFFF, v4;
	[tilespmem:s20+$0x40] =	vst v5;
	v5 =	vsel vm0, $0x0, v8;
	vm0 =	vgt.u32 v3, v6  }
0x397: {  	v8 =	vld [tilespmem:s21+$0xFFFFFFD0];
	v6 =	vand.u32 $0x7FFFFFFF, v13;
	vm1 =	vgt.u32 v3, v14;
	[tilespmem:s20+$0x50] =	vst v5;
	v5 =	vsel vm0, $0x0, v9  }
0x398: {  	v9 =	vand.u32 $0x7FFFFFFF, v12;
	v14 =	vld [tilespmem:s21+$0xFFFFFFE0];
	vm0 =	vgt.u32 v3, v6;
	v4 =	vsel vm1, $0x0, v4;
	[tilespmem:s20+$0x60] =	vst v5  }
0x399: {  	vm1 =	vgt.u32 v3, v9;
	v5 =	vand.u32 $0x7FFFFFFF, v11;
	v9 =	vld [tilespmem:s21+$0xFFFFFFF0];
	v6 =	vsel vm0, $0x0, v13;
	[tilespmem:s20+$0xFFFFFF80] =	vst v4;
	s20 =	smov.u32 s21  }
0x39a: {  	v4 =	vsel vm1, $0x0, v12;
	vm0 =	vgt.u32 v3, v5;
	v5 =	vand.u32 $0x7FFFFFFF, v7;
	v12 =	vld [tilespmem:s21+$0x0];
	[tilespmem:s21+$0x70] =	vst v6  }
0x39b: {  	[tilespmem:s21+$0xFFFFFF90] =	vst v4;
	v4 =	vsel vm0, $0x0, v11;
	vm0 =	vgt.u32 v3, v5;
	v6 =	vand.u32 $0x7FFFFFFF, v10;
	v5 =	vld [tilespmem:s21+$0x10]  }
0x39c: {  	[tilespmem:s21+$0xFFFFFFA0] =	vst v4;
	v4 =	vsel vm0, $0x0, v7;
	vm0 =	vgt.u32 v3, v6;
	v7 =	vand.u32 $0x7FFFFFFF, v8;
	v6 =	vld [tilespmem:s21+$0x20]  }
.Ltmp20:
0x39d: {  	[tilespmem:s21+$0xFFFFFFB0] =	vst v4;
	v4 =	vsel vm0, $0x0, v10;
	vm0 =	vgt.u32 v3, v7;
	v10 =	vand.u32 $0x7FFFFFFF, v14;
	v7 =	vld [tilespmem:s21+$0x30];
	(pc) =	sbr.rel @p0 .LBB2_39-.Ltmp20, $4  }
0x39e: {  	[tilespmem:s21+$0xFFFFFFC0] =	vst v4;
	v4 =	vsel vm0, $0x0, v8;
	vm0 =	vgt.u32 v3, v10;
	v8 =	vand.u32 $0x7FFFFFFF, v9;
	v10 =	vld [tilespmem:s21+$0x40]  }
0x39f: {  	[tilespmem:s21+$0xFFFFFFD0] =	vst v4;
	v4 =	vsel vm0, $0x0, v14;
	vm0 =	vgt.u32 v3, v8;
	v11 =	vand.u32 $0x7FFFFFFF, v12;
	v8 =	vld [tilespmem:s21+$0x50]  }
0x3a0: {  	[tilespmem:s21+$0xFFFFFFE0] =	vst v4;
	v13 =	vsel vm0, $0x0, v9;
	vm0 =	vgt.u32 v3, v11;
	v14 =	vand.u32 $0x7FFFFFFF, v5;
	v9 =	vld [tilespmem:s21+$0x60]  }
0x3a1: {  	s21 =	sadd.s32 $0x100, s21;
	v4 =	vld [tilespmem:s20+$0xFFFFFF80];
	[tilespmem:s20+$0xFFFFFFF0] =	vst v13;
	v11 =	vsel vm0, $0x0, v12;
	vm0 =	vgt.u32 v3, v14;
	v12 =	vand.u32 $0x7FFFFFFF, v6  }
0x3a2: {  	[tilespmem:s20+$0x0] =	vst v11;
	v5 =	vsel vm0, $0x0, v5;
	vm11 =	vgt.u32 v3, v12;
	v55 =	vand.u32 $0x7FFFFFFF, v7  }
0x3a3: {  	[tilespmem:s20+$0x10] =	vst v5;
	v5 =	vsel vm11, $0x0, v6;
	vm12 =	vgt.u32 v3, v55;
	v6 =	vand.u32 $0x7FFFFFFF, v10  }
0x3a4: {  	[tilespmem:s20+$0x20] =	vst v5;
	v5 =	vsel vm12, $0x0, v7;
	vm13 =	vgt.u32 v3, v6;
	v6 =	vand.u32 $0x7FFFFFFF, v8  }
0x3a5: {  	[tilespmem:s20+$0x30] =	vst v5;
	v5 =	vsel vm13, $0x0, v10;
	vm14 =	vgt.u32 v3, v6;
	v6 =	vand.u32 $0x7FFFFFFF, v9  }
0x3a6: {  	v7 =	vand.u32 $0x7FFFFFFF, v4;
	[tilespmem:s20+$0x40] =	vst v5;
	v5 =	vsel vm14, $0x0, v8;
	vm15 =	vgt.u32 v3, v6  }
0x3a7: {  	s0 =	smul.u32 $0x1880, s18;
	vm1 =	vgt.u32 v3, v7;
	[tilespmem:s20+$0x50] =	vst v5;
	v3 =	vsel vm15, $0x0, v9  }
0x3a8: {  	v4 =	vsel vm1, $0x0, v4;
	[tilespmem:s20+$0x60] =	vst v3  }
0x3a9: {  	s0 =	sadd.s32 s4, s0;
	[tilespmem:s20+$0xFFFFFF80] =	vst v4  }
0x3aa: {  	[hbm4b:s0+s3] =	stream.linear.scatter [tilespmem:s3], [sflag:$0x3], $0xC400, $0x38;
	[tilespmem:$0x1A800] =	vst v63  }
0x3ab: {  	_ =	swait.ge [sflag:s13], $0xC400  }
0x3ac: {  	[sflag:s13] =	ssyncset.done $0x0  }
0x3ad: {  	s19 =	simm.s32 $0xC480;
	[sflag:s13] =	ssyncadd.s32 $0xFFFF3C00  }
0x3ae: {  	v3 =	vld [tilespmem:s19+$0xFFFFFF80]  }
0x3af: {  	v4 =	vld [tilespmem:s19+$0xFFFFFFB0]  }
0x3b0: {  	v5 =	vld [tilespmem:s19+$0x70]  }
0x3b1: {  	v8 =	vld [tilespmem:s19+$0x40]  }
0x3b2: {  	v6 =	vld [tilespmem:s19+$0x60]  }
0x3b3: {  	v7 =	vld [tilespmem:s19+$0x50]  }
0x3b4: {  	v56 =	vld [tilespmem:s19+$0x30]  }
0x3b5: {  	v57 =	vld [tilespmem:s19+$0x20];
	v5 =	vshrl.u32 v5, $0x12  }
0x3b6: {  	v13 =	vld [tilespmem:s19+$0xFFFFFFF0];
	v8 =	vshrl.u32 v8, $0x12;
	v5 =	vand.u32 $0x1FF0, v5  }
0x3b7: {  	v16 =	vld [tilespmem:s19+$0xFFFFFFC0];
	v8 =	vand.u32 $0x1FF0, v8;
	v5 =	vor.u32 v1, v5  }
0x3b8: {  	v59 =	vld [tilespmem:s19+$0x0];
	v7 =	vshrl.u32 v7, $0x12;
	v8 =	vor.u32 v1, v8  }
0x3b9: {  	v14 =	vld [tilespmem:s19+$0xFFFFFFE0];
	v6 =	vshrl.u32 v6, $0x12;
	v7 =	vand.u32 $0x1FF0, v7  }
0x3ba: {  	v15 =	vld [tilespmem:s19+$0xFFFFFFD0];
	v9 =	vshrl.u32 v56, $0x12;
	v6 =	vand.u32 $0x1FF0, v6;
	v7 =	vor.u32 v1, v7  }
0x3bb: {  	v60 =	vld [tilespmem:s19+$0xFFFFFFA0];
	v3 =	vshrl.u32 v3, $0x12;
	v13 =	vshrl.u32 v13, $0x12;
	v6 =	vor.u32 v1, v6  }
0x3bc: {  	v62 =	vshrl.u32 v16, $0x12;
	v9 =	vand.u32 $0x1FF0, v9;
	[tilespmem:v5+s11+$0x0] =	vst.idx.add.s32.msk $0xffff, v2;
	v5 =	vshrl.u32 v57, $0x12  }
0x3bd: {  	v9 =	vor.u32 v1, v9;
	[tilespmem:v8+s11+$0x0] =	vst.idx.add.s32.msk $0xffff, v2;
	v8 =	vshrl.u32 v59, $0x12;
	v5 =	vand.u32 $0x1FF0, v5  }
0x3be: {  	v17 =	vld [tilespmem:s19+$0xFFFFFF90];
	v3 =	vand.u32 $0x1FF0, v3;
	v8 =	vand.u32 $0x1FF0, v8;
	v5 =	vor.u32 v1, v5  }
0x3bf: {  	v3 =	vor.u32 v1, v3;
	[tilespmem:v7+s11+$0x0] =	vst.idx.add.s32.msk $0xffff, v2;
	v7 =	vor.u32 v1, v8;
	v8 =	vand.u32 $0x1FF0, v62  }
0x3c0: {  	v14 =	vshrl.u32 v14, $0x12;
	v13 =	vand.u32 $0x1FF0, v13;
	[tilespmem:v6+s11+$0x0] =	vst.idx.add.s32.msk $0xffff, v2;
	v6 =	vor.u32 v1, v8  }
0x3c1: {  	v58 =	vld [tilespmem:s19+$0x10];
	v4 =	vshrl.u32 v4, $0x12;
	v61 =	vand.u32 $0x1FF0, v14;
	v13 =	vor.u32 v1, v13  }
0x3c2: {  	v4 =	vand.u32 $0x1FF0, v4;
	v12 =	vor.u32 v1, v61;
	[tilespmem:v9+s11+$0x0] =	vst.idx.add.s32.msk $0xffff, v2  }
0x3c3: {  	v8 =	vor.u32 v1, v4;
	v4 =	vshrl.u32 v15, $0x12;
	[tilespmem:v5+s11+$0x0] =	vst.idx.add.s32.msk $0xffff, v2;
	v5 =	vshrl.u32 v17, $0x12  }
0x3c4: {  	[tilespmem:v3+s11+$0x0] =	vst.idx.add.s32.msk $0xffff, v2;
	v63 =	vand.u32 $0x1FF0, v4;
	v4 =	vand.u32 $0x1FF0, v5;
	v5 =	vshrl.u32 v60, $0x12  }
0x3c5: {  	[tilespmem:v6+s11+$0x0] =	vst.idx.add.s32.msk $0xffff, v2;
	v6 =	vor.u32 v1, v63;
	v5 =	vand.u32 $0x1FF0, v5  }
0x3c6: {  	v3 =	vshrl.u32 v58, $0x12;
	[tilespmem:v13+s11+$0x0] =	vst.idx.add.s32.msk $0xffff, v2;
	v5 =	vor.u32 v1, v5  }
0x3c7: {  	[tilespmem:v12+s11+$0x0] =	vst.idx.add.s32.msk $0xffff, v2;
	v3 =	vand.u32 $0x1FF0, v3;
	v4 =	vor.u32 v1, v4  }
0x3c8: {  	v3 =	vor.u32 v1, v3;
	[tilespmem:v7+s11+$0x0] =	vst.idx.add.s32.msk $0xffff, v2  }
0x3c9: {  	s20 =	simm.s32 $0x0;
	[tilespmem:v8+s11+$0x0] =	vst.idx.add.s32.msk $0xffff, v2  }
.LBB2_41:
0x3ca: {  	s20 =	sadd.s32 $0x10, s20;
	[tilespmem:v6+s11+$0x0] =	vst.idx.add.s32.msk $0xffff, v2;
	s19 =	sadd.s32 $0x100, s19  }
0x3cb: {  	p0 =	slt.u32 s20, $0xC30;
	[tilespmem:v5+s11+$0x0] =	vst.idx.add.s32.msk $0xffff, v2  }
0x3cc: {  	[tilespmem:v4+s11+$0x0] =	vst.idx.add.s32.msk $0xffff, v2  }
0x3cd: {  	[tilespmem:v3+s11+$0x0] =	vst.idx.add.s32.msk $0xffff, v2  }
0x3ce: {  	v3 =	vld [tilespmem:s19+$0xFFFFFF80]  }
0x3cf: {  	v4 =	vld [tilespmem:s19+$0xFFFFFFB0]  }
0x3d0: {  	v5 =	vld [tilespmem:s19+$0x70]  }
0x3d1: {  	v6 =	vld [tilespmem:s19+$0x60]  }
0x3d2: {  	v7 =	vld [tilespmem:s19+$0x50]  }
0x3d3: {  	v3 =	vshrl.u32 v3, $0x12;
	v8 =	vld [tilespmem:s19+$0x40]  }
0x3d4: {  	v3 =	vand.u32 $0x1FF0, v3;
	v9 =	vld [tilespmem:s19+$0x30]  }
0x3d5: {  	v10 =	vld [tilespmem:s19+$0x20];
	v5 =	vshrl.u32 v5, $0x12  }
0x3d6: {  	v11 =	vld [tilespmem:s19+$0x10];
	v6 =	vshrl.u32 v6, $0x12;
	v5 =	vand.u32 $0x1FF0, v5  }
0x3d7: {  	v12 =	vld [tilespmem:s19+$0x0];
	v7 =	vshrl.u32 v7, $0x12;
	v5 =	vor.u32 v1, v5  }
0x3d8: {  	v3 =	vor.u32 v1, v3;
	v13 =	vld [tilespmem:s19+$0xFFFFFFF0];
	v8 =	vshrl.u32 v8, $0x12;
	v7 =	vand.u32 $0x1FF0, v7  }
0x3d9: {  	v6 =	vand.u32 $0x1FF0, v6;
	v14 =	vld [tilespmem:s19+$0xFFFFFFE0];
	v9 =	vshrl.u32 v9, $0x12;
	v8 =	vand.u32 $0x1FF0, v8  }
0x3da: {  	v15 =	vld [tilespmem:s19+$0xFFFFFFD0];
	v10 =	vshrl.u32 v10, $0x12;
	v9 =	vand.u32 $0x1FF0, v9;
	v8 =	vor.u32 v1, v8  }
0x3db: {  	v16 =	vld [tilespmem:s19+$0xFFFFFFC0];
	v11 =	vshrl.u32 v11, $0x12;
	v10 =	vand.u32 $0x1FF0, v10;
	v9 =	vor.u32 v1, v9  }
0x3dc: {  	v6 =	vor.u32 v1, v6;
	v7 =	vor.u32 v1, v7;
	[tilespmem:v5+s11+$0x0] =	vst.idx.add.s32.msk $0xffff, v2  }
0x3dd: {  	v12 =	vshrl.u32 v12, $0x12;
	v11 =	vand.u32 $0x1FF0, v11;
	v5 =	vld [tilespmem:s19+$0xFFFFFFA0];
	v13 =	vshrl.u32 v13, $0x12  }
0x3de: {  	v12 =	vand.u32 $0x1FF0, v12;
	v17 =	vld [tilespmem:s19+$0xFFFFFF90];
	v14 =	vshrl.u32 v14, $0x12;
	v13 =	vand.u32 $0x1FF0, v13  }
0x3df: {  	v10 =	vor.u32 v1, v10;
	v14 =	vand.u32 $0x1FF0, v14;
	v13 =	vor.u32 v1, v13;
	[tilespmem:v8+s11+$0x0] =	vst.idx.add.s32.msk $0xffff, v2  }
0x3e0: {  	v12 =	vor.u32 v1, v12;
	v8 =	vshrl.u32 v16, $0x12;
	v14 =	vor.u32 v1, v14;
	[tilespmem:v9+s11+$0x0] =	vst.idx.add.s32.msk $0xffff, v2  }
0x3e1: {  	v4 =	vshrl.u32 v4, $0x12;
	v9 =	vshrl.u32 v15, $0x12;
	v8 =	vand.u32 $0x1FF0, v8;
	[tilespmem:v7+s11+$0x0] =	vst.idx.add.s32.msk $0xffff, v2  }
0x3e2: {  	v4 =	vand.u32 $0x1FF0, v4;
	v7 =	vor.u32 v1, v8;
	v8 =	vand.u32 $0x1FF0, v9;
	[tilespmem:v6+s11+$0x0] =	vst.idx.add.s32.msk $0xffff, v2  }
0x3e3: {  	v9 =	vor.u32 v1, v4;
	[tilespmem:v3+s11+$0x0] =	vst.idx.add.s32.msk $0xffff, v2;
	v6 =	vshrl.u32 v17, $0x12;
	v3 =	vor.u32 v1, v11  }
0x3e4: {  	v5 =	vshrl.u32 v5, $0x12;
	v4 =	vand.u32 $0x1FF0, v6;
	[tilespmem:v10+s11+$0x0] =	vst.idx.add.s32.msk $0xffff, v2  }
.Ltmp21:
0x3e5: {  	v5 =	vand.u32 $0x1FF0, v5;
	v6 =	vor.u32 v1, v8;
	v4 =	vor.u32 v1, v4;
	[tilespmem:v13+s11+$0x0] =	vst.idx.add.s32.msk $0xffff, v2;
	(pc) =	sbr.rel @p0 .LBB2_41-.Ltmp21, $4  }
0x3e6: {  	v5 =	vor.u32 v1, v5;
	[tilespmem:v14+s11+$0x0] =	vst.idx.add.s32.msk $0xffff, v2  }
0x3e7: {  	[tilespmem:v12+s11+$0x0] =	vst.idx.add.s32.msk $0xffff, v2  }
0x3e8: {  	[tilespmem:v7+s11+$0x0] =	vst.idx.add.s32.msk $0xffff, v2  }
0x3e9: {  	[tilespmem:v9+s11+$0x0] =	vst.idx.add.s32.msk $0xffff, v2  }
0x3ea: {  	_ =	sdelay $0x3  }
0x3eb: {  	[tilespmem:v6+s11+$0x0] =	vst.idx.add.s32.msk $0xffff, v2  }
0x3ec: {  	[tilespmem:v5+s11+$0x0] =	vst.idx.add.s32.msk $0xffff, v2;
	p0 =	seq.s32 s16, $0xB;
	s0 =	sadd.s32 $0x2, s18  }
0x3ed: {  	[tilespmem:v4+s11+$0x0] =	vst.idx.add.s32.msk $0xffff, v2;
	s0 =	smov.u32 @p0 s5  }
0x3ee: {  	[tilespmem:v3+s11+$0x0] =	vst.idx.add.s32.msk $0xffff, v2;
	s0 =	smul.u32 $0xC400, s0  }
0x3ef: {  	_ =	swait.ge [sflag:s14], $0xC400  }
0x3f0: {  	s20 =	simm.s32 $0x0;
	[sflag:s14] =	ssyncset.done $0x0;
	s0 =	sshrl.u32 s0, $0x3  }
0x3f1: {  	s30 =	simm.s32 $0x1A7F0;
	[sflag:s14] =	ssyncadd.s32 $0xFFFF3C00;
	s0 =	sadd.s32 s2, s0  }
0x3f2: {  	[tilespmem:s20], [sflag:$0x1] =	stream.linear.gather [hbm4b:s0+s20], $0xC400, $0x38;
	[tilespmem:$0x1A800] =	vst v63  }
0x3f3: {  	v3 =	vld [tilespmem:s30+$0xFFFFFF10]  }
0x3f4: {  	v4 =	vld [tilespmem:s30+$0xFFFFFF20]  }
0x3f5: {  	v5 =	vld [tilespmem:s30+$0xFFFFFF30]  }
0x3f6: {  	v6 =	vld [tilespmem:s30+$0xFFFFFF40]  }
0x3f7: {  	v7 =	vld [tilespmem:s30+$0xFFFFFF50]  }
0x3f8: {  	v8 =	vld [tilespmem:s30+$0xFFFFFF60]  }
0x3f9: {  	v9 =	vld [tilespmem:s30+$0xFFFFFF70]  }
0x3fa: {  	v10 =	vld [tilespmem:s30+$0xFFFFFF80]  }
0x3fb: {  	v11 =	vld [tilespmem:s30+$0xFFFFFF90];
	v3 =	vadd.s32 v3, v4  }
0x3fc: {  	v12 =	vld [tilespmem:s30+$0xFFFFFFA0];
	v3 =	vadd.s32 v5, v3  }
0x3fd: {  	v13 =	vld [tilespmem:s30+$0xFFFFFFB0];
	v3 =	vadd.s32 v6, v3  }
0x3fe: {  	v4 =	vld [tilespmem:s30+$0xFFFFFFC0];
	v3 =	vadd.s32 v7, v3  }
0x3ff: {  	v5 =	vld [tilespmem:s30+$0xFFFFFFD0];
	v3 =	vadd.s32 v8, v3  }
0x400: {  	v6 =	vld [tilespmem:s30+$0xFFFFFFE0];
	v3 =	vadd.s32 v9, v3  }
0x401: {  	v7 =	vld [tilespmem:s30+$0xFFFFFFF0];
	v3 =	vadd.s32 v10, v3  }
0x402: {  	s31 =	simm.s32 $0x1A6F0;
	v8 =	vld [tilespmem:s30+$0x0];
	v3 =	vadd.s32 v11, v3  }
0x403: {  	v9 =	vld [tilespmem:s31+$0xFFFFFF10];
	v3 =	vadd.s32 v12, v3  }
0x404: {  	v10 =	vld [tilespmem:s31+$0xFFFFFF20];
	v3 =	vadd.s32 v13, v3  }
0x405: {  	v11 =	vld [tilespmem:s31+$0xFFFFFF30];
	v3 =	vadd.s32 v4, v3  }
0x406: {  	v62 =	vld [tilespmem:s31+$0xFFFFFF40];
	v3 =	vadd.s32 v5, v3  }
0x407: {  	v63 =	vld [tilespmem:s31+$0xFFFFFF50];
	v3 =	vadd.s32 v6, v3  }
0x408: {  	v4 =	vld [tilespmem:s31+$0xFFFFFF60];
	v3 =	vadd.s32 v7, v3  }
0x409: {  	v5 =	vadd.s32 v9, v10;
	v9 =	vld [tilespmem:s31+$0xFFFFFF70];
	v3 =	vadd.s32 v8, v3  }
0x40a: {  	v5 =	vadd.s32 v11, v5;
	v6 =	vld [tilespmem:s31+$0xFFFFFF80];
	(xrf0) =	vadd.scan.msk.s32 $0xffff, v3  }
0x40b: {  	v5 =	vadd.s32 v62, v5;
	v7 =	vld [tilespmem:s31+$0xFFFFFF90]  }
0x40c: {  	v5 =	vadd.s32 v63, v5  }
0x40d: {  	v8 =	vld [tilespmem:s31+$0xFFFFFFA0];
	v3 =	vadd.s32 v4, v5  }
0x40e: {  	v5 =	vld [tilespmem:s31+$0xFFFFFFB0];
	v3 =	vadd.s32 v9, v3  }
0x40f: {  	v9 =	vld [tilespmem:s31+$0xFFFFFFC0];
	v3 =	vadd.s32 v6, v3  }
0x410: {  	v10 =	vld [tilespmem:s31+$0xFFFFFFD0];
	v4 =	vadd.s32 v7, v3;
	v7, _, _ =	vpop (xrf0)  }
0x411: {  	v3 =	vld [tilespmem:s31+$0xFFFFFFE0];
	(v2sf) =	vpush v7, $0xF  }
0x412: {  	s21 =	simm.s32 $0x1A5F0;
	v6 =	vadd.s32 v8, v4;
	v4 =	vld [tilespmem:s31+$0xFFFFFFF0]  }
0x413: {  	s19 =	simm.s32 $0x1F;
	v8 =	vld [tilespmem:s21+$0xFFFFFF20];
	v6 =	vadd.s32 v5, v6  }
0x414: {  	s23 =	simm.s32 $0x1E;
	s22 =	simm.s32 $0x1D;
	p0 =	por $0x0, $0x0;
	v5 =	vld [tilespmem:s31+$0x0];
	v9 =	vadd.s32 v9, v6  }
0x415: {  	s1 =	simm.s32 $0x1C;
	s18 =	simm.s32 $0x0;
	s19 =	smov.u32 @p0 s20;
	v6 =	vld [tilespmem:s21+$0xFFFFFF10];
	v7 =	vadd.s32 v10, v9  }
.LBB2_43:
0x416: {  	s0 =	smov.u32 s20  }
0x417: {  	p1 =	seq.s32 s1, $0x0;
	v3 =	vadd.s32 v3, v7;
	v9 =	vld [tilespmem:s21+$0xFFFFFF30]  }
0x418: {  	v3 =	vadd.s32 v4, v3;
	v7 =	vld [tilespmem:s21+$0xFFFFFF40]  }
0x419: {  	v3 =	vadd.s32 v5, v3;
	v4 =	vld [tilespmem:s21+$0xFFFFFF50]  }
0x41a: {  	v5 =	vld [tilespmem:s21+$0xFFFFFF60];
	(xrf0) =	vadd.scan.msk.s32 $0xffff, v3  }
0x41b: {  	v3 =	vadd.s32 v6, v8;
	v6 =	vld [tilespmem:s21+$0xFFFFFF70]  }
0x41c: {  	v3 =	vadd.s32 v9, v3;
	v8 =	vld [tilespmem:s21+$0xFFFFFF80]  }
0x41d: {  	v3 =	vadd.s32 v7, v3;
	v7 =	vld [tilespmem:s21+$0xFFFFFF90]  }
0x41e: {  	v3 =	vadd.s32 v4, v3;
	v4 =	vld [tilespmem:s21+$0xFFFFFFA0]  }
0x41f: {  	v3 =	vadd.s32 v5, v3;
	v5 =	vld [tilespmem:s21+$0xFFFFFFB0]  }
0x420: {  	v3 =	vadd.s32 v6, v3;
	v9 =	vld [tilespmem:s21+$0xFFFFFFC0];
	v6, _, _ =	vpop (xrf0);
	s6 =	spop (v2sf)  }
0x421: {  	v3 =	vadd.s32 v8, v3;
	v10 =	vld [tilespmem:s21+$0xFFFFFFD0];
	(v2sf) =	vpush v6, $0xF;
	s20 =	sadd.s32 s20, s6  }
.Ltmp22:
0x422: {  	v6 =	vadd.s32 v7, v3;
	v3 =	vld [tilespmem:s21+$0xFFFFFFE0];
	p2 =	sgt.s32 s20, $0x1398;
	(pc) =	sbr.rel @!p1 .LBB2_43-.Ltmp22, $4  }
0x423: {  	v6 =	vadd.s32 v4, v6;
	v4 =	vld [tilespmem:s21+$0xFFFFFFF0];
	s18 =	smov.u32 @p2 s19;
	p0 =	por p0, p2;
	s19 =	smov.u32 s23  }
0x424: {  	v7 =	vadd.s32 v5, v6;
	v5 =	vld [tilespmem:s21+$0x0];
	s21 =	sadd.s32 $0xFFFFFF00, s21;
	s19 =	smov.u32 @p0 s18;
	s20 =	smov.u32 @p0 s0  }
0x425: {  	s23 =	smov.u32 s22;
	s22 =	smov.u32 s1;
	v6 =	vld [tilespmem:s21+$0xFFFFFF10];
	v7 =	vadd.s32 v9, v7  }
0x426: {  	s1 =	sadd.s32 $0xFFFFFFFF, s1;
	v8 =	vld [tilespmem:s21+$0xFFFFFF20];
	v7 =	vadd.s32 v10, v7  }
0x427: {  	v9 =	vld [tilespmem:s21+$0xFFFFFF30]  }
0x428: {  	v10 =	vld [tilespmem:s21+$0xFFFFFF40]  }
0x429: {  	v11 =	vld [tilespmem:s21+$0xFFFFFF50]  }
0x42a: {  	v12 =	vld [tilespmem:s21+$0xFFFFFF60]  }
0x42b: {  	v54 =	vld [tilespmem:s21+$0xFFFFFF70];
	v6 =	vadd.s32 v6, v8  }
0x42c: {  	v55 =	vld [tilespmem:s21+$0xFFFFFF80];
	v6 =	vadd.s32 v9, v6  }
0x42d: {  	v56 =	vld [tilespmem:s21+$0xFFFFFF90];
	v6 =	vadd.s32 v10, v6  }
0x42e: {  	v57 =	vld [tilespmem:s21+$0xFFFFFFA0];
	v6 =	vadd.s32 v11, v6  }
0x42f: {  	v58 =	vld [tilespmem:s21+$0xFFFFFFB0];
	v6 =	vadd.s32 v12, v6  }
0x430: {  	v59 =	vld [tilespmem:s21+$0xFFFFFFC0];
	v6 =	vadd.s32 v54, v6  }
0x431: {  	v60 =	vld [tilespmem:s21+$0xFFFFFFD0];
	v6 =	vadd.s32 v55, v6  }
0x432: {  	v61 =	vld [tilespmem:s21+$0xFFFFFFE0];
	v6 =	vadd.s32 v56, v6  }
0x433: {  	v3 =	vadd.s32 v3, v7;
	v62 =	vld [tilespmem:s21+$0xFFFFFFF0];
	v6 =	vadd.s32 v57, v6  }
0x434: {  	v63 =	vld [tilespmem:s21+$0x0];
	v3 =	vadd.s32 v4, v3;
	v4 =	vadd.s32 v58, v6  }
0x435: {  	v3 =	vadd.s32 v5, v3;
	v4 =	vadd.s32 v59, v4  }
0x436: {  	(xrf0) =	vadd.scan.msk.s32 $0xffff, v3;
	v3 =	vadd.s32 v60, v4  }
0x437: {  	v3 =	vadd.s32 v61, v3  }
0x438: {  	v3 =	vadd.s32 v62, v3  }
0x439: {  	v3 =	vadd.s32 v63, v3  }
0x43a: {  	(xrf0) =	vadd.scan.msk.s32 $0xffff, v3;
	_ =	sdelay $0x1  }
0x43b: {  	v3, _, _ =	vpop (xrf0)  }
0x43c: {  	(v2sf) =	vpush v3, $0xF;
	_ =	sdelay $0x2  }
0x43d: {  	v3, _, _ =	vpop (xrf0)  }
0x43e: {  	(v2sf) =	vpush v3, $0xF;
	_ =	sdelay $0x6  }
0x43f: {  	s0 =	spop (v2sf)  }
0x440: {  	s0 =	sadd.s32 s20, s0  }
0x441: {  	p1 =	sgt.s32 s0, $0x1398  }
0x442: {  	p0 =	por p0, p1  }
0x443: {  	s0 =	smov.u32 @p0 s20;
	s1 =	spop (v2sf)  }
0x444: {  	s1 =	sadd.s32 s0, s1  }
0x445: {  	p2 =	sgt.s32 s1, $0x1398  }
0x446: {  	s18 =	smov.u32 @p1 s19;
	p1 =	por p0, p2  }
0x447: {  	s23 =	smov.u32 @p0 s18;
	s1 =	smov.u32 @p1 s0;
	s30 =	spop (v2sf)  }
0x448: {  	s18 =	smov.u32 @p2 s23;
	s21 =	sadd.s32 s1, s30  }
0x449: {  	p5 =	por $0x0, $0x0;
	s22 =	smov.u32 @p1 s18;
	p0 =	sgt.s32 s21, $0x1398  }
.Ltmp23:
0x44a: {  	p3 =	por $0x0, $0x0;
	s18 =	smov.u32 @p0 s22;
	(pc) =	sbr.rel @p5 .LBB2_45-.Ltmp23, $4  }
0x44b: {  	p4 =	por $0x0, $0x0;
	s19 =	simm.s32 $0xF;
	s31 =	sshll.u32 s18, $0x8  }
0x44c: {  	s20 =	simm.s32 $0x0;
	s23 =	simm.s32 $0xE;
	s0 =	sand.u32 $0x3FFFFF00, s31  }
0x44d: {  	p2 =	por $0x0, $0x0;
	p1 =	por p1, p0;
	s0 =	sadd.s32 $0x188F0, s0  }
0x44e: {  	p0 =	por $0x0, $0x0;
	s21 =	smov.u32 @p1 s1;
	p1 =	por $0x0, $0x0;
	v3 =	vld [tilespmem:s0+$0x0]  }
0x44f: {  	p5 =	por $0x0, $0x0  }
.Ltmp24:
0x450: {  	_ = 	snop;
	(pc) =	sbr.rel @p5 .LBB2_47-.Ltmp24, $3  }
0x451: {  	_ =	sdelay $0x1  }
0x452: {  	s0 =	sadd.s32 $0xFFFFFFF0, s0  }
0x453: {  	s24 =	simm.s32 $0xD;
	p1 =	por $0x1, $0x1;
	(xrf0) =	vadd.scan.msk.s32 $0xffff, v3;
	v3 =	vld [tilespmem:s0+$0x0]  }
0x454: {  	_ = 	snop  }
0x455: {  	p5 =	por $0x0, $0x0  }
.Ltmp25:
0x456: {  	_ = 	snop;
	(pc) =	sbr.rel @p5 .LBB2_49-.Ltmp25, $3  }
0x457: {  	_ =	sdelay $0x1  }
0x458: {  	s0 =	sadd.s32 $0xFFFFFFF0, s0;
	v4, _, _ =	vpop (xrf0)  }
0x459: {  	s22 =	simm.s32 $0xC;
	p2 =	por $0x1, $0x1;
	(xrf0) =	vadd.scan.msk.s32 $0xffff, v3;
	v3 =	vld [tilespmem:s0+$0x0];
	(v2sf) =	vpush v4, $0xF  }
0x45a: {  	_ =	sdelay $0x4  }
0x45b: {  	v4, _, _ =	vpop (xrf0)  }
0x45c: {  	(v2sf) =	vpush v4, $0xF;
	_ =	sdelay $0x2  }
0x45d: {  	p5 =	por $0x0, $0x0  }
.Ltmp26:
0x45e: {  	_ = 	snop;
	(pc) =	sbr.rel @p5 .LBB2_51-.Ltmp26, $3  }
0x45f: {  	_ =	sdelay $0x1  }
0x460: {  	s1 =	sadd.s32 $0xFFFFFFF0, s0  }
0x461: {  	s0 =	simm.s32 $0xB;
	p3 =	por $0x1, $0x1;
	(xrf0) =	vadd.scan.msk.s32 $0xffff, v3;
	v3 =	vld [tilespmem:s1+$0x0]  }
0x462: {  	_ =	sdelay $0x4  }
0x463: {  	v4, _, _ =	vpop (xrf0)  }
0x464: {  	(v2sf) =	vpush v4, $0xF;
	_ =	sdelay $0x1  }
0x465: {  	p6 =	por $0x0, $0x0  }
.Ltmp27:
0x466: {  	_ = 	snop;
	(pc) =	sbr.rel @p6 .LBB2_53-.Ltmp27, $4  }
0x467: {  	s25 =	simm.s32 $0xF;
	s1 =	sadd.s32 $0xFFFFFFF0, s1  }
0x468: {  	s7 =	spop (v2sf);
	s6 =	simm.s32 $0xA;
	p4 =	por $0x1, $0x1  }
0x469: {  	s26 =	simm.s32 $0x0;
	p5 =	por $0x0, $0x0;
	s28 =	simm.s32 $0xE;
	(xrf0) =	vadd.scan.msk.s32 $0xffff, v3  }
0x46a: {  	s30 =	smov.u32 s21;
	s25 =	smov.u32 @p0 s20;
	s29 =	sadd.s32 s21, s7;
	v3 =	vld [tilespmem:s1+$0x0]  }
.LBB2_54:
0x46b: {  	s7 =	smov.u32 s30  }
0x46c: {  	p6 =	seq.s32 s6, $0x0;
	p0 =	sgt.s32 s29, $0x1398;
	s30 =	smov.u32 s29  }
0x46d: {  	s26 =	smov.u32 @p0 s25;
	p5 =	por p5, p0;
	s25 =	smov.u32 s28  }
.Ltmp28:
0x46e: {  	s25 =	smov.u32 @p5 s26;
	s30 =	smov.u32 @p5 s7;
	(pc) =	sbr.rel @!p6 .LBB2_54-.Ltmp28, $4  }
0x46f: {  	s28 =	smov.u32 s24;
	s24 =	smov.u32 s22;
	s22 =	smov.u32 s0;
	v4, _, _ =	vpop (xrf0)  }
0x470: {  	s0 =	smov.u32 s6;
	(xrf0) =	vadd.scan.msk.s32 $0xffff, v3;
	(v2sf) =	vpush v4, $0xF  }
0x471: {  	s1 =	sadd.s32 $0xFFFFFFF0, s1;
	s7 =	spop (v2sf)  }
0x472: {  	s6 =	sadd.s32 $0xFFFFFFFF, s6;
	v3 =	vld [tilespmem:s1+$0x0];
	s29 =	sadd.s32 s30, s7  }
0x473: {  	s1 =	smov.u32 s22;
	s22 =	smov.u32 s0  }
.LBB2_56:
0x474: {  	p0 =	sgt.s32 @p4 s29, $0x1398  }
0x475: {  	p5 =	por @p4 p5, p0  }
0x476: {  	v4, _, _ =	vpop @p1 (xrf0);
	p6 =	por !p5, !p4  }
0x477: {  	s0 =	smov.u32 s21;
	s30 =	smov.u32 @p6 s29;
	(xrf0) =	vadd.scan.msk.s32 $0xffff, v3;
	(v2sf) =	vpush @p1 v4, $0xF  }
0x478: {  	s6 =	spop @p3 (v2sf);
	s0 =	smov.u32 @p4 s30  }
0x479: {  	p0 =	por !p0, !p4;
	s6 =	sadd.s32 @p3 s0, s6  }
0x47a: {  	s25 =	smov.u32 @p0 s26;
	p0 =	por $0x0, $0x0;
	s6 =	smov.u32 @p3 s6  }
0x47b: {  	s7 =	simm.s32 $0x0;
	p5 =	por @!p4 p0, p0;
	p6 =	sgt.s32 @p3 s6, $0x1398  }
0x47c: {  	s19 =	smov.u32 @p2 s24;
	s7 =	smov.u32 @p4 s25;
	p4 =	por @p3 p5, p6  }
0x47d: {  	p0 =	por !p5, !p3;
	s25 =	smov.u32 s7;
	v3, _, _ =	vpop (xrf0);
	p5 =	por !p4, !p3  }
0x47e: {  	s25 =	smov.u32 @p0 s28;
	s0 =	smov.u32 @p5 s6;
	(v2sf) =	vpush v3, $0xF;
	s6 =	smov.u32 s21  }
0x47f: {  	p0 =	por !p6, !p3;
	s26 =	spop @p2 (v2sf);
	s6 =	smov.u32 @p3 s0  }
0x480: {  	p6 =	por $0x0, $0x0;
	s0 =	smov.u32 @p3 s25;
	s25 =	sadd.s32 @p2 s6, s26  }
0x481: {  	s0 =	smov.u32 @p0 s7;
	s7 =	simm.s32 $0x0;
	s25 =	smov.u32 @p2 s25  }
0x482: {  	p4 =	por @!p3 p6, p6;
	s7 =	smov.u32 @p3 s0;
	p5 =	sgt.s32 @p2 s25, $0x1398  }
0x483: {  	p0 =	por !p4, !p2;
	s0 =	smov.u32 s7;
	p3 =	por @p2 p4, p5  }
0x484: {  	s23 =	smov.u32 @p1 s1;
	s0 =	smov.u32 @p0 s19;
	p0 =	por !p3, !p2  }
0x485: {  	s1 =	smov.u32 s21;
	s19 =	smov.u32 @p1 s23;
	s6 =	smov.u32 @p0 s25  }
0x486: {  	s0 =	smov.u32 @p2 s0;
	s23 =	spop @p1 (v2sf);
	s1 =	smov.u32 @p2 s6  }
0x487: {  	p3 =	por @!p2 p6, p6;
	p0 =	por !p5, !p2;
	s6 =	sadd.s32 @p1 s1, s23  }
0x488: {  	s0 =	smov.u32 @p0 s7;
	s7 =	simm.s32 $0x0;
	s6 =	smov.u32 @p1 s6  }
0x489: {  	s7 =	smov.u32 @p2 s0;
	s0 =	smov.u32 @p1 s19;
	p0 =	sgt.s32 @p1 s6, $0x1398  }
0x48a: {  	p2 =	por !p3, !p1;
	s19 =	smov.u32 s7;
	p3 =	por @p1 p3, p0  }
0x48b: {  	s19 =	smov.u32 @p2 s0;
	p2 =	por !p3, !p1  }
0x48c: {  	s1 =	smov.u32 @p2 s6  }
0x48d: {  	p4 =	por $0x0, $0x0;
	s31 =	spop (v2sf);
	s21 =	smov.u32 @p1 s1  }
0x48e: {  	s0 =	smov.u32 @p1 s19;
	p0 =	por !p0, !p1;
	s19 =	sadd.s32 s21, s31  }
0x48f: {  	s0 =	smov.u32 @p0 s7;
	p3 =	por @!p1 p4, p4;
	p0 =	sgt.s32 s19, $0x1398  }
0x490: {  	s20 =	smov.u32 @p1 s0;
	p1 =	por p3, p0  }
0x491: {  	s19 =	smov.u32 @p1 s21;
	s21 =	simm.s32 $0x18900  }
0x492: {  	[tilespmem:s21+$0xFFFFFF00] =	vst v0  }
0x493: {  	[tilespmem:s21+$0xF0] =	vst v0  }
0x494: {  	[tilespmem:s21+$0xE0] =	vst v0  }
0x495: {  	[tilespmem:s21+$0xD0] =	vst v0  }
0x496: {  	[tilespmem:s21+$0xC0] =	vst v0  }
0x497: {  	[tilespmem:s21+$0xB0] =	vst v0  }
0x498: {  	[tilespmem:s21+$0xA0] =	vst v0  }
0x499: {  	[tilespmem:s21+$0x90] =	vst v0  }
0x49a: {  	[tilespmem:s21+$0x80] =	vst v0  }
0x49b: {  	[tilespmem:s21+$0x70] =	vst v0  }
0x49c: {  	[tilespmem:s21+$0x60] =	vst v0  }
0x49d: {  	[tilespmem:s21+$0x50] =	vst v0  }
0x49e: {  	[tilespmem:s21+$0x40] =	vst v0  }
0x49f: {  	[tilespmem:s21+$0x30] =	vst v0  }
0x4a0: {  	[tilespmem:s21+$0x20] =	vst v0  }
0x4a1: {  	[tilespmem:s21+$0x10] =	vst v0  }
0x4a2: {  	[tilespmem:s21+$0x0] =	vst v0  }
0x4a3: {  	[tilespmem:s21+$0xFFFFFFF0] =	vst v0  }
0x4a4: {  	[tilespmem:s21+$0xFFFFFFE0] =	vst v0  }
0x4a5: {  	[tilespmem:s21+$0xFFFFFFD0] =	vst v0  }
0x4a6: {  	[tilespmem:s21+$0xFFFFFFC0] =	vst v0  }
0x4a7: {  	[tilespmem:s21+$0xFFFFFFB0] =	vst v0  }
0x4a8: {  	[tilespmem:s21+$0xFFFFFFA0] =	vst v0  }
0x4a9: {  	[tilespmem:s21+$0xFFFFFF90] =	vst v0  }
0x4aa: {  	[tilespmem:s21+$0xFFFFFF80] =	vst v0  }
0x4ab: {  	[tilespmem:s21+$0xFFFFFF70] =	vst v0  }
0x4ac: {  	[tilespmem:s21+$0xFFFFFF60] =	vst v0  }
0x4ad: {  	[tilespmem:s21+$0xFFFFFF50] =	vst v0  }
0x4ae: {  	[tilespmem:s21+$0xFFFFFF40] =	vst v0  }
0x4af: {  	s22 =	smov.u32 @p3 s20;
	[tilespmem:s21+$0xFFFFFF30] =	vst v0  }
0x4b0: {  	s1 =	simm.s32 $0x0;
	s20 =	smov.u32 @p0 s22;
	[tilespmem:s21+$0xFFFFFF20] =	vst v0  }
.LBB2_57:
0x4b1: {  	s1 =	sadd.s32 $0x20, s1;
	[tilespmem:s21+$0xFFFFFF10] =	vst v0;
	s21 =	sadd.s32 $0x200, s21  }
0x4b2: {  	[tilespmem:s21+$0xFFFFFF00] =	vst v0;
	p0 =	slt.u32 s1, $0x1E0  }
0x4b3: {  	[tilespmem:s21+$0xF0] =	vst v0  }
0x4b4: {  	[tilespmem:s21+$0xE0] =	vst v0  }
0x4b5: {  	[tilespmem:s21+$0xD0] =	vst v0  }
0x4b6: {  	[tilespmem:s21+$0xC0] =	vst v0  }
0x4b7: {  	[tilespmem:s21+$0xB0] =	vst v0  }
0x4b8: {  	[tilespmem:s21+$0xA0] =	vst v0  }
0x4b9: {  	[tilespmem:s21+$0x90] =	vst v0  }
0x4ba: {  	[tilespmem:s21+$0x80] =	vst v0  }
0x4bb: {  	[tilespmem:s21+$0x70] =	vst v0  }
0x4bc: {  	[tilespmem:s21+$0x60] =	vst v0  }
0x4bd: {  	[tilespmem:s21+$0x50] =	vst v0  }
0x4be: {  	[tilespmem:s21+$0x40] =	vst v0  }
0x4bf: {  	[tilespmem:s21+$0x30] =	vst v0  }
0x4c0: {  	[tilespmem:s21+$0x20] =	vst v0  }
0x4c1: {  	[tilespmem:s21+$0x10] =	vst v0  }
0x4c2: {  	[tilespmem:s21+$0x0] =	vst v0  }
0x4c3: {  	[tilespmem:s21+$0xFFFFFFF0] =	vst v0  }
0x4c4: {  	[tilespmem:s21+$0xFFFFFFE0] =	vst v0  }
0x4c5: {  	[tilespmem:s21+$0xFFFFFFD0] =	vst v0  }
0x4c6: {  	[tilespmem:s21+$0xFFFFFFC0] =	vst v0  }
0x4c7: {  	[tilespmem:s21+$0xFFFFFFB0] =	vst v0  }
0x4c8: {  	[tilespmem:s21+$0xFFFFFFA0] =	vst v0  }
0x4c9: {  	[tilespmem:s21+$0xFFFFFF90] =	vst v0  }
0x4ca: {  	[tilespmem:s21+$0xFFFFFF80] =	vst v0  }
0x4cb: {  	[tilespmem:s21+$0xFFFFFF70] =	vst v0  }
.Ltmp29:
0x4cc: {  	[tilespmem:s21+$0xFFFFFF60] =	vst v0;
	(pc) =	sbr.rel @p0 .LBB2_57-.Ltmp29, $4  }
0x4cd: {  	[tilespmem:s21+$0xFFFFFF50] =	vst v0  }
0x4ce: {  	[tilespmem:s21+$0xFFFFFF40] =	vst v0  }
0x4cf: {  	[tilespmem:s21+$0xFFFFFF30] =	vst v0  }
0x4d0: {  	[tilespmem:s21+$0xFFFFFF20] =	vst v0  }
0x4d1: {  	[tilespmem:s21+$0xFFFFFF10] =	vst v0;
	s31 =	simm.s32 $0xC480  }
0x4d2: {  	v4 =	vld [tilespmem:s31+$0x30]  }
0x4d3: {  	v5 =	vld [tilespmem:s31+$0x50]  }
0x4d4: {  	v15 =	vld [tilespmem:s31+$0xFFFFFFD0]  }
0x4d5: {  	v19 =	vld [tilespmem:s31+$0xFFFFFFB0]  }
0x4d6: {  	s0 =	sshll.u32 s18, $0x4;
	v11 =	vld [tilespmem:s31+$0xFFFFFFF0]  }
0x4d7: {  	s18 =	sor.u32 s0, s20;
	v6 =	vld [tilespmem:s31+$0x60]  }
0x4d8: {  	v9 =	vld [tilespmem:s31+$0x10];
	v3 =	vmov s18  }
0x4d9: {  	v7 =	vshrl.u32 v4, $0x16;
	v4 =	vshrl.u32 v4, $0x9;
	v22 =	vshrl.u32 v15, $0x16  }
0x4da: {  	v12 =	vld [tilespmem:s31+$0xFFFFFFE0];
	v14 =	vshrl.u32 v19, $0x9;
	v7 =	vand.u32 $0x1FF, v7;
	v4 =	vand.u32 $0x1FF0, v4  }
0x4db: {  	v23 =	vand.u32 $0x1FF0, v14;
	v14 =	vshrl.u32 v11, $0x16;
	vm0 =	veq.s32 v7, v3  }
0x4dc: {  	v7 =	vshrl.u32 v5, $0x9;
	v5 =	vshrl.u32 v5, $0x16;
	v18 =	vor.u32 v1, v4  }
0x4dd: {  	v21 =	vld [tilespmem:s31+$0xFFFFFF90];
	v4 =	vshrl.u32 v9, $0x16;
	v10 =	vand.u32 $0x1FF0, v7;
	v7 =	vshrl.u32 v6, $0x16  }
0x4de: {  	v8 =	vld [tilespmem:s31+$0x0];
	v5 =	vand.u32 $0x1FF, v5;
	v6 =	vshrl.u32 v6, $0x9;
	v13 =	vand.u32 $0x1FF, v4  }
0x4df: {  	v4 =	vshrl.u32 v12, $0x9;
	v12 =	vshrl.u32 v12, $0x16;
	v7 =	vand.u32 $0x1FF, v7  }
0x4e0: {  	v16 =	vld [tilespmem:s31+$0xFFFFFFC0];
	vm2 =	veq.s32 v5, v3;
	v5 =	vand.u32 $0x1FF0, v6;
	v6 =	vshrl.u32 v11, $0x9  }
0x4e1: {  	v4 =	vand.u32 $0x1FF0, v4;
	vm3 =	veq.s32 v13, v3;
	v11 =	vshrl.u32 v15, $0x9  }
0x4e2: {  	v20 =	vld [tilespmem:s31+$0xFFFFFFA0];
	v15 =	vshrl.u32 v21, $0x9;
	vm1 =	veq.s32 v7, v3;
	v17 =	vor.u32 v1, v5  }
0x4e3: {  	v7 =	vshrl.u32 v8, $0x16;
	v5 =	vshrl.u32 v9, $0x9;
	v9 =	vor.u32 v1, v10  }
0x4e4: {  	v8 =	vshrl.u32 v8, $0x9;
	v15 =	vand.u32 $0x1FF0, v15;
	v62 =	vand.u32 $0x1FF0, v11  }
0x4e5: {  	v5 =	vand.u32 $0x1FF0, v5;
	v10 =	vand.u32 $0x1FF0, v8;
	v8 =	vshrl.u32 v16, $0x9  }
0x4e6: {  	v11 =	vor.u32 v1, v15;
	v15 =	vld [tilespmem:s31+$0x20];
	v13 =	vand.u32 $0x1FF0, v8;
	v8 =	vor.u32 v1, v5  }
0x4e7: {  	v63 =	vand.u32 $0x1FF, v12;
	v12 =	vand.u32 $0x1FF, v22;
	v5 =	vshrl.u32 v20, $0x16;
	[tilespmem:v18+s11+$0x0] =	vst.idx.add.s32.msk vm0, v2  }
0x4e8: {  	v6 =	vand.u32 $0x1FF0, v6;
	v4 =	vor.u32 v1, v4;
	v24 =	vand.u32 $0x1FF, v5;
	[tilespmem:v9+s11+$0x0] =	vst.idx.add.s32.msk vm2, v2  }
0x4e9: {  	v5 =	vor.u32 v1, v23;
	v18 =	vshrl.u32 v20, $0x9;
	vm0 =	veq.s32 v12, v3;
	[tilespmem:v17+s11+$0x0] =	vst.idx.add.s32.msk vm1, v2  }
0x4ea: {  	v12 =	vand.u32 $0x1FF0, v18;
	v9 =	vshrl.u32 v21, $0x16;
	vm2 =	veq.s32 v24, v3;
	v17 =	vld [tilespmem:s31+$0xFFFFFF80]  }
0x4eb: {  	v12 =	vor.u32 v1, v12;
	v9 =	vand.u32 $0x1FF, v9;
	[tilespmem:v8+s11+$0x0] =	vst.idx.add.s32.msk vm3, v2;
	v8 =	vshrl.u32 v19, $0x16  }
0x4ec: {  	v18 =	vld [tilespmem:s31+$0x70];
	vm4 =	veq.s32 v9, v3;
	v9 =	vshrl.u32 v16, $0x16;
	v16 =	vand.u32 $0x1FF, v8  }
0x4ed: {  	s21 =	simm.s32 $0xC580;
	s20 =	simm.s32 $0x0;
	vm3 =	veq.s32 v63, v3;
	v8 =	vor.u32 v1, v62;
	vm1 =	veq.s32 v16, v3;
	v16 =	vld [tilespmem:s31+$0x40]  }
.LBB2_59:
0x4ee: {  	v19 =	vld [tilespmem:s21+$0x30];
	s20 =	sadd.s32 $0x10, s20;
	v9 =	vand.u32 $0x1FF, v9;
	v14 =	vand.u32 $0x1FF, v14;
	v7 =	vand.u32 $0x1FF, v7  }
0x4ef: {  	v13 =	vor.u32 v1, v13;
	v20 =	vld [tilespmem:s21+$0xFFFFFF90];
	p0 =	slt.u32 s20, $0xC30;
	vm7 =	veq.s32 v9, v3;
	v21 =	vshrl.u32 v15, $0x16  }
0x4f0: {  	vm6 =	veq.s32 v14, v3;
	vm10 =	veq.s32 v7, v3;
	v9 =	vld [tilespmem:s21+$0xFFFFFFA0];
	v22 =	vshrl.u32 v17, $0x9  }
0x4f1: {  	v7 =	vshrl.u32 v17, $0x16;
	v23 =	vld [tilespmem:s21+$0xFFFFFFB0];
	v14 =	vshrl.u32 v18, $0x16;
	v17 =	vshrl.u32 v18, $0x9  }
0x4f2: {  	v6 =	vor.u32 v1, v6;
	v10 =	vor.u32 v1, v10;
	v7 =	vand.u32 $0x1FF, v7;
	v18 =	vld [tilespmem:s21+$0x50]  }
0x4f3: {  	v15 =	vshrl.u32 v15, $0x9;
	v24 =	vld [tilespmem:s21+$0xFFFFFFC0];
	v25 =	vshrl.u32 v19, $0x16;
	v19 =	vshrl.u32 v19, $0x9  }
0x4f4: {  	v27 =	vshrl.u32 v16, $0x9;
	v14 =	vand.u32 $0x1FF, v14;
	v26 =	vld [tilespmem:s21+$0xFFFFFFD0];
	v19 =	vand.u32 $0x1FF0, v19  }
0x4f5: {  	v16 =	vshrl.u32 v16, $0x16;
	v27 =	vand.u32 $0x1FF0, v27;
	v25 =	vand.u32 $0x1FF, v25;
	v28 =	vld [tilespmem:s21+$0x60]  }
0x4f6: {  	v17 =	vand.u32 $0x1FF0, v17;
	vm5 =	veq.s32 v25, v3;
	v25 =	vor.u32 v1, v27;
	v29 =	vld [tilespmem:s21+$0xFFFFFFE0]  }
0x4f7: {  	v22 =	vand.u32 $0x1FF0, v22;
	vm8 =	veq.s32 v7, v3;
	vm11 =	veq.s32 v14, v3;
	v27 =	vld [tilespmem:s21+$0x0]  }
0x4f8: {  	v16 =	vand.u32 $0x1FF, v16;
	v17 =	vor.u32 v1, v17;
	v7 =	vshrl.u32 v18, $0x9;
	v14 =	vld [tilespmem:s21+$0xFFFFFFF0]  }
0x4f9: {  	v18 =	vshrl.u32 v18, $0x16;
	v30 =	vand.u32 $0x1FF0, v7;
	[tilespmem:v11+s11+$0x0] =	vst.idx.add.s32.msk vm4, v2;
	vm4 =	veq.s32 v16, v3  }
0x4fa: {  	v7 =	vand.u32 $0x1FF, v18;
	v11 =	vld [tilespmem:s21+$0x10];
	v16 =	vshrl.u32 v28, $0x16;
	v18 =	vshrl.u32 v28, $0x9  }
0x4fb: {  	vm9 =	veq.s32 v7, v3;
	v7 =	vand.u32 $0x1FF, v16;
	v16 =	vand.u32 $0x1FF0, v18;
	[tilespmem:v10+s11+$0x0] =	vst.idx.add.s32.msk vm10, v2  }
0x4fc: {  	vm10 =	veq.s32 v7, v3;
	v16 =	vor.u32 v1, v16;
	[tilespmem:v13+s11+$0x0] =	vst.idx.add.s32.msk vm7, v2;
	v7 =	vand.u32 $0x1FF, v21  }
0x4fd: {  	v18 =	vor.u32 v1, v19;
	v10 =	vand.u32 $0x1FF0, v15;
	[tilespmem:v12+s11+$0x0] =	vst.idx.add.s32.msk vm2, v2;
	vm2 =	veq.s32 v7, v3  }
0x4fe: {  	v15 =	vor.u32 v1, v10;
	v7 =	vshrl.u32 v27, $0x16;
	v12 =	vor.u32 v1, v22;
	[tilespmem:v6+s11+$0x0] =	vst.idx.add.s32.msk vm6, v2  }
0x4ff: {  	v6 =	vshrl.u32 v11, $0x16;
	v10 =	vshrl.u32 v11, $0x9;
	v11 =	vor.u32 v1, v30;
	[tilespmem:v8+s11+$0x0] =	vst.idx.add.s32.msk vm0, v2  }
0x500: {  	v8 =	vshrl.u32 v14, $0x9;
	v13 =	vand.u32 $0x1FF, v6;
	v19 =	vand.u32 $0x1FF0, v10;
	[tilespmem:v4+s11+$0x0] =	vst.idx.add.s32.msk vm3, v2  }
0x501: {  	v4 =	vshrl.u32 v29, $0x9;
	v6 =	vand.u32 $0x1FF0, v8;
	v8 =	vshrl.u32 v27, $0x9;
	[tilespmem:v5+s11+$0x0] =	vst.idx.add.s32.msk vm1, v2  }
0x502: {  	v21 =	vshrl.u32 v26, $0x16;
	v4 =	vand.u32 $0x1FF0, v4;
	v10 =	vand.u32 $0x1FF0, v8;
	[tilespmem:v17+s11+$0x0] =	vst.idx.add.s32.msk vm11, v2  }
0x503: {  	v5 =	vshrl.u32 v24, $0x9;
	vm0 =	veq.s32 v13, v3;
	v4 =	vor.u32 v1, v4;
	[tilespmem:v12+s11+$0x0] =	vst.idx.add.s32.msk vm8, v2  }
0x504: {  	v8 =	vshrl.u32 v23, $0x9;
	v13 =	vand.u32 $0x1FF0, v5;
	v12 =	vor.u32 v1, v19;
	[tilespmem:v15+s11+$0x0] =	vst.idx.add.s32.msk vm2, v2  }
0x505: {  	v14 =	vshrl.u32 v14, $0x16;
	v5 =	vshrl.u32 v9, $0x16;
	v8 =	vand.u32 $0x1FF0, v8;
	[tilespmem:v25+s11+$0x0] =	vst.idx.add.s32.msk vm4, v2  }
0x506: {  	v15 =	vand.u32 $0x1FF, v5;
	v5 =	vor.u32 v1, v8;
	v8 =	vshrl.u32 v26, $0x9;
	[tilespmem:v11+s11+$0x0] =	vst.idx.add.s32.msk vm9, v2  }
0x507: {  	v17 =	vshrl.u32 v20, $0x9;
	v19 =	vshrl.u32 v29, $0x16;
	v11 =	vshrl.u32 v20, $0x16;
	[tilespmem:v16+s11+$0x0] =	vst.idx.add.s32.msk vm10, v2  }
0x508: {  	v8 =	vand.u32 $0x1FF0, v8;
	v11 =	vand.u32 $0x1FF, v11;
	v16 =	vand.u32 $0x1FF0, v17;
	[tilespmem:v18+s11+$0x0] =	vst.idx.add.s32.msk vm5, v2  }
.Ltmp30:
0x509: {  	vm4 =	veq.s32 v11, v3;
	v11 =	vor.u32 v1, v16;
	v16 =	vand.u32 $0x1FF, v19;
	[tilespmem:v12+s11+$0x0] =	vst.idx.add.s32.msk vm0, v2;
	(pc) =	sbr.rel @p0 .LBB2_59-.Ltmp30, $4  }
0x50a: {  	vm2 =	veq.s32 v15, v3;
	v18 =	vand.u32 $0x1FF, v21;
	v12 =	vshrl.u32 v23, $0x16;
	v15 =	vld [tilespmem:s21+$0x20]  }
0x50b: {  	v19 =	vshrl.u32 v9, $0x9;
	v9 =	vshrl.u32 v24, $0x16;
	vm0 =	veq.s32 v18, v3;
	v17 =	vld [tilespmem:s21+$0xFFFFFF80]  }
0x50c: {  	v8 =	vor.u32 v1, v8;
	v19 =	vand.u32 $0x1FF0, v19;
	v20 =	vand.u32 $0x1FF, v12;
	v18 =	vld [tilespmem:s21+$0x70]  }
0x50d: {  	vm3 =	veq.s32 v16, v3;
	v12 =	vor.u32 v1, v19;
	vm1 =	veq.s32 v20, v3;
	v16 =	vld [tilespmem:s21+$0x40];
	s21 =	sadd.s32 $0x100, s21  }
0x50e: {  	v7 =	vand.u32 $0x1FF, v7;
	v9 =	vand.u32 $0x1FF, v9;
	v6 =	vor.u32 v1, v6  }
0x50f: {  	vm5 =	veq.s32 v7, v3;
	vm6 =	veq.s32 v9, v3;
	v7 =	vor.u32 v1, v10  }
0x510: {  	v9 =	vand.u32 $0x1FF, v14;
	v10 =	vor.u32 v1, v13;
	v54 =	vshrl.u32 v15, $0x16  }
0x511: {  	v58 =	vshrl.u32 v15, $0x9;
	v55 =	vshrl.u32 v17, $0x9;
	vm7 =	veq.s32 v9, v3  }
0x512: {  	v9 =	vshrl.u32 v17, $0x16;
	v56 =	vshrl.u32 v18, $0x16;
	v57 =	vshrl.u32 v18, $0x9  }
0x513: {  	[tilespmem:v11+s11+$0x0] =	vst.idx.add.s32.msk vm4, v2;
	v9 =	vand.u32 $0x1FF, v9;
	v19 =	vshrl.u32 v16, $0x9;
	v11 =	vand.u32 $0x1FF, v56  }
0x514: {  	[tilespmem:v12+s11+$0x0] =	vst.idx.add.s32.msk vm2, v2;
	v59 =	vshrl.u32 v16, $0x16;
	v60 =	vand.u32 $0x1FF0, v57;
	vm12 =	veq.s32 v9, v3  }
0x515: {  	[tilespmem:v8+s11+$0x0] =	vst.idx.add.s32.msk vm0, v2;
	vm13 =	veq.s32 v11, v3;
	v9 =	vand.u32 $0x1FF, v59;
	v11 =	vand.u32 $0x1FF, v54  }
0x516: {  	vm14 =	veq.s32 v11, v3;
	v11 =	vand.u32 $0x1FF0, v58;
	[tilespmem:v10+s11+$0x0] =	vst.idx.add.s32.msk vm6, v2;
	v10 =	vor.u32 v1, v60  }
0x517: {  	vm15 =	veq.s32 v9, v3;
	[tilespmem:v7+s11+$0x0] =	vst.idx.add.s32.msk vm5, v2;
	v7 =	vand.u32 $0x1FF0, v55;
	v3 =	vor.u32 v1, v11  }
0x518: {  	v7 =	vor.u32 v1, v7;
	[tilespmem:v6+s11+$0x0] =	vst.idx.add.s32.msk vm7, v2;
	v6 =	vand.u32 $0x1FF0, v19  }
0x519: {  	[tilespmem:v4+s11+$0x0] =	vst.idx.add.s32.msk vm3, v2;
	v6 =	vor.u32 v1, v6  }
0x51a: {  	[tilespmem:v5+s11+$0x0] =	vst.idx.add.s32.msk vm1, v2  }
0x51b: {  	[tilespmem:v10+s11+$0x0] =	vst.idx.add.s32.msk vm13, v2  }
0x51c: {  	[tilespmem:v3+s11+$0x0] =	vst.idx.add.s32.msk vm14, v2  }
0x51d: {  	[tilespmem:v7+s11+$0x0] =	vst.idx.add.s32.msk vm12, v2  }
0x51e: {  	s0 =	simm.s32 $0x1A7F0;
	[tilespmem:v6+s11+$0x0] =	vst.idx.add.s32.msk vm15, v2  }
0x51f: {  	v3 =	vld [tilespmem:s0+$0xFFFFFF10]  }
0x520: {  	v4 =	vld [tilespmem:s0+$0xFFFFFF20]  }
0x521: {  	v5 =	vld [tilespmem:s0+$0xFFFFFF30]  }
0x522: {  	v6 =	vld [tilespmem:s0+$0xFFFFFF40]  }
0x523: {  	v7 =	vld [tilespmem:s0+$0xFFFFFF50]  }
0x524: {  	v8 =	vld [tilespmem:s0+$0xFFFFFF60]  }
0x525: {  	v9 =	vld [tilespmem:s0+$0xFFFFFF70]  }
0x526: {  	v10 =	vld [tilespmem:s0+$0xFFFFFF80]  }
0x527: {  	v11 =	vld [tilespmem:s0+$0xFFFFFF90];
	v3 =	vadd.s32 v3, v4  }
0x528: {  	v12 =	vld [tilespmem:s0+$0xFFFFFFA0];
	v3 =	vadd.s32 v5, v3  }
0x529: {  	v61 =	vld [tilespmem:s0+$0xFFFFFFB0];
	v3 =	vadd.s32 v6, v3  }
0x52a: {  	v4 =	vld [tilespmem:s0+$0xFFFFFFC0];
	v3 =	vadd.s32 v7, v3  }
0x52b: {  	v5 =	vld [tilespmem:s0+$0xFFFFFFD0];
	v3 =	vadd.s32 v8, v3  }
0x52c: {  	v6 =	vld [tilespmem:s0+$0xFFFFFFE0];
	v3 =	vadd.s32 v9, v3  }
0x52d: {  	v7 =	vld [tilespmem:s0+$0xFFFFFFF0];
	v3 =	vadd.s32 v10, v3  }
0x52e: {  	s31 =	simm.s32 $0x1A6F0;
	v8 =	vld [tilespmem:s0+$0x0];
	v3 =	vadd.s32 v11, v3  }
0x52f: {  	v9 =	vld [tilespmem:s31+$0xFFFFFF10];
	v3 =	vadd.s32 v12, v3  }
0x530: {  	v10 =	vld [tilespmem:s31+$0xFFFFFF20];
	v3 =	vadd.s32 v61, v3  }
0x531: {  	v11 =	vld [tilespmem:s31+$0xFFFFFF30];
	v3 =	vadd.s32 v4, v3  }
0x532: {  	v62 =	vld [tilespmem:s31+$0xFFFFFF40];
	v3 =	vadd.s32 v5, v3  }
0x533: {  	v63 =	vld [tilespmem:s31+$0xFFFFFF50];
	v3 =	vadd.s32 v6, v3  }
0x534: {  	v4 =	vld [tilespmem:s31+$0xFFFFFF60];
	v3 =	vadd.s32 v7, v3  }
0x535: {  	v5 =	vadd.s32 v9, v10;
	v9 =	vld [tilespmem:s31+$0xFFFFFF70];
	v3 =	vadd.s32 v8, v3  }
0x536: {  	v5 =	vadd.s32 v11, v5;
	v6 =	vld [tilespmem:s31+$0xFFFFFF80];
	(xrf0) =	vadd.scan.msk.s32 $0xffff, v3  }
0x537: {  	v5 =	vadd.s32 v62, v5;
	v7 =	vld [tilespmem:s31+$0xFFFFFF90]  }
0x538: {  	v5 =	vadd.s32 v63, v5  }
0x539: {  	v8 =	vld [tilespmem:s31+$0xFFFFFFA0];
	v3 =	vadd.s32 v4, v5  }
0x53a: {  	v5 =	vld [tilespmem:s31+$0xFFFFFFB0];
	v3 =	vadd.s32 v9, v3  }
0x53b: {  	v9 =	vld [tilespmem:s31+$0xFFFFFFC0];
	v3 =	vadd.s32 v6, v3  }
0x53c: {  	v10 =	vld [tilespmem:s31+$0xFFFFFFD0];
	v4 =	vadd.s32 v7, v3;
	v7, _, _ =	vpop (xrf0)  }
0x53d: {  	v3 =	vld [tilespmem:s31+$0xFFFFFFE0];
	(v2sf) =	vpush v7, $0xF  }
0x53e: {  	s25 =	simm.s32 $0x1A5F0;
	v6 =	vadd.s32 v8, v4;
	v4 =	vld [tilespmem:s31+$0xFFFFFFF0]  }
0x53f: {  	s19 =	ssub.s32 $0x1399, s19;
	s22 =	simm.s32 $0x0;
	p0 =	por $0x0, $0x0;
	v8 =	vld [tilespmem:s25+$0xFFFFFF20];
	v6 =	vadd.s32 v5, v6  }
0x540: {  	s20 =	simm.s32 $0x1F;
	s24 =	simm.s32 $0x1E;
	s23 =	simm.s32 $0x1D;
	v5 =	vld [tilespmem:s31+$0x0];
	v9 =	vadd.s32 v9, v6  }
0x541: {  	s1 =	simm.s32 $0x1C;
	s21 =	simm.s32 $0x0;
	s20 =	smov.u32 @p0 s22;
	v6 =	vld [tilespmem:s25+$0xFFFFFF10];
	v7 =	vadd.s32 v10, v9  }
.LBB2_61:
0x542: {  	s0 =	smov.u32 s22  }
0x543: {  	p1 =	seq.s32 s1, $0x0;
	v3 =	vadd.s32 v3, v7;
	v9 =	vld [tilespmem:s25+$0xFFFFFF30]  }
0x544: {  	v3 =	vadd.s32 v4, v3;
	v7 =	vld [tilespmem:s25+$0xFFFFFF40]  }
0x545: {  	v3 =	vadd.s32 v5, v3;
	v4 =	vld [tilespmem:s25+$0xFFFFFF50]  }
0x546: {  	v5 =	vld [tilespmem:s25+$0xFFFFFF60];
	(xrf0) =	vadd.scan.msk.s32 $0xffff, v3  }
0x547: {  	v3 =	vadd.s32 v6, v8;
	v6 =	vld [tilespmem:s25+$0xFFFFFF70]  }
0x548: {  	v3 =	vadd.s32 v9, v3;
	v8 =	vld [tilespmem:s25+$0xFFFFFF80]  }
0x549: {  	v3 =	vadd.s32 v7, v3;
	v7 =	vld [tilespmem:s25+$0xFFFFFF90]  }
0x54a: {  	v3 =	vadd.s32 v4, v3;
	v4 =	vld [tilespmem:s25+$0xFFFFFFA0]  }
0x54b: {  	v3 =	vadd.s32 v5, v3;
	v5 =	vld [tilespmem:s25+$0xFFFFFFB0]  }
0x54c: {  	v3 =	vadd.s32 v6, v3;
	v9 =	vld [tilespmem:s25+$0xFFFFFFC0];
	v6, _, _ =	vpop (xrf0);
	s6 =	spop (v2sf)  }
0x54d: {  	v3 =	vadd.s32 v8, v3;
	v10 =	vld [tilespmem:s25+$0xFFFFFFD0];
	(v2sf) =	vpush v6, $0xF;
	s22 =	sadd.s32 s22, s6  }
.Ltmp31:
0x54e: {  	v6 =	vadd.s32 v7, v3;
	v3 =	vld [tilespmem:s25+$0xFFFFFFE0];
	p2 =	sge.s32 s22, s19;
	(pc) =	sbr.rel @!p1 .LBB2_61-.Ltmp31, $4  }
0x54f: {  	v6 =	vadd.s32 v4, v6;
	v4 =	vld [tilespmem:s25+$0xFFFFFFF0];
	s21 =	smov.u32 @p2 s20;
	p0 =	por p0, p2;
	s20 =	smov.u32 s24  }
0x550: {  	v7 =	vadd.s32 v5, v6;
	v5 =	vld [tilespmem:s25+$0x0];
	s25 =	sadd.s32 $0xFFFFFF00, s25;
	s20 =	smov.u32 @p0 s21;
	s22 =	smov.u32 @p0 s0  }
0x551: {  	s24 =	smov.u32 s23;
	s23 =	smov.u32 s1;
	v6 =	vld [tilespmem:s25+$0xFFFFFF10];
	v7 =	vadd.s32 v9, v7  }
0x552: {  	s1 =	sadd.s32 $0xFFFFFFFF, s1;
	v8 =	vld [tilespmem:s25+$0xFFFFFF20];
	v7 =	vadd.s32 v10, v7  }
0x553: {  	v9 =	vld [tilespmem:s25+$0xFFFFFF30]  }
0x554: {  	v10 =	vld [tilespmem:s25+$0xFFFFFF40]  }
0x555: {  	v11 =	vld [tilespmem:s25+$0xFFFFFF50]  }
0x556: {  	v12 =	vld [tilespmem:s25+$0xFFFFFF60]  }
0x557: {  	v54 =	vld [tilespmem:s25+$0xFFFFFF70];
	v6 =	vadd.s32 v6, v8  }
0x558: {  	v55 =	vld [tilespmem:s25+$0xFFFFFF80];
	v6 =	vadd.s32 v9, v6  }
0x559: {  	v56 =	vld [tilespmem:s25+$0xFFFFFF90];
	v6 =	vadd.s32 v10, v6  }
0x55a: {  	v57 =	vld [tilespmem:s25+$0xFFFFFFA0];
	v6 =	vadd.s32 v11, v6  }
0x55b: {  	v58 =	vld [tilespmem:s25+$0xFFFFFFB0];
	v6 =	vadd.s32 v12, v6  }
0x55c: {  	v59 =	vld [tilespmem:s25+$0xFFFFFFC0];
	v6 =	vadd.s32 v54, v6  }
0x55d: {  	v60 =	vld [tilespmem:s25+$0xFFFFFFD0];
	v6 =	vadd.s32 v55, v6  }
0x55e: {  	v61 =	vld [tilespmem:s25+$0xFFFFFFE0];
	v6 =	vadd.s32 v56, v6  }
0x55f: {  	v3 =	vadd.s32 v3, v7;
	v62 =	vld [tilespmem:s25+$0xFFFFFFF0];
	v6 =	vadd.s32 v57, v6  }
0x560: {  	v63 =	vld [tilespmem:s25+$0x0];
	v3 =	vadd.s32 v4, v3;
	v4 =	vadd.s32 v58, v6  }
0x561: {  	v3 =	vadd.s32 v5, v3;
	v4 =	vadd.s32 v59, v4  }
0x562: {  	(xrf0) =	vadd.scan.msk.s32 $0xffff, v3;
	v3 =	vadd.s32 v60, v4  }
0x563: {  	v3 =	vadd.s32 v61, v3  }
0x564: {  	v3 =	vadd.s32 v62, v3  }
0x565: {  	v3 =	vadd.s32 v63, v3  }
0x566: {  	(xrf0) =	vadd.scan.msk.s32 $0xffff, v3;
	_ =	sdelay $0x1  }
0x567: {  	v3, _, _ =	vpop (xrf0)  }
0x568: {  	(v2sf) =	vpush v3, $0xF;
	_ =	sdelay $0x2  }
0x569: {  	v3, _, _ =	vpop (xrf0)  }
0x56a: {  	(v2sf) =	vpush v3, $0xF;
	_ =	sdelay $0x6  }
0x56b: {  	s0 =	spop (v2sf)  }
0x56c: {  	s0 =	sadd.s32 s22, s0  }
0x56d: {  	p1 =	sge.s32 s0, s19  }
0x56e: {  	p0 =	por p0, p1  }
0x56f: {  	s0 =	smov.u32 @p0 s22;
	s1 =	spop (v2sf)  }
0x570: {  	s1 =	sadd.s32 s0, s1  }
0x571: {  	p2 =	sge.s32 s1, s19  }
0x572: {  	s21 =	smov.u32 @p1 s20;
	p1 =	por p0, p2  }
0x573: {  	s24 =	smov.u32 @p0 s21;
	s1 =	smov.u32 @p1 s0;
	s26 =	spop (v2sf)  }
0x574: {  	s21 =	smov.u32 @p2 s24;
	s28 =	sadd.s32 s1, s26  }
0x575: {  	s23 =	smov.u32 @p1 s21;
	p0 =	sge.s32 s28, s19  }
0x576: {  	s21 =	smov.u32 @p0 s23  }
0x577: {  	s30 =	sshll.u32 s21, $0x8  }
0x578: {  	s0 =	sand.u32 $0x3FFFFF00, s30  }
0x579: {  	s0 =	sadd.s32 $0x188F0, s0  }
0x57a: {  	v3 =	vld [tilespmem:s0+$0x0];
	_ =	sdelay $0x4  }
0x57b: {  	(xrf0) =	vadd.scan.msk.s32 $0xffff, v3;
	_ =	sdelay $0x5  }
0x57c: {  	v3, _, _ =	vpop (xrf0)  }
0x57d: {  	(v2sf) =	vpush v3, $0xF  }
0x57e: {  	s0 =	sadd.s32 $0xFFFFFFF0, s0  }
0x57f: {  	v3 =	vld [tilespmem:s0+$0x0];
	s0 =	sadd.s32 $0xFFFFFFF0, s0  }
0x580: {  	v4 =	vld [tilespmem:s0+$0x0];
	_ =	sdelay $0x3  }
0x581: {  	(xrf0) =	vadd.scan.msk.s32 $0xffff, v3  }
0x582: {  	(xrf0) =	vadd.scan.msk.s32 $0xffff, v4;
	_ =	sdelay $0x4  }
0x583: {  	v4, _, _ =	vpop (xrf0)  }
0x584: {  	(v2sf) =	vpush v4, $0xF;
	v4, _, _ =	vpop (xrf0)  }
0x585: {  	s0 =	sadd.s32 $0xFFFFFFF0, s0;
	s31 =	spop (v2sf);
	(v2sf) =	vpush v4, $0xF  }
0x586: {  	v3 =	vld [tilespmem:s0+$0x0];
	_ =	sdelay $0x1  }
0x587: {  	s29 =	simm.s32 $0xE  }
0x588: {  	s25 =	simm.s32 $0xC;
	s6 =	simm.s32 $0xA;
	s20 =	simm.s32 $0xD  }
0x589: {  	s22 =	simm.s32 $0x0;
	s26 =	simm.s32 $0xF;
	p1 =	por p1, p0  }
0x58a: {  	p0 =	por $0x0, $0x0;
	s28 =	smov.u32 @p1 s1;
	s1 =	sadd.s32 $0xFFFFFFF0, s0;
	(xrf0) =	vadd.scan.msk.s32 $0xffff, v3  }
0x58b: {  	s24 =	simm.s32 $0xB;
	s26 =	smov.u32 @p0 s22;
	v3 =	vld [tilespmem:s1+$0x0];
	s0 =	sadd.s32 s28, s31  }
.LBB2_63:
0x58c: {  	s7 =	smov.u32 s28  }
0x58d: {  	p1 =	sne.s32 s6, $0x0;
	p2 =	sge.s32 s0, s19;
	s28 =	smov.u32 s0  }
0x58e: {  	s22 =	smov.u32 @p2 s26;
	p0 =	por p0, p2;
	s26 =	smov.u32 s29  }
.Ltmp32:
0x58f: {  	s26 =	smov.u32 @p0 s22;
	s28 =	smov.u32 @p0 s7;
	(pc) =	sbr.rel @p1 .LBB2_63-.Ltmp32, $4  }
0x590: {  	s29 =	smov.u32 s20;
	s20 =	smov.u32 s25;
	s25 =	smov.u32 s24;
	v4, _, _ =	vpop (xrf0)  }
0x591: {  	s24 =	smov.u32 s6;
	(xrf0) =	vadd.scan.msk.s32 $0xffff, v3;
	(v2sf) =	vpush v4, $0xF  }
0x592: {  	s1 =	sadd.s32 $0xFFFFFFF0, s1;
	s0 =	spop (v2sf)  }
0x593: {  	s6 =	sadd.s32 $0xFFFFFFFF, s6;
	v3 =	vld [tilespmem:s1+$0x0];
	s0 =	sadd.s32 s28, s0  }
0x594: {  	s23 =	simm.s32 $0x18900  }
0x595: {  	[tilespmem:s23+$0xFFFFFF00] =	vst v0  }
0x596: {  	[tilespmem:s23+$0xF0] =	vst v0  }
0x597: {  	[tilespmem:s23+$0xE0] =	vst v0  }
0x598: {  	[tilespmem:s23+$0xD0] =	vst v0  }
0x599: {  	[tilespmem:s23+$0xC0] =	vst v0;
	(xrf0) =	vadd.scan.msk.s32 $0xffff, v3  }
0x59a: {  	[tilespmem:s23+$0xB0] =	vst v0  }
0x59b: {  	[tilespmem:s23+$0xA0] =	vst v0;
	v3, _, _ =	vpop (xrf0)  }
0x59c: {  	[tilespmem:s23+$0x90] =	vst v0;
	(v2sf) =	vpush v3, $0xF  }
0x59d: {  	[tilespmem:s23+$0x80] =	vst v0  }
0x59e: {  	[tilespmem:s23+$0x70] =	vst v0  }
0x59f: {  	[tilespmem:s23+$0x60] =	vst v0;
	v3, _, _ =	vpop (xrf0)  }
0x5a0: {  	[tilespmem:s23+$0x50] =	vst v0;
	(v2sf) =	vpush v3, $0xF  }
0x5a1: {  	p3 =	sge.s32 s0, s19;
	[tilespmem:s23+$0x40] =	vst v0  }
0x5a2: {  	p1 =	por p0, p3;
	[tilespmem:s23+$0x30] =	vst v0  }
0x5a3: {  	s1 =	spop (v2sf);
	[tilespmem:s23+$0x20] =	vst v0;
	s0 =	smov.u32 @p1 s28  }
0x5a4: {  	[tilespmem:s23+$0x10] =	vst v0;
	s1 =	sadd.s32 s0, s1  }
0x5a5: {  	[tilespmem:s23+$0x0] =	vst v0;
	p2 =	sge.s32 s1, s19  }
0x5a6: {  	[tilespmem:s23+$0xFFFFFFF0] =	vst v0;
	p0 =	por p1, p2  }
0x5a7: {  	[tilespmem:s23+$0xFFFFFFE0] =	vst v0;
	s1 =	smov.u32 @p0 s0;
	s28 =	spop (v2sf)  }
0x5a8: {  	[tilespmem:s23+$0xFFFFFFD0] =	vst v0;
	s0 =	sadd.s32 s1, s28  }
0x5a9: {  	s22 =	smov.u32 @p3 s26;
	[tilespmem:s23+$0xFFFFFFC0] =	vst v0;
	p3 =	sge.s32 s0, s19  }
0x5aa: {  	[tilespmem:s23+$0xFFFFFFB0] =	vst v0;
	s29 =	smov.u32 @p1 s22;
	p1 =	por p0, p3  }
0x5ab: {  	[tilespmem:s23+$0xFFFFFFA0] =	vst v0;
	s0 =	smov.u32 @p1 s1;
	s30 =	spop (v2sf)  }
0x5ac: {  	[tilespmem:s23+$0xFFFFFF90] =	vst v0;
	s22 =	smov.u32 @p2 s29;
	s1 =	sadd.s32 s0, s30  }
0x5ad: {  	[tilespmem:s23+$0xFFFFFF80] =	vst v0;
	s20 =	smov.u32 @p0 s22;
	p0 =	sge.s32 s1, s19  }
0x5ae: {  	[tilespmem:s23+$0xFFFFFF70] =	vst v0;
	p2 =	por p1, p0  }
0x5af: {  	[tilespmem:s23+$0xFFFFFF60] =	vst v0;
	s22 =	smov.u32 @p3 s20;
	s1 =	smov.u32 @p2 s0;
	s31 =	spop (v2sf)  }
0x5b0: {  	[tilespmem:s23+$0xFFFFFF50] =	vst v0;
	s25 =	smov.u32 @p1 s22;
	s20 =	sadd.s32 s1, s31  }
0x5b1: {  	[tilespmem:s23+$0xFFFFFF40] =	vst v0;
	s22 =	smov.u32 @p0 s25;
	p0 =	sge.s32 s20, s19  }
0x5b2: {  	[tilespmem:s23+$0xFFFFFF30] =	vst v0;
	s24 =	smov.u32 @p2 s22;
	p1 =	por p2, p0  }
0x5b3: {  	[tilespmem:s23+$0xFFFFFF20] =	vst v0;
	s22 =	smov.u32 @p0 s24;
	s20 =	smov.u32 @p1 s1;
	s1 =	simm.s32 $0x0  }
.LBB2_65:
0x5b4: {  	s1 =	sadd.s32 $0x20, s1;
	[tilespmem:s23+$0xFFFFFF10] =	vst v0;
	s23 =	sadd.s32 $0x200, s23  }
0x5b5: {  	[tilespmem:s23+$0xFFFFFF00] =	vst v0;
	p0 =	slt.u32 s1, $0x1E0  }
0x5b6: {  	[tilespmem:s23+$0xF0] =	vst v0  }
0x5b7: {  	[tilespmem:s23+$0xE0] =	vst v0  }
0x5b8: {  	[tilespmem:s23+$0xD0] =	vst v0  }
0x5b9: {  	[tilespmem:s23+$0xC0] =	vst v0  }
0x5ba: {  	[tilespmem:s23+$0xB0] =	vst v0  }
0x5bb: {  	[tilespmem:s23+$0xA0] =	vst v0  }
0x5bc: {  	[tilespmem:s23+$0x90] =	vst v0  }
0x5bd: {  	[tilespmem:s23+$0x80] =	vst v0  }
0x5be: {  	[tilespmem:s23+$0x70] =	vst v0  }
0x5bf: {  	[tilespmem:s23+$0x60] =	vst v0  }
0x5c0: {  	[tilespmem:s23+$0x50] =	vst v0  }
0x5c1: {  	[tilespmem:s23+$0x40] =	vst v0  }
0x5c2: {  	[tilespmem:s23+$0x30] =	vst v0  }
0x5c3: {  	[tilespmem:s23+$0x20] =	vst v0  }
0x5c4: {  	[tilespmem:s23+$0x10] =	vst v0  }
0x5c5: {  	[tilespmem:s23+$0x0] =	vst v0  }
0x5c6: {  	[tilespmem:s23+$0xFFFFFFF0] =	vst v0  }
0x5c7: {  	[tilespmem:s23+$0xFFFFFFE0] =	vst v0  }
0x5c8: {  	[tilespmem:s23+$0xFFFFFFD0] =	vst v0  }
0x5c9: {  	[tilespmem:s23+$0xFFFFFFC0] =	vst v0  }
0x5ca: {  	[tilespmem:s23+$0xFFFFFFB0] =	vst v0  }
0x5cb: {  	[tilespmem:s23+$0xFFFFFFA0] =	vst v0  }
0x5cc: {  	[tilespmem:s23+$0xFFFFFF90] =	vst v0  }
0x5cd: {  	[tilespmem:s23+$0xFFFFFF80] =	vst v0  }
0x5ce: {  	[tilespmem:s23+$0xFFFFFF70] =	vst v0  }
.Ltmp33:
0x5cf: {  	[tilespmem:s23+$0xFFFFFF60] =	vst v0;
	(pc) =	sbr.rel @p0 .LBB2_65-.Ltmp33, $4  }
0x5d0: {  	[tilespmem:s23+$0xFFFFFF50] =	vst v0  }
0x5d1: {  	[tilespmem:s23+$0xFFFFFF40] =	vst v0  }
0x5d2: {  	[tilespmem:s23+$0xFFFFFF30] =	vst v0  }
0x5d3: {  	[tilespmem:s23+$0xFFFFFF20] =	vst v0  }
0x5d4: {  	[tilespmem:s23+$0xFFFFFF10] =	vst v0;
	s1 =	simm.s32 $0xC480  }
0x5d5: {  	v4 =	vld [tilespmem:s1+$0x0]  }
0x5d6: {  	v5 =	vld [tilespmem:s1+$0xFFFFFFF0]  }
0x5d7: {  	v7 =	vld [tilespmem:s1+$0xFFFFFFA0]  }
0x5d8: {  	v8 =	vld [tilespmem:s1+$0xFFFFFFE0]  }
0x5d9: {  	s0 =	sshll.u32 s21, $0x4;
	s6 =	sshll.u32 s18, $0x9;
	v12 =	vld [tilespmem:s1+$0xFFFFFFB0]  }
0x5da: {  	s0 =	sor.u32 s6, s0;
	v14 =	vld [tilespmem:s1+$0xFFFFFF90]  }
0x5db: {  	s18 =	sor.u32 s0, s22  }
0x5dc: {  	v9 =	vld [tilespmem:s1+$0xFFFFFFD0];
	v3 =	vmov s18  }
0x5dd: {  	v6 =	vld [tilespmem:s1+$0x40];
	v10 =	vshrl.u32 v5, $0xD;
	v13 =	vshrl.u32 v4, $0xD;
	v4 =	vand.u32 $0x1FF0, v4  }
0x5de: {  	v21 =	vshrl.u32 v8, $0xD;
	v19 =	vand.u32 $0x1FF0, v12;
	v22 =	vand.u32 $0x1FF0, v7  }
0x5df: {  	v20 =	vshrl.u32 v14, $0xD;
	v23 =	vand.u32 $0x1FF0, v14;
	v12 =	vshrl.u32 v12, $0xD  }
0x5e0: {  	v11 =	vld [tilespmem:s1+$0x50];
	v17 =	vand.u32 $0x3FFFF, v10;
	v10 =	vand.u32 $0x3FFFF, v13;
	v18 =	vor.u32 v1, v4  }
0x5e1: {  	v16 =	vld [tilespmem:s1+$0x10];
	v4 =	vand.u32 $0x1FF0, v8;
	v13 =	vshrl.u32 v9, $0xD;
	vm2 =	veq.s32 v10, v3  }
0x5e2: {  	v9 =	vand.u32 $0x1FF0, v9;
	v14 =	vor.u32 v1, v19;
	v10 =	vand.u32 $0x1FF0, v6  }
0x5e3: {  	v6 =	vshrl.u32 v6, $0xD;
	v8 =	vor.u32 v1, v10;
	v10 =	vand.u32 $0x3FFFF, v13  }
0x5e4: {  	v9 =	vor.u32 v1, v9;
	vm0 =	veq.s32 v10, v3;
	v10 =	vshrl.u32 v7, $0xD  }
0x5e5: {  	vm3 =	veq.s32 v17, v3;
	v13 =	vand.u32 $0x1FF0, v11;
	v24 =	vand.u32 $0x3FFFF, v10;
	v10 =	vld [tilespmem:s1+$0xFFFFFFC0]  }
0x5e6: {  	v19 =	vld [tilespmem:s1+$0x60];
	v25 =	vand.u32 $0x3FFFF, v6;
	v6 =	vor.u32 v1, v22;
	v7 =	vshrl.u32 v16, $0xD  }
0x5e7: {  	vm7 =	veq.s32 v25, v3;
	v15 =	vand.u32 $0x3FFFF, v7;
	[tilespmem:v18+s11+$0x0] =	vst.idx.add.s32.msk vm2, v2;
	v18 =	vand.u32 $0x3FFFF, v12  }
0x5e8: {  	v17 =	vld [tilespmem:s1+$0xFFFFFF80];
	v7 =	vand.u32 $0x3FFFF, v20;
	v20 =	vand.u32 $0x1FF0, v16;
	vm6 =	veq.s32 v18, v3  }
0x5e9: {  	v16 =	vshrl.u32 v11, $0xD;
	v11 =	vand.u32 $0x3FFFF, v21;
	vm1 =	veq.s32 v7, v3;
	v18 =	vld [tilespmem:s1+$0x70]  }
0x5ea: {  	v7 =	vor.u32 v1, v23;
	v22 =	vand.u32 $0x3FFFF, v16;
	v16 =	vld [tilespmem:s1+$0x30];
	v21 =	vshrl.u32 v10, $0xD  }
0x5eb: {  	s21 =	simm.s32 $0x0;
	s22 =	simm.s32 $0xC580;
	vm5 =	veq.s32 v22, v3;
	v12 =	vld [tilespmem:s1+$0x20];
	vm2 =	veq.s32 v24, v3;
	v21 =	vand.u32 $0x3FFFF, v21  }
.LBB2_67:
0x5ec: {  	v22 =	vld [tilespmem:s22+$0x40];
	s21 =	sadd.s32 $0x10, s21;
	vm4 =	veq.s32 v21, v3;
	v20 =	vor.u32 v1, v20;
	v13 =	vor.u32 v1, v13  }
0x5ed: {  	vm8 =	veq.s32 v15, v3;
	v21 =	vld [tilespmem:s22+$0xFFFFFF90];
	p0 =	slt.u32 s21, $0xC30;
	v15 =	vshrl.u32 v19, $0xD;
	v19 =	vand.u32 $0x1FF0, v19  }
0x5ee: {  	[tilespmem:v14+s11+$0x0] =	vst.idx.add.s32.msk vm6, v2;
	v14 =	vand.u32 $0x3FFFF, v15;
	v15 =	vshrl.u32 v18, $0xD;
	v18 =	vand.u32 $0x1FF0, v18  }
0x5ef: {  	v19 =	vor.u32 v1, v19;
	v23 =	vld [tilespmem:s22+$0xFFFFFFA0];
	v24 =	vshrl.u32 v16, $0xD;
	v16 =	vand.u32 $0x1FF0, v16  }
0x5f0: {  	v15 =	vand.u32 $0x3FFFF, v15;
	v25 =	vld [tilespmem:s22+$0x0];
	v26 =	vshrl.u32 v17, $0xD;
	v24 =	vand.u32 $0x3FFFF, v24  }
0x5f1: {  	v26 =	vand.u32 $0x3FFFF, v26;
	vm6 =	veq.s32 v24, v3;
	[tilespmem:v8+s11+$0x0] =	vst.idx.add.s32.msk vm7, v2;
	v8 =	vor.u32 v1, v18  }
0x5f2: {  	v17 =	vand.u32 $0x1FF0, v17;
	v16 =	vor.u32 v1, v16;
	v18 =	vld [tilespmem:s22+$0x50];
	vm7 =	veq.s32 v26, v3  }
0x5f3: {  	v17 =	vor.u32 v1, v17;
	v24 =	vand.u32 $0x1FF0, v5;
	[tilespmem:v20+s11+$0x0] =	vst.idx.add.s32.msk vm8, v2;
	vm8 =	veq.s32 v14, v3  }
0x5f4: {  	v5 =	vand.u32 $0x1FF0, v10;
	[tilespmem:v13+s11+$0x0] =	vst.idx.add.s32.msk vm5, v2  }
0x5f5: {  	v10 =	vor.u32 v1, v5;
	v20 =	vld [tilespmem:s22+$0xFFFFFFB0]  }
0x5f6: {  	vm9 =	veq.s32 v15, v3;
	v5 =	vshrl.u32 v12, $0xD;
	v12 =	vand.u32 $0x1FF0, v12;
	v13 =	vld [tilespmem:s22+$0xFFFFFFD0]  }
0x5f7: {  	v15 =	vand.u32 $0x3FFFF, v5;
	v14 =	vld [tilespmem:s22+$0xFFFFFFE0]  }
0x5f8: {  	v24 =	vor.u32 v1, v24;
	vm10 =	veq.s32 v15, v3;
	v5 =	vld [tilespmem:s22+$0xFFFFFFF0]  }
0x5f9: {  	v12 =	vor.u32 v1, v12;
	[tilespmem:v17+s11+$0x0] =	vst.idx.add.s32.msk vm7, v2  }
0x5fa: {  	vm5 =	veq.s32 v11, v3;
	v17 =	vld [tilespmem:s22+$0x10]  }
0x5fb: {  	[tilespmem:v19+s11+$0x0] =	vst.idx.add.s32.msk vm8, v2  }
0x5fc: {  	v11 =	vor.u32 v1, v4;
	[tilespmem:v8+s11+$0x0] =	vst.idx.add.s32.msk vm9, v2  }
0x5fd: {  	v15 =	vand.u32 $0x1FF0, v25;
	v8 =	vshrl.u32 v25, $0xD;
	v4 =	vshrl.u32 v5, $0xD;
	[tilespmem:v24+s11+$0x0] =	vst.idx.add.s32.msk vm3, v2  }
0x5fe: {  	v19 =	vor.u32 v1, v15;
	v8 =	vand.u32 $0x3FFFF, v8;
	v24 =	vand.u32 $0x3FFFF, v4;
	[tilespmem:v9+s11+$0x0] =	vst.idx.add.s32.msk vm0, v2  }
0x5ff: {  	v4 =	vand.u32 $0x1FF0, v14;
	vm3 =	veq.s32 v8, v3;
	v8 =	vand.u32 $0x1FF0, v22;
	[tilespmem:v12+s11+$0x0] =	vst.idx.add.s32.msk vm10, v2  }
0x600: {  	v25 =	vshrl.u32 v14, $0xD;
	v9 =	vshrl.u32 v13, $0xD;
	v8 =	vor.u32 v1, v8;
	[tilespmem:v7+s11+$0x0] =	vst.idx.add.s32.msk vm1, v2  }
0x601: {  	v7 =	vand.u32 $0x3FFFF, v9;
	v9 =	vand.u32 $0x1FF0, v13;
	v13 =	vand.u32 $0x1FF0, v18;
	[tilespmem:v16+s11+$0x0] =	vst.idx.add.s32.msk vm6, v2  }
0x602: {  	v12 =	vand.u32 $0x1FF0, v20;
	vm0 =	veq.s32 v7, v3;
	v7 =	vshrl.u32 v22, $0xD;
	[tilespmem:v10+s11+$0x0] =	vst.idx.add.s32.msk vm4, v2  }
0x603: {  	v14 =	vshrl.u32 v17, $0xD;
	v16 =	vand.u32 $0x1FF0, v23;
	v10 =	vshrl.u32 v23, $0xD;
	[tilespmem:v11+s11+$0x0] =	vst.idx.add.s32.msk vm5, v2  }
0x604: {  	v15 =	vand.u32 $0x3FFFF, v14;
	v11 =	vshrl.u32 v21, $0xD;
	v21 =	vand.u32 $0x1FF0, v21;
	[tilespmem:v6+s11+$0x0] =	vst.idx.add.s32.msk vm2, v2  }
0x605: {  	v14 =	vor.u32 v1, v12;
	v6 =	vand.u32 $0x3FFFF, v11;
	v11 =	vand.u32 $0x3FFFF, v10;
	v10 =	vld [tilespmem:s22+$0xFFFFFFC0]  }
0x606: {  	v22 =	vand.u32 $0x3FFFF, v7;
	vm1 =	veq.s32 v6, v3;
	v6 =	vshrl.u32 v20, $0xD;
	[tilespmem:v19+s11+$0x0] =	vst.idx.add.s32.msk vm3, v2  }
.Ltmp34:
0x607: {  	v7 =	vor.u32 v1, v21;
	v20 =	vand.u32 $0x1FF0, v17;
	v19 =	vand.u32 $0x3FFFF, v6;
	v12 =	vld [tilespmem:s22+$0x20];
	(pc) =	sbr.rel @p0 .LBB2_67-.Ltmp34, $4  }
0x608: {  	v6 =	vor.u32 v1, v16;
	v16 =	vshrl.u32 v18, $0xD;
	vm6 =	veq.s32 v19, v3;
	v19 =	vld [tilespmem:s22+$0x60]  }
0x609: {  	vm2 =	veq.s32 v11, v3;
	v11 =	vand.u32 $0x3FFFF, v25;
	v23 =	vand.u32 $0x3FFFF, v16;
	v18 =	vld [tilespmem:s22+$0x70]  }
0x60a: {  	v9 =	vor.u32 v1, v9;
	vm3 =	veq.s32 v24, v3;
	v21 =	vshrl.u32 v10, $0xD;
	v16 =	vld [tilespmem:s22+$0x30]  }
0x60b: {  	vm7 =	veq.s32 v22, v3;
	vm5 =	veq.s32 v23, v3;
	v17 =	vld [tilespmem:s22+$0xFFFFFF80];
	v21 =	vand.u32 $0x3FFFF, v21;
	s22 =	sadd.s32 $0x100, s22  }
0x60c: {  	_ =	sdelay $0x2  }
0x60d: {  	v20 =	vor.u32 v1, v20;
	v13 =	vor.u32 v1, v13;
	vm4 =	veq.s32 v15, v3  }
0x60e: {  	v5 =	vand.u32 $0x1FF0, v5;
	v56 =	vshrl.u32 v12, $0xD;
	v58 =	vand.u32 $0x1FF0, v12  }
0x60f: {  	[tilespmem:v14+s11+$0x0] =	vst.idx.add.s32.msk vm6, v2;
	v50 =	vshrl.u32 v19, $0xD;
	v51 =	vand.u32 $0x1FF0, v19;
	v14 =	vand.u32 $0x3FFFF, v56  }
0x610: {  	v5 =	vor.u32 v1, v5;
	v12 =	vor.u32 v1, v58;
	v22 =	vshrl.u32 v17, $0xD  }
0x611: {  	[tilespmem:v8+s11+$0x0] =	vst.idx.add.s32.msk vm7, v2;
	v15 =	vand.u32 $0x3FFFF, v50;
	v52 =	vshrl.u32 v18, $0xD;
	v22 =	vand.u32 $0x3FFFF, v22  }
0x612: {  	[tilespmem:v9+s11+$0x0] =	vst.idx.add.s32.msk vm0, v2;
	vm12 =	veq.s32 v14, v3;
	vm8 =	veq.s32 v22, v3;
	v22 =	vand.u32 $0x3FFFF, v52  }
0x613: {  	[tilespmem:v7+s11+$0x0] =	vst.idx.add.s32.msk vm1, v2;
	v54 =	vand.u32 $0x1FF0, v18;
	v57 =	vshrl.u32 v16, $0xD;
	vm11 =	veq.s32 v22, v3  }
0x614: {  	[tilespmem:v6+s11+$0x0] =	vst.idx.add.s32.msk vm2, v2;
	vm9 =	veq.s32 v15, v3;
	v8 =	vor.u32 v1, v54;
	v59 =	vand.u32 $0x3FFFF, v57  }
0x615: {  	v55 =	vor.u32 v1, v51;
	v60 =	vand.u32 $0x1FF0, v16;
	[tilespmem:v13+s11+$0x0] =	vst.idx.add.s32.msk vm5, v2;
	vm13 =	veq.s32 v59, v3  }
0x616: {  	v53 =	vand.u32 $0x1FF0, v17;
	v61 =	vor.u32 v1, v60;
	[tilespmem:v20+s11+$0x0] =	vst.idx.add.s32.msk vm4, v2  }
0x617: {  	vm15 =	veq.s32 v11, v3;
	v17 =	vor.u32 v1, v53;
	[tilespmem:v5+s11+$0x0] =	vst.idx.add.s32.msk vm3, v2  }
0x618: {  	vm14 =	veq.s32 v21, v3;
	v10 =	vand.u32 $0x1FF0, v10;
	v3 =	vor.u32 v1, v4;
	[tilespmem:v12+s11+$0x0] =	vst.idx.add.s32.msk vm12, v2  }
0x619: {  	[tilespmem:v8+s11+$0x0] =	vst.idx.add.s32.msk vm11, v2;
	v8 =	vor.u32 v1, v10  }
0x61a: {  	[tilespmem:v55+s11+$0x0] =	vst.idx.add.s32.msk vm9, v2  }
0x61b: {  	[tilespmem:v61+s11+$0x0] =	vst.idx.add.s32.msk vm13, v2  }
0x61c: {  	[tilespmem:v17+s11+$0x0] =	vst.idx.add.s32.msk vm8, v2  }
0x61d: {  	[tilespmem:v3+s11+$0x0] =	vst.idx.add.s32.msk vm15, v2  }
0x61e: {  	s0 =	simm.s32 $0x1A7F0;
	[tilespmem:v8+s11+$0x0] =	vst.idx.add.s32.msk vm14, v2  }
0x61f: {  	v3 =	vld [tilespmem:s0+$0xFFFFFF10]  }
0x620: {  	v4 =	vld [tilespmem:s0+$0xFFFFFF20]  }
0x621: {  	v5 =	vld [tilespmem:s0+$0xFFFFFF30]  }
0x622: {  	v6 =	vld [tilespmem:s0+$0xFFFFFF40]  }
0x623: {  	v7 =	vld [tilespmem:s0+$0xFFFFFF50]  }
0x624: {  	v8 =	vld [tilespmem:s0+$0xFFFFFF60]  }
0x625: {  	v9 =	vld [tilespmem:s0+$0xFFFFFF70]  }
0x626: {  	v10 =	vld [tilespmem:s0+$0xFFFFFF80]  }
0x627: {  	v11 =	vld [tilespmem:s0+$0xFFFFFF90];
	v3 =	vadd.s32 v3, v4  }
0x628: {  	v12 =	vld [tilespmem:s0+$0xFFFFFFA0];
	v3 =	vadd.s32 v5, v3  }
0x629: {  	v13 =	vld [tilespmem:s0+$0xFFFFFFB0];
	v3 =	vadd.s32 v6, v3  }
0x62a: {  	v4 =	vld [tilespmem:s0+$0xFFFFFFC0];
	v3 =	vadd.s32 v7, v3  }
0x62b: {  	v5 =	vld [tilespmem:s0+$0xFFFFFFD0];
	v3 =	vadd.s32 v8, v3  }
0x62c: {  	v6 =	vld [tilespmem:s0+$0xFFFFFFE0];
	v3 =	vadd.s32 v9, v3  }
0x62d: {  	v7 =	vld [tilespmem:s0+$0xFFFFFFF0];
	v3 =	vadd.s32 v10, v3  }
0x62e: {  	s31 =	simm.s32 $0x1A6F0;
	v8 =	vld [tilespmem:s0+$0x0];
	v3 =	vadd.s32 v11, v3  }
0x62f: {  	v9 =	vld [tilespmem:s31+$0xFFFFFF10];
	v3 =	vadd.s32 v12, v3  }
0x630: {  	v10 =	vld [tilespmem:s31+$0xFFFFFF20];
	v3 =	vadd.s32 v13, v3  }
0x631: {  	v11 =	vld [tilespmem:s31+$0xFFFFFF30];
	v3 =	vadd.s32 v4, v3  }
0x632: {  	v62 =	vld [tilespmem:s31+$0xFFFFFF40];
	v3 =	vadd.s32 v5, v3  }
0x633: {  	v63 =	vld [tilespmem:s31+$0xFFFFFF50];
	v3 =	vadd.s32 v6, v3  }
0x634: {  	v4 =	vld [tilespmem:s31+$0xFFFFFF60];
	v3 =	vadd.s32 v7, v3  }
0x635: {  	v5 =	vadd.s32 v9, v10;
	v9 =	vld [tilespmem:s31+$0xFFFFFF70];
	v3 =	vadd.s32 v8, v3  }
0x636: {  	v5 =	vadd.s32 v11, v5;
	v6 =	vld [tilespmem:s31+$0xFFFFFF80];
	(xrf0) =	vadd.scan.msk.s32 $0xffff, v3  }
0x637: {  	v5 =	vadd.s32 v62, v5;
	v7 =	vld [tilespmem:s31+$0xFFFFFF90]  }
0x638: {  	v5 =	vadd.s32 v63, v5  }
0x639: {  	v8 =	vld [tilespmem:s31+$0xFFFFFFA0];
	v3 =	vadd.s32 v4, v5  }
0x63a: {  	v5 =	vld [tilespmem:s31+$0xFFFFFFB0];
	v3 =	vadd.s32 v9, v3  }
0x63b: {  	v9 =	vld [tilespmem:s31+$0xFFFFFFC0];
	v3 =	vadd.s32 v6, v3  }
0x63c: {  	v10 =	vld [tilespmem:s31+$0xFFFFFFD0];
	v4 =	vadd.s32 v7, v3;
	v7, _, _ =	vpop (xrf0)  }
0x63d: {  	v3 =	vld [tilespmem:s31+$0xFFFFFFE0];
	(v2sf) =	vpush v7, $0xF  }
0x63e: {  	s25 =	simm.s32 $0x1A5F0;
	v6 =	vadd.s32 v8, v4;
	v4 =	vld [tilespmem:s31+$0xFFFFFFF0]  }
0x63f: {  	s19 =	ssub.s32 s19, s20;
	s21 =	simm.s32 $0x0;
	p0 =	por $0x0, $0x0;
	v8 =	vld [tilespmem:s25+$0xFFFFFF20];
	v6 =	vadd.s32 v5, v6  }
0x640: {  	s20 =	simm.s32 $0x1F;
	s24 =	simm.s32 $0x1E;
	s22 =	simm.s32 $0x1D;
	v5 =	vld [tilespmem:s31+$0x0];
	v9 =	vadd.s32 v9, v6  }
0x641: {  	s1 =	simm.s32 $0x1C;
	s23 =	simm.s32 $0x0;
	s20 =	smov.u32 @p0 s21;
	v6 =	vld [tilespmem:s25+$0xFFFFFF10];
	v7 =	vadd.s32 v10, v9  }
.LBB2_69:
0x642: {  	s0 =	smov.u32 s21  }
0x643: {  	p1 =	seq.s32 s1, $0x0;
	v3 =	vadd.s32 v3, v7;
	v9 =	vld [tilespmem:s25+$0xFFFFFF30]  }
0x644: {  	v3 =	vadd.s32 v4, v3;
	v7 =	vld [tilespmem:s25+$0xFFFFFF40]  }
0x645: {  	v3 =	vadd.s32 v5, v3;
	v4 =	vld [tilespmem:s25+$0xFFFFFF50]  }
0x646: {  	v5 =	vld [tilespmem:s25+$0xFFFFFF60];
	(xrf0) =	vadd.scan.msk.s32 $0xffff, v3  }
0x647: {  	v3 =	vadd.s32 v6, v8;
	v6 =	vld [tilespmem:s25+$0xFFFFFF70]  }
0x648: {  	v3 =	vadd.s32 v9, v3;
	v8 =	vld [tilespmem:s25+$0xFFFFFF80]  }
0x649: {  	v3 =	vadd.s32 v7, v3;
	v7 =	vld [tilespmem:s25+$0xFFFFFF90]  }
0x64a: {  	v3 =	vadd.s32 v4, v3;
	v4 =	vld [tilespmem:s25+$0xFFFFFFA0]  }
0x64b: {  	v3 =	vadd.s32 v5, v3;
	v5 =	vld [tilespmem:s25+$0xFFFFFFB0]  }
0x64c: {  	v3 =	vadd.s32 v6, v3;
	v9 =	vld [tilespmem:s25+$0xFFFFFFC0];
	v6, _, _ =	vpop (xrf0);
	s6 =	spop (v2sf)  }
0x64d: {  	v3 =	vadd.s32 v8, v3;
	v10 =	vld [tilespmem:s25+$0xFFFFFFD0];
	(v2sf) =	vpush v6, $0xF;
	s21 =	sadd.s32 s21, s6  }
.Ltmp35:
0x64e: {  	v6 =	vadd.s32 v7, v3;
	v3 =	vld [tilespmem:s25+$0xFFFFFFE0];
	p2 =	sge.s32 s21, s19;
	(pc) =	sbr.rel @!p1 .LBB2_69-.Ltmp35, $4  }
0x64f: {  	v6 =	vadd.s32 v4, v6;
	v4 =	vld [tilespmem:s25+$0xFFFFFFF0];
	s23 =	smov.u32 @p2 s20;
	p0 =	por p0, p2;
	s20 =	smov.u32 s24  }
0x650: {  	v7 =	vadd.s32 v5, v6;
	v5 =	vld [tilespmem:s25+$0x0];
	s25 =	sadd.s32 $0xFFFFFF00, s25;
	s20 =	smov.u32 @p0 s23;
	s21 =	smov.u32 @p0 s0  }
0x651: {  	s24 =	smov.u32 s22;
	s22 =	smov.u32 s1;
	v6 =	vld [tilespmem:s25+$0xFFFFFF10];
	v7 =	vadd.s32 v9, v7  }
0x652: {  	s1 =	sadd.s32 $0xFFFFFFFF, s1;
	v8 =	vld [tilespmem:s25+$0xFFFFFF20];
	v7 =	vadd.s32 v10, v7  }
0x653: {  	v9 =	vld [tilespmem:s25+$0xFFFFFF30]  }
0x654: {  	v10 =	vld [tilespmem:s25+$0xFFFFFF40]  }
0x655: {  	v11 =	vld [tilespmem:s25+$0xFFFFFF50]  }
0x656: {  	v12 =	vld [tilespmem:s25+$0xFFFFFF60]  }
0x657: {  	v54 =	vld [tilespmem:s25+$0xFFFFFF70];
	v6 =	vadd.s32 v6, v8  }
0x658: {  	v55 =	vld [tilespmem:s25+$0xFFFFFF80];
	v6 =	vadd.s32 v9, v6  }
0x659: {  	v56 =	vld [tilespmem:s25+$0xFFFFFF90];
	v6 =	vadd.s32 v10, v6  }
0x65a: {  	v57 =	vld [tilespmem:s25+$0xFFFFFFA0];
	v6 =	vadd.s32 v11, v6  }
0x65b: {  	v58 =	vld [tilespmem:s25+$0xFFFFFFB0];
	v6 =	vadd.s32 v12, v6  }
0x65c: {  	v59 =	vld [tilespmem:s25+$0xFFFFFFC0];
	v6 =	vadd.s32 v54, v6  }
0x65d: {  	v60 =	vld [tilespmem:s25+$0xFFFFFFD0];
	v6 =	vadd.s32 v55, v6  }
0x65e: {  	v61 =	vld [tilespmem:s25+$0xFFFFFFE0];
	v6 =	vadd.s32 v56, v6  }
0x65f: {  	v3 =	vadd.s32 v3, v7;
	v62 =	vld [tilespmem:s25+$0xFFFFFFF0];
	v6 =	vadd.s32 v57, v6  }
0x660: {  	v63 =	vld [tilespmem:s25+$0x0];
	v3 =	vadd.s32 v4, v3;
	v4 =	vadd.s32 v58, v6  }
0x661: {  	v3 =	vadd.s32 v5, v3;
	v4 =	vadd.s32 v59, v4  }
0x662: {  	(xrf0) =	vadd.scan.msk.s32 $0xffff, v3;
	v3 =	vadd.s32 v60, v4  }
0x663: {  	v3 =	vadd.s32 v61, v3  }
0x664: {  	v3 =	vadd.s32 v62, v3  }
0x665: {  	v3 =	vadd.s32 v63, v3  }
0x666: {  	(xrf0) =	vadd.scan.msk.s32 $0xffff, v3;
	_ =	sdelay $0x1  }
0x667: {  	v3, _, _ =	vpop (xrf0)  }
0x668: {  	(v2sf) =	vpush v3, $0xF;
	_ =	sdelay $0x2  }
0x669: {  	v3, _, _ =	vpop (xrf0)  }
0x66a: {  	(v2sf) =	vpush v3, $0xF;
	_ =	sdelay $0x6  }
0x66b: {  	s0 =	spop (v2sf)  }
0x66c: {  	s0 =	sadd.s32 s21, s0  }
0x66d: {  	p1 =	sge.s32 s0, s19  }
0x66e: {  	p0 =	por p0, p1  }
0x66f: {  	s0 =	smov.u32 @p0 s21;
	s1 =	spop (v2sf)  }
0x670: {  	s1 =	sadd.s32 s0, s1  }
0x671: {  	p2 =	sge.s32 s1, s19  }
0x672: {  	s23 =	smov.u32 @p1 s20;
	p1 =	por p0, p2  }
0x673: {  	s24 =	smov.u32 @p0 s23;
	s1 =	smov.u32 @p1 s0;
	s26 =	spop (v2sf)  }
0x674: {  	s23 =	smov.u32 @p2 s24;
	s28 =	sadd.s32 s1, s26  }
0x675: {  	s22 =	smov.u32 @p1 s23;
	p0 =	sge.s32 s28, s19  }
0x676: {  	s23 =	smov.u32 @p0 s22  }
0x677: {  	s20 =	sshll.u32 s23, $0x8  }
0x678: {  	s30 =	sand.u32 $0x3FFFFF00, s20  }
0x679: {  	s0 =	sadd.s32 $0x188F0, s30  }
0x67a: {  	v3 =	vld [tilespmem:s0+$0x0];
	_ =	sdelay $0x4  }
0x67b: {  	(xrf0) =	vadd.scan.msk.s32 $0xffff, v3;
	_ =	sdelay $0x5  }
0x67c: {  	v3, _, _ =	vpop (xrf0)  }
0x67d: {  	(v2sf) =	vpush v3, $0xF  }
0x67e: {  	s0 =	sadd.s32 $0xFFFFFFF0, s0  }
0x67f: {  	v3 =	vld [tilespmem:s0+$0x0];
	s0 =	sadd.s32 $0xFFFFFFF0, s0  }
0x680: {  	v4 =	vld [tilespmem:s0+$0x0];
	_ =	sdelay $0x3  }
0x681: {  	(xrf0) =	vadd.scan.msk.s32 $0xffff, v3  }
0x682: {  	(xrf0) =	vadd.scan.msk.s32 $0xffff, v4;
	_ =	sdelay $0x4  }
0x683: {  	v4, _, _ =	vpop (xrf0)  }
0x684: {  	(v2sf) =	vpush v4, $0xF;
	v4, _, _ =	vpop (xrf0)  }
0x685: {  	s0 =	sadd.s32 $0xFFFFFFF0, s0;
	s31 =	spop (v2sf);
	(v2sf) =	vpush v4, $0xF  }
0x686: {  	v3 =	vld [tilespmem:s0+$0x0];
	_ =	sdelay $0x1  }
0x687: {  	s29 =	simm.s32 $0xE  }
0x688: {  	s25 =	simm.s32 $0xD;
	s6 =	simm.s32 $0xA;
	s21 =	simm.s32 $0x0  }
0x689: {  	s24 =	simm.s32 $0xC;
	s26 =	simm.s32 $0xF;
	p1 =	por p1, p0  }
0x68a: {  	p0 =	por $0x0, $0x0;
	s28 =	smov.u32 @p1 s1;
	s1 =	sadd.s32 $0xFFFFFFF0, s0;
	(xrf0) =	vadd.scan.msk.s32 $0xffff, v3  }
0x68b: {  	s23 =	simm.s32 $0xB;
	s26 =	smov.u32 @p0 s21;
	v3 =	vld [tilespmem:s1+$0x0];
	s0 =	sadd.s32 s28, s31  }
.LBB2_71:
0x68c: {  	s7 =	smov.u32 s28  }
0x68d: {  	p1 =	sne.s32 s6, $0x0;
	p2 =	sge.s32 s0, s19;
	s28 =	smov.u32 s0  }
0x68e: {  	s21 =	smov.u32 @p2 s26;
	p0 =	por p0, p2;
	s26 =	smov.u32 s29  }
.Ltmp36:
0x68f: {  	s26 =	smov.u32 @p0 s21;
	s28 =	smov.u32 @p0 s7;
	(pc) =	sbr.rel @p1 .LBB2_71-.Ltmp36, $4  }
0x690: {  	s29 =	smov.u32 s25;
	s25 =	smov.u32 s24;
	s24 =	smov.u32 s23;
	v4, _, _ =	vpop (xrf0)  }
0x691: {  	s23 =	smov.u32 s6;
	(xrf0) =	vadd.scan.msk.s32 $0xffff, v3;
	(v2sf) =	vpush v4, $0xF  }
0x692: {  	s1 =	sadd.s32 $0xFFFFFFF0, s1;
	s0 =	spop (v2sf)  }
0x693: {  	s6 =	sadd.s32 $0xFFFFFFFF, s6;
	v3 =	vld [tilespmem:s1+$0x0];
	s0 =	sadd.s32 s28, s0  }
0x694: {  	s22 =	simm.s32 $0x18900  }
0x695: {  	[tilespmem:s22+$0xFFFFFF00] =	vst v0  }
0x696: {  	[tilespmem:s22+$0xF0] =	vst v0  }
0x697: {  	[tilespmem:s22+$0xE0] =	vst v0  }
0x698: {  	[tilespmem:s22+$0xD0] =	vst v0  }
0x699: {  	[tilespmem:s22+$0xC0] =	vst v0  }
0x69a: {  	[tilespmem:s22+$0xB0] =	vst v0;
	(xrf0) =	vadd.scan.msk.s32 $0xffff, v3  }
0x69b: {  	[tilespmem:s22+$0xA0] =	vst v0  }
0x69c: {  	[tilespmem:s22+$0x90] =	vst v0;
	v3, _, _ =	vpop (xrf0)  }
0x69d: {  	[tilespmem:s22+$0x80] =	vst v0;
	(v2sf) =	vpush v3, $0xF  }
0x69e: {  	[tilespmem:s22+$0x70] =	vst v0  }
0x69f: {  	[tilespmem:s22+$0x60] =	vst v0  }
0x6a0: {  	[tilespmem:s22+$0x50] =	vst v0;
	v3, _, _ =	vpop (xrf0)  }
0x6a1: {  	[tilespmem:s22+$0x40] =	vst v0;
	(v2sf) =	vpush v3, $0xF  }
0x6a2: {  	p2 =	sge.s32 s0, s19;
	[tilespmem:s22+$0x30] =	vst v0  }
0x6a3: {  	p1 =	por p0, p2;
	[tilespmem:s22+$0x20] =	vst v0  }
0x6a4: {  	s1 =	spop (v2sf);
	[tilespmem:s22+$0x10] =	vst v0;
	s0 =	smov.u32 @p1 s28  }
0x6a5: {  	[tilespmem:s22+$0x0] =	vst v0;
	s1 =	sadd.s32 s0, s1  }
0x6a6: {  	[tilespmem:s22+$0xFFFFFFF0] =	vst v0;
	p3 =	sge.s32 s1, s19  }
0x6a7: {  	[tilespmem:s22+$0xFFFFFFE0] =	vst v0;
	p0 =	por p1, p3  }
0x6a8: {  	[tilespmem:s22+$0xFFFFFFD0] =	vst v0;
	s1 =	smov.u32 @p0 s0;
	s28 =	spop (v2sf)  }
0x6a9: {  	s21 =	smov.u32 @p2 s26;
	[tilespmem:s22+$0xFFFFFFC0] =	vst v0;
	s0 =	sadd.s32 s1, s28  }
0x6aa: {  	[tilespmem:s22+$0xFFFFFFB0] =	vst v0;
	s29 =	smov.u32 @p1 s21;
	p1 =	sge.s32 s0, s19  }
0x6ab: {  	[tilespmem:s22+$0xFFFFFFA0] =	vst v0;
	p2 =	por p0, p1  }
0x6ac: {  	[tilespmem:s22+$0xFFFFFF90] =	vst v0;
	s0 =	smov.u32 @p2 s1;
	s30 =	spop (v2sf)  }
0x6ad: {  	[tilespmem:s22+$0xFFFFFF80] =	vst v0;
	s21 =	smov.u32 @p3 s29;
	s1 =	sadd.s32 s0, s30  }
0x6ae: {  	[tilespmem:s22+$0xFFFFFF70] =	vst v0;
	s25 =	smov.u32 @p0 s21;
	p0 =	sge.s32 s1, s19  }
0x6af: {  	[tilespmem:s22+$0xFFFFFF60] =	vst v0;
	s21 =	smov.u32 @p1 s25;
	p1 =	por p2, p0  }
0x6b0: {  	[tilespmem:s22+$0xFFFFFF50] =	vst v0;
	s24 =	smov.u32 @p2 s21;
	s1 =	smov.u32 @p1 s0;
	s31 =	spop (v2sf)  }
0x6b1: {  	[tilespmem:s22+$0xFFFFFF40] =	vst v0;
	s21 =	smov.u32 @p0 s24;
	s0 =	sadd.s32 s1, s31  }
0x6b2: {  	[tilespmem:s22+$0xFFFFFF30] =	vst v0;
	s23 =	smov.u32 @p1 s21;
	p0 =	sge.s32 s0, s19  }
0x6b3: {  	[tilespmem:s22+$0xFFFFFF20] =	vst v0;
	s1 =	simm.s32 $0x0;
	s21 =	smov.u32 @p0 s23  }
.LBB2_73:
0x6b4: {  	s1 =	sadd.s32 $0x20, s1;
	[tilespmem:s22+$0xFFFFFF10] =	vst v0;
	s22 =	sadd.s32 $0x200, s22  }
0x6b5: {  	[tilespmem:s22+$0xFFFFFF00] =	vst v0;
	p0 =	slt.u32 s1, $0x1E0  }
0x6b6: {  	[tilespmem:s22+$0xF0] =	vst v0  }
0x6b7: {  	[tilespmem:s22+$0xE0] =	vst v0  }
0x6b8: {  	[tilespmem:s22+$0xD0] =	vst v0  }
0x6b9: {  	[tilespmem:s22+$0xC0] =	vst v0  }
0x6ba: {  	[tilespmem:s22+$0xB0] =	vst v0  }
0x6bb: {  	[tilespmem:s22+$0xA0] =	vst v0  }
0x6bc: {  	[tilespmem:s22+$0x90] =	vst v0  }
0x6bd: {  	[tilespmem:s22+$0x80] =	vst v0  }
0x6be: {  	[tilespmem:s22+$0x70] =	vst v0  }
0x6bf: {  	[tilespmem:s22+$0x60] =	vst v0  }
0x6c0: {  	[tilespmem:s22+$0x50] =	vst v0  }
0x6c1: {  	[tilespmem:s22+$0x40] =	vst v0  }
0x6c2: {  	[tilespmem:s22+$0x30] =	vst v0  }
0x6c3: {  	[tilespmem:s22+$0x20] =	vst v0  }
0x6c4: {  	[tilespmem:s22+$0x10] =	vst v0  }
0x6c5: {  	[tilespmem:s22+$0x0] =	vst v0  }
0x6c6: {  	[tilespmem:s22+$0xFFFFFFF0] =	vst v0  }
0x6c7: {  	[tilespmem:s22+$0xFFFFFFE0] =	vst v0  }
0x6c8: {  	[tilespmem:s22+$0xFFFFFFD0] =	vst v0  }
0x6c9: {  	[tilespmem:s22+$0xFFFFFFC0] =	vst v0  }
0x6ca: {  	[tilespmem:s22+$0xFFFFFFB0] =	vst v0  }
0x6cb: {  	[tilespmem:s22+$0xFFFFFFA0] =	vst v0  }
0x6cc: {  	[tilespmem:s22+$0xFFFFFF90] =	vst v0  }
0x6cd: {  	[tilespmem:s22+$0xFFFFFF80] =	vst v0  }
0x6ce: {  	[tilespmem:s22+$0xFFFFFF70] =	vst v0  }
.Ltmp37:
0x6cf: {  	[tilespmem:s22+$0xFFFFFF60] =	vst v0;
	(pc) =	sbr.rel @p0 .LBB2_73-.Ltmp37, $4  }
0x6d0: {  	[tilespmem:s22+$0xFFFFFF50] =	vst v0  }
0x6d1: {  	[tilespmem:s22+$0xFFFFFF40] =	vst v0  }
0x6d2: {  	[tilespmem:s22+$0xFFFFFF30] =	vst v0  }
0x6d3: {  	[tilespmem:s22+$0xFFFFFF20] =	vst v0  }
0x6d4: {  	[tilespmem:s22+$0xFFFFFF10] =	vst v0;
	s19 =	simm.s32 $0xC480  }
0x6d5: {  	v4 =	vld [tilespmem:s19+$0x70]  }
0x6d6: {  	v5 =	vld [tilespmem:s19+$0xFFFFFF90]  }
0x6d7: {  	s0 =	sshll.u32 s21, $0x4;
	v6 =	vld [tilespmem:s19+$0xFFFFFFA0]  }
0x6d8: {  	s1 =	sshll.u32 s18, $0xD;
	s0 =	sor.u32 s20, s0;
	v7 =	vld [tilespmem:s19+$0xFFFFFFB0]  }
0x6d9: {  	v8 =	vld [tilespmem:s19+$0xFFFFFFC0];
	s0 =	sor.u32 s1, s0  }
0x6da: {  	v9 =	vld [tilespmem:s19+$0xFFFFFFD0];
	v3 =	vmov s0;
	v10 =	vand.u32 $0x7FFFFFFF, v4  }
0x6db: {  	v12 =	vld [tilespmem:s19+$0xFFFFFFE0];
	v11 =	vand.u32 $0x7FFFFFFF, v5;
	vm0 =	vgt.u32 v3, v10  }
0x6dc: {  	vm1 =	vgt.u32 v3, v11;
	v10 =	vand.u32 $0x7FFFFFFF, v6;
	v11 =	vld [tilespmem:s19+$0xFFFFFFF0];
	v4 =	vsel vm0, $0x0, v4  }
0x6dd: {  	v13 =	vld [tilespmem:s19+$0x0];
	v5 =	vsel vm1, $0x0, v5;
	vm0 =	vgt.u32 v3, v10;
	v10 =	vand.u32 $0x7FFFFFFF, v7;
	[tilespmem:s19+$0x70] =	vst v4  }
0x6de: {  	[tilespmem:s19+$0xFFFFFF90] =	vst v5;
	v4 =	vsel vm0, $0x0, v6;
	vm0 =	vgt.u32 v3, v10;
	v6 =	vand.u32 $0x7FFFFFFF, v8;
	v5 =	vld [tilespmem:s19+$0x10]  }
0x6df: {  	[tilespmem:s19+$0xFFFFFFA0] =	vst v4;
	v4 =	vsel vm0, $0x0, v7;
	vm0 =	vgt.u32 v3, v6;
	v7 =	vand.u32 $0x7FFFFFFF, v9;
	v6 =	vld [tilespmem:s19+$0x20]  }
0x6e0: {  	[tilespmem:s19+$0xFFFFFFB0] =	vst v4;
	v4 =	vsel vm0, $0x0, v8;
	vm0 =	vgt.u32 v3, v7;
	v8 =	vand.u32 $0x7FFFFFFF, v12;
	v7 =	vld [tilespmem:s19+$0x30]  }
0x6e1: {  	v10 =	vld [tilespmem:s19+$0x40];
	[tilespmem:s19+$0xFFFFFFC0] =	vst v4;
	v4 =	vsel vm0, $0x0, v9;
	vm0 =	vgt.u32 v3, v8;
	v8 =	vand.u32 $0x7FFFFFFF, v11  }
0x6e2: {  	v9 =	vand.u32 $0x7FFFFFFF, v13;
	[tilespmem:s19+$0xFFFFFFD0] =	vst v4;
	v4 =	vsel vm0, $0x0, v12;
	vm0 =	vgt.u32 v3, v8;
	v8 =	vld [tilespmem:s19+$0x50]  }
0x6e3: {  	[tilespmem:s19+$0xFFFFFFE0] =	vst v4;
	v11 =	vsel vm0, $0x0, v11;
	vm0 =	vgt.u32 v3, v9;
	v12 =	vand.u32 $0x7FFFFFFF, v5;
	v9 =	vld [tilespmem:s19+$0x60]  }
0x6e4: {  	s18 =	simm.s32 $0x0;
	s20 =	simm.s32 $0xC580;
	v4 =	vld [tilespmem:s19+$0xFFFFFF80];
	[tilespmem:s19+$0xFFFFFFF0] =	vst v11;
	v11 =	vsel vm0, $0x0, v13;
	vm0 =	vgt.u32 v3, v12;
	v12 =	vand.u32 $0x7FFFFFFF, v6  }
.LBB2_75:
0x6e5: {  	v13 =	vld [tilespmem:s20+$0x70];
	s18 =	sadd.s32 $0x10, s18;
	[tilespmem:s19+$0x0] =	vst v11;
	v5 =	vsel vm0, $0x0, v5;
	vm0 =	vgt.u32 v3, v12;
	v11 =	vand.u32 $0x7FFFFFFF, v7  }
0x6e6: {  	v12 =	vld [tilespmem:s20+$0xFFFFFF90];
	p0 =	slt.u32 s18, $0xC30;
	[tilespmem:s19+$0x10] =	vst v5;
	v5 =	vsel vm0, $0x0, v6;
	vm0 =	vgt.u32 v3, v11;
	v6 =	vand.u32 $0x7FFFFFFF, v10  }
0x6e7: {  	v11 =	vld [tilespmem:s20+$0xFFFFFFA0];
	[tilespmem:s19+$0x20] =	vst v5;
	v5 =	vsel vm0, $0x0, v7;
	vm0 =	vgt.u32 v3, v6;
	v6 =	vand.u32 $0x7FFFFFFF, v8  }
0x6e8: {  	v7 =	vld [tilespmem:s20+$0xFFFFFFB0];
	[tilespmem:s19+$0x30] =	vst v5;
	v5 =	vsel vm0, $0x0, v10;
	vm0 =	vgt.u32 v3, v6;
	v6 =	vand.u32 $0x7FFFFFFF, v9  }
0x6e9: {  	v10 =	vld [tilespmem:s20+$0xFFFFFFC0];
	v14 =	vand.u32 $0x7FFFFFFF, v4;
	[tilespmem:s19+$0x40] =	vst v5;
	v5 =	vsel vm0, $0x0, v8;
	vm0 =	vgt.u32 v3, v6  }
0x6ea: {  	v8 =	vld [tilespmem:s20+$0xFFFFFFD0];
	v6 =	vand.u32 $0x7FFFFFFF, v13;
	vm1 =	vgt.u32 v3, v14;
	[tilespmem:s19+$0x50] =	vst v5;
	v5 =	vsel vm0, $0x0, v9  }
0x6eb: {  	v9 =	vand.u32 $0x7FFFFFFF, v12;
	v14 =	vld [tilespmem:s20+$0xFFFFFFE0];
	vm0 =	vgt.u32 v3, v6;
	v4 =	vsel vm1, $0x0, v4;
	[tilespmem:s19+$0x60] =	vst v5  }
0x6ec: {  	vm1 =	vgt.u32 v3, v9;
	v5 =	vand.u32 $0x7FFFFFFF, v11;
	v9 =	vld [tilespmem:s20+$0xFFFFFFF0];
	v6 =	vsel vm0, $0x0, v13;
	[tilespmem:s19+$0xFFFFFF80] =	vst v4;
	s19 =	smov.u32 s20  }
0x6ed: {  	v4 =	vsel vm1, $0x0, v12;
	vm0 =	vgt.u32 v3, v5;
	v5 =	vand.u32 $0x7FFFFFFF, v7;
	v12 =	vld [tilespmem:s20+$0x0];
	[tilespmem:s20+$0x70] =	vst v6  }
0x6ee: {  	[tilespmem:s20+$0xFFFFFF90] =	vst v4;
	v4 =	vsel vm0, $0x0, v11;
	vm0 =	vgt.u32 v3, v5;
	v6 =	vand.u32 $0x7FFFFFFF, v10;
	v5 =	vld [tilespmem:s20+$0x10]  }
0x6ef: {  	[tilespmem:s20+$0xFFFFFFA0] =	vst v4;
	v4 =	vsel vm0, $0x0, v7;
	vm0 =	vgt.u32 v3, v6;
	v7 =	vand.u32 $0x7FFFFFFF, v8;
	v6 =	vld [tilespmem:s20+$0x20]  }
.Ltmp38:
0x6f0: {  	[tilespmem:s20+$0xFFFFFFB0] =	vst v4;
	v4 =	vsel vm0, $0x0, v10;
	vm0 =	vgt.u32 v3, v7;
	v10 =	vand.u32 $0x7FFFFFFF, v14;
	v7 =	vld [tilespmem:s20+$0x30];
	(pc) =	sbr.rel @p0 .LBB2_75-.Ltmp38, $4  }
0x6f1: {  	[tilespmem:s20+$0xFFFFFFC0] =	vst v4;
	v4 =	vsel vm0, $0x0, v8;
	vm0 =	vgt.u32 v3, v10;
	v8 =	vand.u32 $0x7FFFFFFF, v9;
	v10 =	vld [tilespmem:s20+$0x40]  }
0x6f2: {  	[tilespmem:s20+$0xFFFFFFD0] =	vst v4;
	v4 =	vsel vm0, $0x0, v14;
	vm0 =	vgt.u32 v3, v8;
	v11 =	vand.u32 $0x7FFFFFFF, v12;
	v8 =	vld [tilespmem:s20+$0x50]  }
0x6f3: {  	[tilespmem:s20+$0xFFFFFFE0] =	vst v4;
	v13 =	vsel vm0, $0x0, v9;
	vm0 =	vgt.u32 v3, v11;
	v14 =	vand.u32 $0x7FFFFFFF, v5;
	v9 =	vld [tilespmem:s20+$0x60]  }
0x6f4: {  	s20 =	sadd.s32 $0x100, s20;
	v4 =	vld [tilespmem:s19+$0xFFFFFF80];
	[tilespmem:s19+$0xFFFFFFF0] =	vst v13;
	v11 =	vsel vm0, $0x0, v12;
	vm0 =	vgt.u32 v3, v14;
	v12 =	vand.u32 $0x7FFFFFFF, v6  }
0x6f5: {  	[tilespmem:s19+$0x0] =	vst v11;
	v5 =	vsel vm0, $0x0, v5;
	vm11 =	vgt.u32 v3, v12;
	v54 =	vand.u32 $0x7FFFFFFF, v7  }
0x6f6: {  	[tilespmem:s19+$0x10] =	vst v5;
	v55 =	vsel vm11, $0x0, v6;
	vm12 =	vgt.u32 v3, v54;
	v56 =	vand.u32 $0x7FFFFFFF, v10  }
0x6f7: {  	s16 =	sadd.s32 $0x1, s16;
	[tilespmem:s19+$0x20] =	vst v55;
	v57 =	vsel vm12, $0x0, v7;
	vm13 =	vgt.u32 v3, v56;
	v58 =	vand.u32 $0x7FFFFFFF, v8  }
0x6f8: {  	p0 =	sne.s32 s16, $0xC;
	[tilespmem:s19+$0x30] =	vst v57;
	v59 =	vsel vm13, $0x0, v10;
	vm14 =	vgt.u32 v3, v58;
	v60 =	vand.u32 $0x7FFFFFFF, v9  }
.Ltmp39:
0x6f9: {  	v61 =	vand.u32 $0x7FFFFFFF, v4;
	[tilespmem:s19+$0x40] =	vst v59;
	v62 =	vsel vm14, $0x0, v8;
	vm15 =	vgt.u32 v3, v60;
	(pc) =	sbr.rel @p0 .LBB2_4-.Ltmp39, $4  }
.Ltmp40:
0x6fa: {  	vm1 =	vgt.u32 v3, v61;
	[tilespmem:s19+$0x50] =	vst v62;
	v3 =	vsel vm15, $0x0, v9;
	(pc) =	sbr.rel @!p0 .LBB2_77-.Ltmp40, $4  }
0x6fb: {  	v63 =	vsel vm1, $0x0, v4;
	[tilespmem:s19+$0x60] =	vst v3  }
0x6fc: {  	[tilespmem:s19+$0xFFFFFF80] =	vst v63  }
0x6fd: {  	[hbm4b:s17+s3] =	stream.linear.scatter [tilespmem:s9], [sflag:$0x4], $0xC400, $0x38;
	[tilespmem:$0x1A800] =	vst v63  }
0x6fe: {  	_ = 	snop  }
.LBB2_9:
.Ltmp41:
0x6ff: {  	(pc) =	sbr.rel .LBB2_20-.Ltmp41, $3  }
0x700: {  	_ =	sdelay $0x1  }
0x701: {  	s28 =	simm.s32 $0x0  }
0x702: {  	p5 =	por $0x0, $0x0;
	s31 =	smov.u32 s22;
	s1 =	simm.s32 $0xF  }
.LBB2_45:
.Ltmp42:
0x703: {  	(pc) =	sbr.rel .LBB2_56-.Ltmp42, $3  }
0x704: {  	_ =	sdelay $0x1  }
0x705: {  	s26 =	simm.s32 $0x0  }
0x706: {  	p5 =	por $0x0, $0x0;
	s30 =	smov.u32 s21;
	s22 =	simm.s32 $0xF  }
.LBB2_11:
.Ltmp43:
0x707: {  	(pc) =	sbr.rel .LBB2_20-.Ltmp43, $3  }
0x708: {  	_ =	sdelay $0x1  }
0x709: {  	s28 =	simm.s32 $0x0;
	p5 =	por $0x0, $0x0  }
0x70a: {  	s31 =	smov.u32 s22;
	s0 =	simm.s32 $0xF;
	s1 =	simm.s32 $0xE  }
.LBB2_47:
.Ltmp44:
0x70b: {  	(pc) =	sbr.rel .LBB2_56-.Ltmp44, $3  }
0x70c: {  	_ =	sdelay $0x1  }
0x70d: {  	s26 =	simm.s32 $0x0;
	p5 =	por $0x0, $0x0  }
0x70e: {  	s30 =	smov.u32 s21;
	s1 =	simm.s32 $0xF;
	s22 =	simm.s32 $0xE  }
.LBB2_13:
.Ltmp45:
0x70f: {  	(pc) =	sbr.rel .LBB2_20-.Ltmp45, $3  }
0x710: {  	_ =	sdelay $0x1  }
0x711: {  	s28 =	simm.s32 $0x0;
	p5 =	por $0x0, $0x0;
	s31 =	smov.u32 s22  }
0x712: {  	s25 =	simm.s32 $0xF;
	s0 =	simm.s32 $0xE;
	s1 =	simm.s32 $0xD  }
.LBB2_49:
.Ltmp46:
0x713: {  	(pc) =	sbr.rel .LBB2_56-.Ltmp46, $3  }
0x714: {  	_ =	sdelay $0x1  }
0x715: {  	s26 =	simm.s32 $0x0;
	p5 =	por $0x0, $0x0;
	s30 =	smov.u32 s21  }
0x716: {  	s24 =	simm.s32 $0xF;
	s1 =	simm.s32 $0xE;
	s22 =	simm.s32 $0xD  }
.LBB2_15:
.Ltmp47:
0x717: {  	(pc) =	sbr.rel .LBB2_20-.Ltmp47, $3  }
0x718: {  	_ =	sdelay $0x1  }
0x719: {  	s28 =	simm.s32 $0x0;
	p5 =	por $0x0, $0x0;
	s29 =	simm.s32 $0xF  }
0x71a: {  	s31 =	smov.u32 s22;
	s25 =	simm.s32 $0xE;
	s0 =	simm.s32 $0xD  }
.LBB2_51:
.Ltmp48:
0x71b: {  	(pc) =	sbr.rel .LBB2_56-.Ltmp48, $3  }
0x71c: {  	_ =	sdelay $0x1  }
0x71d: {  	s26 =	simm.s32 $0x0;
	p5 =	por $0x0, $0x0;
	s28 =	simm.s32 $0xF  }
0x71e: {  	s30 =	smov.u32 s21;
	s24 =	simm.s32 $0xE;
	s1 =	simm.s32 $0xD  }
.LBB2_17:
.Ltmp49:
0x71f: {  	(pc) =	sbr.rel .LBB2_20-.Ltmp49, $4  }
0x720: {  	_ = 	snop  }
0x721: {  	s28 =	simm.s32 $0x0  }
0x722: {  	p5 =	por $0x0, $0x0;
	s29 =	simm.s32 $0xE;
	s31 =	smov.u32 s22  }
0x723: {  	s25 =	simm.s32 $0xD;
	s0 =	simm.s32 $0xC;
	s1 =	simm.s32 $0xB  }
.LBB2_53:
.Ltmp50:
0x724: {  	(pc) =	sbr.rel .LBB2_56-.Ltmp50, $4  }
0x725: {  	_ = 	snop  }
0x726: {  	s26 =	simm.s32 $0x0  }
0x727: {  	p5 =	por $0x0, $0x0;
	s28 =	simm.s32 $0xE;
	s30 =	smov.u32 s21  }
0x728: {  	s24 =	simm.s32 $0xD;
	s1 =	simm.s32 $0xC;
	s22 =	simm.s32 $0xB  }
.LBB2_78:
0x729: {  	_ =	sfence.sel $0x180000  }
0x72a: {  	[bflag:$0x0] =	sbarrier.arrive $0xFFFF  }
0x72b: {  	_ =	strace $0x90000047  }
0x72c: {  	s0 =	stileid.u32;
	[bflag:$0x2] =	sbarrier.arrive $0xFFFF  }
0x72d: {  	p0 =	sne.s32 s0, $0x0;
	s0 =	rddreg [dreg:$0x2]  }
0x72e: {  	s0 =	sadd.s32 @!p0 $0x100000, s0  }
0x72f: {  	[sflag:s0] =	ssyncadd.tile.s32 @!p0 $0x1;
	_ =	shalt  }
.Lfunc_end2:
_tile_overlayer_lowered:
.L_overlay_start_2:
0x730: {  	(tag) =	ssettag $0x2  }
0x731: {  	s0 =	rddreg [dreg:$0x0];
	s2 =	stileid.u32  }
0x732: {  	s1 =	rddreg [dreg:$0x1];
	p0 =	sne.s32 s2, $0x0  }
0x733: {  	s3 =	rddreg [dreg:$0x2];
	[bflag:$0x3] =	sbarrier.arrive $0xFFFF;
	s2 =	simm.s32 @!p0 $0x1C05  }
0x734: {  	[timem:s3], [sflag:s2] =	dma.local @!p0 [hbm:s0], s1  }
0x735: {  	s0 =	simm.s32 @!p0 $0x5  }
0x736: {  	_ =	swait.ge @!p0 [sflag:s0], s1  }
0x737: {  	s1 =	ssub.s32 @!p0 $0x0, s1;
	[sflag:s0] =	ssyncset.done @!p0 $0x0  }
0x738: {  	[sflag:s0] =	ssyncadd.s32 @!p0 s1  }
0x739: {  	[bflag:$0x3] =	sbarrier.arrive $0xFFFF  }
0x73a: {  	_ =	shalt  }

</sc_bundles>
